<compile_context>
chip_gen: v7x
topology: tpu7x:2x2x1
jax: 0.10.2.dev20260603
libtpu: 0.0.44.dev20260713+nightly
codegen_flags: <defaults>
</compile_context>

<pallas_src>
import functools

import jax
import jax.numpy as jnp
from jax import lax
from jax.experimental import pallas as pl
from jax.experimental.pallas import tpu as pltpu
from jax.experimental.pallas import tpu_sc as plsc

_NC = 2
_NS = 16
_NW = _NC * _NS
_CHUNK = 128


def _seg_sum_sc(n_pad: int, chunks: int, d: int):
  rpt = n_pad // _NS
  hc = chunks // 2

  mesh = plsc.VectorSubcoreMesh(core_axis_name="c", subcore_axis_name="s")

  @functools.partial(
      pl.kernel,
      out_type=jax.ShapeDtypeStruct((_NC, n_pad, d), jnp.float32),
      mesh=mesh,
      scratch_types=[
          pltpu.VMEM((hc, _CHUNK), jnp.int32),
          pltpu.VMEM((hc, _CHUNK), jnp.int32),
          pltpu.VMEM((2, _CHUNK, d), jnp.float32),
          pltpu.VMEM_SHARED((n_pad, d), jnp.float32),
          pltpu.SemaphoreType.DMA,
          pltpu.SemaphoreType.DMA,
          pltpu.SemaphoreType.DMA,
          pltpu.SemaphoreType.DMA,
      ],
  )
  def seg_sum(h_hbm, src_hbm, dst_hbm, zrows_hbm, out_hbm,
              idx_s, idx_d, rows, acc, sem0, sem1, sem2, sem3):
    c = lax.axis_index("c")
    s = lax.axis_index("s")
    wid = c * _NS + s
    row0 = s * rpt

    pltpu.sync_copy(zrows_hbm, rows.at[0])
    nfull = rpt // _CHUNK
    rem = rpt - nfull * _CHUNK

    def zero_body(i, _):
      pltpu.sync_copy(rows.at[0], acc.at[pl.ds(row0 + i * _CHUNK, _CHUNK)])
      return 0

    lax.fori_loop(0, nfull, zero_body, 0)
    if rem:
      pltpu.sync_copy(rows.at[0, pl.ds(0, rem)],
                      acc.at[pl.ds(row0 + nfull * _CHUNK, rem)])
    plsc.subcore_barrier()

    hh = _CHUNK // 2

    def gather(jj, b, sa, sb):
      pltpu.async_copy(h_hbm.at[idx_s.at[jj, pl.ds(0, hh)]],
                       rows.at[b, pl.ds(0, hh)], sa)
      pltpu.async_copy(h_hbm.at[idx_s.at[jj, pl.ds(hh, hh)]],
                       rows.at[b, pl.ds(hh, hh)], sb)

    def gather_wait(jj, b, sa, sb):
      pltpu.make_async_copy(h_hbm.at[idx_s.at[jj, pl.ds(0, hh)]],
                            rows.at[b, pl.ds(0, hh)], sa).wait()
      pltpu.make_async_copy(h_hbm.at[idx_s.at[jj, pl.ds(hh, hh)]],
                            rows.at[b, pl.ds(hh, hh)], sb).wait()

    for p in range(2):
      base = wid * chunks + p * hc
      pltpu.sync_copy(src_hbm.at[pl.ds(base, hc)], idx_s)
      pltpu.sync_copy(dst_hbm.at[pl.ds(base, hc)], idx_d)
      gather(0, 0, sem0, sem1)

      def chunk_body(j, _):
        def step(b, jj, sa, sb, na, nb):
          @pl.when(jj + 1 < hc)
          def _():
            gather(jj + 1, 1 - b, na, nb)
          gather_wait(jj, b, sa, sb)
          pltpu.sync_copy(rows.at[b], acc.at[idx_d.at[jj]], add=True)
        step(0, 2 * j, sem0, sem1, sem2, sem3)
        step(1, 2 * j + 1, sem2, sem3, sem0, sem1)
        return 0

      lax.fori_loop(0, hc // 2, chunk_body, 0)

    plsc.subcore_barrier()
    pltpu.sync_copy(acc.at[pl.ds(row0, rpt)],
                    out_hbm.at[c].at[pl.ds(row0, rpt)])

  return seg_sum


def _mlp_tc(n: int, d: int, last: bool):

  def body(h_ref, agg_ref, w1_ref, b1_ref, g1_ref, be1_ref,
           w2_ref, b2_ref, go_ref, bo_ref, o_ref):
    z = h_ref[...] + agg_ref[0, :n, :] + agg_ref[1, :n, :]
    z = jnp.dot(z, w1_ref[...], preferred_element_type=jnp.float32)
    z = z + b1_ref[...]
    m = jnp.mean(z, axis=0, keepdims=True)
    v = jnp.mean(jnp.square(z - m), axis=0, keepdims=True)
    z = g1_ref[...] * (z - m) * lax.rsqrt(v + 1e-5) + be1_ref[...]
    z = jnp.maximum(z, 0.0)
    z = jnp.dot(z, w2_ref[...], preferred_element_type=jnp.float32)
    z = z + b2_ref[...]
    if not last:
      m2 = jnp.mean(z, axis=0, keepdims=True)
      v2 = jnp.mean(jnp.square(z - m2), axis=0, keepdims=True)
      z = go_ref[...] * (z - m2) * lax.rsqrt(v2 + 1e-5) + bo_ref[...]
      z = jnp.maximum(z, 0.0)
    o_ref[...] = z

  return pl.pallas_call(
      body,
      out_shape=jax.ShapeDtypeStruct((n, d), jnp.float32),
  )


def kernel(x, edge_index, W1, b1, g1, be1, W2, b2, g_out, b_out):
  n, d = x.shape
  e = edge_index.shape[1]
  nl = W1.shape[0]

  chunks = 16 * pl.cdiv(e, _NW * _CHUNK * 16)
  ep = _NW * chunks * _CHUNK
  n_pad = _NS * 8 * pl.cdiv(n + 1, _NS * 8)

  src = jnp.concatenate(
      [edge_index[0], jnp.zeros((ep - e,), jnp.int32)]).reshape(-1, _CHUNK)
  pad_dst = n + jnp.arange(ep - e, dtype=jnp.int32) % (n_pad - n)
  dst = jnp.concatenate([edge_index[1], pad_dst]).reshape(-1, _CHUNK)
  zrows = jnp.zeros((_CHUNK, d), jnp.float32)

  seg_sum = _seg_sum_sc(n_pad, chunks, d)

  h = x
  for l in range(nl):
    agg = seg_sum(h, src, dst, zrows)
    mlp = _mlp_tc(n, d, last=(l == nl - 1))
    go = g_out[min(l, nl - 2)].reshape(1, d)
    bo = b_out[min(l, nl - 2)].reshape(1, d)
    h = mlp(h, agg, W1[l], b1[l].reshape(1, d), g1[l].reshape(1, d),
            be1[l].reshape(1, d), W2[l], b2[l].reshape(1, d),
            go, bo)
  return h

# --- scband reference (transcript-rebuilt; emitter-appended) ---
"""Pipeline reference for scband-gin-72584947302883 (READ-ONLY COPY).

The authoritative reference and input builder live on the scoring server;
editing this copy changes nothing except your own understanding.
"""

import jax, jax.numpy as jnp
import numpy as np

N = 10000
E = 320000
D = 128
L = 3


def setup_inputs(seed: int = 0) -> dict:
    key = jax.random.key(seed)
    ks = jax.random.split(key, 10)
    x = jax.random.normal(ks[0], (N, D), dtype=jnp.float32)
    edge_index = jax.random.randint(ks[1], (2, E), 0, N, dtype=jnp.int32)
    scale = 0.05
    W1 = jax.random.normal(ks[2], (L, D, D), dtype=jnp.float32) * scale
    b1 = jnp.zeros((L, D), dtype=jnp.float32)
    g1 = jnp.ones((L, D), dtype=jnp.float32)
    be1 = jnp.zeros((L, D), dtype=jnp.float32)
    W2 = jax.random.normal(ks[3], (L, D, D), dtype=jnp.float32) * scale
    b2 = jnp.zeros((L, D), dtype=jnp.float32)
    # outer ApplyNodeFunc batchnorm params (layers 0 and 1 only; last layer has no outer norm)
    g_out = jnp.ones((L - 1, D), dtype=jnp.float32)
    b_out = jnp.zeros((L - 1, D), dtype=jnp.float32)
    return {
        "x": x,
        "edge_index": edge_index,
        "W1": W1,
        "b1": b1,
        "g1": g1,
        "be1": be1,
        "W2": W2,
        "b2": b2,
        "g_out": g_out,
        "b_out": b_out,
    }


def _batchnorm(h, g, b):
    m = jnp.mean(h, axis=0)
    v = jnp.var(h, axis=0)
    return g * (h - m) / jnp.sqrt(v + 1e-5) + b


def reference(x, edge_index, W1, b1, g1, be1, W2, b2, g_out, b_out):
    # GIN forward: num_layers=3, residual=False, dropout=0.0 (no-op), eps=0
    src = edge_index[0]
    dst = edge_index[1]
    h = x
    for l in range(L):
        # GINLayer sum aggregation: agg[v] = sum_{(u->v)} h[u]
        msgs = jnp.take(h, src, axis=0)
        agg = jax.ops.segment_sum(msgs, dst, num_segments=N)
        z = h + agg  # (1 + eps) * h + agg, eps = 0
        # apply_func: MLP(2 layers) = Linear -> BN -> ReLU -> Linear
        z = z @ W1[l] + b1[l]
        z = _batchnorm(z, g1[l], be1[l])
        z = jax.nn.relu(z)
        z = z @ W2[l] + b2[l]
        if l < L - 1:
            # ApplyNodeFunc wrapper: BN -> ReLU (not on last layer since encoding=False)
            z = _batchnorm(z, g_out[l], b_out[l])
            z = jax.nn.relu(z)
        h = z
    return h

if __name__ == "__main__":
    import jax
    _d = setup_inputs()
    print(jax.jit(kernel)(*tuple(_d.values())))

</pallas_src>

<mosaic_0001>
#map = affine_map<(d0, d1) -> (0, 0)>
#map1 = affine_map<(d0, d1) -> (0, 0, 0)>
module attributes {stable_mosaic.version = 14 : i64} {
  func.func @seg_sum(%arg0: i32, %arg1: i32, %arg2: memref<10000x128xf32, #tpu.memory_space<hbm>>, %arg3: memref<2560x128xi32, #tpu.memory_space<hbm>>, %arg4: memref<2560x128xi32, #tpu.memory_space<hbm>>, %arg5: memref<128x128xf32, #tpu.memory_space<hbm>>, %arg6: memref<2x10112x128xf32, #tpu.memory_space<hbm>>, %arg7: memref<40x128xi32, #tpu.memory_space<vmem>>, %arg8: memref<40x128xi32, #tpu.memory_space<vmem>>, %arg9: memref<2x128x128xf32, #tpu.memory_space<vmem>>, %arg10: memref<10112x128xf32, #tpu.memory_space<vmem_shared>>, %arg11: memref<!tpu.dma_semaphore, #tpu.memory_space<semaphore_mem>>, %arg12: memref<!tpu.dma_semaphore, #tpu.memory_space<semaphore_mem>>, %arg13: memref<!tpu.dma_semaphore, #tpu.memory_space<semaphore_mem>>, %arg14: memref<!tpu.dma_semaphore, #tpu.memory_space<semaphore_mem>>) attributes {dimension_semantics = [#tpu.dimension_semantics<core_parallel>, #tpu.dimension_semantics<subcore_parallel>], iteration_bounds = array<i64: 2, 16>, scalar_prefetch = 0 : i64, scratch_operands = 8 : i64, tpu.core_type = #tpu.core_type<sc_vector_subcore>, window_params = [{transform_indices = #map}, {transform_indices = #map}, {transform_indices = #map}, {transform_indices = #map}, {transform_indices = #map1}]} {
    %mul3A = arith.constant 16 : i32
    %mul3A_0 = arith.muli %arg0, %mul3A : i32
    %add3A = arith.addi %mul3A_0, %arg1 : i32
    %mul3A_1 = arith.constant 632 : i32
    %mul3A_2 = arith.muli %arg1, %mul3A_1 : i32
    %run_scoped3A = arith.constant 0 : i32
    "tpu.region"() ({
      %run_scoped3A_82 = tpu.sem_alloc : memref<!tpu.dma_semaphore, #tpu.memory_space<semaphore_mem>>
      %dma_start3A_83 = arith.constant 0 : i32
      %dma_start3A_84 = arith.constant 0 : i32
      %dma_start3A_85 = tpu.memref_slice %arg9[%run_scoped3A, %dma_start3A_83, %dma_start3A_84] : memref<2x128x128xf32, #tpu.memory_space<vmem>> -> memref<1x128x128xf32, #tpu.memory_space<vmem>>
      %dma_start3A_86 = tpu.memref_squeeze %dma_start3A_85 : memref<1x128x128xf32, #tpu.memory_space<vmem>> -> memref<128x128xf32, #tpu.memory_space<vmem>>
      %dma_start3A_87 = arith.constant 0 : i32
      %dma_start3A_88 = arith.constant 0 : i32
      %dma_start3A_89 = tpu.memref_slice %arg9[%run_scoped3A, %dma_start3A_87, %dma_start3A_88] : memref<2x128x128xf32, #tpu.memory_space<vmem>> -> memref<1x128x128xf32, #tpu.memory_space<vmem>>
      %dma_start3A_90 = tpu.memref_squeeze %dma_start3A_89 : memref<1x128x128xf32, #tpu.memory_space<vmem>> -> memref<128x128xf32, #tpu.memory_space<vmem>>
      tpu.enqueue_dma source(%arg5 : memref<128x128xf32, #tpu.memory_space<hbm>>) target(%dma_start3A_90 : memref<128x128xf32, #tpu.memory_space<vmem>>) target_semaphore(%run_scoped3A_82 : memref<!tpu.dma_semaphore, #tpu.memory_space<semaphore_mem>>)
      %dma_wait3A = arith.constant 0 : i32
      %dma_wait3A_91 = arith.constant 0 : i32
      %dma_wait3A_92 = tpu.memref_slice %arg9[%run_scoped3A, %dma_wait3A, %dma_wait3A_91] : memref<2x128x128xf32, #tpu.memory_space<vmem>> -> memref<1x128x128xf32, #tpu.memory_space<vmem>>
      %dma_wait3A_93 = tpu.memref_squeeze %dma_wait3A_92 : memref<1x128x128xf32, #tpu.memory_space<vmem>> -> memref<128x128xf32, #tpu.memory_space<vmem>>
      %dma_wait3A_94 = arith.constant 0 : i32
      %dma_wait3A_95 = arith.constant 0 : i32
      %dma_wait3A_96 = tpu.memref_slice %arg9[%run_scoped3A, %dma_wait3A_94, %dma_wait3A_95] : memref<2x128x128xf32, #tpu.memory_space<vmem>> -> memref<1x128x128xf32, #tpu.memory_space<vmem>>
      %dma_wait3A_97 = tpu.memref_squeeze %dma_wait3A_96 : memref<1x128x128xf32, #tpu.memory_space<vmem>> -> memref<128x128xf32, #tpu.memory_space<vmem>>
      tpu.wait_dma2 semaphore(%run_scoped3A_82 : memref<!tpu.dma_semaphore, #tpu.memory_space<semaphore_mem>>) src(%arg5 : memref<128x128xf32, #tpu.memory_space<hbm>>) dst(%dma_wait3A_97 : memref<128x128xf32, #tpu.memory_space<vmem>>)
      tpu.yield
    }) : () -> ()
    %scan3A = arith.constant 0 : i32
    %scan3A_3 = arith.constant 0 : i32
    %scan3A_4 = arith.constant 4 : i32
    %scan3A_5 = arith.addi %scan3A_3, %scan3A_4 : i32
    %scan3A_6 = arith.constant 1 : i32
    %scan3A_7 = scf.for %scan3A_82 = %scan3A_3 to %scan3A_5 step %scan3A_6 iter_args(%scan3A_83 = %scan3A) -> (i32)  : i32 {
      %mul3A_84 = arith.constant 128 : i32
      %mul3A_85 = arith.muli %scan3A_82, %mul3A_84 : i32
      %add3A_86 = arith.addi %mul3A_2, %mul3A_85 : i32
      %run_scoped3A_87 = arith.constant 0 : i32
      "tpu.region"() ({
        %run_scoped3A_89 = tpu.sem_alloc : memref<!tpu.dma_semaphore, #tpu.memory_space<semaphore_mem>>
        %dma_start3A_90 = arith.constant 0 : i32
        %dma_start3A_91 = arith.constant 0 : i32
        %dma_start3A_92 = tpu.memref_slice %arg9[%run_scoped3A_87, %dma_start3A_90, %dma_start3A_91] : memref<2x128x128xf32, #tpu.memory_space<vmem>> -> memref<1x128x128xf32, #tpu.memory_space<vmem>>
        %dma_start3A_93 = tpu.memref_squeeze %dma_start3A_92 : memref<1x128x128xf32, #tpu.memory_space<vmem>> -> memref<128x128xf32, #tpu.memory_space<vmem>>
        %dma_start3A_94 = arith.constant 0 : i32
        %dma_start3A_95 = tpu.memref_slice %arg10[%add3A_86, %dma_start3A_94] : memref<10112x128xf32, #tpu.memory_space<vmem_shared>> -> memref<128x128xf32, #tpu.memory_space<vmem_shared>>
        %dma_start3A_96 = arith.constant 0 : i32
        %dma_start3A_97 = tpu.memref_slice %arg10[%add3A_86, %dma_start3A_96] : memref<10112x128xf32, #tpu.memory_space<vmem_shared>> -> memref<128x128xf32, #tpu.memory_space<vmem_shared>>
        %dma_start3A_98 = arith.constant 0 : i32
        %dma_start3A_99 = arith.constant 0 : i32
        %dma_start3A_100 = tpu.memref_slice %arg9[%run_scoped3A_87, %dma_start3A_98, %dma_start3A_99] : memref<2x128x128xf32, #tpu.memory_space<vmem>> -> memref<1x128x128xf32, #tpu.memory_space<vmem>>
        %dma_start3A_101 = tpu.memref_squeeze %dma_start3A_100 : memref<1x128x128xf32, #tpu.memory_space<vmem>> -> memref<128x128xf32, #tpu.memory_space<vmem>>
        tpu.enqueue_dma source(%dma_start3A_101 : memref<128x128xf32, #tpu.memory_space<vmem>>) target(%dma_start3A_97 : memref<128x128xf32, #tpu.memory_space<vmem_shared>>) target_semaphore(%run_scoped3A_89 : memref<!tpu.dma_semaphore, #tpu.memory_space<semaphore_mem>>)
        %dma_wait3A = arith.constant 0 : i32
        %dma_wait3A_102 = arith.constant 0 : i32
        %dma_wait3A_103 = tpu.memref_slice %arg9[%run_scoped3A_87, %dma_wait3A, %dma_wait3A_102] : memref<2x128x128xf32, #tpu.memory_space<vmem>> -> memref<1x128x128xf32, #tpu.memory_space<vmem>>
        %dma_wait3A_104 = tpu.memref_squeeze %dma_wait3A_103 : memref<1x128x128xf32, #tpu.memory_space<vmem>> -> memref<128x128xf32, #tpu.memory_space<vmem>>
        %dma_wait3A_105 = arith.constant 0 : i32
        %dma_wait3A_106 = tpu.memref_slice %arg10[%add3A_86, %dma_wait3A_105] : memref<10112x128xf32, #tpu.memory_space<vmem_shared>> -> memref<128x128xf32, #tpu.memory_space<vmem_shared>>
        %dma_wait3A_107 = arith.constant 0 : i32
        %dma_wait3A_108 = tpu.memref_slice %arg10[%add3A_86, %dma_wait3A_107] : memref<10112x128xf32, #tpu.memory_space<vmem_shared>> -> memref<128x128xf32, #tpu.memory_space<vmem_shared>>
        %dma_wait3A_109 = arith.constant 0 : i32
        %dma_wait3A_110 = arith.constant 0 : i32
        %dma_wait3A_111 = tpu.memref_slice %arg9[%run_scoped3A_87, %dma_wait3A_109, %dma_wait3A_110] : memref<2x128x128xf32, #tpu.memory_space<vmem>> -> memref<1x128x128xf32, #tpu.memory_space<vmem>>
        %dma_wait3A_112 = tpu.memref_squeeze %dma_wait3A_111 : memref<1x128x128xf32, #tpu.memory_space<vmem>> -> memref<128x128xf32, #tpu.memory_space<vmem>>
        tpu.wait_dma2 semaphore(%run_scoped3A_89 : memref<!tpu.dma_semaphore, #tpu.memory_space<semaphore_mem>>) src(%dma_wait3A_112 : memref<128x128xf32, #tpu.memory_space<vmem>>) dst(%dma_wait3A_108 : memref<128x128xf32, #tpu.memory_space<vmem_shared>>)
        tpu.yield
      }) : () -> ()
      %scan3A_88 = arith.constant 0 : i32
      scf.yield %scan3A_88 : i32
    }
    %scan3A_8 = arith.constant 4 : i32
    %add3A_9 = arith.constant 512 : i32
    %add3A_10 = arith.addi %mul3A_2, %add3A_9 : i32
    %run_scoped3A_11 = arith.constant 0 : i32
    "tpu.region"() ({
      %run_scoped3A_82 = tpu.sem_alloc : memref<!tpu.dma_semaphore, #tpu.memory_space<semaphore_mem>>
      %dma_start3A_83 = arith.constant 0 : i32
      %dma_start3A_84 = arith.constant 0 : i32
      %dma_start3A_85 = tpu.memref_slice %arg9[%run_scoped3A_11, %dma_start3A_83, %dma_start3A_84] : memref<2x128x128xf32, #tpu.memory_space<vmem>> -> memref<1x120x128xf32, #tpu.memory_space<vmem>>
      %dma_start3A_86 = tpu.memref_squeeze %dma_start3A_85 : memref<1x120x128xf32, #tpu.memory_space<vmem>> -> memref<120x128xf32, #tpu.memory_space<vmem>>
      %dma_start3A_87 = arith.constant 0 : i32
      %dma_start3A_88 = tpu.memref_slice %arg10[%add3A_10, %dma_start3A_87] : memref<10112x128xf32, #tpu.memory_space<vmem_shared>> -> memref<120x128xf32, #tpu.memory_space<vmem_shared>>
      %dma_start3A_89 = arith.constant 0 : i32
      %dma_start3A_90 = tpu.memref_slice %arg10[%add3A_10, %dma_start3A_89] : memref<10112x128xf32, #tpu.memory_space<vmem_shared>> -> memref<120x128xf32, #tpu.memory_space<vmem_shared>>
      %dma_start3A_91 = arith.constant 0 : i32
      %dma_start3A_92 = arith.constant 0 : i32
      %dma_start3A_93 = tpu.memref_slice %arg9[%run_scoped3A_11, %dma_start3A_91, %dma_start3A_92] : memref<2x128x128xf32, #tpu.memory_space<vmem>> -> memref<1x120x128xf32, #tpu.memory_space<vmem>>
      %dma_start3A_94 = tpu.memref_squeeze %dma_start3A_93 : memref<1x120x128xf32, #tpu.memory_space<vmem>> -> memref<120x128xf32, #tpu.memory_space<vmem>>
      tpu.enqueue_dma source(%dma_start3A_94 : memref<120x128xf32, #tpu.memory_space<vmem>>) target(%dma_start3A_90 : memref<120x128xf32, #tpu.memory_space<vmem_shared>>) target_semaphore(%run_scoped3A_82 : memref<!tpu.dma_semaphore, #tpu.memory_space<semaphore_mem>>)
      %dma_wait3A = arith.constant 0 : i32
      %dma_wait3A_95 = arith.constant 0 : i32
      %dma_wait3A_96 = tpu.memref_slice %arg9[%run_scoped3A_11, %dma_wait3A, %dma_wait3A_95] : memref<2x128x128xf32, #tpu.memory_space<vmem>> -> memref<1x120x128xf32, #tpu.memory_space<vmem>>
      %dma_wait3A_97 = tpu.memref_squeeze %dma_wait3A_96 : memref<1x120x128xf32, #tpu.memory_space<vmem>> -> memref<120x128xf32, #tpu.memory_space<vmem>>
      %dma_wait3A_98 = arith.constant 0 : i32
      %dma_wait3A_99 = tpu.memref_slice %arg10[%add3A_10, %dma_wait3A_98] : memref<10112x128xf32, #tpu.memory_space<vmem_shared>> -> memref<120x128xf32, #tpu.memory_space<vmem_shared>>
      %dma_wait3A_100 = arith.constant 0 : i32
      %dma_wait3A_101 = tpu.memref_slice %arg10[%add3A_10, %dma_wait3A_100] : memref<10112x128xf32, #tpu.memory_space<vmem_shared>> -> memref<120x128xf32, #tpu.memory_space<vmem_shared>>
      %dma_wait3A_102 = arith.constant 0 : i32
      %dma_wait3A_103 = arith.constant 0 : i32
      %dma_wait3A_104 = tpu.memref_slice %arg9[%run_scoped3A_11, %dma_wait3A_102, %dma_wait3A_103] : memref<2x128x128xf32, #tpu.memory_space<vmem>> -> memref<1x120x128xf32, #tpu.memory_space<vmem>>
      %dma_wait3A_105 = tpu.memref_squeeze %dma_wait3A_104 : memref<1x120x128xf32, #tpu.memory_space<vmem>> -> memref<120x128xf32, #tpu.memory_space<vmem>>
      tpu.wait_dma2 semaphore(%run_scoped3A_82 : memref<!tpu.dma_semaphore, #tpu.memory_space<semaphore_mem>>) src(%dma_wait3A_105 : memref<120x128xf32, #tpu.memory_space<vmem>>) dst(%dma_wait3A_101 : memref<120x128xf32, #tpu.memory_space<vmem_shared>>)
      tpu.yield
    }) : () -> ()
    %barrier3A = arith.constant 0 : index
    tpu.barrier barrier_id(%barrier3A)
    %mul3A_12 = arith.constant 80 : i32
    %mul3A_13 = arith.muli %add3A, %mul3A_12 : i32
    %add3A_14 = arith.constant 0 : i32
    %add3A_15 = arith.addi %mul3A_13, %add3A_14 : i32
    "tpu.region"() ({
      %run_scoped3A_82 = tpu.sem_alloc : memref<!tpu.dma_semaphore, #tpu.memory_space<semaphore_mem>>
      %dma_start3A_83 = arith.constant 0 : i32
      %dma_start3A_84 = tpu.memref_slice %arg3[%add3A_15, %dma_start3A_83] : memref<2560x128xi32, #tpu.memory_space<hbm>> -> memref<40x128xi32, #tpu.memory_space<hbm>>
      %dma_start3A_85 = arith.constant 0 : i32
      %dma_start3A_86 = tpu.memref_slice %arg3[%add3A_15, %dma_start3A_85] : memref<2560x128xi32, #tpu.memory_space<hbm>> -> memref<40x128xi32, #tpu.memory_space<hbm>>
      tpu.enqueue_dma source(%dma_start3A_86 : memref<40x128xi32, #tpu.memory_space<hbm>>) target(%arg7 : memref<40x128xi32, #tpu.memory_space<vmem>>) target_semaphore(%run_scoped3A_82 : memref<!tpu.dma_semaphore, #tpu.memory_space<semaphore_mem>>)
      %dma_wait3A = arith.constant 0 : i32
      %dma_wait3A_87 = tpu.memref_slice %arg3[%add3A_15, %dma_wait3A] : memref<2560x128xi32, #tpu.memory_space<hbm>> -> memref<40x128xi32, #tpu.memory_space<hbm>>
      %dma_wait3A_88 = arith.constant 0 : i32
      %dma_wait3A_89 = tpu.memref_slice %arg3[%add3A_15, %dma_wait3A_88] : memref<2560x128xi32, #tpu.memory_space<hbm>> -> memref<40x128xi32, #tpu.memory_space<hbm>>
      tpu.wait_dma2 semaphore(%run_scoped3A_82 : memref<!tpu.dma_semaphore, #tpu.memory_space<semaphore_mem>>) src(%dma_wait3A_89 : memref<40x128xi32, #tpu.memory_space<hbm>>) dst(%arg7 : memref<40x128xi32, #tpu.memory_space<vmem>>)
      tpu.yield
    }) : () -> ()
    "tpu.region"() ({
      %run_scoped3A_82 = tpu.sem_alloc : memref<!tpu.dma_semaphore, #tpu.memory_space<semaphore_mem>>
      %dma_start3A_83 = arith.constant 0 : i32
      %dma_start3A_84 = tpu.memref_slice %arg4[%add3A_15, %dma_start3A_83] : memref<2560x128xi32, #tpu.memory_space<hbm>> -> memref<40x128xi32, #tpu.memory_space<hbm>>
      %dma_start3A_85 = arith.constant 0 : i32
      %dma_start3A_86 = tpu.memref_slice %arg4[%add3A_15, %dma_start3A_85] : memref<2560x128xi32, #tpu.memory_space<hbm>> -> memref<40x128xi32, #tpu.memory_space<hbm>>
      tpu.enqueue_dma source(%dma_start3A_86 : memref<40x128xi32, #tpu.memory_space<hbm>>) target(%arg8 : memref<40x128xi32, #tpu.memory_space<vmem>>) target_semaphore(%run_scoped3A_82 : memref<!tpu.dma_semaphore, #tpu.memory_space<semaphore_mem>>)
      %dma_wait3A = arith.constant 0 : i32
      %dma_wait3A_87 = tpu.memref_slice %arg4[%add3A_15, %dma_wait3A] : memref<2560x128xi32, #tpu.memory_space<hbm>> -> memref<40x128xi32, #tpu.memory_space<hbm>>
      %dma_wait3A_88 = arith.constant 0 : i32
      %dma_wait3A_89 = tpu.memref_slice %arg4[%add3A_15, %dma_wait3A_88] : memref<2560x128xi32, #tpu.memory_space<hbm>> -> memref<40x128xi32, #tpu.memory_space<hbm>>
      tpu.wait_dma2 semaphore(%run_scoped3A_82 : memref<!tpu.dma_semaphore, #tpu.memory_space<semaphore_mem>>) src(%dma_wait3A_89 : memref<40x128xi32, #tpu.memory_space<hbm>>) dst(%arg8 : memref<40x128xi32, #tpu.memory_space<vmem>>)
      tpu.yield
    }) : () -> ()
    %dma_start3A = arith.constant 0 : i32
    %dma_start3A_16 = arith.constant 0 : i32
    %dma_start3A_17 = arith.constant 0 : i32
    %dma_start3A_18 = arith.constant 0 : i32
    %dma_start3A_19 = tpu.memref_slice %arg9[%dma_start3A_16, %dma_start3A_17, %dma_start3A_18] : memref<2x128x128xf32, #tpu.memory_space<vmem>> -> memref<1x64x128xf32, #tpu.memory_space<vmem>>
    %dma_start3A_20 = tpu.memref_squeeze %dma_start3A_19 : memref<1x64x128xf32, #tpu.memory_space<vmem>> -> memref<64x128xf32, #tpu.memory_space<vmem>>
    %dma_start3A_21 = arith.constant 0 : i32
    %dma_start3A_22 = tpu.memref_slice %arg7[%dma_start3A, %dma_start3A_21] : memref<40x128xi32, #tpu.memory_space<vmem>> -> memref<1x64xi32, #tpu.memory_space<vmem>>
    %dma_start3A_23 = tpu.memref_squeeze %dma_start3A_22 : memref<1x64xi32, #tpu.memory_space<vmem>> -> memref<64xi32, #tpu.memory_space<vmem>>
    %dma_start3A_24 = arith.constant 0 : i32
    %dma_start3A_25 = arith.constant 0 : i32
    %dma_start3A_26 = tpu.memref_slice %arg2[%dma_start3A_24, %dma_start3A_25] : memref<10000x128xf32, #tpu.memory_space<hbm>> -> memref<10000x128xf32, #tpu.memory_space<hbm>>
    tpu.enqueue_indirect_dma source(%dma_start3A_26 : memref<10000x128xf32, #tpu.memory_space<hbm>>) target(%dma_start3A_20 : memref<64x128xf32, #tpu.memory_space<vmem>>) offsets(%dma_start3A_23 : memref<64xi32, #tpu.memory_space<vmem>>) semaphore(%arg11 : memref<!tpu.dma_semaphore, #tpu.memory_space<semaphore_mem>>)
    %dma_start3A_27 = arith.constant 0 : i32
    %dma_start3A_28 = arith.constant 0 : i32
    %dma_start3A_29 = arith.constant 64 : i32
    %dma_start3A_30 = arith.constant 0 : i32
    %dma_start3A_31 = tpu.memref_slice %arg9[%dma_start3A_28, %dma_start3A_29, %dma_start3A_30] : memref<2x128x128xf32, #tpu.memory_space<vmem>> -> memref<1x64x128xf32, #tpu.memory_space<vmem>>
    %dma_start3A_32 = tpu.memref_squeeze %dma_start3A_31 : memref<1x64x128xf32, #tpu.memory_space<vmem>> -> memref<64x128xf32, #tpu.memory_space<vmem>>
    %dma_start3A_33 = arith.constant 64 : i32
    %dma_start3A_34 = tpu.memref_slice %arg7[%dma_start3A_27, %dma_start3A_33] : memref<40x128xi32, #tpu.memory_space<vmem>> -> memref<1x64xi32, #tpu.memory_space<vmem>>
    %dma_start3A_35 = tpu.memref_squeeze %dma_start3A_34 : memref<1x64xi32, #tpu.memory_space<vmem>> -> memref<64xi32, #tpu.memory_space<vmem>>
    %dma_start3A_36 = arith.constant 0 : i32
    %dma_start3A_37 = arith.constant 0 : i32
    %dma_start3A_38 = tpu.memref_slice %arg2[%dma_start3A_36, %dma_start3A_37] : memref<10000x128xf32, #tpu.memory_space<hbm>> -> memref<10000x128xf32, #tpu.memory_space<hbm>>
    tpu.enqueue_indirect_dma source(%dma_start3A_38 : memref<10000x128xf32, #tpu.memory_space<hbm>>) target(%dma_start3A_32 : memref<64x128xf32, #tpu.memory_space<vmem>>) offsets(%dma_start3A_35 : memref<64xi32, #tpu.memory_space<vmem>>) semaphore(%arg12 : memref<!tpu.dma_semaphore, #tpu.memory_space<semaphore_mem>>)
    %scan3A_39 = arith.constant 0 : i32
    %scan3A_40 = arith.constant 0 : i32
    %scan3A_41 = arith.constant 20 : i32
    %scan3A_42 = arith.addi %scan3A_40, %scan3A_41 : i32
    %scan3A_43 = arith.constant 1 : i32
    %scan3A_44 = scf.for %scan3A_82 = %scan3A_40 to %scan3A_42 step %scan3A_43 iter_args(%scan3A_83 = %scan3A_39) -> (i32)  : i32 {
      %mul3A_84 = arith.constant 2 : i32
      %mul3A_85 = arith.muli %mul3A_84, %scan3A_82 : i32
      %add3A_86 = arith.constant 1 : i32
      %add3A_87 = arith.addi %mul3A_85, %add3A_86 : i32
      %lt3A = arith.constant 40 : i32
      %lt3A_88 = arith.cmpi slt, %add3A_87, %lt3A : i32
      %convert_element_type3A = arith.extui %lt3A_88 : i1 to i32
      %cond3A = arith.constant 0 : i32
      %cond3A_89 = arith.cmpi ne, %convert_element_type3A, %cond3A : i32
      scf.if %cond3A_89 {
        %add3A_147 = arith.constant 1 : i32
        %add3A_148 = arith.addi %mul3A_85, %add3A_147 : i32
        %dma_start3A_149 = arith.constant 1 : i32
        %dma_start3A_150 = arith.constant 0 : i32
        %dma_start3A_151 = arith.constant 0 : i32
        %dma_start3A_152 = tpu.memref_slice %arg9[%dma_start3A_149, %dma_start3A_150, %dma_start3A_151] : memref<2x128x128xf32, #tpu.memory_space<vmem>> -> memref<1x64x128xf32, #tpu.memory_space<vmem>>
        %dma_start3A_153 = tpu.memref_squeeze %dma_start3A_152 : memref<1x64x128xf32, #tpu.memory_space<vmem>> -> memref<64x128xf32, #tpu.memory_space<vmem>>
        %dma_start3A_154 = arith.constant 0 : i32
        %dma_start3A_155 = tpu.memref_slice %arg7[%add3A_148, %dma_start3A_154] : memref<40x128xi32, #tpu.memory_space<vmem>> -> memref<1x64xi32, #tpu.memory_space<vmem>>
        %dma_start3A_156 = tpu.memref_squeeze %dma_start3A_155 : memref<1x64xi32, #tpu.memory_space<vmem>> -> memref<64xi32, #tpu.memory_space<vmem>>
        %dma_start3A_157 = arith.constant 0 : i32
        %dma_start3A_158 = arith.constant 0 : i32
        %dma_start3A_159 = tpu.memref_slice %arg2[%dma_start3A_157, %dma_start3A_158] : memref<10000x128xf32, #tpu.memory_space<hbm>> -> memref<10000x128xf32, #tpu.memory_space<hbm>>
        tpu.enqueue_indirect_dma source(%dma_start3A_159 : memref<10000x128xf32, #tpu.memory_space<hbm>>) target(%dma_start3A_153 : memref<64x128xf32, #tpu.memory_space<vmem>>) offsets(%dma_start3A_156 : memref<64xi32, #tpu.memory_space<vmem>>) semaphore(%arg13 : memref<!tpu.dma_semaphore, #tpu.memory_space<semaphore_mem>>)
        %dma_start3A_160 = arith.constant 1 : i32
        %dma_start3A_161 = arith.constant 64 : i32
        %dma_start3A_162 = arith.constant 0 : i32
        %dma_start3A_163 = tpu.memref_slice %arg9[%dma_start3A_160, %dma_start3A_161, %dma_start3A_162] : memref<2x128x128xf32, #tpu.memory_space<vmem>> -> memref<1x64x128xf32, #tpu.memory_space<vmem>>
        %dma_start3A_164 = tpu.memref_squeeze %dma_start3A_163 : memref<1x64x128xf32, #tpu.memory_space<vmem>> -> memref<64x128xf32, #tpu.memory_space<vmem>>
        %dma_start3A_165 = arith.constant 64 : i32
        %dma_start3A_166 = tpu.memref_slice %arg7[%add3A_148, %dma_start3A_165] : memref<40x128xi32, #tpu.memory_space<vmem>> -> memref<1x64xi32, #tpu.memory_space<vmem>>
        %dma_start3A_167 = tpu.memref_squeeze %dma_start3A_166 : memref<1x64xi32, #tpu.memory_space<vmem>> -> memref<64xi32, #tpu.memory_space<vmem>>
        %dma_start3A_168 = arith.constant 0 : i32
        %dma_start3A_169 = arith.constant 0 : i32
        %dma_start3A_170 = tpu.memref_slice %arg2[%dma_start3A_168, %dma_start3A_169] : memref<10000x128xf32, #tpu.memory_space<hbm>> -> memref<10000x128xf32, #tpu.memory_space<hbm>>
        tpu.enqueue_indirect_dma source(%dma_start3A_170 : memref<10000x128xf32, #tpu.memory_space<hbm>>) target(%dma_start3A_164 : memref<64x128xf32, #tpu.memory_space<vmem>>) offsets(%dma_start3A_167 : memref<64xi32, #tpu.memory_space<vmem>>) semaphore(%arg14 : memref<!tpu.dma_semaphore, #tpu.memory_space<semaphore_mem>>)
      } else {
      }
      %dma_wait3A = arith.constant 0 : i32
      %dma_wait3A_90 = arith.constant 0 : i32
      %dma_wait3A_91 = arith.constant 0 : i32
      %dma_wait3A_92 = tpu.memref_slice %arg9[%dma_wait3A, %dma_wait3A_90, %dma_wait3A_91] : memref<2x128x128xf32, #tpu.memory_space<vmem>> -> memref<1x64x128xf32, #tpu.memory_space<vmem>>
      %dma_wait3A_93 = tpu.memref_squeeze %dma_wait3A_92 : memref<1x64x128xf32, #tpu.memory_space<vmem>> -> memref<64x128xf32, #tpu.memory_space<vmem>>
      %dma_wait3A_94 = arith.constant 0 : i32
      %dma_wait3A_95 = tpu.memref_slice %arg7[%mul3A_85, %dma_wait3A_94] : memref<40x128xi32, #tpu.memory_space<vmem>> -> memref<1x64xi32, #tpu.memory_space<vmem>>
      %dma_wait3A_96 = tpu.memref_squeeze %dma_wait3A_95 : memref<1x64xi32, #tpu.memory_space<vmem>> -> memref<64xi32, #tpu.memory_space<vmem>>
      %dma_wait3A_97 = arith.constant 0 : i32
      %dma_wait3A_98 = arith.constant 0 : i32
      %dma_wait3A_99 = tpu.memref_slice %arg2[%dma_wait3A_97, %dma_wait3A_98] : memref<10000x128xf32, #tpu.memory_space<hbm>> -> memref<10000x128xf32, #tpu.memory_space<hbm>>
      tpu.wait_indirect_dma semaphore(%arg11 : memref<!tpu.dma_semaphore, #tpu.memory_space<semaphore_mem>>) src(%dma_wait3A_99 : memref<10000x128xf32, #tpu.memory_space<hbm>>) dst(%dma_wait3A_93 : memref<64x128xf32, #tpu.memory_space<vmem>>)
      %dma_wait3A_100 = arith.constant 0 : i32
      %dma_wait3A_101 = arith.constant 64 : i32
      %dma_wait3A_102 = arith.constant 0 : i32
      %dma_wait3A_103 = tpu.memref_slice %arg9[%dma_wait3A_100, %dma_wait3A_101, %dma_wait3A_102] : memref<2x128x128xf32, #tpu.memory_space<vmem>> -> memref<1x64x128xf32, #tpu.memory_space<vmem>>
      %dma_wait3A_104 = tpu.memref_squeeze %dma_wait3A_103 : memref<1x64x128xf32, #tpu.memory_space<vmem>> -> memref<64x128xf32, #tpu.memory_space<vmem>>
      %dma_wait3A_105 = arith.constant 64 : i32
      %dma_wait3A_106 = tpu.memref_slice %arg7[%mul3A_85, %dma_wait3A_105] : memref<40x128xi32, #tpu.memory_space<vmem>> -> memref<1x64xi32, #tpu.memory_space<vmem>>
      %dma_wait3A_107 = tpu.memref_squeeze %dma_wait3A_106 : memref<1x64xi32, #tpu.memory_space<vmem>> -> memref<64xi32, #tpu.memory_space<vmem>>
      %dma_wait3A_108 = arith.constant 0 : i32
      %dma_wait3A_109 = arith.constant 0 : i32
      %dma_wait3A_110 = tpu.memref_slice %arg2[%dma_wait3A_108, %dma_wait3A_109] : memref<10000x128xf32, #tpu.memory_space<hbm>> -> memref<10000x128xf32, #tpu.memory_space<hbm>>
      tpu.wait_indirect_dma semaphore(%arg12 : memref<!tpu.dma_semaphore, #tpu.memory_space<semaphore_mem>>) src(%dma_wait3A_110 : memref<10000x128xf32, #tpu.memory_space<hbm>>) dst(%dma_wait3A_104 : memref<64x128xf32, #tpu.memory_space<vmem>>)
      %run_scoped3A_111 = arith.constant 0 : i32
      "tpu.region"() ({
        %run_scoped3A_147 = tpu.sem_alloc : memref<!tpu.dma_semaphore, #tpu.memory_space<semaphore_mem>>
        %dma_start3A_148 = arith.constant 0 : i32
        %dma_start3A_149 = arith.constant 0 : i32
        %dma_start3A_150 = tpu.memref_slice %arg9[%run_scoped3A_111, %dma_start3A_148, %dma_start3A_149] : memref<2x128x128xf32, #tpu.memory_space<vmem>> -> memref<1x128x128xf32, #tpu.memory_space<vmem>>
        %dma_start3A_151 = tpu.memref_squeeze %dma_start3A_150 : memref<1x128x128xf32, #tpu.memory_space<vmem>> -> memref<128x128xf32, #tpu.memory_space<vmem>>
        %dma_start3A_152 = arith.constant 0 : i32
        %dma_start3A_153 = tpu.memref_slice %arg8[%mul3A_85, %dma_start3A_152] : memref<40x128xi32, #tpu.memory_space<vmem>> -> memref<1x128xi32, #tpu.memory_space<vmem>>
        %dma_start3A_154 = tpu.memref_squeeze %dma_start3A_153 : memref<1x128xi32, #tpu.memory_space<vmem>> -> memref<128xi32, #tpu.memory_space<vmem>>
        %dma_start3A_155 = arith.constant 0 : i32
        %dma_start3A_156 = arith.constant 0 : i32
        %dma_start3A_157 = tpu.memref_slice %arg10[%dma_start3A_155, %dma_start3A_156] : memref<10112x128xf32, #tpu.memory_space<vmem_shared>> -> memref<10112x128xf32, #tpu.memory_space<vmem_shared>>
        tpu.enqueue_indirect_dma source(%dma_start3A_151 : memref<128x128xf32, #tpu.memory_space<vmem>>) target(%dma_start3A_157 : memref<10112x128xf32, #tpu.memory_space<vmem_shared>>) offsets(%dma_start3A_154 : memref<128xi32, #tpu.memory_space<vmem>>) semaphore(%run_scoped3A_147 : memref<!tpu.dma_semaphore, #tpu.memory_space<semaphore_mem>>) {add = true}
        %dma_wait3A_158 = arith.constant 0 : i32
        %dma_wait3A_159 = arith.constant 0 : i32
        %dma_wait3A_160 = tpu.memref_slice %arg9[%run_scoped3A_111, %dma_wait3A_158, %dma_wait3A_159] : memref<2x128x128xf32, #tpu.memory_space<vmem>> -> memref<1x128x128xf32, #tpu.memory_space<vmem>>
        %dma_wait3A_161 = tpu.memref_squeeze %dma_wait3A_160 : memref<1x128x128xf32, #tpu.memory_space<vmem>> -> memref<128x128xf32, #tpu.memory_space<vmem>>
        %dma_wait3A_162 = arith.constant 0 : i32
        %dma_wait3A_163 = tpu.memref_slice %arg8[%mul3A_85, %dma_wait3A_162] : memref<40x128xi32, #tpu.memory_space<vmem>> -> memref<1x128xi32, #tpu.memory_space<vmem>>
        %dma_wait3A_164 = tpu.memref_squeeze %dma_wait3A_163 : memref<1x128xi32, #tpu.memory_space<vmem>> -> memref<128xi32, #tpu.memory_space<vmem>>
        %dma_wait3A_165 = arith.constant 0 : i32
        %dma_wait3A_166 = arith.constant 0 : i32
        %dma_wait3A_167 = tpu.memref_slice %arg10[%dma_wait3A_165, %dma_wait3A_166] : memref<10112x128xf32, #tpu.memory_space<vmem_shared>> -> memref<10112x128xf32, #tpu.memory_space<vmem_shared>>
        tpu.wait_indirect_dma semaphore(%run_scoped3A_147 : memref<!tpu.dma_semaphore, #tpu.memory_space<semaphore_mem>>) src(%dma_wait3A_161 : memref<128x128xf32, #tpu.memory_space<vmem>>) dst(%dma_wait3A_167 : memref<10112x128xf32, #tpu.memory_space<vmem_shared>>)
        tpu.yield
      }) : () -> ()
      %mul3A_112 = arith.constant 2 : i32
      %mul3A_113 = arith.muli %mul3A_112, %scan3A_82 : i32
      %add3A_114 = arith.constant 1 : i32
      %add3A_115 = arith.addi %mul3A_113, %add3A_114 : i32
      %add3A_116 = arith.constant 1 : i32
      %add3A_117 = arith.addi %add3A_115, %add3A_116 : i32
      %lt3A_118 = arith.constant 40 : i32
      %lt3A_119 = arith.cmpi slt, %add3A_117, %lt3A_118 : i32
      %convert_element_type3A_120 = arith.extui %lt3A_119 : i1 to i32
      %cond3A_121 = arith.constant 0 : i32
      %cond3A_122 = arith.cmpi ne, %convert_element_type3A_120, %cond3A_121 : i32
      scf.if %cond3A_122 {
        %add3A_147 = arith.constant 1 : i32
        %add3A_148 = arith.addi %add3A_115, %add3A_147 : i32
        %dma_start3A_149 = arith.constant 0 : i32
        %dma_start3A_150 = arith.constant 0 : i32
        %dma_start3A_151 = arith.constant 0 : i32
        %dma_start3A_152 = tpu.memref_slice %arg9[%dma_start3A_149, %dma_start3A_150, %dma_start3A_151] : memref<2x128x128xf32, #tpu.memory_space<vmem>> -> memref<1x64x128xf32, #tpu.memory_space<vmem>>
        %dma_start3A_153 = tpu.memref_squeeze %dma_start3A_152 : memref<1x64x128xf32, #tpu.memory_space<vmem>> -> memref<64x128xf32, #tpu.memory_space<vmem>>
        %dma_start3A_154 = arith.constant 0 : i32
        %dma_start3A_155 = tpu.memref_slice %arg7[%add3A_148, %dma_start3A_154] : memref<40x128xi32, #tpu.memory_space<vmem>> -> memref<1x64xi32, #tpu.memory_space<vmem>>
        %dma_start3A_156 = tpu.memref_squeeze %dma_start3A_155 : memref<1x64xi32, #tpu.memory_space<vmem>> -> memref<64xi32, #tpu.memory_space<vmem>>
        %dma_start3A_157 = arith.constant 0 : i32
        %dma_start3A_158 = arith.constant 0 : i32
        %dma_start3A_159 = tpu.memref_slice %arg2[%dma_start3A_157, %dma_start3A_158] : memref<10000x128xf32, #tpu.memory_space<hbm>> -> memref<10000x128xf32, #tpu.memory_space<hbm>>
        tpu.enqueue_indirect_dma source(%dma_start3A_159 : memref<10000x128xf32, #tpu.memory_space<hbm>>) target(%dma_start3A_153 : memref<64x128xf32, #tpu.memory_space<vmem>>) offsets(%dma_start3A_156 : memref<64xi32, #tpu.memory_space<vmem>>) semaphore(%arg11 : memref<!tpu.dma_semaphore, #tpu.memory_space<semaphore_mem>>)
        %dma_start3A_160 = arith.constant 0 : i32
        %dma_start3A_161 = arith.constant 64 : i32
        %dma_start3A_162 = arith.constant 0 : i32
        %dma_start3A_163 = tpu.memref_slice %arg9[%dma_start3A_160, %dma_start3A_161, %dma_start3A_162] : memref<2x128x128xf32, #tpu.memory_space<vmem>> -> memref<1x64x128xf32, #tpu.memory_space<vmem>>
        %dma_start3A_164 = tpu.memref_squeeze %dma_start3A_163 : memref<1x64x128xf32, #tpu.memory_space<vmem>> -> memref<64x128xf32, #tpu.memory_space<vmem>>
        %dma_start3A_165 = arith.constant 64 : i32
        %dma_start3A_166 = tpu.memref_slice %arg7[%add3A_148, %dma_start3A_165] : memref<40x128xi32, #tpu.memory_space<vmem>> -> memref<1x64xi32, #tpu.memory_space<vmem>>
        %dma_start3A_167 = tpu.memref_squeeze %dma_start3A_166 : memref<1x64xi32, #tpu.memory_space<vmem>> -> memref<64xi32, #tpu.memory_space<vmem>>
        %dma_start3A_168 = arith.constant 0 : i32
        %dma_start3A_169 = arith.constant 0 : i32
        %dma_start3A_170 = tpu.memref_slice %arg2[%dma_start3A_168, %dma_start3A_169] : memref<10000x128xf32, #tpu.memory_space<hbm>> -> memref<10000x128xf32, #tpu.memory_space<hbm>>
        tpu.enqueue_indirect_dma source(%dma_start3A_170 : memref<10000x128xf32, #tpu.memory_space<hbm>>) target(%dma_start3A_164 : memref<64x128xf32, #tpu.memory_space<vmem>>) offsets(%dma_start3A_167 : memref<64xi32, #tpu.memory_space<vmem>>) semaphore(%arg12 : memref<!tpu.dma_semaphore, #tpu.memory_space<semaphore_mem>>)
      } else {
      }
      %dma_wait3A_123 = arith.constant 1 : i32
      %dma_wait3A_124 = arith.constant 0 : i32
      %dma_wait3A_125 = arith.constant 0 : i32
      %dma_wait3A_126 = tpu.memref_slice %arg9[%dma_wait3A_123, %dma_wait3A_124, %dma_wait3A_125] : memref<2x128x128xf32, #tpu.memory_space<vmem>> -> memref<1x64x128xf32, #tpu.memory_space<vmem>>
      %dma_wait3A_127 = tpu.memref_squeeze %dma_wait3A_126 : memref<1x64x128xf32, #tpu.memory_space<vmem>> -> memref<64x128xf32, #tpu.memory_space<vmem>>
      %dma_wait3A_128 = arith.constant 0 : i32
      %dma_wait3A_129 = tpu.memref_slice %arg7[%add3A_115, %dma_wait3A_128] : memref<40x128xi32, #tpu.memory_space<vmem>> -> memref<1x64xi32, #tpu.memory_space<vmem>>
      %dma_wait3A_130 = tpu.memref_squeeze %dma_wait3A_129 : memref<1x64xi32, #tpu.memory_space<vmem>> -> memref<64xi32, #tpu.memory_space<vmem>>
      %dma_wait3A_131 = arith.constant 0 : i32
      %dma_wait3A_132 = arith.constant 0 : i32
      %dma_wait3A_133 = tpu.memref_slice %arg2[%dma_wait3A_131, %dma_wait3A_132] : memref<10000x128xf32, #tpu.memory_space<hbm>> -> memref<10000x128xf32, #tpu.memory_space<hbm>>
      tpu.wait_indirect_dma semaphore(%arg13 : memref<!tpu.dma_semaphore, #tpu.memory_space<semaphore_mem>>) src(%dma_wait3A_133 : memref<10000x128xf32, #tpu.memory_space<hbm>>) dst(%dma_wait3A_127 : memref<64x128xf32, #tpu.memory_space<vmem>>)
      %dma_wait3A_134 = arith.constant 1 : i32
      %dma_wait3A_135 = arith.constant 64 : i32
      %dma_wait3A_136 = arith.constant 0 : i32
      %dma_wait3A_137 = tpu.memref_slice %arg9[%dma_wait3A_134, %dma_wait3A_135, %dma_wait3A_136] : memref<2x128x128xf32, #tpu.memory_space<vmem>> -> memref<1x64x128xf32, #tpu.memory_space<vmem>>
      %dma_wait3A_138 = tpu.memref_squeeze %dma_wait3A_137 : memref<1x64x128xf32, #tpu.memory_space<vmem>> -> memref<64x128xf32, #tpu.memory_space<vmem>>
      %dma_wait3A_139 = arith.constant 64 : i32
      %dma_wait3A_140 = tpu.memref_slice %arg7[%add3A_115, %dma_wait3A_139] : memref<40x128xi32, #tpu.memory_space<vmem>> -> memref<1x64xi32, #tpu.memory_space<vmem>>
      %dma_wait3A_141 = tpu.memref_squeeze %dma_wait3A_140 : memref<1x64xi32, #tpu.memory_space<vmem>> -> memref<64xi32, #tpu.memory_space<vmem>>
      %dma_wait3A_142 = arith.constant 0 : i32
      %dma_wait3A_143 = arith.constant 0 : i32
      %dma_wait3A_144 = tpu.memref_slice %arg2[%dma_wait3A_142, %dma_wait3A_143] : memref<10000x128xf32, #tpu.memory_space<hbm>> -> memref<10000x128xf32, #tpu.memory_space<hbm>>
      tpu.wait_indirect_dma semaphore(%arg14 : memref<!tpu.dma_semaphore, #tpu.memory_space<semaphore_mem>>) src(%dma_wait3A_144 : memref<10000x128xf32, #tpu.memory_space<hbm>>) dst(%dma_wait3A_138 : memref<64x128xf32, #tpu.memory_space<vmem>>)
      %run_scoped3A_145 = arith.constant 1 : i32
      "tpu.region"() ({
        %run_scoped3A_147 = tpu.sem_alloc : memref<!tpu.dma_semaphore, #tpu.memory_space<semaphore_mem>>
        %dma_start3A_148 = arith.constant 0 : i32
        %dma_start3A_149 = arith.constant 0 : i32
        %dma_start3A_150 = tpu.memref_slice %arg9[%run_scoped3A_145, %dma_start3A_148, %dma_start3A_149] : memref<2x128x128xf32, #tpu.memory_space<vmem>> -> memref<1x128x128xf32, #tpu.memory_space<vmem>>
        %dma_start3A_151 = tpu.memref_squeeze %dma_start3A_150 : memref<1x128x128xf32, #tpu.memory_space<vmem>> -> memref<128x128xf32, #tpu.memory_space<vmem>>
        %dma_start3A_152 = arith.constant 0 : i32
        %dma_start3A_153 = tpu.memref_slice %arg8[%add3A_115, %dma_start3A_152] : memref<40x128xi32, #tpu.memory_space<vmem>> -> memref<1x128xi32, #tpu.memory_space<vmem>>
        %dma_start3A_154 = tpu.memref_squeeze %dma_start3A_153 : memref<1x128xi32, #tpu.memory_space<vmem>> -> memref<128xi32, #tpu.memory_space<vmem>>
        %dma_start3A_155 = arith.constant 0 : i32
        %dma_start3A_156 = arith.constant 0 : i32
        %dma_start3A_157 = tpu.memref_slice %arg10[%dma_start3A_155, %dma_start3A_156] : memref<10112x128xf32, #tpu.memory_space<vmem_shared>> -> memref<10112x128xf32, #tpu.memory_space<vmem_shared>>
        tpu.enqueue_indirect_dma source(%dma_start3A_151 : memref<128x128xf32, #tpu.memory_space<vmem>>) target(%dma_start3A_157 : memref<10112x128xf32, #tpu.memory_space<vmem_shared>>) offsets(%dma_start3A_154 : memref<128xi32, #tpu.memory_space<vmem>>) semaphore(%run_scoped3A_147 : memref<!tpu.dma_semaphore, #tpu.memory_space<semaphore_mem>>) {add = true}
        %dma_wait3A_158 = arith.constant 0 : i32
        %dma_wait3A_159 = arith.constant 0 : i32
        %dma_wait3A_160 = tpu.memref_slice %arg9[%run_scoped3A_145, %dma_wait3A_158, %dma_wait3A_159] : memref<2x128x128xf32, #tpu.memory_space<vmem>> -> memref<1x128x128xf32, #tpu.memory_space<vmem>>
        %dma_wait3A_161 = tpu.memref_squeeze %dma_wait3A_160 : memref<1x128x128xf32, #tpu.memory_space<vmem>> -> memref<128x128xf32, #tpu.memory_space<vmem>>
        %dma_wait3A_162 = arith.constant 0 : i32
        %dma_wait3A_163 = tpu.memref_slice %arg8[%add3A_115, %dma_wait3A_162] : memref<40x128xi32, #tpu.memory_space<vmem>> -> memref<1x128xi32, #tpu.memory_space<vmem>>
        %dma_wait3A_164 = tpu.memref_squeeze %dma_wait3A_163 : memref<1x128xi32, #tpu.memory_space<vmem>> -> memref<128xi32, #tpu.memory_space<vmem>>
        %dma_wait3A_165 = arith.constant 0 : i32
        %dma_wait3A_166 = arith.constant 0 : i32
        %dma_wait3A_167 = tpu.memref_slice %arg10[%dma_wait3A_165, %dma_wait3A_166] : memref<10112x128xf32, #tpu.memory_space<vmem_shared>> -> memref<10112x128xf32, #tpu.memory_space<vmem_shared>>
        tpu.wait_indirect_dma semaphore(%run_scoped3A_147 : memref<!tpu.dma_semaphore, #tpu.memory_space<semaphore_mem>>) src(%dma_wait3A_161 : memref<128x128xf32, #tpu.memory_space<vmem>>) dst(%dma_wait3A_167 : memref<10112x128xf32, #tpu.memory_space<vmem_shared>>)
        tpu.yield
      }) : () -> ()
      %scan3A_146 = arith.constant 0 : i32
      scf.yield %scan3A_146 : i32
    }
    %scan3A_45 = arith.constant 20 : i32
    %mul3A_46 = arith.constant 80 : i32
    %mul3A_47 = arith.muli %add3A, %mul3A_46 : i32
    %add3A_48 = arith.constant 40 : i32
    %add3A_49 = arith.addi %mul3A_47, %add3A_48 : i32
    "tpu.region"() ({
      %run_scoped3A_82 = tpu.sem_alloc : memref<!tpu.dma_semaphore, #tpu.memory_space<semaphore_mem>>
      %dma_start3A_83 = arith.constant 0 : i32
      %dma_start3A_84 = tpu.memref_slice %arg3[%add3A_49, %dma_start3A_83] : memref<2560x128xi32, #tpu.memory_space<hbm>> -> memref<40x128xi32, #tpu.memory_space<hbm>>
      %dma_start3A_85 = arith.constant 0 : i32
      %dma_start3A_86 = tpu.memref_slice %arg3[%add3A_49, %dma_start3A_85] : memref<2560x128xi32, #tpu.memory_space<hbm>> -> memref<40x128xi32, #tpu.memory_space<hbm>>
      tpu.enqueue_dma source(%dma_start3A_86 : memref<40x128xi32, #tpu.memory_space<hbm>>) target(%arg7 : memref<40x128xi32, #tpu.memory_space<vmem>>) target_semaphore(%run_scoped3A_82 : memref<!tpu.dma_semaphore, #tpu.memory_space<semaphore_mem>>)
      %dma_wait3A = arith.constant 0 : i32
      %dma_wait3A_87 = tpu.memref_slice %arg3[%add3A_49, %dma_wait3A] : memref<2560x128xi32, #tpu.memory_space<hbm>> -> memref<40x128xi32, #tpu.memory_space<hbm>>
      %dma_wait3A_88 = arith.constant 0 : i32
      %dma_wait3A_89 = tpu.memref_slice %arg3[%add3A_49, %dma_wait3A_88] : memref<2560x128xi32, #tpu.memory_space<hbm>> -> memref<40x128xi32, #tpu.memory_space<hbm>>
      tpu.wait_dma2 semaphore(%run_scoped3A_82 : memref<!tpu.dma_semaphore, #tpu.memory_space<semaphore_mem>>) src(%dma_wait3A_89 : memref<40x128xi32, #tpu.memory_space<hbm>>) dst(%arg7 : memref<40x128xi32, #tpu.memory_space<vmem>>)
      tpu.yield
    }) : () -> ()
    "tpu.region"() ({
      %run_scoped3A_82 = tpu.sem_alloc : memref<!tpu.dma_semaphore, #tpu.memory_space<semaphore_mem>>
      %dma_start3A_83 = arith.constant 0 : i32
      %dma_start3A_84 = tpu.memref_slice %arg4[%add3A_49, %dma_start3A_83] : memref<2560x128xi32, #tpu.memory_space<hbm>> -> memref<40x128xi32, #tpu.memory_space<hbm>>
      %dma_start3A_85 = arith.constant 0 : i32
      %dma_start3A_86 = tpu.memref_slice %arg4[%add3A_49, %dma_start3A_85] : memref<2560x128xi32, #tpu.memory_space<hbm>> -> memref<40x128xi32, #tpu.memory_space<hbm>>
      tpu.enqueue_dma source(%dma_start3A_86 : memref<40x128xi32, #tpu.memory_space<hbm>>) target(%arg8 : memref<40x128xi32, #tpu.memory_space<vmem>>) target_semaphore(%run_scoped3A_82 : memref<!tpu.dma_semaphore, #tpu.memory_space<semaphore_mem>>)
      %dma_wait3A = arith.constant 0 : i32
      %dma_wait3A_87 = tpu.memref_slice %arg4[%add3A_49, %dma_wait3A] : memref<2560x128xi32, #tpu.memory_space<hbm>> -> memref<40x128xi32, #tpu.memory_space<hbm>>
      %dma_wait3A_88 = arith.constant 0 : i32
      %dma_wait3A_89 = tpu.memref_slice %arg4[%add3A_49, %dma_wait3A_88] : memref<2560x128xi32, #tpu.memory_space<hbm>> -> memref<40x128xi32, #tpu.memory_space<hbm>>
      tpu.wait_dma2 semaphore(%run_scoped3A_82 : memref<!tpu.dma_semaphore, #tpu.memory_space<semaphore_mem>>) src(%dma_wait3A_89 : memref<40x128xi32, #tpu.memory_space<hbm>>) dst(%arg8 : memref<40x128xi32, #tpu.memory_space<vmem>>)
      tpu.yield
    }) : () -> ()
    %dma_start3A_50 = arith.constant 0 : i32
    %dma_start3A_51 = arith.constant 0 : i32
    %dma_start3A_52 = arith.constant 0 : i32
    %dma_start3A_53 = arith.constant 0 : i32
    %dma_start3A_54 = tpu.memref_slice %arg9[%dma_start3A_51, %dma_start3A_52, %dma_start3A_53] : memref<2x128x128xf32, #tpu.memory_space<vmem>> -> memref<1x64x128xf32, #tpu.memory_space<vmem>>
    %dma_start3A_55 = tpu.memref_squeeze %dma_start3A_54 : memref<1x64x128xf32, #tpu.memory_space<vmem>> -> memref<64x128xf32, #tpu.memory_space<vmem>>
    %dma_start3A_56 = arith.constant 0 : i32
    %dma_start3A_57 = tpu.memref_slice %arg7[%dma_start3A_50, %dma_start3A_56] : memref<40x128xi32, #tpu.memory_space<vmem>> -> memref<1x64xi32, #tpu.memory_space<vmem>>
    %dma_start3A_58 = tpu.memref_squeeze %dma_start3A_57 : memref<1x64xi32, #tpu.memory_space<vmem>> -> memref<64xi32, #tpu.memory_space<vmem>>
    %dma_start3A_59 = arith.constant 0 : i32
    %dma_start3A_60 = arith.constant 0 : i32
    %dma_start3A_61 = tpu.memref_slice %arg2[%dma_start3A_59, %dma_start3A_60] : memref<10000x128xf32, #tpu.memory_space<hbm>> -> memref<10000x128xf32, #tpu.memory_space<hbm>>
    tpu.enqueue_indirect_dma source(%dma_start3A_61 : memref<10000x128xf32, #tpu.memory_space<hbm>>) target(%dma_start3A_55 : memref<64x128xf32, #tpu.memory_space<vmem>>) offsets(%dma_start3A_58 : memref<64xi32, #tpu.memory_space<vmem>>) semaphore(%arg11 : memref<!tpu.dma_semaphore, #tpu.memory_space<semaphore_mem>>)
    %dma_start3A_62 = arith.constant 0 : i32
    %dma_start3A_63 = arith.constant 0 : i32
    %dma_start3A_64 = arith.constant 64 : i32
    %dma_start3A_65 = arith.constant 0 : i32
    %dma_start3A_66 = tpu.memref_slice %arg9[%dma_start3A_63, %dma_start3A_64, %dma_start3A_65] : memref<2x128x128xf32, #tpu.memory_space<vmem>> -> memref<1x64x128xf32, #tpu.memory_space<vmem>>
    %dma_start3A_67 = tpu.memref_squeeze %dma_start3A_66 : memref<1x64x128xf32, #tpu.memory_space<vmem>> -> memref<64x128xf32, #tpu.memory_space<vmem>>
    %dma_start3A_68 = arith.constant 64 : i32
    %dma_start3A_69 = tpu.memref_slice %arg7[%dma_start3A_62, %dma_start3A_68] : memref<40x128xi32, #tpu.memory_space<vmem>> -> memref<1x64xi32, #tpu.memory_space<vmem>>
    %dma_start3A_70 = tpu.memref_squeeze %dma_start3A_69 : memref<1x64xi32, #tpu.memory_space<vmem>> -> memref<64xi32, #tpu.memory_space<vmem>>
    %dma_start3A_71 = arith.constant 0 : i32
    %dma_start3A_72 = arith.constant 0 : i32
    %dma_start3A_73 = tpu.memref_slice %arg2[%dma_start3A_71, %dma_start3A_72] : memref<10000x128xf32, #tpu.memory_space<hbm>> -> memref<10000x128xf32, #tpu.memory_space<hbm>>
    tpu.enqueue_indirect_dma source(%dma_start3A_73 : memref<10000x128xf32, #tpu.memory_space<hbm>>) target(%dma_start3A_67 : memref<64x128xf32, #tpu.memory_space<vmem>>) offsets(%dma_start3A_70 : memref<64xi32, #tpu.memory_space<vmem>>) semaphore(%arg12 : memref<!tpu.dma_semaphore, #tpu.memory_space<semaphore_mem>>)
    %scan3A_74 = arith.constant 0 : i32
    %scan3A_75 = arith.constant 0 : i32
    %scan3A_76 = arith.constant 20 : i32
    %scan3A_77 = arith.addi %scan3A_75, %scan3A_76 : i32
    %scan3A_78 = arith.constant 1 : i32
    %scan3A_79 = scf.for %scan3A_82 = %scan3A_75 to %scan3A_77 step %scan3A_78 iter_args(%scan3A_83 = %scan3A_74) -> (i32)  : i32 {
      %mul3A_84 = arith.constant 2 : i32
      %mul3A_85 = arith.muli %mul3A_84, %scan3A_82 : i32
      %add3A_86 = arith.constant 1 : i32
      %add3A_87 = arith.addi %mul3A_85, %add3A_86 : i32
      %lt3A = arith.constant 40 : i32
      %lt3A_88 = arith.cmpi slt, %add3A_87, %lt3A : i32
      %convert_element_type3A = arith.extui %lt3A_88 : i1 to i32
      %cond3A = arith.constant 0 : i32
      %cond3A_89 = arith.cmpi ne, %convert_element_type3A, %cond3A : i32
      scf.if %cond3A_89 {
        %add3A_147 = arith.constant 1 : i32
        %add3A_148 = arith.addi %mul3A_85, %add3A_147 : i32
        %dma_start3A_149 = arith.constant 1 : i32
        %dma_start3A_150 = arith.constant 0 : i32
        %dma_start3A_151 = arith.constant 0 : i32
        %dma_start3A_152 = tpu.memref_slice %arg9[%dma_start3A_149, %dma_start3A_150, %dma_start3A_151] : memref<2x128x128xf32, #tpu.memory_space<vmem>> -> memref<1x64x128xf32, #tpu.memory_space<vmem>>
        %dma_start3A_153 = tpu.memref_squeeze %dma_start3A_152 : memref<1x64x128xf32, #tpu.memory_space<vmem>> -> memref<64x128xf32, #tpu.memory_space<vmem>>
        %dma_start3A_154 = arith.constant 0 : i32
        %dma_start3A_155 = tpu.memref_slice %arg7[%add3A_148, %dma_start3A_154] : memref<40x128xi32, #tpu.memory_space<vmem>> -> memref<1x64xi32, #tpu.memory_space<vmem>>
        %dma_start3A_156 = tpu.memref_squeeze %dma_start3A_155 : memref<1x64xi32, #tpu.memory_space<vmem>> -> memref<64xi32, #tpu.memory_space<vmem>>
        %dma_start3A_157 = arith.constant 0 : i32
        %dma_start3A_158 = arith.constant 0 : i32
        %dma_start3A_159 = tpu.memref_slice %arg2[%dma_start3A_157, %dma_start3A_158] : memref<10000x128xf32, #tpu.memory_space<hbm>> -> memref<10000x128xf32, #tpu.memory_space<hbm>>
        tpu.enqueue_indirect_dma source(%dma_start3A_159 : memref<10000x128xf32, #tpu.memory_space<hbm>>) target(%dma_start3A_153 : memref<64x128xf32, #tpu.memory_space<vmem>>) offsets(%dma_start3A_156 : memref<64xi32, #tpu.memory_space<vmem>>) semaphore(%arg13 : memref<!tpu.dma_semaphore, #tpu.memory_space<semaphore_mem>>)
        %dma_start3A_160 = arith.constant 1 : i32
        %dma_start3A_161 = arith.constant 64 : i32
        %dma_start3A_162 = arith.constant 0 : i32
        %dma_start3A_163 = tpu.memref_slice %arg9[%dma_start3A_160, %dma_start3A_161, %dma_start3A_162] : memref<2x128x128xf32, #tpu.memory_space<vmem>> -> memref<1x64x128xf32, #tpu.memory_space<vmem>>
        %dma_start3A_164 = tpu.memref_squeeze %dma_start3A_163 : memref<1x64x128xf32, #tpu.memory_space<vmem>> -> memref<64x128xf32, #tpu.memory_space<vmem>>
        %dma_start3A_165 = arith.constant 64 : i32
        %dma_start3A_166 = tpu.memref_slice %arg7[%add3A_148, %dma_start3A_165] : memref<40x128xi32, #tpu.memory_space<vmem>> -> memref<1x64xi32, #tpu.memory_space<vmem>>
        %dma_start3A_167 = tpu.memref_squeeze %dma_start3A_166 : memref<1x64xi32, #tpu.memory_space<vmem>> -> memref<64xi32, #tpu.memory_space<vmem>>
        %dma_start3A_168 = arith.constant 0 : i32
        %dma_start3A_169 = arith.constant 0 : i32
        %dma_start3A_170 = tpu.memref_slice %arg2[%dma_start3A_168, %dma_start3A_169] : memref<10000x128xf32, #tpu.memory_space<hbm>> -> memref<10000x128xf32, #tpu.memory_space<hbm>>
        tpu.enqueue_indirect_dma source(%dma_start3A_170 : memref<10000x128xf32, #tpu.memory_space<hbm>>) target(%dma_start3A_164 : memref<64x128xf32, #tpu.memory_space<vmem>>) offsets(%dma_start3A_167 : memref<64xi32, #tpu.memory_space<vmem>>) semaphore(%arg14 : memref<!tpu.dma_semaphore, #tpu.memory_space<semaphore_mem>>)
      } else {
      }
      %dma_wait3A = arith.constant 0 : i32
      %dma_wait3A_90 = arith.constant 0 : i32
      %dma_wait3A_91 = arith.constant 0 : i32
      %dma_wait3A_92 = tpu.memref_slice %arg9[%dma_wait3A, %dma_wait3A_90, %dma_wait3A_91] : memref<2x128x128xf32, #tpu.memory_space<vmem>> -> memref<1x64x128xf32, #tpu.memory_space<vmem>>
      %dma_wait3A_93 = tpu.memref_squeeze %dma_wait3A_92 : memref<1x64x128xf32, #tpu.memory_space<vmem>> -> memref<64x128xf32, #tpu.memory_space<vmem>>
      %dma_wait3A_94 = arith.constant 0 : i32
      %dma_wait3A_95 = tpu.memref_slice %arg7[%mul3A_85, %dma_wait3A_94] : memref<40x128xi32, #tpu.memory_space<vmem>> -> memref<1x64xi32, #tpu.memory_space<vmem>>
      %dma_wait3A_96 = tpu.memref_squeeze %dma_wait3A_95 : memref<1x64xi32, #tpu.memory_space<vmem>> -> memref<64xi32, #tpu.memory_space<vmem>>
      %dma_wait3A_97 = arith.constant 0 : i32
      %dma_wait3A_98 = arith.constant 0 : i32
      %dma_wait3A_99 = tpu.memref_slice %arg2[%dma_wait3A_97, %dma_wait3A_98] : memref<10000x128xf32, #tpu.memory_space<hbm>> -> memref<10000x128xf32, #tpu.memory_space<hbm>>
      tpu.wait_indirect_dma semaphore(%arg11 : memref<!tpu.dma_semaphore, #tpu.memory_space<semaphore_mem>>) src(%dma_wait3A_99 : memref<10000x128xf32, #tpu.memory_space<hbm>>) dst(%dma_wait3A_93 : memref<64x128xf32, #tpu.memory_space<vmem>>)
      %dma_wait3A_100 = arith.constant 0 : i32
      %dma_wait3A_101 = arith.constant 64 : i32
      %dma_wait3A_102 = arith.constant 0 : i32
      %dma_wait3A_103 = tpu.memref_slice %arg9[%dma_wait3A_100, %dma_wait3A_101, %dma_wait3A_102] : memref<2x128x128xf32, #tpu.memory_space<vmem>> -> memref<1x64x128xf32, #tpu.memory_space<vmem>>
      %dma_wait3A_104 = tpu.memref_squeeze %dma_wait3A_103 : memref<1x64x128xf32, #tpu.memory_space<vmem>> -> memref<64x128xf32, #tpu.memory_space<vmem>>
      %dma_wait3A_105 = arith.constant 64 : i32
      %dma_wait3A_106 = tpu.memref_slice %arg7[%mul3A_85, %dma_wait3A_105] : memref<40x128xi32, #tpu.memory_space<vmem>> -> memref<1x64xi32, #tpu.memory_space<vmem>>
      %dma_wait3A_107 = tpu.memref_squeeze %dma_wait3A_106 : memref<1x64xi32, #tpu.memory_space<vmem>> -> memref<64xi32, #tpu.memory_space<vmem>>
      %dma_wait3A_108 = arith.constant 0 : i32
      %dma_wait3A_109 = arith.constant 0 : i32
      %dma_wait3A_110 = tpu.memref_slice %arg2[%dma_wait3A_108, %dma_wait3A_109] : memref<10000x128xf32, #tpu.memory_space<hbm>> -> memref<10000x128xf32, #tpu.memory_space<hbm>>
      tpu.wait_indirect_dma semaphore(%arg12 : memref<!tpu.dma_semaphore, #tpu.memory_space<semaphore_mem>>) src(%dma_wait3A_110 : memref<10000x128xf32, #tpu.memory_space<hbm>>) dst(%dma_wait3A_104 : memref<64x128xf32, #tpu.memory_space<vmem>>)
      %run_scoped3A_111 = arith.constant 0 : i32
      "tpu.region"() ({
        %run_scoped3A_147 = tpu.sem_alloc : memref<!tpu.dma_semaphore, #tpu.memory_space<semaphore_mem>>
        %dma_start3A_148 = arith.constant 0 : i32
        %dma_start3A_149 = arith.constant 0 : i32
        %dma_start3A_150 = tpu.memref_slice %arg9[%run_scoped3A_111, %dma_start3A_148, %dma_start3A_149] : memref<2x128x128xf32, #tpu.memory_space<vmem>> -> memref<1x128x128xf32, #tpu.memory_space<vmem>>
        %dma_start3A_151 = tpu.memref_squeeze %dma_start3A_150 : memref<1x128x128xf32, #tpu.memory_space<vmem>> -> memref<128x128xf32, #tpu.memory_space<vmem>>
        %dma_start3A_152 = arith.constant 0 : i32
        %dma_start3A_153 = tpu.memref_slice %arg8[%mul3A_85, %dma_start3A_152] : memref<40x128xi32, #tpu.memory_space<vmem>> -> memref<1x128xi32, #tpu.memory_space<vmem>>
        %dma_start3A_154 = tpu.memref_squeeze %dma_start3A_153 : memref<1x128xi32, #tpu.memory_space<vmem>> -> memref<128xi32, #tpu.memory_space<vmem>>
        %dma_start3A_155 = arith.constant 0 : i32
        %dma_start3A_156 = arith.constant 0 : i32
        %dma_start3A_157 = tpu.memref_slice %arg10[%dma_start3A_155, %dma_start3A_156] : memref<10112x128xf32, #tpu.memory_space<vmem_shared>> -> memref<10112x128xf32, #tpu.memory_space<vmem_shared>>
        tpu.enqueue_indirect_dma source(%dma_start3A_151 : memref<128x128xf32, #tpu.memory_space<vmem>>) target(%dma_start3A_157 : memref<10112x128xf32, #tpu.memory_space<vmem_shared>>) offsets(%dma_start3A_154 : memref<128xi32, #tpu.memory_space<vmem>>) semaphore(%run_scoped3A_147 : memref<!tpu.dma_semaphore, #tpu.memory_space<semaphore_mem>>) {add = true}
        %dma_wait3A_158 = arith.constant 0 : i32
        %dma_wait3A_159 = arith.constant 0 : i32
        %dma_wait3A_160 = tpu.memref_slice %arg9[%run_scoped3A_111, %dma_wait3A_158, %dma_wait3A_159] : memref<2x128x128xf32, #tpu.memory_space<vmem>> -> memref<1x128x128xf32, #tpu.memory_space<vmem>>
        %dma_wait3A_161 = tpu.memref_squeeze %dma_wait3A_160 : memref<1x128x128xf32, #tpu.memory_space<vmem>> -> memref<128x128xf32, #tpu.memory_space<vmem>>
        %dma_wait3A_162 = arith.constant 0 : i32
        %dma_wait3A_163 = tpu.memref_slice %arg8[%mul3A_85, %dma_wait3A_162] : memref<40x128xi32, #tpu.memory_space<vmem>> -> memref<1x128xi32, #tpu.memory_space<vmem>>
        %dma_wait3A_164 = tpu.memref_squeeze %dma_wait3A_163 : memref<1x128xi32, #tpu.memory_space<vmem>> -> memref<128xi32, #tpu.memory_space<vmem>>
        %dma_wait3A_165 = arith.constant 0 : i32
        %dma_wait3A_166 = arith.constant 0 : i32
        %dma_wait3A_167 = tpu.memref_slice %arg10[%dma_wait3A_165, %dma_wait3A_166] : memref<10112x128xf32, #tpu.memory_space<vmem_shared>> -> memref<10112x128xf32, #tpu.memory_space<vmem_shared>>
        tpu.wait_indirect_dma semaphore(%run_scoped3A_147 : memref<!tpu.dma_semaphore, #tpu.memory_space<semaphore_mem>>) src(%dma_wait3A_161 : memref<128x128xf32, #tpu.memory_space<vmem>>) dst(%dma_wait3A_167 : memref<10112x128xf32, #tpu.memory_space<vmem_shared>>)
        tpu.yield
      }) : () -> ()
      %mul3A_112 = arith.constant 2 : i32
      %mul3A_113 = arith.muli %mul3A_112, %scan3A_82 : i32
      %add3A_114 = arith.constant 1 : i32
      %add3A_115 = arith.addi %mul3A_113, %add3A_114 : i32
      %add3A_116 = arith.constant 1 : i32
      %add3A_117 = arith.addi %add3A_115, %add3A_116 : i32
      %lt3A_118 = arith.constant 40 : i32
      %lt3A_119 = arith.cmpi slt, %add3A_117, %lt3A_118 : i32
      %convert_element_type3A_120 = arith.extui %lt3A_119 : i1 to i32
      %cond3A_121 = arith.constant 0 : i32
      %cond3A_122 = arith.cmpi ne, %convert_element_type3A_120, %cond3A_121 : i32
      scf.if %cond3A_122 {
        %add3A_147 = arith.constant 1 : i32
        %add3A_148 = arith.addi %add3A_115, %add3A_147 : i32
        %dma_start3A_149 = arith.constant 0 : i32
        %dma_start3A_150 = arith.constant 0 : i32
        %dma_start3A_151 = arith.constant 0 : i32
        %dma_start3A_152 = tpu.memref_slice %arg9[%dma_start3A_149, %dma_start3A_150, %dma_start3A_151] : memref<2x128x128xf32, #tpu.memory_space<vmem>> -> memref<1x64x128xf32, #tpu.memory_space<vmem>>
        %dma_start3A_153 = tpu.memref_squeeze %dma_start3A_152 : memref<1x64x128xf32, #tpu.memory_space<vmem>> -> memref<64x128xf32, #tpu.memory_space<vmem>>
        %dma_start3A_154 = arith.constant 0 : i32
        %dma_start3A_155 = tpu.memref_slice %arg7[%add3A_148, %dma_start3A_154] : memref<40x128xi32, #tpu.memory_space<vmem>> -> memref<1x64xi32, #tpu.memory_space<vmem>>
        %dma_start3A_156 = tpu.memref_squeeze %dma_start3A_155 : memref<1x64xi32, #tpu.memory_space<vmem>> -> memref<64xi32, #tpu.memory_space<vmem>>
        %dma_start3A_157 = arith.constant 0 : i32
        %dma_start3A_158 = arith.constant 0 : i32
        %dma_start3A_159 = tpu.memref_slice %arg2[%dma_start3A_157, %dma_start3A_158] : memref<10000x128xf32, #tpu.memory_space<hbm>> -> memref<10000x128xf32, #tpu.memory_space<hbm>>
        tpu.enqueue_indirect_dma source(%dma_start3A_159 : memref<10000x128xf32, #tpu.memory_space<hbm>>) target(%dma_start3A_153 : memref<64x128xf32, #tpu.memory_space<vmem>>) offsets(%dma_start3A_156 : memref<64xi32, #tpu.memory_space<vmem>>) semaphore(%arg11 : memref<!tpu.dma_semaphore, #tpu.memory_space<semaphore_mem>>)
        %dma_start3A_160 = arith.constant 0 : i32
        %dma_start3A_161 = arith.constant 64 : i32
        %dma_start3A_162 = arith.constant 0 : i32
        %dma_start3A_163 = tpu.memref_slice %arg9[%dma_start3A_160, %dma_start3A_161, %dma_start3A_162] : memref<2x128x128xf32, #tpu.memory_space<vmem>> -> memref<1x64x128xf32, #tpu.memory_space<vmem>>
        %dma_start3A_164 = tpu.memref_squeeze %dma_start3A_163 : memref<1x64x128xf32, #tpu.memory_space<vmem>> -> memref<64x128xf32, #tpu.memory_space<vmem>>
        %dma_start3A_165 = arith.constant 64 : i32
        %dma_start3A_166 = tpu.memref_slice %arg7[%add3A_148, %dma_start3A_165] : memref<40x128xi32, #tpu.memory_space<vmem>> -> memref<1x64xi32, #tpu.memory_space<vmem>>
        %dma_start3A_167 = tpu.memref_squeeze %dma_start3A_166 : memref<1x64xi32, #tpu.memory_space<vmem>> -> memref<64xi32, #tpu.memory_space<vmem>>
        %dma_start3A_168 = arith.constant 0 : i32
        %dma_start3A_169 = arith.constant 0 : i32
        %dma_start3A_170 = tpu.memref_slice %arg2[%dma_start3A_168, %dma_start3A_169] : memref<10000x128xf32, #tpu.memory_space<hbm>> -> memref<10000x128xf32, #tpu.memory_space<hbm>>
        tpu.enqueue_indirect_dma source(%dma_start3A_170 : memref<10000x128xf32, #tpu.memory_space<hbm>>) target(%dma_start3A_164 : memref<64x128xf32, #tpu.memory_space<vmem>>) offsets(%dma_start3A_167 : memref<64xi32, #tpu.memory_space<vmem>>) semaphore(%arg12 : memref<!tpu.dma_semaphore, #tpu.memory_space<semaphore_mem>>)
      } else {
      }
      %dma_wait3A_123 = arith.constant 1 : i32
      %dma_wait3A_124 = arith.constant 0 : i32
      %dma_wait3A_125 = arith.constant 0 : i32
      %dma_wait3A_126 = tpu.memref_slice %arg9[%dma_wait3A_123, %dma_wait3A_124, %dma_wait3A_125] : memref<2x128x128xf32, #tpu.memory_space<vmem>> -> memref<1x64x128xf32, #tpu.memory_space<vmem>>
      %dma_wait3A_127 = tpu.memref_squeeze %dma_wait3A_126 : memref<1x64x128xf32, #tpu.memory_space<vmem>> -> memref<64x128xf32, #tpu.memory_space<vmem>>
      %dma_wait3A_128 = arith.constant 0 : i32
      %dma_wait3A_129 = tpu.memref_slice %arg7[%add3A_115, %dma_wait3A_128] : memref<40x128xi32, #tpu.memory_space<vmem>> -> memref<1x64xi32, #tpu.memory_space<vmem>>
      %dma_wait3A_130 = tpu.memref_squeeze %dma_wait3A_129 : memref<1x64xi32, #tpu.memory_space<vmem>> -> memref<64xi32, #tpu.memory_space<vmem>>
      %dma_wait3A_131 = arith.constant 0 : i32
      %dma_wait3A_132 = arith.constant 0 : i32
      %dma_wait3A_133 = tpu.memref_slice %arg2[%dma_wait3A_131, %dma_wait3A_132] : memref<10000x128xf32, #tpu.memory_space<hbm>> -> memref<10000x128xf32, #tpu.memory_space<hbm>>
      tpu.wait_indirect_dma semaphore(%arg13 : memref<!tpu.dma_semaphore, #tpu.memory_space<semaphore_mem>>) src(%dma_wait3A_133 : memref<10000x128xf32, #tpu.memory_space<hbm>>) dst(%dma_wait3A_127 : memref<64x128xf32, #tpu.memory_space<vmem>>)
      %dma_wait3A_134 = arith.constant 1 : i32
      %dma_wait3A_135 = arith.constant 64 : i32
      %dma_wait3A_136 = arith.constant 0 : i32
      %dma_wait3A_137 = tpu.memref_slice %arg9[%dma_wait3A_134, %dma_wait3A_135, %dma_wait3A_136] : memref<2x128x128xf32, #tpu.memory_space<vmem>> -> memref<1x64x128xf32, #tpu.memory_space<vmem>>
      %dma_wait3A_138 = tpu.memref_squeeze %dma_wait3A_137 : memref<1x64x128xf32, #tpu.memory_space<vmem>> -> memref<64x128xf32, #tpu.memory_space<vmem>>
      %dma_wait3A_139 = arith.constant 64 : i32
      %dma_wait3A_140 = tpu.memref_slice %arg7[%add3A_115, %dma_wait3A_139] : memref<40x128xi32, #tpu.memory_space<vmem>> -> memref<1x64xi32, #tpu.memory_space<vmem>>
      %dma_wait3A_141 = tpu.memref_squeeze %dma_wait3A_140 : memref<1x64xi32, #tpu.memory_space<vmem>> -> memref<64xi32, #tpu.memory_space<vmem>>
      %dma_wait3A_142 = arith.constant 0 : i32
      %dma_wait3A_143 = arith.constant 0 : i32
      %dma_wait3A_144 = tpu.memref_slice %arg2[%dma_wait3A_142, %dma_wait3A_143] : memref<10000x128xf32, #tpu.memory_space<hbm>> -> memref<10000x128xf32, #tpu.memory_space<hbm>>
      tpu.wait_indirect_dma semaphore(%arg14 : memref<!tpu.dma_semaphore, #tpu.memory_space<semaphore_mem>>) src(%dma_wait3A_144 : memref<10000x128xf32, #tpu.memory_space<hbm>>) dst(%dma_wait3A_138 : memref<64x128xf32, #tpu.memory_space<vmem>>)
      %run_scoped3A_145 = arith.constant 1 : i32
      "tpu.region"() ({
        %run_scoped3A_147 = tpu.sem_alloc : memref<!tpu.dma_semaphore, #tpu.memory_space<semaphore_mem>>
        %dma_start3A_148 = arith.constant 0 : i32
        %dma_start3A_149 = arith.constant 0 : i32
        %dma_start3A_150 = tpu.memref_slice %arg9[%run_scoped3A_145, %dma_start3A_148, %dma_start3A_149] : memref<2x128x128xf32, #tpu.memory_space<vmem>> -> memref<1x128x128xf32, #tpu.memory_space<vmem>>
        %dma_start3A_151 = tpu.memref_squeeze %dma_start3A_150 : memref<1x128x128xf32, #tpu.memory_space<vmem>> -> memref<128x128xf32, #tpu.memory_space<vmem>>
        %dma_start3A_152 = arith.constant 0 : i32
        %dma_start3A_153 = tpu.memref_slice %arg8[%add3A_115, %dma_start3A_152] : memref<40x128xi32, #tpu.memory_space<vmem>> -> memref<1x128xi32, #tpu.memory_space<vmem>>
        %dma_start3A_154 = tpu.memref_squeeze %dma_start3A_153 : memref<1x128xi32, #tpu.memory_space<vmem>> -> memref<128xi32, #tpu.memory_space<vmem>>
        %dma_start3A_155 = arith.constant 0 : i32
        %dma_start3A_156 = arith.constant 0 : i32
        %dma_start3A_157 = tpu.memref_slice %arg10[%dma_start3A_155, %dma_start3A_156] : memref<10112x128xf32, #tpu.memory_space<vmem_shared>> -> memref<10112x128xf32, #tpu.memory_space<vmem_shared>>
        tpu.enqueue_indirect_dma source(%dma_start3A_151 : memref<128x128xf32, #tpu.memory_space<vmem>>) target(%dma_start3A_157 : memref<10112x128xf32, #tpu.memory_space<vmem_shared>>) offsets(%dma_start3A_154 : memref<128xi32, #tpu.memory_space<vmem>>) semaphore(%run_scoped3A_147 : memref<!tpu.dma_semaphore, #tpu.memory_space<semaphore_mem>>) {add = true}
        %dma_wait3A_158 = arith.constant 0 : i32
        %dma_wait3A_159 = arith.constant 0 : i32
        %dma_wait3A_160 = tpu.memref_slice %arg9[%run_scoped3A_145, %dma_wait3A_158, %dma_wait3A_159] : memref<2x128x128xf32, #tpu.memory_space<vmem>> -> memref<1x128x128xf32, #tpu.memory_space<vmem>>
        %dma_wait3A_161 = tpu.memref_squeeze %dma_wait3A_160 : memref<1x128x128xf32, #tpu.memory_space<vmem>> -> memref<128x128xf32, #tpu.memory_space<vmem>>
        %dma_wait3A_162 = arith.constant 0 : i32
        %dma_wait3A_163 = tpu.memref_slice %arg8[%add3A_115, %dma_wait3A_162] : memref<40x128xi32, #tpu.memory_space<vmem>> -> memref<1x128xi32, #tpu.memory_space<vmem>>
        %dma_wait3A_164 = tpu.memref_squeeze %dma_wait3A_163 : memref<1x128xi32, #tpu.memory_space<vmem>> -> memref<128xi32, #tpu.memory_space<vmem>>
        %dma_wait3A_165 = arith.constant 0 : i32
        %dma_wait3A_166 = arith.constant 0 : i32
        %dma_wait3A_167 = tpu.memref_slice %arg10[%dma_wait3A_165, %dma_wait3A_166] : memref<10112x128xf32, #tpu.memory_space<vmem_shared>> -> memref<10112x128xf32, #tpu.memory_space<vmem_shared>>
        tpu.wait_indirect_dma semaphore(%run_scoped3A_147 : memref<!tpu.dma_semaphore, #tpu.memory_space<semaphore_mem>>) src(%dma_wait3A_161 : memref<128x128xf32, #tpu.memory_space<vmem>>) dst(%dma_wait3A_167 : memref<10112x128xf32, #tpu.memory_space<vmem_shared>>)
        tpu.yield
      }) : () -> ()
      %scan3A_146 = arith.constant 0 : i32
      scf.yield %scan3A_146 : i32
    }
    %scan3A_80 = arith.constant 20 : i32
    %barrier3A_81 = arith.constant 0 : index
    tpu.barrier barrier_id(%barrier3A_81)
    "tpu.region"() ({
      %run_scoped3A_82 = tpu.sem_alloc : memref<!tpu.dma_semaphore, #tpu.memory_space<semaphore_mem>>
      %dma_start3A_83 = arith.constant 0 : i32
      %dma_start3A_84 = arith.constant 0 : i32
      %dma_start3A_85 = tpu.memref_slice %arg6[%arg0, %dma_start3A_83, %dma_start3A_84] : memref<2x10112x128xf32, #tpu.memory_space<hbm>> -> memref<1x10112x128xf32, #tpu.memory_space<hbm>>
      %dma_start3A_86 = tpu.memref_squeeze %dma_start3A_85 : memref<1x10112x128xf32, #tpu.memory_space<hbm>> -> memref<10112x128xf32, #tpu.memory_space<hbm>>
      %dma_start3A_87 = arith.constant 0 : i32
      %dma_start3A_88 = tpu.memref_slice %dma_start3A_86[%mul3A_2, %dma_start3A_87] : memref<10112x128xf32, #tpu.memory_space<hbm>> -> memref<632x128xf32, #tpu.memory_space<hbm>>
      %dma_start3A_89 = arith.constant 0 : i32
      %dma_start3A_90 = tpu.memref_slice %arg10[%mul3A_2, %dma_start3A_89] : memref<10112x128xf32, #tpu.memory_space<vmem_shared>> -> memref<632x128xf32, #tpu.memory_space<vmem_shared>>
      tpu.enqueue_dma source(%dma_start3A_90 : memref<632x128xf32, #tpu.memory_space<vmem_shared>>) target(%dma_start3A_88 : memref<632x128xf32, #tpu.memory_space<hbm>>) target_semaphore(%run_scoped3A_82 : memref<!tpu.dma_semaphore, #tpu.memory_space<semaphore_mem>>)
      %dma_wait3A = arith.constant 0 : i32
      %dma_wait3A_91 = arith.constant 0 : i32
      %dma_wait3A_92 = tpu.memref_slice %arg6[%arg0, %dma_wait3A, %dma_wait3A_91] : memref<2x10112x128xf32, #tpu.memory_space<hbm>> -> memref<1x10112x128xf32, #tpu.memory_space<hbm>>
      %dma_wait3A_93 = tpu.memref_squeeze %dma_wait3A_92 : memref<1x10112x128xf32, #tpu.memory_space<hbm>> -> memref<10112x128xf32, #tpu.memory_space<hbm>>
      %dma_wait3A_94 = arith.constant 0 : i32
      %dma_wait3A_95 = tpu.memref_slice %dma_wait3A_93[%mul3A_2, %dma_wait3A_94] : memref<10112x128xf32, #tpu.memory_space<hbm>> -> memref<632x128xf32, #tpu.memory_space<hbm>>
      %dma_wait3A_96 = arith.constant 0 : i32
      %dma_wait3A_97 = tpu.memref_slice %arg10[%mul3A_2, %dma_wait3A_96] : memref<10112x128xf32, #tpu.memory_space<vmem_shared>> -> memref<632x128xf32, #tpu.memory_space<vmem_shared>>
      tpu.wait_dma2 semaphore(%run_scoped3A_82 : memref<!tpu.dma_semaphore, #tpu.memory_space<semaphore_mem>>) src(%dma_wait3A_97 : memref<632x128xf32, #tpu.memory_space<vmem_shared>>) dst(%dma_wait3A_95 : memref<632x128xf32, #tpu.memory_space<hbm>>)
      tpu.yield
    }) : () -> ()
    return
  }
}

#map = affine_map<(d0, d1) -> (0, 0)>
#map1 = affine_map<(d0, d1) -> (0, 0, 0)>
module attributes {stable_mosaic.version = 14 : i64} {
  func.func @seg_sum(%arg0: i32, %arg1: i32, %arg2: memref<10000x128xf32, #tpu.memory_space<hbm>>, %arg3: memref<2560x128xi32, #tpu.memory_space<hbm>>, %arg4: memref<2560x128xi32, #tpu.memory_space<hbm>>, %arg5: memref<128x128xf32, #tpu.memory_space<hbm>>, %arg6: memref<2x10112x128xf32, #tpu.memory_space<hbm>>, %arg7: memref<40x128xi32, #tpu.memory_space<vmem>>, %arg8: memref<40x128xi32, #tpu.memory_space<vmem>>, %arg9: memref<2x128x128xf32, #tpu.memory_space<vmem>>, %arg10: memref<10112x128xf32, #tpu.memory_space<vmem_shared>>, %arg11: memref<!tpu.dma_semaphore, #tpu.memory_space<semaphore_mem>>, %arg12: memref<!tpu.dma_semaphore, #tpu.memory_space<semaphore_mem>>, %arg13: memref<!tpu.dma_semaphore, #tpu.memory_space<semaphore_mem>>, %arg14: memref<!tpu.dma_semaphore, #tpu.memory_space<semaphore_mem>>) attributes {dimension_semantics = [#tpu.dimension_semantics<core_parallel>, #tpu.dimension_semantics<subcore_parallel>], iteration_bounds = array<i64: 2, 16>, scalar_prefetch = 0 : i64, scratch_operands = 8 : i64, tpu.core_type = #tpu.core_type<sc_vector_subcore>, window_params = [{transform_indices = #map}, {transform_indices = #map}, {transform_indices = #map}, {transform_indices = #map}, {transform_indices = #map1}]} {
    %mul3A = arith.constant 16 : i32
    %mul3A_0 = arith.muli %arg0, %mul3A : i32
    %add3A = arith.addi %mul3A_0, %arg1 : i32
    %mul3A_1 = arith.constant 632 : i32
    %mul3A_2 = arith.muli %arg1, %mul3A_1 : i32
    %run_scoped3A = arith.constant 0 : i32
    "tpu.region"() ({
      %run_scoped3A_82 = tpu.sem_alloc : memref<!tpu.dma_semaphore, #tpu.memory_space<semaphore_mem>>
      %dma_start3A_83 = arith.constant 0 : i32
      %dma_start3A_84 = arith.constant 0 : i32
      %dma_start3A_85 = tpu.memref_slice %arg9[%run_scoped3A, %dma_start3A_83, %dma_start3A_84] : memref<2x128x128xf32, #tpu.memory_space<vmem>> -> memref<1x128x128xf32, #tpu.memory_space<vmem>>
      %dma_start3A_86 = tpu.memref_squeeze %dma_start3A_85 : memref<1x128x128xf32, #tpu.memory_space<vmem>> -> memref<128x128xf32, #tpu.memory_space<vmem>>
      %dma_start3A_87 = arith.constant 0 : i32
      %dma_start3A_88 = arith.constant 0 : i32
      %dma_start3A_89 = tpu.memref_slice %arg9[%run_scoped3A, %dma_start3A_87, %dma_start3A_88] : memref<2x128x128xf32, #tpu.memory_space<vmem>> -> memref<1x128x128xf32, #tpu.memory_space<vmem>>
      %dma_start3A_90 = tpu.memref_squeeze %dma_start3A_89 : memref<1x128x128xf32, #tpu.memory_space<vmem>> -> memref<128x128xf32, #tpu.memory_space<vmem>>
      tpu.enqueue_dma source(%arg5 : memref<128x128xf32, #tpu.memory_space<hbm>>) target(%dma_start3A_90 : memref<128x128xf32, #tpu.memory_space<vmem>>) target_semaphore(%run_scoped3A_82 : memref<!tpu.dma_semaphore, #tpu.memory_space<semaphore_mem>>)
      %dma_wait3A = arith.constant 0 : i32
      %dma_wait3A_91 = arith.constant 0 : i32
      %dma_wait3A_92 = tpu.memref_slice %arg9[%run_scoped3A, %dma_wait3A, %dma_wait3A_91] : memref<2x128x128xf32, #tpu.memory_space<vmem>> -> memref<1x128x128xf32, #tpu.memory_space<vmem>>
      %dma_wait3A_93 = tpu.memref_squeeze %dma_wait3A_92 : memref<1x128x128xf32, #tpu.memory_space<vmem>> -> memref<128x128xf32, #tpu.memory_space<vmem>>
      %dma_wait3A_94 = arith.constant 0 : i32
      %dma_wait3A_95 = arith.constant 0 : i32
      %dma_wait3A_96 = tpu.memref_slice %arg9[%run_scoped3A, %dma_wait3A_94, %dma_wait3A_95] : memref<2x128x128xf32, #tpu.memory_space<vmem>> -> memref<1x128x128xf32, #tpu.memory_space<vmem>>
      %dma_wait3A_97 = tpu.memref_squeeze %dma_wait3A_96 : memref<1x128x128xf32, #tpu.memory_space<vmem>> -> memref<128x128xf32, #tpu.memory_space<vmem>>
      tpu.wait_dma2 semaphore(%run_scoped3A_82 : memref<!tpu.dma_semaphore, #tpu.memory_space<semaphore_mem>>) src(%arg5 : memref<128x128xf32, #tpu.memory_space<hbm>>) dst(%dma_wait3A_97 : memref<128x128xf32, #tpu.memory_space<vmem>>)
      tpu.yield
    }) : () -> ()
    %scan3A = arith.constant 0 : i32
    %scan3A_3 = arith.constant 0 : i32
    %scan3A_4 = arith.constant 4 : i32
    %scan3A_5 = arith.addi %scan3A_3, %scan3A_4 : i32
    %scan3A_6 = arith.constant 1 : i32
    %scan3A_7 = scf.for %scan3A_82 = %scan3A_3 to %scan3A_5 step %scan3A_6 iter_args(%scan3A_83 = %scan3A) -> (i32)  : i32 {
      %mul3A_84 = arith.constant 128 : i32
      %mul3A_85 = arith.muli %scan3A_82, %mul3A_84 : i32
      %add3A_86 = arith.addi %mul3A_2, %mul3A_85 : i32
      %run_scoped3A_87 = arith.constant 0 : i32
      "tpu.region"() ({
        %run_scoped3A_89 = tpu.sem_alloc : memref<!tpu.dma_semaphore, #tpu.memory_space<semaphore_mem>>
        %dma_start3A_90 = arith.constant 0 : i32
        %dma_start3A_91 = arith.constant 0 : i32
        %dma_start3A_92 = tpu.memref_slice %arg9[%run_scoped3A_87, %dma_start3A_90, %dma_start3A_91] : memref<2x128x128xf32, #tpu.memory_space<vmem>> -> memref<1x128x128xf32, #tpu.memory_space<vmem>>
        %dma_start3A_93 = tpu.memref_squeeze %dma_start3A_92 : memref<1x128x128xf32, #tpu.memory_space<vmem>> -> memref<128x128xf32, #tpu.memory_space<vmem>>
        %dma_start3A_94 = arith.constant 0 : i32
        %dma_start3A_95 = tpu.memref_slice %arg10[%add3A_86, %dma_start3A_94] : memref<10112x128xf32, #tpu.memory_space<vmem_shared>> -> memref<128x128xf32, #tpu.memory_space<vmem_shared>>
        %dma_start3A_96 = arith.constant 0 : i32
        %dma_start3A_97 = tpu.memref_slice %arg10[%add3A_86, %dma_start3A_96] : memref<10112x128xf32, #tpu.memory_space<vmem_shared>> -> memref<128x128xf32, #tpu.memory_space<vmem_shared>>
        %dma_start3A_98 = arith.constant 0 : i32
        %dma_start3A_99 = arith.constant 0 : i32
        %dma_start3A_100 = tpu.memref_slice %arg9[%run_scoped3A_87, %dma_start3A_98, %dma_start3A_99] : memref<2x128x128xf32, #tpu.memory_space<vmem>> -> memref<1x128x128xf32, #tpu.memory_space<vmem>>
        %dma_start3A_101 = tpu.memref_squeeze %dma_start3A_100 : memref<1x128x128xf32, #tpu.memory_space<vmem>> -> memref<128x128xf32, #tpu.memory_space<vmem>>
        tpu.enqueue_dma source(%dma_start3A_101 : memref<128x128xf32, #tpu.memory_space<vmem>>) target(%dma_start3A_97 : memref<128x128xf32, #tpu.memory_space<vmem_shared>>) target_semaphore(%run_scoped3A_89 : memref<!tpu.dma_semaphore, #tpu.memory_space<semaphore_mem>>)
        %dma_wait3A = arith.constant 0 : i32
        %dma_wait3A_102 = arith.constant 0 : i32
        %dma_wait3A_103 = tpu.memref_slice %arg9[%run_scoped3A_87, %dma_wait3A, %dma_wait3A_102] : memref<2x128x128xf32, #tpu.memory_space<vmem>> -> memref<1x128x128xf32, #tpu.memory_space<vmem>>
        %dma_wait3A_104 = tpu.memref_squeeze %dma_wait3A_103 : memref<1x128x128xf32, #tpu.memory_space<vmem>> -> memref<128x128xf32, #tpu.memory_space<vmem>>
        %dma_wait3A_105 = arith.constant 0 : i32
        %dma_wait3A_106 = tpu.memref_slice %arg10[%add3A_86, %dma_wait3A_105] : memref<10112x128xf32, #tpu.memory_space<vmem_shared>> -> memref<128x128xf32, #tpu.memory_space<vmem_shared>>
        %dma_wait3A_107 = arith.constant 0 : i32
        %dma_wait3A_108 = tpu.memref_slice %arg10[%add3A_86, %dma_wait3A_107] : memref<10112x128xf32, #tpu.memory_space<vmem_shared>> -> memref<128x128xf32, #tpu.memory_space<vmem_shared>>
        %dma_wait3A_109 = arith.constant 0 : i32
        %dma_wait3A_110 = arith.constant 0 : i32
        %dma_wait3A_111 = tpu.memref_slice %arg9[%run_scoped3A_87, %dma_wait3A_109, %dma_wait3A_110] : memref<2x128x128xf32, #tpu.memory_space<vmem>> -> memref<1x128x128xf32, #tpu.memory_space<vmem>>
        %dma_wait3A_112 = tpu.memref_squeeze %dma_wait3A_111 : memref<1x128x128xf32, #tpu.memory_space<vmem>> -> memref<128x128xf32, #tpu.memory_space<vmem>>
        tpu.wait_dma2 semaphore(%run_scoped3A_89 : memref<!tpu.dma_semaphore, #tpu.memory_space<semaphore_mem>>) src(%dma_wait3A_112 : memref<128x128xf32, #tpu.memory_space<vmem>>) dst(%dma_wait3A_108 : memref<128x128xf32, #tpu.memory_space<vmem_shared>>)
        tpu.yield
      }) : () -> ()
      %scan3A_88 = arith.constant 0 : i32
      scf.yield %scan3A_88 : i32
    }
    %scan3A_8 = arith.constant 4 : i32
    %add3A_9 = arith.constant 512 : i32
    %add3A_10 = arith.addi %mul3A_2, %add3A_9 : i32
    %run_scoped3A_11 = arith.constant 0 : i32
    "tpu.region"() ({
      %run_scoped3A_82 = tpu.sem_alloc : memref<!tpu.dma_semaphore, #tpu.memory_space<semaphore_mem>>
      %dma_start3A_83 = arith.constant 0 : i32
      %dma_start3A_84 = arith.constant 0 : i32
      %dma_start3A_85 = tpu.memref_slice %arg9[%run_scoped3A_11, %dma_start3A_83, %dma_start3A_84] : memref<2x128x128xf32, #tpu.memory_space<vmem>> -> memref<1x120x128xf32, #tpu.memory_space<vmem>>
      %dma_start3A_86 = tpu.memref_squeeze %dma_start3A_85 : memref<1x120x128xf32, #tpu.memory_space<vmem>> -> memref<120x128xf32, #tpu.memory_space<vmem>>
      %dma_start3A_87 = arith.constant 0 : i32
      %dma_start3A_88 = tpu.memref_slice %arg10[%add3A_10, %dma_start3A_87] : memref<10112x128xf32, #tpu.memory_space<vmem_shared>> -> memref<120x128xf32, #tpu.memory_space<vmem_shared>>
      %dma_start3A_89 = arith.constant 0 : i32
      %dma_start3A_90 = tpu.memref_slice %arg10[%add3A_10, %dma_start3A_89] : memref<10112x128xf32, #tpu.memory_space<vmem_shared>> -> memref<120x128xf32, #tpu.memory_space<vmem_shared>>
      %dma_start3A_91 = arith.constant 0 : i32
      %dma_start3A_92 = arith.constant 0 : i32
      %dma_start3A_93 = tpu.memref_slice %arg9[%run_scoped3A_11, %dma_start3A_91, %dma_start3A_92] : memref<2x128x128xf32, #tpu.memory_space<vmem>> -> memref<1x120x128xf32, #tpu.memory_space<vmem>>
      %dma_start3A_94 = tpu.memref_squeeze %dma_start3A_93 : memref<1x120x128xf32, #tpu.memory_space<vmem>> -> memref<120x128xf32, #tpu.memory_space<vmem>>
      tpu.enqueue_dma source(%dma_start3A_94 : memref<120x128xf32, #tpu.memory_space<vmem>>) target(%dma_start3A_90 : memref<120x128xf32, #tpu.memory_space<vmem_shared>>) target_semaphore(%run_scoped3A_82 : memref<!tpu.dma_semaphore, #tpu.memory_space<semaphore_mem>>)
      %dma_wait3A = arith.constant 0 : i32
      %dma_wait3A_95 = arith.constant 0 : i32
      %dma_wait3A_96 = tpu.memref_slice %arg9[%run_scoped3A_11, %dma_wait3A, %dma_wait3A_95] : memref<2x128x128xf32, #tpu.memory_space<vmem>> -> memref<1x120x128xf32, #tpu.memory_space<vmem>>
      %dma_wait3A_97 = tpu.memref_squeeze %dma_wait3A_96 : memref<1x120x128xf32, #tpu.memory_space<vmem>> -> memref<120x128xf32, #tpu.memory_space<vmem>>
      %dma_wait3A_98 = arith.constant 0 : i32
      %dma_wait3A_99 = tpu.memref_slice %arg10[%add3A_10, %dma_wait3A_98] : memref<10112x128xf32, #tpu.memory_space<vmem_shared>> -> memref<120x128xf32, #tpu.memory_space<vmem_shared>>
      %dma_wait3A_100 = arith.constant 0 : i32
      %dma_wait3A_101 = tpu.memref_slice %arg10[%add3A_10, %dma_wait3A_100] : memref<10112x128xf32, #tpu.memory_space<vmem_shared>> -> memref<120x128xf32, #tpu.memory_space<vmem_shared>>
      %dma_wait3A_102 = arith.constant 0 : i32
      %dma_wait3A_103 = arith.constant 0 : i32
      %dma_wait3A_104 = tpu.memref_slice %arg9[%run_scoped3A_11, %dma_wait3A_102, %dma_wait3A_103] : memref<2x128x128xf32, #tpu.memory_space<vmem>> -> memref<1x120x128xf32, #tpu.memory_space<vmem>>
      %dma_wait3A_105 = tpu.memref_squeeze %dma_wait3A_104 : memref<1x120x128xf32, #tpu.memory_space<vmem>> -> memref<120x128xf32, #tpu.memory_space<vmem>>
      tpu.wait_dma2 semaphore(%run_scoped3A_82 : memref<!tpu.dma_semaphore, #tpu.memory_space<semaphore_mem>>) src(%dma_wait3A_105 : memref<120x128xf32, #tpu.memory_space<vmem>>) dst(%dma_wait3A_101 : memref<120x128xf32, #tpu.memory_space<vmem_shared>>)
      tpu.yield
    }) : () -> ()
    %barrier3A = arith.constant 0 : index
    tpu.barrier barrier_id(%barrier3A)
    %mul3A_12 = arith.constant 80 : i32
    %mul3A_13 = arith.muli %add3A, %mul3A_12 : i32
    %add3A_14 = arith.constant 0 : i32
    %add3A_15 = arith.addi %mul3A_13, %add3A_14 : i32
    "tpu.region"() ({
      %run_scoped3A_82 = tpu.sem_alloc : memref<!tpu.dma_semaphore, #tpu.memory_space<semaphore_mem>>
      %dma_start3A_83 = arith.constant 0 : i32
      %dma_start3A_84 = tpu.memref_slice %arg3[%add3A_15, %dma_start3A_83] : memref<2560x128xi32, #tpu.memory_space<hbm>> -> memref<40x128xi32, #tpu.memory_space<hbm>>
      %dma_start3A_85 = arith.constant 0 : i32
      %dma_start3A_86 = tpu.memref_slice %arg3[%add3A_15, %dma_start3A_85] : memref<2560x128xi32, #tpu.memory_space<hbm>> -> memref<40x128xi32, #tpu.memory_space<hbm>>
      tpu.enqueue_dma source(%dma_start3A_86 : memref<40x128xi32, #tpu.memory_space<hbm>>) target(%arg7 : memref<40x128xi32, #tpu.memory_space<vmem>>) target_semaphore(%run_scoped3A_82 : memref<!tpu.dma_semaphore, #tpu.memory_space<semaphore_mem>>)
      %dma_wait3A = arith.constant 0 : i32
      %dma_wait3A_87 = tpu.memref_slice %arg3[%add3A_15, %dma_wait3A] : memref<2560x128xi32, #tpu.memory_space<hbm>> -> memref<40x128xi32, #tpu.memory_space<hbm>>
      %dma_wait3A_88 = arith.constant 0 : i32
      %dma_wait3A_89 = tpu.memref_slice %arg3[%add3A_15, %dma_wait3A_88] : memref<2560x128xi32, #tpu.memory_space<hbm>> -> memref<40x128xi32, #tpu.memory_space<hbm>>
      tpu.wait_dma2 semaphore(%run_scoped3A_82 : memref<!tpu.dma_semaphore, #tpu.memory_space<semaphore_mem>>) src(%dma_wait3A_89 : memref<40x128xi32, #tpu.memory_space<hbm>>) dst(%arg7 : memref<40x128xi32, #tpu.memory_space<vmem>>)
      tpu.yield
    }) : () -> ()
    "tpu.region"() ({
      %run_scoped3A_82 = tpu.sem_alloc : memref<!tpu.dma_semaphore, #tpu.memory_space<semaphore_mem>>
      %dma_start3A_83 = arith.constant 0 : i32
      %dma_start3A_84 = tpu.memref_slice %arg4[%add3A_15, %dma_start3A_83] : memref<2560x128xi32, #tpu.memory_space<hbm>> -> memref<40x128xi32, #tpu.memory_space<hbm>>
      %dma_start3A_85 = arith.constant 0 : i32
      %dma_start3A_86 = tpu.memref_slice %arg4[%add3A_15, %dma_start3A_85] : memref<2560x128xi32, #tpu.memory_space<hbm>> -> memref<40x128xi32, #tpu.memory_space<hbm>>
      tpu.enqueue_dma source(%dma_start3A_86 : memref<40x128xi32, #tpu.memory_space<hbm>>) target(%arg8 : memref<40x128xi32, #tpu.memory_space<vmem>>) target_semaphore(%run_scoped3A_82 : memref<!tpu.dma_semaphore, #tpu.memory_space<semaphore_mem>>)
      %dma_wait3A = arith.constant 0 : i32
      %dma_wait3A_87 = tpu.memref_slice %arg4[%add3A_15, %dma_wait3A] : memref<2560x128xi32, #tpu.memory_space<hbm>> -> memref<40x128xi32, #tpu.memory_space<hbm>>
      %dma_wait3A_88 = arith.constant 0 : i32
      %dma_wait3A_89 = tpu.memref_slice %arg4[%add3A_15, %dma_wait3A_88] : memref<2560x128xi32, #tpu.memory_space<hbm>> -> memref<40x128xi32, #tpu.memory_space<hbm>>
      tpu.wait_dma2 semaphore(%run_scoped3A_82 : memref<!tpu.dma_semaphore, #tpu.memory_space<semaphore_mem>>) src(%dma_wait3A_89 : memref<40x128xi32, #tpu.memory_space<hbm>>) dst(%arg8 : memref<40x128xi32, #tpu.memory_space<vmem>>)
      tpu.yield
    }) : () -> ()
    %dma_start3A = arith.constant 0 : i32
    %dma_start3A_16 = arith.constant 0 : i32
    %dma_start3A_17 = arith.constant 0 : i32
    %dma_start3A_18 = arith.constant 0 : i32
    %dma_start3A_19 = tpu.memref_slice %arg9[%dma_start3A_16, %dma_start3A_17, %dma_start3A_18] : memref<2x128x128xf32, #tpu.memory_space<vmem>> -> memref<1x64x128xf32, #tpu.memory_space<vmem>>
    %dma_start3A_20 = tpu.memref_squeeze %dma_start3A_19 : memref<1x64x128xf32, #tpu.memory_space<vmem>> -> memref<64x128xf32, #tpu.memory_space<vmem>>
    %dma_start3A_21 = arith.constant 0 : i32
    %dma_start3A_22 = tpu.memref_slice %arg7[%dma_start3A, %dma_start3A_21] : memref<40x128xi32, #tpu.memory_space<vmem>> -> memref<1x64xi32, #tpu.memory_space<vmem>>
    %dma_start3A_23 = tpu.memref_squeeze %dma_start3A_22 : memref<1x64xi32, #tpu.memory_space<vmem>> -> memref<64xi32, #tpu.memory_space<vmem>>
    %dma_start3A_24 = arith.constant 0 : i32
    %dma_start3A_25 = arith.constant 0 : i32
    %dma_start3A_26 = tpu.memref_slice %arg2[%dma_start3A_24, %dma_start3A_25] : memref<10000x128xf32, #tpu.memory_space<hbm>> -> memref<10000x128xf32, #tpu.memory_space<hbm>>
    tpu.enqueue_indirect_dma source(%dma_start3A_26 : memref<10000x128xf32, #tpu.memory_space<hbm>>) target(%dma_start3A_20 : memref<64x128xf32, #tpu.memory_space<vmem>>) offsets(%dma_start3A_23 : memref<64xi32, #tpu.memory_space<vmem>>) semaphore(%arg11 : memref<!tpu.dma_semaphore, #tpu.memory_space<semaphore_mem>>)
    %dma_start3A_27 = arith.constant 0 : i32
    %dma_start3A_28 = arith.constant 0 : i32
    %dma_start3A_29 = arith.constant 64 : i32
    %dma_start3A_30 = arith.constant 0 : i32
    %dma_start3A_31 = tpu.memref_slice %arg9[%dma_start3A_28, %dma_start3A_29, %dma_start3A_30] : memref<2x128x128xf32, #tpu.memory_space<vmem>> -> memref<1x64x128xf32, #tpu.memory_space<vmem>>
    %dma_start3A_32 = tpu.memref_squeeze %dma_start3A_31 : memref<1x64x128xf32, #tpu.memory_space<vmem>> -> memref<64x128xf32, #tpu.memory_space<vmem>>
    %dma_start3A_33 = arith.constant 64 : i32
    %dma_start3A_34 = tpu.memref_slice %arg7[%dma_start3A_27, %dma_start3A_33] : memref<40x128xi32, #tpu.memory_space<vmem>> -> memref<1x64xi32, #tpu.memory_space<vmem>>
    %dma_start3A_35 = tpu.memref_squeeze %dma_start3A_34 : memref<1x64xi32, #tpu.memory_space<vmem>> -> memref<64xi32, #tpu.memory_space<vmem>>
    %dma_start3A_36 = arith.constant 0 : i32
    %dma_start3A_37 = arith.constant 0 : i32
    %dma_start3A_38 = tpu.memref_slice %arg2[%dma_start3A_36, %dma_start3A_37] : memref<10000x128xf32, #tpu.memory_space<hbm>> -> memref<10000x128xf32, #tpu.memory_space<hbm>>
    tpu.enqueue_indirect_dma source(%dma_start3A_38 : memref<10000x128xf32, #tpu.memory_space<hbm>>) target(%dma_start3A_32 : memref<64x128xf32, #tpu.memory_space<vmem>>) offsets(%dma_start3A_35 : memref<64xi32, #tpu.memory_space<vmem>>) semaphore(%arg12 : memref<!tpu.dma_semaphore, #tpu.memory_space<semaphore_mem>>)
    %scan3A_39 = arith.constant 0 : i32
    %scan3A_40 = arith.constant 0 : i32
    %scan3A_41 = arith.constant 20 : i32
    %scan3A_42 = arith.addi %scan3A_40, %scan3A_41 : i32
    %scan3A_43 = arith.constant 1 : i32
    %scan3A_44 = scf.for %scan3A_82 = %scan3A_40 to %scan3A_42 step %scan3A_43 iter_args(%scan3A_83 = %scan3A_39) -> (i32)  : i32 {
      %mul3A_84 = arith.constant 2 : i32
      %mul3A_85 = arith.muli %mul3A_84, %scan3A_82 : i32
      %add3A_86 = arith.constant 1 : i32
      %add3A_87 = arith.addi %mul3A_85, %add3A_86 : i32
      %lt3A = arith.constant 40 : i32
      %lt3A_88 = arith.cmpi slt, %add3A_87, %lt3A : i32
      %convert_element_type3A = arith.extui %lt3A_88 : i1 to i32
      %cond3A = arith.constant 0 : i32
      %cond3A_89 = arith.cmpi ne, %convert_element_type3A, %cond3A : i32
      scf.if %cond3A_89 {
        %add3A_147 = arith.constant 1 : i32
        %add3A_148 = arith.addi %mul3A_85, %add3A_147 : i32
        %dma_start3A_149 = arith.constant 1 : i32
        %dma_start3A_150 = arith.constant 0 : i32
        %dma_start3A_151 = arith.constant 0 : i32
        %dma_start3A_152 = tpu.memref_slice %arg9[%dma_start3A_149, %dma_start3A_150, %dma_start3A_151] : memref<2x128x128xf32, #tpu.memory_space<vmem>> -> memref<1x64x128xf32, #tpu.memory_space<vmem>>
        %dma_start3A_153 = tpu.memref_squeeze %dma_start3A_152 : memref<1x64x128xf32, #tpu.memory_space<vmem>> -> memref<64x128xf32, #tpu.memory_space<vmem>>
        %dma_start3A_154 = arith.constant 0 : i32
        %dma_start3A_155 = tpu.memref_slice %arg7[%add3A_148, %dma_start3A_154] : memref<40x128xi32, #tpu.memory_space<vmem>> -> memref<1x64xi32, #tpu.memory_space<vmem>>
        %dma_start3A_156 = tpu.memref_squeeze %dma_start3A_155 : memref<1x64xi32, #tpu.memory_space<vmem>> -> memref<64xi32, #tpu.memory_space<vmem>>
        %dma_start3A_157 = arith.constant 0 : i32
        %dma_start3A_158 = arith.constant 0 : i32
        %dma_start3A_159 = tpu.memref_slice %arg2[%dma_start3A_157, %dma_start3A_158] : memref<10000x128xf32, #tpu.memory_space<hbm>> -> memref<10000x128xf32, #tpu.memory_space<hbm>>
        tpu.enqueue_indirect_dma source(%dma_start3A_159 : memref<10000x128xf32, #tpu.memory_space<hbm>>) target(%dma_start3A_153 : memref<64x128xf32, #tpu.memory_space<vmem>>) offsets(%dma_start3A_156 : memref<64xi32, #tpu.memory_space<vmem>>) semaphore(%arg13 : memref<!tpu.dma_semaphore, #tpu.memory_space<semaphore_mem>>)
        %dma_start3A_160 = arith.constant 1 : i32
        %dma_start3A_161 = arith.constant 64 : i32
        %dma_start3A_162 = arith.constant 0 : i32
        %dma_start3A_163 = tpu.memref_slice %arg9[%dma_start3A_160, %dma_start3A_161, %dma_start3A_162] : memref<2x128x128xf32, #tpu.memory_space<vmem>> -> memref<1x64x128xf32, #tpu.memory_space<vmem>>
        %dma_start3A_164 = tpu.memref_squeeze %dma_start3A_163 : memref<1x64x128xf32, #tpu.memory_space<vmem>> -> memref<64x128xf32, #tpu.memory_space<vmem>>
        %dma_start3A_165 = arith.constant 64 : i32
        %dma_start3A_166 = tpu.memref_slice %arg7[%add3A_148, %dma_start3A_165] : memref<40x128xi32, #tpu.memory_space<vmem>> -> memref<1x64xi32, #tpu.memory_space<vmem>>
        %dma_start3A_167 = tpu.memref_squeeze %dma_start3A_166 : memref<1x64xi32, #tpu.memory_space<vmem>> -> memref<64xi32, #tpu.memory_space<vmem>>
        %dma_start3A_168 = arith.constant 0 : i32
        %dma_start3A_169 = arith.constant 0 : i32
        %dma_start3A_170 = tpu.memref_slice %arg2[%dma_start3A_168, %dma_start3A_169] : memref<10000x128xf32, #tpu.memory_space<hbm>> -> memref<10000x128xf32, #tpu.memory_space<hbm>>
        tpu.enqueue_indirect_dma source(%dma_start3A_170 : memref<10000x128xf32, #tpu.memory_space<hbm>>) target(%dma_start3A_164 : memref<64x128xf32, #tpu.memory_space<vmem>>) offsets(%dma_start3A_167 : memref<64xi32, #tpu.memory_space<vmem>>) semaphore(%arg14 : memref<!tpu.dma_semaphore, #tpu.memory_space<semaphore_mem>>)
      } else {
      }
      %dma_wait3A = arith.constant 0 : i32
      %dma_wait3A_90 = arith.constant 0 : i32
      %dma_wait3A_91 = arith.constant 0 : i32
      %dma_wait3A_92 = tpu.memref_slice %arg9[%dma_wait3A, %dma_wait3A_90, %dma_wait3A_91] : memref<2x128x128xf32, #tpu.memory_space<vmem>> -> memref<1x64x128xf32, #tpu.memory_space<vmem>>
      %dma_wait3A_93 = tpu.memref_squeeze %dma_wait3A_92 : memref<1x64x128xf32, #tpu.memory_space<vmem>> -> memref<64x128xf32, #tpu.memory_space<vmem>>
      %dma_wait3A_94 = arith.constant 0 : i32
      %dma_wait3A_95 = tpu.memref_slice %arg7[%mul3A_85, %dma_wait3A_94] : memref<40x128xi32, #tpu.memory_space<vmem>> -> memref<1x64xi32, #tpu.memory_space<vmem>>
      %dma_wait3A_96 = tpu.memref_squeeze %dma_wait3A_95 : memref<1x64xi32, #tpu.memory_space<vmem>> -> memref<64xi32, #tpu.memory_space<vmem>>
      %dma_wait3A_97 = arith.constant 0 : i32
      %dma_wait3A_98 = arith.constant 0 : i32
      %dma_wait3A_99 = tpu.memref_slice %arg2[%dma_wait3A_97, %dma_wait3A_98] : memref<10000x128xf32, #tpu.memory_space<hbm>> -> memref<10000x128xf32, #tpu.memory_space<hbm>>
      tpu.wait_indirect_dma semaphore(%arg11 : memref<!tpu.dma_semaphore, #tpu.memory_space<semaphore_mem>>) src(%dma_wait3A_99 : memref<10000x128xf32, #tpu.memory_space<hbm>>) dst(%dma_wait3A_93 : memref<64x128xf32, #tpu.memory_space<vmem>>)
      %dma_wait3A_100 = arith.constant 0 : i32
      %dma_wait3A_101 = arith.constant 64 : i32
      %dma_wait3A_102 = arith.constant 0 : i32
      %dma_wait3A_103 = tpu.memref_slice %arg9[%dma_wait3A_100, %dma_wait3A_101, %dma_wait3A_102] : memref<2x128x128xf32, #tpu.memory_space<vmem>> -> memref<1x64x128xf32, #tpu.memory_space<vmem>>
      %dma_wait3A_104 = tpu.memref_squeeze %dma_wait3A_103 : memref<1x64x128xf32, #tpu.memory_space<vmem>> -> memref<64x128xf32, #tpu.memory_space<vmem>>
      %dma_wait3A_105 = arith.constant 64 : i32
      %dma_wait3A_106 = tpu.memref_slice %arg7[%mul3A_85, %dma_wait3A_105] : memref<40x128xi32, #tpu.memory_space<vmem>> -> memref<1x64xi32, #tpu.memory_space<vmem>>
      %dma_wait3A_107 = tpu.memref_squeeze %dma_wait3A_106 : memref<1x64xi32, #tpu.memory_space<vmem>> -> memref<64xi32, #tpu.memory_space<vmem>>
      %dma_wait3A_108 = arith.constant 0 : i32
      %dma_wait3A_109 = arith.constant 0 : i32
      %dma_wait3A_110 = tpu.memref_slice %arg2[%dma_wait3A_108, %dma_wait3A_109] : memref<10000x128xf32, #tpu.memory_space<hbm>> -> memref<10000x128xf32, #tpu.memory_space<hbm>>
      tpu.wait_indirect_dma semaphore(%arg12 : memref<!tpu.dma_semaphore, #tpu.memory_space<semaphore_mem>>) src(%dma_wait3A_110 : memref<10000x128xf32, #tpu.memory_space<hbm>>) dst(%dma_wait3A_104 : memref<64x128xf32, #tpu.memory_space<vmem>>)
      %run_scoped3A_111 = arith.constant 0 : i32
      "tpu.region"() ({
        %run_scoped3A_147 = tpu.sem_alloc : memref<!tpu.dma_semaphore, #tpu.memory_space<semaphore_mem>>
        %dma_start3A_148 = arith.constant 0 : i32
        %dma_start3A_149 = arith.constant 0 : i32
        %dma_start3A_150 = tpu.memref_slice %arg9[%run_scoped3A_111, %dma_start3A_148, %dma_start3A_149] : memref<2x128x128xf32, #tpu.memory_space<vmem>> -> memref<1x128x128xf32, #tpu.memory_space<vmem>>
        %dma_start3A_151 = tpu.memref_squeeze %dma_start3A_150 : memref<1x128x128xf32, #tpu.memory_space<vmem>> -> memref<128x128xf32, #tpu.memory_space<vmem>>
        %dma_start3A_152 = arith.constant 0 : i32
        %dma_start3A_153 = tpu.memref_slice %arg8[%mul3A_85, %dma_start3A_152] : memref<40x128xi32, #tpu.memory_space<vmem>> -> memref<1x128xi32, #tpu.memory_space<vmem>>
        %dma_start3A_154 = tpu.memref_squeeze %dma_start3A_153 : memref<1x128xi32, #tpu.memory_space<vmem>> -> memref<128xi32, #tpu.memory_space<vmem>>
        %dma_start3A_155 = arith.constant 0 : i32
        %dma_start3A_156 = arith.constant 0 : i32
        %dma_start3A_157 = tpu.memref_slice %arg10[%dma_start3A_155, %dma_start3A_156] : memref<10112x128xf32, #tpu.memory_space<vmem_shared>> -> memref<10112x128xf32, #tpu.memory_space<vmem_shared>>
        tpu.enqueue_indirect_dma source(%dma_start3A_151 : memref<128x128xf32, #tpu.memory_space<vmem>>) target(%dma_start3A_157 : memref<10112x128xf32, #tpu.memory_space<vmem_shared>>) offsets(%dma_start3A_154 : memref<128xi32, #tpu.memory_space<vmem>>) semaphore(%run_scoped3A_147 : memref<!tpu.dma_semaphore, #tpu.memory_space<semaphore_mem>>) {add = true}
        %dma_wait3A_158 = arith.constant 0 : i32
        %dma_wait3A_159 = arith.constant 0 : i32
        %dma_wait3A_160 = tpu.memref_slice %arg9[%run_scoped3A_111, %dma_wait3A_158, %dma_wait3A_159] : memref<2x128x128xf32, #tpu.memory_space<vmem>> -> memref<1x128x128xf32, #tpu.memory_space<vmem>>
        %dma_wait3A_161 = tpu.memref_squeeze %dma_wait3A_160 : memref<1x128x128xf32, #tpu.memory_space<vmem>> -> memref<128x128xf32, #tpu.memory_space<vmem>>
        %dma_wait3A_162 = arith.constant 0 : i32
        %dma_wait3A_163 = tpu.memref_slice %arg8[%mul3A_85, %dma_wait3A_162] : memref<40x128xi32, #tpu.memory_space<vmem>> -> memref<1x128xi32, #tpu.memory_space<vmem>>
        %dma_wait3A_164 = tpu.memref_squeeze %dma_wait3A_163 : memref<1x128xi32, #tpu.memory_space<vmem>> -> memref<128xi32, #tpu.memory_space<vmem>>
        %dma_wait3A_165 = arith.constant 0 : i32
        %dma_wait3A_166 = arith.constant 0 : i32
        %dma_wait3A_167 = tpu.memref_slice %arg10[%dma_wait3A_165, %dma_wait3A_166] : memref<10112x128xf32, #tpu.memory_space<vmem_shared>> -> memref<10112x128xf32, #tpu.memory_space<vmem_shared>>
        tpu.wait_indirect_dma semaphore(%run_scoped3A_147 : memref<!tpu.dma_semaphore, #tpu.memory_space<semaphore_mem>>) src(%dma_wait3A_161 : memref<128x128xf32, #tpu.memory_space<vmem>>) dst(%dma_wait3A_167 : memref<10112x128xf32, #tpu.memory_space<vmem_shared>>)
        tpu.yield
      }) : () -> ()
      %mul3A_112 = arith.constant 2 : i32
      %mul3A_113 = arith.muli %mul3A_112, %scan3A_82 : i32
      %add3A_114 = arith.constant 1 : i32
      %add3A_115 = arith.addi %mul3A_113, %add3A_114 : i32
      %add3A_116 = arith.constant 1 : i32
      %add3A_117 = arith.addi %add3A_115, %add3A_116 : i32
      %lt3A_118 = arith.constant 40 : i32
      %lt3A_119 = arith.cmpi slt, %add3A_117, %lt3A_118 : i32
      %convert_element_type3A_120 = arith.extui %lt3A_119 : i1 to i32
      %cond3A_121 = arith.constant 0 : i32
      %cond3A_122 = arith.cmpi ne, %convert_element_type3A_120, %cond3A_121 : i32
      scf.if %cond3A_122 {
        %add3A_147 = arith.constant 1 : i32
        %add3A_148 = arith.addi %add3A_115, %add3A_147 : i32
        %dma_start3A_149 = arith.constant 0 : i32
        %dma_start3A_150 = arith.constant 0 : i32
        %dma_start3A_151 = arith.constant 0 : i32
        %dma_start3A_152 = tpu.memref_slice %arg9[%dma_start3A_149, %dma_start3A_150, %dma_start3A_151] : memref<2x128x128xf32, #tpu.memory_space<vmem>> -> memref<1x64x128xf32, #tpu.memory_space<vmem>>
        %dma_start3A_153 = tpu.memref_squeeze %dma_start3A_152 : memref<1x64x128xf32, #tpu.memory_space<vmem>> -> memref<64x128xf32, #tpu.memory_space<vmem>>
        %dma_start3A_154 = arith.constant 0 : i32
        %dma_start3A_155 = tpu.memref_slice %arg7[%add3A_148, %dma_start3A_154] : memref<40x128xi32, #tpu.memory_space<vmem>> -> memref<1x64xi32, #tpu.memory_space<vmem>>
        %dma_start3A_156 = tpu.memref_squeeze %dma_start3A_155 : memref<1x64xi32, #tpu.memory_space<vmem>> -> memref<64xi32, #tpu.memory_space<vmem>>
        %dma_start3A_157 = arith.constant 0 : i32
        %dma_start3A_158 = arith.constant 0 : i32
        %dma_start3A_159 = tpu.memref_slice %arg2[%dma_start3A_157, %dma_start3A_158] : memref<10000x128xf32, #tpu.memory_space<hbm>> -> memref<10000x128xf32, #tpu.memory_space<hbm>>
        tpu.enqueue_indirect_dma source(%dma_start3A_159 : memref<10000x128xf32, #tpu.memory_space<hbm>>) target(%dma_start3A_153 : memref<64x128xf32, #tpu.memory_space<vmem>>) offsets(%dma_start3A_156 : memref<64xi32, #tpu.memory_space<vmem>>) semaphore(%arg11 : memref<!tpu.dma_semaphore, #tpu.memory_space<semaphore_mem>>)
        %dma_start3A_160 = arith.constant 0 : i32
        %dma_start3A_161 = arith.constant 64 : i32
        %dma_start3A_162 = arith.constant 0 : i32
        %dma_start3A_163 = tpu.memref_slice %arg9[%dma_start3A_160, %dma_start3A_161, %dma_start3A_162] : memref<2x128x128xf32, #tpu.memory_space<vmem>> -> memref<1x64x128xf32, #tpu.memory_space<vmem>>
        %dma_start3A_164 = tpu.memref_squeeze %dma_start3A_163 : memref<1x64x128xf32, #tpu.memory_space<vmem>> -> memref<64x128xf32, #tpu.memory_space<vmem>>
        %dma_start3A_165 = arith.constant 64 : i32
        %dma_start3A_166 = tpu.memref_slice %arg7[%add3A_148, %dma_start3A_165] : memref<40x128xi32, #tpu.memory_space<vmem>> -> memref<1x64xi32, #tpu.memory_space<vmem>>
        %dma_start3A_167 = tpu.memref_squeeze %dma_start3A_166 : memref<1x64xi32, #tpu.memory_space<vmem>> -> memref<64xi32, #tpu.memory_space<vmem>>
        %dma_start3A_168 = arith.constant 0 : i32
        %dma_start3A_169 = arith.constant 0 : i32
        %dma_start3A_170 = tpu.memref_slice %arg2[%dma_start3A_168, %dma_start3A_169] : memref<10000x128xf32, #tpu.memory_space<hbm>> -> memref<10000x128xf32, #tpu.memory_space<hbm>>
        tpu.enqueue_indirect_dma source(%dma_start3A_170 : memref<10000x128xf32, #tpu.memory_space<hbm>>) target(%dma_start3A_164 : memref<64x128xf32, #tpu.memory_space<vmem>>) offsets(%dma_start3A_167 : memref<64xi32, #tpu.memory_space<vmem>>) semaphore(%arg12 : memref<!tpu.dma_semaphore, #tpu.memory_space<semaphore_mem>>)
      } else {
      }
      %dma_wait3A_123 = arith.constant 1 : i32
      %dma_wait3A_124 = arith.constant 0 : i32
      %dma_wait3A_125 = arith.constant 0 : i32
      %dma_wait3A_126 = tpu.memref_slice %arg9[%dma_wait3A_123, %dma_wait3A_124, %dma_wait3A_125] : memref<2x128x128xf32, #tpu.memory_space<vmem>> -> memref<1x64x128xf32, #tpu.memory_space<vmem>>
      %dma_wait3A_127 = tpu.memref_squeeze %dma_wait3A_126 : memref<1x64x128xf32, #tpu.memory_space<vmem>> -> memref<64x128xf32, #tpu.memory_space<vmem>>
      %dma_wait3A_128 = arith.constant 0 : i32
      %dma_wait3A_129 = tpu.memref_slice %arg7[%add3A_115, %dma_wait3A_128] : memref<40x128xi32, #tpu.memory_space<vmem>> -> memref<1x64xi32, #tpu.memory_space<vmem>>
      %dma_wait3A_130 = tpu.memref_squeeze %dma_wait3A_129 : memref<1x64xi32, #tpu.memory_space<vmem>> -> memref<64xi32, #tpu.memory_space<vmem>>
      %dma_wait3A_131 = arith.constant 0 : i32
      %dma_wait3A_132 = arith.constant 0 : i32
      %dma_wait3A_133 = tpu.memref_slice %arg2[%dma_wait3A_131, %dma_wait3A_132] : memref<10000x128xf32, #tpu.memory_space<hbm>> -> memref<10000x128xf32, #tpu.memory_space<hbm>>
      tpu.wait_indirect_dma semaphore(%arg13 : memref<!tpu.dma_semaphore, #tpu.memory_space<semaphore_mem>>) src(%dma_wait3A_133 : memref<10000x128xf32, #tpu.memory_space<hbm>>) dst(%dma_wait3A_127 : memref<64x128xf32, #tpu.memory_space<vmem>>)
      %dma_wait3A_134 = arith.constant 1 : i32
      %dma_wait3A_135 = arith.constant 64 : i32
      %dma_wait3A_136 = arith.constant 0 : i32
      %dma_wait3A_137 = tpu.memref_slice %arg9[%dma_wait3A_134, %dma_wait3A_135, %dma_wait3A_136] : memref<2x128x128xf32, #tpu.memory_space<vmem>> -> memref<1x64x128xf32, #tpu.memory_space<vmem>>
      %dma_wait3A_138 = tpu.memref_squeeze %dma_wait3A_137 : memref<1x64x128xf32, #tpu.memory_space<vmem>> -> memref<64x128xf32, #tpu.memory_space<vmem>>
      %dma_wait3A_139 = arith.constant 64 : i32
      %dma_wait3A_140 = tpu.memref_slice %arg7[%add3A_115, %dma_wait3A_139] : memref<40x128xi32, #tpu.memory_space<vmem>> -> memref<1x64xi32, #tpu.memory_space<vmem>>
      %dma_wait3A_141 = tpu.memref_squeeze %dma_wait3A_140 : memref<1x64xi32, #tpu.memory_space<vmem>> -> memref<64xi32, #tpu.memory_space<vmem>>
      %dma_wait3A_142 = arith.constant 0 : i32
      %dma_wait3A_143 = arith.constant 0 : i32
      %dma_wait3A_144 = tpu.memref_slice %arg2[%dma_wait3A_142, %dma_wait3A_143] : memref<10000x128xf32, #tpu.memory_space<hbm>> -> memref<10000x128xf32, #tpu.memory_space<hbm>>
      tpu.wait_indirect_dma semaphore(%arg14 : memref<!tpu.dma_semaphore, #tpu.memory_space<semaphore_mem>>) src(%dma_wait3A_144 : memref<10000x128xf32, #tpu.memory_space<hbm>>) dst(%dma_wait3A_138 : memref<64x128xf32, #tpu.memory_space<vmem>>)
      %run_scoped3A_145 = arith.constant 1 : i32
      "tpu.region"() ({
        %run_scoped3A_147 = tpu.sem_alloc : memref<!tpu.dma_semaphore, #tpu.memory_space<semaphore_mem>>
        %dma_start3A_148 = arith.constant 0 : i32
        %dma_start3A_149 = arith.constant 0 : i32
        %dma_start3A_150 = tpu.memref_slice %arg9[%run_scoped3A_145, %dma_start3A_148, %dma_start3A_149] : memref<2x128x128xf32, #tpu.memory_space<vmem>> -> memref<1x128x128xf32, #tpu.memory_space<vmem>>
        %dma_start3A_151 = tpu.memref_squeeze %dma_start3A_150 : memref<1x128x128xf32, #tpu.memory_space<vmem>> -> memref<128x128xf32, #tpu.memory_space<vmem>>
        %dma_start3A_152 = arith.constant 0 : i32
        %dma_start3A_153 = tpu.memref_slice %arg8[%add3A_115, %dma_start3A_152] : memref<40x128xi32, #tpu.memory_space<vmem>> -> memref<1x128xi32, #tpu.memory_space<vmem>>
        %dma_start3A_154 = tpu.memref_squeeze %dma_start3A_153 : memref<1x128xi32, #tpu.memory_space<vmem>> -> memref<128xi32, #tpu.memory_space<vmem>>
        %dma_start3A_155 = arith.constant 0 : i32
        %dma_start3A_156 = arith.constant 0 : i32
        %dma_start3A_157 = tpu.memref_slice %arg10[%dma_start3A_155, %dma_start3A_156] : memref<10112x128xf32, #tpu.memory_space<vmem_shared>> -> memref<10112x128xf32, #tpu.memory_space<vmem_shared>>
        tpu.enqueue_indirect_dma source(%dma_start3A_151 : memref<128x128xf32, #tpu.memory_space<vmem>>) target(%dma_start3A_157 : memref<10112x128xf32, #tpu.memory_space<vmem_shared>>) offsets(%dma_start3A_154 : memref<128xi32, #tpu.memory_space<vmem>>) semaphore(%run_scoped3A_147 : memref<!tpu.dma_semaphore, #tpu.memory_space<semaphore_mem>>) {add = true}
        %dma_wait3A_158 = arith.constant 0 : i32
        %dma_wait3A_159 = arith.constant 0 : i32
        %dma_wait3A_160 = tpu.memref_slice %arg9[%run_scoped3A_145, %dma_wait3A_158, %dma_wait3A_159] : memref<2x128x128xf32, #tpu.memory_space<vmem>> -> memref<1x128x128xf32, #tpu.memory_space<vmem>>
        %dma_wait3A_161 = tpu.memref_squeeze %dma_wait3A_160 : memref<1x128x128xf32, #tpu.memory_space<vmem>> -> memref<128x128xf32, #tpu.memory_space<vmem>>
        %dma_wait3A_162 = arith.constant 0 : i32
        %dma_wait3A_163 = tpu.memref_slice %arg8[%add3A_115, %dma_wait3A_162] : memref<40x128xi32, #tpu.memory_space<vmem>> -> memref<1x128xi32, #tpu.memory_space<vmem>>
        %dma_wait3A_164 = tpu.memref_squeeze %dma_wait3A_163 : memref<1x128xi32, #tpu.memory_space<vmem>> -> memref<128xi32, #tpu.memory_space<vmem>>
        %dma_wait3A_165 = arith.constant 0 : i32
        %dma_wait3A_166 = arith.constant 0 : i32
        %dma_wait3A_167 = tpu.memref_slice %arg10[%dma_wait3A_165, %dma_wait3A_166] : memref<10112x128xf32, #tpu.memory_space<vmem_shared>> -> memref<10112x128xf32, #tpu.memory_space<vmem_shared>>
        tpu.wait_indirect_dma semaphore(%run_scoped3A_147 : memref<!tpu.dma_semaphore, #tpu.memory_space<semaphore_mem>>) src(%dma_wait3A_161 : memref<128x128xf32, #tpu.memory_space<vmem>>) dst(%dma_wait3A_167 : memref<10112x128xf32, #tpu.memory_space<vmem_shared>>)
        tpu.yield
      }) : () -> ()
      %scan3A_146 = arith.constant 0 : i32
      scf.yield %scan3A_146 : i32
    }
    %scan3A_45 = arith.constant 20 : i32
    %mul3A_46 = arith.constant 80 : i32
    %mul3A_47 = arith.muli %add3A, %mul3A_46 : i32
    %add3A_48 = arith.constant 40 : i32
    %add3A_49 = arith.addi %mul3A_47, %add3A_48 : i32
    "tpu.region"() ({
      %run_scoped3A_82 = tpu.sem_alloc : memref<!tpu.dma_semaphore, #tpu.memory_space<semaphore_mem>>
      %dma_start3A_83 = arith.constant 0 : i32
      %dma_start3A_84 = tpu.memref_slice %arg3[%add3A_49, %dma_start3A_83] : memref<2560x128xi32, #tpu.memory_space<hbm>> -> memref<40x128xi32, #tpu.memory_space<hbm>>
      %dma_start3A_85 = arith.constant 0 : i32
      %dma_start3A_86 = tpu.memref_slice %arg3[%add3A_49, %dma_start3A_85] : memref<2560x128xi32, #tpu.memory_space<hbm>> -> memref<40x128xi32, #tpu.memory_space<hbm>>
      tpu.enqueue_dma source(%dma_start3A_86 : memref<40x128xi32, #tpu.memory_space<hbm>>) target(%arg7 : memref<40x128xi32, #tpu.memory_space<vmem>>) target_semaphore(%run_scoped3A_82 : memref<!tpu.dma_semaphore, #tpu.memory_space<semaphore_mem>>)
      %dma_wait3A = arith.constant 0 : i32
      %dma_wait3A_87 = tpu.memref_slice %arg3[%add3A_49, %dma_wait3A] : memref<2560x128xi32, #tpu.memory_space<hbm>> -> memref<40x128xi32, #tpu.memory_space<hbm>>
      %dma_wait3A_88 = arith.constant 0 : i32
      %dma_wait3A_89 = tpu.memref_slice %arg3[%add3A_49, %dma_wait3A_88] : memref<2560x128xi32, #tpu.memory_space<hbm>> -> memref<40x128xi32, #tpu.memory_space<hbm>>
      tpu.wait_dma2 semaphore(%run_scoped3A_82 : memref<!tpu.dma_semaphore, #tpu.memory_space<semaphore_mem>>) src(%dma_wait3A_89 : memref<40x128xi32, #tpu.memory_space<hbm>>) dst(%arg7 : memref<40x128xi32, #tpu.memory_space<vmem>>)
      tpu.yield
    }) : () -> ()
    "tpu.region"() ({
      %run_scoped3A_82 = tpu.sem_alloc : memref<!tpu.dma_semaphore, #tpu.memory_space<semaphore_mem>>
      %dma_start3A_83 = arith.constant 0 : i32
      %dma_start3A_84 = tpu.memref_slice %arg4[%add3A_49, %dma_start3A_83] : memref<2560x128xi32, #tpu.memory_space<hbm>> -> memref<40x128xi32, #tpu.memory_space<hbm>>
      %dma_start3A_85 = arith.constant 0 : i32
      %dma_start3A_86 = tpu.memref_slice %arg4[%add3A_49, %dma_start3A_85] : memref<2560x128xi32, #tpu.memory_space<hbm>> -> memref<40x128xi32, #tpu.memory_space<hbm>>
      tpu.enqueue_dma source(%dma_start3A_86 : memref<40x128xi32, #tpu.memory_space<hbm>>) target(%arg8 : memref<40x128xi32, #tpu.memory_space<vmem>>) target_semaphore(%run_scoped3A_82 : memref<!tpu.dma_semaphore, #tpu.memory_space<semaphore_mem>>)
      %dma_wait3A = arith.constant 0 : i32
      %dma_wait3A_87 = tpu.memref_slice %arg4[%add3A_49, %dma_wait3A] : memref<2560x128xi32, #tpu.memory_space<hbm>> -> memref<40x128xi32, #tpu.memory_space<hbm>>
      %dma_wait3A_88 = arith.constant 0 : i32
      %dma_wait3A_89 = tpu.memref_slice %arg4[%add3A_49, %dma_wait3A_88] : memref<2560x128xi32, #tpu.memory_space<hbm>> -> memref<40x128xi32, #tpu.memory_space<hbm>>
      tpu.wait_dma2 semaphore(%run_scoped3A_82 : memref<!tpu.dma_semaphore, #tpu.memory_space<semaphore_mem>>) src(%dma_wait3A_89 : memref<40x128xi32, #tpu.memory_space<hbm>>) dst(%arg8 : memref<40x128xi32, #tpu.memory_space<vmem>>)
      tpu.yield
    }) : () -> ()
    %dma_start3A_50 = arith.constant 0 : i32
    %dma_start3A_51 = arith.constant 0 : i32
    %dma_start3A_52 = arith.constant 0 : i32
    %dma_start3A_53 = arith.constant 0 : i32
    %dma_start3A_54 = tpu.memref_slice %arg9[%dma_start3A_51, %dma_start3A_52, %dma_start3A_53] : memref<2x128x128xf32, #tpu.memory_space<vmem>> -> memref<1x64x128xf32, #tpu.memory_space<vmem>>
    %dma_start3A_55 = tpu.memref_squeeze %dma_start3A_54 : memref<1x64x128xf32, #tpu.memory_space<vmem>> -> memref<64x128xf32, #tpu.memory_space<vmem>>
    %dma_start3A_56 = arith.constant 0 : i32
    %dma_start3A_57 = tpu.memref_slice %arg7[%dma_start3A_50, %dma_start3A_56] : memref<40x128xi32, #tpu.memory_space<vmem>> -> memref<1x64xi32, #tpu.memory_space<vmem>>
    %dma_start3A_58 = tpu.memref_squeeze %dma_start3A_57 : memref<1x64xi32, #tpu.memory_space<vmem>> -> memref<64xi32, #tpu.memory_space<vmem>>
    %dma_start3A_59 = arith.constant 0 : i32
    %dma_start3A_60 = arith.constant 0 : i32
    %dma_start3A_61 = tpu.memref_slice %arg2[%dma_start3A_59, %dma_start3A_60] : memref<10000x128xf32, #tpu.memory_space<hbm>> -> memref<10000x128xf32, #tpu.memory_space<hbm>>
    tpu.enqueue_indirect_dma source(%dma_start3A_61 : memref<10000x128xf32, #tpu.memory_space<hbm>>) target(%dma_start3A_55 : memref<64x128xf32, #tpu.memory_space<vmem>>) offsets(%dma_start3A_58 : memref<64xi32, #tpu.memory_space<vmem>>) semaphore(%arg11 : memref<!tpu.dma_semaphore, #tpu.memory_space<semaphore_mem>>)
    %dma_start3A_62 = arith.constant 0 : i32
    %dma_start3A_63 = arith.constant 0 : i32
    %dma_start3A_64 = arith.constant 64 : i32
    %dma_start3A_65 = arith.constant 0 : i32
    %dma_start3A_66 = tpu.memref_slice %arg9[%dma_start3A_63, %dma_start3A_64, %dma_start3A_65] : memref<2x128x128xf32, #tpu.memory_space<vmem>> -> memref<1x64x128xf32, #tpu.memory_space<vmem>>
    %dma_start3A_67 = tpu.memref_squeeze %dma_start3A_66 : memref<1x64x128xf32, #tpu.memory_space<vmem>> -> memref<64x128xf32, #tpu.memory_space<vmem>>
    %dma_start3A_68 = arith.constant 64 : i32
    %dma_start3A_69 = tpu.memref_slice %arg7[%dma_start3A_62, %dma_start3A_68] : memref<40x128xi32, #tpu.memory_space<vmem>> -> memref<1x64xi32, #tpu.memory_space<vmem>>
    %dma_start3A_70 = tpu.memref_squeeze %dma_start3A_69 : memref<1x64xi32, #tpu.memory_space<vmem>> -> memref<64xi32, #tpu.memory_space<vmem>>
    %dma_start3A_71 = arith.constant 0 : i32
    %dma_start3A_72 = arith.constant 0 : i32
    %dma_start3A_73 = tpu.memref_slice %arg2[%dma_start3A_71, %dma_start3A_72] : memref<10000x128xf32, #tpu.memory_space<hbm>> -> memref<10000x128xf32, #tpu.memory_space<hbm>>
    tpu.enqueue_indirect_dma source(%dma_start3A_73 : memref<10000x128xf32, #tpu.memory_space<hbm>>) target(%dma_start3A_67 : memref<64x128xf32, #tpu.memory_space<vmem>>) offsets(%dma_start3A_70 : memref<64xi32, #tpu.memory_space<vmem>>) semaphore(%arg12 : memref<!tpu.dma_semaphore, #tpu.memory_space<semaphore_mem>>)
    %scan3A_74 = arith.constant 0 : i32
    %scan3A_75 = arith.constant 0 : i32
    %scan3A_76 = arith.constant 20 : i32
    %scan3A_77 = arith.addi %scan3A_75, %scan3A_76 : i32
    %scan3A_78 = arith.constant 1 : i32
    %scan3A_79 = scf.for %scan3A_82 = %scan3A_75 to %scan3A_77 step %scan3A_78 iter_args(%scan3A_83 = %scan3A_74) -> (i32)  : i32 {
      %mul3A_84 = arith.constant 2 : i32
      %mul3A_85 = arith.muli %mul3A_84, %scan3A_82 : i32
      %add3A_86 = arith.constant 1 : i32
      %add3A_87 = arith.addi %mul3A_85, %add3A_86 : i32
      %lt3A = arith.constant 40 : i32
      %lt3A_88 = arith.cmpi slt, %add3A_87, %lt3A : i32
      %convert_element_type3A = arith.extui %lt3A_88 : i1 to i32
      %cond3A = arith.constant 0 : i32
      %cond3A_89 = arith.cmpi ne, %convert_element_type3A, %cond3A : i32
      scf.if %cond3A_89 {
        %add3A_147 = arith.constant 1 : i32
        %add3A_148 = arith.addi %mul3A_85, %add3A_147 : i32
        %dma_start3A_149 = arith.constant 1 : i32
        %dma_start3A_150 = arith.constant 0 : i32
        %dma_start3A_151 = arith.constant 0 : i32
        %dma_start3A_152 = tpu.memref_slice %arg9[%dma_start3A_149, %dma_start3A_150, %dma_start3A_151] : memref<2x128x128xf32, #tpu.memory_space<vmem>> -> memref<1x64x128xf32, #tpu.memory_space<vmem>>
        %dma_start3A_153 = tpu.memref_squeeze %dma_start3A_152 : memref<1x64x128xf32, #tpu.memory_space<vmem>> -> memref<64x128xf32, #tpu.memory_space<vmem>>
        %dma_start3A_154 = arith.constant 0 : i32
        %dma_start3A_155 = tpu.memref_slice %arg7[%add3A_148, %dma_start3A_154] : memref<40x128xi32, #tpu.memory_space<vmem>> -> memref<1x64xi32, #tpu.memory_space<vmem>>
        %dma_start3A_156 = tpu.memref_squeeze %dma_start3A_155 : memref<1x64xi32, #tpu.memory_space<vmem>> -> memref<64xi32, #tpu.memory_space<vmem>>
        %dma_start3A_157 = arith.constant 0 : i32
        %dma_start3A_158 = arith.constant 0 : i32
        %dma_start3A_159 = tpu.memref_slice %arg2[%dma_start3A_157, %dma_start3A_158] : memref<10000x128xf32, #tpu.memory_space<hbm>> -> memref<10000x128xf32, #tpu.memory_space<hbm>>
        tpu.enqueue_indirect_dma source(%dma_start3A_159 : memref<10000x128xf32, #tpu.memory_space<hbm>>) target(%dma_start3A_153 : memref<64x128xf32, #tpu.memory_space<vmem>>) offsets(%dma_start3A_156 : memref<64xi32, #tpu.memory_space<vmem>>) semaphore(%arg13 : memref<!tpu.dma_semaphore, #tpu.memory_space<semaphore_mem>>)
        %dma_start3A_160 = arith.constant 1 : i32
        %dma_start3A_161 = arith.constant 64 : i32
        %dma_start3A_162 = arith.constant 0 : i32
        %dma_start3A_163 = tpu.memref_slice %arg9[%dma_start3A_160, %dma_start3A_161, %dma_start3A_162] : memref<2x128x128xf32, #tpu.memory_space<vmem>> -> memref<1x64x128xf32, #tpu.memory_space<vmem>>
        %dma_start3A_164 = tpu.memref_squeeze %dma_start3A_163 : memref<1x64x128xf32, #tpu.memory_space<vmem>> -> memref<64x128xf32, #tpu.memory_space<vmem>>
        %dma_start3A_165 = arith.constant 64 : i32
        %dma_start3A_166 = tpu.memref_slice %arg7[%add3A_148, %dma_start3A_165] : memref<40x128xi32, #tpu.memory_space<vmem>> -> memref<1x64xi32, #tpu.memory_space<vmem>>
        %dma_start3A_167 = tpu.memref_squeeze %dma_start3A_166 : memref<1x64xi32, #tpu.memory_space<vmem>> -> memref<64xi32, #tpu.memory_space<vmem>>
        %dma_start3A_168 = arith.constant 0 : i32
        %dma_start3A_169 = arith.constant 0 : i32
        %dma_start3A_170 = tpu.memref_slice %arg2[%dma_start3A_168, %dma_start3A_169] : memref<10000x128xf32, #tpu.memory_space<hbm>> -> memref<10000x128xf32, #tpu.memory_space<hbm>>
        tpu.enqueue_indirect_dma source(%dma_start3A_170 : memref<10000x128xf32, #tpu.memory_space<hbm>>) target(%dma_start3A_164 : memref<64x128xf32, #tpu.memory_space<vmem>>) offsets(%dma_start3A_167 : memref<64xi32, #tpu.memory_space<vmem>>) semaphore(%arg14 : memref<!tpu.dma_semaphore, #tpu.memory_space<semaphore_mem>>)
      } else {
      }
      %dma_wait3A = arith.constant 0 : i32
      %dma_wait3A_90 = arith.constant 0 : i32
      %dma_wait3A_91 = arith.constant 0 : i32
      %dma_wait3A_92 = tpu.memref_slice %arg9[%dma_wait3A, %dma_wait3A_90, %dma_wait3A_91] : memref<2x128x128xf32, #tpu.memory_space<vmem>> -> memref<1x64x128xf32, #tpu.memory_space<vmem>>
      %dma_wait3A_93 = tpu.memref_squeeze %dma_wait3A_92 : memref<1x64x128xf32, #tpu.memory_space<vmem>> -> memref<64x128xf32, #tpu.memory_space<vmem>>
      %dma_wait3A_94 = arith.constant 0 : i32
      %dma_wait3A_95 = tpu.memref_slice %arg7[%mul3A_85, %dma_wait3A_94] : memref<40x128xi32, #tpu.memory_space<vmem>> -> memref<1x64xi32, #tpu.memory_space<vmem>>
      %dma_wait3A_96 = tpu.memref_squeeze %dma_wait3A_95 : memref<1x64xi32, #tpu.memory_space<vmem>> -> memref<64xi32, #tpu.memory_space<vmem>>
      %dma_wait3A_97 = arith.constant 0 : i32
      %dma_wait3A_98 = arith.constant 0 : i32
      %dma_wait3A_99 = tpu.memref_slice %arg2[%dma_wait3A_97, %dma_wait3A_98] : memref<10000x128xf32, #tpu.memory_space<hbm>> -> memref<10000x128xf32, #tpu.memory_space<hbm>>
      tpu.wait_indirect_dma semaphore(%arg11 : memref<!tpu.dma_semaphore, #tpu.memory_space<semaphore_mem>>) src(%dma_wait3A_99 : memref<10000x128xf32, #tpu.memory_space<hbm>>) dst(%dma_wait3A_93 : memref<64x128xf32, #tpu.memory_space<vmem>>)
      %dma_wait3A_100 = arith.constant 0 : i32
      %dma_wait3A_101 = arith.constant 64 : i32
      %dma_wait3A_102 = arith.constant 0 : i32
      %dma_wait3A_103 = tpu.memref_slice %arg9[%dma_wait3A_100, %dma_wait3A_101, %dma_wait3A_102] : memref<2x128x128xf32, #tpu.memory_space<vmem>> -> memref<1x64x128xf32, #tpu.memory_space<vmem>>
      %dma_wait3A_104 = tpu.memref_squeeze %dma_wait3A_103 : memref<1x64x128xf32, #tpu.memory_space<vmem>> -> memref<64x128xf32, #tpu.memory_space<vmem>>
      %dma_wait3A_105 = arith.constant 64 : i32
      %dma_wait3A_106 = tpu.memref_slice %arg7[%mul3A_85, %dma_wait3A_105] : memref<40x128xi32, #tpu.memory_space<vmem>> -> memref<1x64xi32, #tpu.memory_space<vmem>>
      %dma_wait3A_107 = tpu.memref_squeeze %dma_wait3A_106 : memref<1x64xi32, #tpu.memory_space<vmem>> -> memref<64xi32, #tpu.memory_space<vmem>>
      %dma_wait3A_108 = arith.constant 0 : i32
      %dma_wait3A_109 = arith.constant 0 : i32
      %dma_wait3A_110 = tpu.memref_slice %arg2[%dma_wait3A_108, %dma_wait3A_109] : memref<10000x128xf32, #tpu.memory_space<hbm>> -> memref<10000x128xf32, #tpu.memory_space<hbm>>
      tpu.wait_indirect_dma semaphore(%arg12 : memref<!tpu.dma_semaphore, #tpu.memory_space<semaphore_mem>>) src(%dma_wait3A_110 : memref<10000x128xf32, #tpu.memory_space<hbm>>) dst(%dma_wait3A_104 : memref<64x128xf32, #tpu.memory_space<vmem>>)
      %run_scoped3A_111 = arith.constant 0 : i32
      "tpu.region"() ({
        %run_scoped3A_147 = tpu.sem_alloc : memref<!tpu.dma_semaphore, #tpu.memory_space<semaphore_mem>>
        %dma_start3A_148 = arith.constant 0 : i32
        %dma_start3A_149 = arith.constant 0 : i32
        %dma_start3A_150 = tpu.memref_slice %arg9[%run_scoped3A_111, %dma_start3A_148, %dma_start3A_149] : memref<2x128x128xf32, #tpu.memory_space<vmem>> -> memref<1x128x128xf32, #tpu.memory_space<vmem>>
        %dma_start3A_151 = tpu.memref_squeeze %dma_start3A_150 : memref<1x128x128xf32, #tpu.memory_space<vmem>> -> memref<128x128xf32, #tpu.memory_space<vmem>>
        %dma_start3A_152 = arith.constant 0 : i32
        %dma_start3A_153 = tpu.memref_slice %arg8[%mul3A_85, %dma_start3A_152] : memref<40x128xi32, #tpu.memory_space<vmem>> -> memref<1x128xi32, #tpu.memory_space<vmem>>
        %dma_start3A_154 = tpu.memref_squeeze %dma_start3A_153 : memref<1x128xi32, #tpu.memory_space<vmem>> -> memref<128xi32, #tpu.memory_space<vmem>>
        %dma_start3A_155 = arith.constant 0 : i32
        %dma_start3A_156 = arith.constant 0 : i32
        %dma_start3A_157 = tpu.memref_slice %arg10[%dma_start3A_155, %dma_start3A_156] : memref<10112x128xf32, #tpu.memory_space<vmem_shared>> -> memref<10112x128xf32, #tpu.memory_space<vmem_shared>>
        tpu.enqueue_indirect_dma source(%dma_start3A_151 : memref<128x128xf32, #tpu.memory_space<vmem>>) target(%dma_start3A_157 : memref<10112x128xf32, #tpu.memory_space<vmem_shared>>) offsets(%dma_start3A_154 : memref<128xi32, #tpu.memory_space<vmem>>) semaphore(%run_scoped3A_147 : memref<!tpu.dma_semaphore, #tpu.memory_space<semaphore_mem>>) {add = true}
        %dma_wait3A_158 = arith.constant 0 : i32
        %dma_wait3A_159 = arith.constant 0 : i32
        %dma_wait3A_160 = tpu.memref_slice %arg9[%run_scoped3A_111, %dma_wait3A_158, %dma_wait3A_159] : memref<2x128x128xf32, #tpu.memory_space<vmem>> -> memref<1x128x128xf32, #tpu.memory_space<vmem>>
        %dma_wait3A_161 = tpu.memref_squeeze %dma_wait3A_160 : memref<1x128x128xf32, #tpu.memory_space<vmem>> -> memref<128x128xf32, #tpu.memory_space<vmem>>
        %dma_wait3A_162 = arith.constant 0 : i32
        %dma_wait3A_163 = tpu.memref_slice %arg8[%mul3A_85, %dma_wait3A_162] : memref<40x128xi32, #tpu.memory_space<vmem>> -> memref<1x128xi32, #tpu.memory_space<vmem>>
        %dma_wait3A_164 = tpu.memref_squeeze %dma_wait3A_163 : memref<1x128xi32, #tpu.memory_space<vmem>> -> memref<128xi32, #tpu.memory_space<vmem>>
        %dma_wait3A_165 = arith.constant 0 : i32
        %dma_wait3A_166 = arith.constant 0 : i32
        %dma_wait3A_167 = tpu.memref_slice %arg10[%dma_wait3A_165, %dma_wait3A_166] : memref<10112x128xf32, #tpu.memory_space<vmem_shared>> -> memref<10112x128xf32, #tpu.memory_space<vmem_shared>>
        tpu.wait_indirect_dma semaphore(%run_scoped3A_147 : memref<!tpu.dma_semaphore, #tpu.memory_space<semaphore_mem>>) src(%dma_wait3A_161 : memref<128x128xf32, #tpu.memory_space<vmem>>) dst(%dma_wait3A_167 : memref<10112x128xf32, #tpu.memory_space<vmem_shared>>)
        tpu.yield
      }) : () -> ()
      %mul3A_112 = arith.constant 2 : i32
      %mul3A_113 = arith.muli %mul3A_112, %scan3A_82 : i32
      %add3A_114 = arith.constant 1 : i32
      %add3A_115 = arith.addi %mul3A_113, %add3A_114 : i32
      %add3A_116 = arith.constant 1 : i32
      %add3A_117 = arith.addi %add3A_115, %add3A_116 : i32
      %lt3A_118 = arith.constant 40 : i32
      %lt3A_119 = arith.cmpi slt, %add3A_117, %lt3A_118 : i32
      %convert_element_type3A_120 = arith.extui %lt3A_119 : i1 to i32
      %cond3A_121 = arith.constant 0 : i32
      %cond3A_122 = arith.cmpi ne, %convert_element_type3A_120, %cond3A_121 : i32
      scf.if %cond3A_122 {
        %add3A_147 = arith.constant 1 : i32
        %add3A_148 = arith.addi %add3A_115, %add3A_147 : i32
        %dma_start3A_149 = arith.constant 0 : i32
        %dma_start3A_150 = arith.constant 0 : i32
        %dma_start3A_151 = arith.constant 0 : i32
        %dma_start3A_152 = tpu.memref_slice %arg9[%dma_start3A_149, %dma_start3A_150, %dma_start3A_151] : memref<2x128x128xf32, #tpu.memory_space<vmem>> -> memref<1x64x128xf32, #tpu.memory_space<vmem>>
        %dma_start3A_153 = tpu.memref_squeeze %dma_start3A_152 : memref<1x64x128xf32, #tpu.memory_space<vmem>> -> memref<64x128xf32, #tpu.memory_space<vmem>>
        %dma_start3A_154 = arith.constant 0 : i32
        %dma_start3A_155 = tpu.memref_slice %arg7[%add3A_148, %dma_start3A_154] : memref<40x128xi32, #tpu.memory_space<vmem>> -> memref<1x64xi32, #tpu.memory_space<vmem>>
        %dma_start3A_156 = tpu.memref_squeeze %dma_start3A_155 : memref<1x64xi32, #tpu.memory_space<vmem>> -> memref<64xi32, #tpu.memory_space<vmem>>
        %dma_start3A_157 = arith.constant 0 : i32
        %dma_start3A_158 = arith.constant 0 : i32
        %dma_start3A_159 = tpu.memref_slice %arg2[%dma_start3A_157, %dma_start3A_158] : memref<10000x128xf32, #tpu.memory_space<hbm>> -> memref<10000x128xf32, #tpu.memory_space<hbm>>
        tpu.enqueue_indirect_dma source(%dma_start3A_159 : memref<10000x128xf32, #tpu.memory_space<hbm>>) target(%dma_start3A_153 : memref<64x128xf32, #tpu.memory_space<vmem>>) offsets(%dma_start3A_156 : memref<64xi32, #tpu.memory_space<vmem>>) semaphore(%arg11 : memref<!tpu.dma_semaphore, #tpu.memory_space<semaphore_mem>>)
        %dma_start3A_160 = arith.constant 0 : i32
        %dma_start3A_161 = arith.constant 64 : i32
        %dma_start3A_162 = arith.constant 0 : i32
        %dma_start3A_163 = tpu.memref_slice %arg9[%dma_start3A_160, %dma_start3A_161, %dma_start3A_162] : memref<2x128x128xf32, #tpu.memory_space<vmem>> -> memref<1x64x128xf32, #tpu.memory_space<vmem>>
        %dma_start3A_164 = tpu.memref_squeeze %dma_start3A_163 : memref<1x64x128xf32, #tpu.memory_space<vmem>> -> memref<64x128xf32, #tpu.memory_space<vmem>>
        %dma_start3A_165 = arith.constant 64 : i32
        %dma_start3A_166 = tpu.memref_slice %arg7[%add3A_148, %dma_start3A_165] : memref<40x128xi32, #tpu.memory_space<vmem>> -> memref<1x64xi32, #tpu.memory_space<vmem>>
        %dma_start3A_167 = tpu.memref_squeeze %dma_start3A_166 : memref<1x64xi32, #tpu.memory_space<vmem>> -> memref<64xi32, #tpu.memory_space<vmem>>
        %dma_start3A_168 = arith.constant 0 : i32
        %dma_start3A_169 = arith.constant 0 : i32
        %dma_start3A_170 = tpu.memref_slice %arg2[%dma_start3A_168, %dma_start3A_169] : memref<10000x128xf32, #tpu.memory_space<hbm>> -> memref<10000x128xf32, #tpu.memory_space<hbm>>
        tpu.enqueue_indirect_dma source(%dma_start3A_170 : memref<10000x128xf32, #tpu.memory_space<hbm>>) target(%dma_start3A_164 : memref<64x128xf32, #tpu.memory_space<vmem>>) offsets(%dma_start3A_167 : memref<64xi32, #tpu.memory_space<vmem>>) semaphore(%arg12 : memref<!tpu.dma_semaphore, #tpu.memory_space<semaphore_mem>>)
      } else {
      }
      %dma_wait3A_123 = arith.constant 1 : i32
      %dma_wait3A_124 = arith.constant 0 : i32
      %dma_wait3A_125 = arith.constant 0 : i32
      %dma_wait3A_126 = tpu.memref_slice %arg9[%dma_wait3A_123, %dma_wait3A_124, %dma_wait3A_125] : memref<2x128x128xf32, #tpu.memory_space<vmem>> -> memref<1x64x128xf32, #tpu.memory_space<vmem>>
      %dma_wait3A_127 = tpu.memref_squeeze %dma_wait3A_126 : memref<1x64x128xf32, #tpu.memory_space<vmem>> -> memref<64x128xf32, #tpu.memory_space<vmem>>
      %dma_wait3A_128 = arith.constant 0 : i32
      %dma_wait3A_129 = tpu.memref_slice %arg7[%add3A_115, %dma_wait3A_128] : memref<40x128xi32, #tpu.memory_space<vmem>> -> memref<1x64xi32, #tpu.memory_space<vmem>>
      %dma_wait3A_130 = tpu.memref_squeeze %dma_wait3A_129 : memref<1x64xi32, #tpu.memory_space<vmem>> -> memref<64xi32, #tpu.memory_space<vmem>>
      %dma_wait3A_131 = arith.constant 0 : i32
      %dma_wait3A_132 = arith.constant 0 : i32
      %dma_wait3A_133 = tpu.memref_slice %arg2[%dma_wait3A_131, %dma_wait3A_132] : memref<10000x128xf32, #tpu.memory_space<hbm>> -> memref<10000x128xf32, #tpu.memory_space<hbm>>
      tpu.wait_indirect_dma semaphore(%arg13 : memref<!tpu.dma_semaphore, #tpu.memory_space<semaphore_mem>>) src(%dma_wait3A_133 : memref<10000x128xf32, #tpu.memory_space<hbm>>) dst(%dma_wait3A_127 : memref<64x128xf32, #tpu.memory_space<vmem>>)
      %dma_wait3A_134 = arith.constant 1 : i32
      %dma_wait3A_135 = arith.constant 64 : i32
      %dma_wait3A_136 = arith.constant 0 : i32
      %dma_wait3A_137 = tpu.memref_slice %arg9[%dma_wait3A_134, %dma_wait3A_135, %dma_wait3A_136] : memref<2x128x128xf32, #tpu.memory_space<vmem>> -> memref<1x64x128xf32, #tpu.memory_space<vmem>>
      %dma_wait3A_138 = tpu.memref_squeeze %dma_wait3A_137 : memref<1x64x128xf32, #tpu.memory_space<vmem>> -> memref<64x128xf32, #tpu.memory_space<vmem>>
      %dma_wait3A_139 = arith.constant 64 : i32
      %dma_wait3A_140 = tpu.memref_slice %arg7[%add3A_115, %dma_wait3A_139] : memref<40x128xi32, #tpu.memory_space<vmem>> -> memref<1x64xi32, #tpu.memory_space<vmem>>
      %dma_wait3A_141 = tpu.memref_squeeze %dma_wait3A_140 : memref<1x64xi32, #tpu.memory_space<vmem>> -> memref<64xi32, #tpu.memory_space<vmem>>
      %dma_wait3A_142 = arith.constant 0 : i32
      %dma_wait3A_143 = arith.constant 0 : i32
      %dma_wait3A_144 = tpu.memref_slice %arg2[%dma_wait3A_142, %dma_wait3A_143] : memref<10000x128xf32, #tpu.memory_space<hbm>> -> memref<10000x128xf32, #tpu.memory_space<hbm>>
      tpu.wait_indirect_dma semaphore(%arg14 : memref<!tpu.dma_semaphore, #tpu.memory_space<semaphore_mem>>) src(%dma_wait3A_144 : memref<10000x128xf32, #tpu.memory_space<hbm>>) dst(%dma_wait3A_138 : memref<64x128xf32, #tpu.memory_space<vmem>>)
      %run_scoped3A_145 = arith.constant 1 : i32
      "tpu.region"() ({
        %run_scoped3A_147 = tpu.sem_alloc : memref<!tpu.dma_semaphore, #tpu.memory_space<semaphore_mem>>
        %dma_start3A_148 = arith.constant 0 : i32
        %dma_start3A_149 = arith.constant 0 : i32
        %dma_start3A_150 = tpu.memref_slice %arg9[%run_scoped3A_145, %dma_start3A_148, %dma_start3A_149] : memref<2x128x128xf32, #tpu.memory_space<vmem>> -> memref<1x128x128xf32, #tpu.memory_space<vmem>>
        %dma_start3A_151 = tpu.memref_squeeze %dma_start3A_150 : memref<1x128x128xf32, #tpu.memory_space<vmem>> -> memref<128x128xf32, #tpu.memory_space<vmem>>
        %dma_start3A_152 = arith.constant 0 : i32
        %dma_start3A_153 = tpu.memref_slice %arg8[%add3A_115, %dma_start3A_152] : memref<40x128xi32, #tpu.memory_space<vmem>> -> memref<1x128xi32, #tpu.memory_space<vmem>>
        %dma_start3A_154 = tpu.memref_squeeze %dma_start3A_153 : memref<1x128xi32, #tpu.memory_space<vmem>> -> memref<128xi32, #tpu.memory_space<vmem>>
        %dma_start3A_155 = arith.constant 0 : i32
        %dma_start3A_156 = arith.constant 0 : i32
        %dma_start3A_157 = tpu.memref_slice %arg10[%dma_start3A_155, %dma_start3A_156] : memref<10112x128xf32, #tpu.memory_space<vmem_shared>> -> memref<10112x128xf32, #tpu.memory_space<vmem_shared>>
        tpu.enqueue_indirect_dma source(%dma_start3A_151 : memref<128x128xf32, #tpu.memory_space<vmem>>) target(%dma_start3A_157 : memref<10112x128xf32, #tpu.memory_space<vmem_shared>>) offsets(%dma_start3A_154 : memref<128xi32, #tpu.memory_space<vmem>>) semaphore(%run_scoped3A_147 : memref<!tpu.dma_semaphore, #tpu.memory_space<semaphore_mem>>) {add = true}
        %dma_wait3A_158 = arith.constant 0 : i32
        %dma_wait3A_159 = arith.constant 0 : i32
        %dma_wait3A_160 = tpu.memref_slice %arg9[%run_scoped3A_145, %dma_wait3A_158, %dma_wait3A_159] : memref<2x128x128xf32, #tpu.memory_space<vmem>> -> memref<1x128x128xf32, #tpu.memory_space<vmem>>
        %dma_wait3A_161 = tpu.memref_squeeze %dma_wait3A_160 : memref<1x128x128xf32, #tpu.memory_space<vmem>> -> memref<128x128xf32, #tpu.memory_space<vmem>>
        %dma_wait3A_162 = arith.constant 0 : i32
        %dma_wait3A_163 = tpu.memref_slice %arg8[%add3A_115, %dma_wait3A_162] : memref<40x128xi32, #tpu.memory_space<vmem>> -> memref<1x128xi32, #tpu.memory_space<vmem>>
        %dma_wait3A_164 = tpu.memref_squeeze %dma_wait3A_163 : memref<1x128xi32, #tpu.memory_space<vmem>> -> memref<128xi32, #tpu.memory_space<vmem>>
        %dma_wait3A_165 = arith.constant 0 : i32
        %dma_wait3A_166 = arith.constant 0 : i32
        %dma_wait3A_167 = tpu.memref_slice %arg10[%dma_wait3A_165, %dma_wait3A_166] : memref<10112x128xf32, #tpu.memory_space<vmem_shared>> -> memref<10112x128xf32, #tpu.memory_space<vmem_shared>>
        tpu.wait_indirect_dma semaphore(%run_scoped3A_147 : memref<!tpu.dma_semaphore, #tpu.memory_space<semaphore_mem>>) src(%dma_wait3A_161 : memref<128x128xf32, #tpu.memory_space<vmem>>) dst(%dma_wait3A_167 : memref<10112x128xf32, #tpu.memory_space<vmem_shared>>)
        tpu.yield
      }) : () -> ()
      %scan3A_146 = arith.constant 0 : i32
      scf.yield %scan3A_146 : i32
    }
    %scan3A_80 = arith.constant 20 : i32
    %barrier3A_81 = arith.constant 0 : index
    tpu.barrier barrier_id(%barrier3A_81)
    "tpu.region"() ({
      %run_scoped3A_82 = tpu.sem_alloc : memref<!tpu.dma_semaphore, #tpu.memory_space<semaphore_mem>>
      %dma_start3A_83 = arith.constant 0 : i32
      %dma_start3A_84 = arith.constant 0 : i32
      %dma_start3A_85 = tpu.memref_slice %arg6[%arg0, %dma_start3A_83, %dma_start3A_84] : memref<2x10112x128xf32, #tpu.memory_space<hbm>> -> memref<1x10112x128xf32, #tpu.memory_space<hbm>>
      %dma_start3A_86 = tpu.memref_squeeze %dma_start3A_85 : memref<1x10112x128xf32, #tpu.memory_space<hbm>> -> memref<10112x128xf32, #tpu.memory_space<hbm>>
      %dma_start3A_87 = arith.constant 0 : i32
      %dma_start3A_88 = tpu.memref_slice %dma_start3A_86[%mul3A_2, %dma_start3A_87] : memref<10112x128xf32, #tpu.memory_space<hbm>> -> memref<632x128xf32, #tpu.memory_space<hbm>>
      %dma_start3A_89 = arith.constant 0 : i32
      %dma_start3A_90 = tpu.memref_slice %arg10[%mul3A_2, %dma_start3A_89] : memref<10112x128xf32, #tpu.memory_space<vmem_shared>> -> memref<632x128xf32, #tpu.memory_space<vmem_shared>>
      tpu.enqueue_dma source(%dma_start3A_90 : memref<632x128xf32, #tpu.memory_space<vmem_shared>>) target(%dma_start3A_88 : memref<632x128xf32, #tpu.memory_space<hbm>>) target_semaphore(%run_scoped3A_82 : memref<!tpu.dma_semaphore, #tpu.memory_space<semaphore_mem>>)
      %dma_wait3A = arith.constant 0 : i32
      %dma_wait3A_91 = arith.constant 0 : i32
      %dma_wait3A_92 = tpu.memref_slice %arg6[%arg0, %dma_wait3A, %dma_wait3A_91] : memref<2x10112x128xf32, #tpu.memory_space<hbm>> -> memref<1x10112x128xf32, #tpu.memory_space<hbm>>
      %dma_wait3A_93 = tpu.memref_squeeze %dma_wait3A_92 : memref<1x10112x128xf32, #tpu.memory_space<hbm>> -> memref<10112x128xf32, #tpu.memory_space<hbm>>
      %dma_wait3A_94 = arith.constant 0 : i32
      %dma_wait3A_95 = tpu.memref_slice %dma_wait3A_93[%mul3A_2, %dma_wait3A_94] : memref<10112x128xf32, #tpu.memory_space<hbm>> -> memref<632x128xf32, #tpu.memory_space<hbm>>
      %dma_wait3A_96 = arith.constant 0 : i32
      %dma_wait3A_97 = tpu.memref_slice %arg10[%mul3A_2, %dma_wait3A_96] : memref<10112x128xf32, #tpu.memory_space<vmem_shared>> -> memref<632x128xf32, #tpu.memory_space<vmem_shared>>
      tpu.wait_dma2 semaphore(%run_scoped3A_82 : memref<!tpu.dma_semaphore, #tpu.memory_space<semaphore_mem>>) src(%dma_wait3A_97 : memref<632x128xf32, #tpu.memory_space<vmem_shared>>) dst(%dma_wait3A_95 : memref<632x128xf32, #tpu.memory_space<hbm>>)
      tpu.yield
    }) : () -> ()
    return
  }
}

#map = affine_map<(d0, d1) -> (0, 0)>
#map1 = affine_map<(d0, d1) -> (0, 0, 0)>
module attributes {stable_mosaic.version = 14 : i64} {
  func.func @seg_sum(%arg0: i32, %arg1: i32, %arg2: memref<10000x128xf32, #tpu.memory_space<hbm>>, %arg3: memref<2560x128xi32, #tpu.memory_space<hbm>>, %arg4: memref<2560x128xi32, #tpu.memory_space<hbm>>, %arg5: memref<128x128xf32, #tpu.memory_space<hbm>>, %arg6: memref<2x10112x128xf32, #tpu.memory_space<hbm>>, %arg7: memref<40x128xi32, #tpu.memory_space<vmem>>, %arg8: memref<40x128xi32, #tpu.memory_space<vmem>>, %arg9: memref<2x128x128xf32, #tpu.memory_space<vmem>>, %arg10: memref<10112x128xf32, #tpu.memory_space<vmem_shared>>, %arg11: memref<!tpu.dma_semaphore, #tpu.memory_space<semaphore_mem>>, %arg12: memref<!tpu.dma_semaphore, #tpu.memory_space<semaphore_mem>>, %arg13: memref<!tpu.dma_semaphore, #tpu.memory_space<semaphore_mem>>, %arg14: memref<!tpu.dma_semaphore, #tpu.memory_space<semaphore_mem>>) attributes {dimension_semantics = [#tpu.dimension_semantics<core_parallel>, #tpu.dimension_semantics<subcore_parallel>], iteration_bounds = array<i64: 2, 16>, scalar_prefetch = 0 : i64, scratch_operands = 8 : i64, tpu.core_type = #tpu.core_type<sc_vector_subcore>, window_params = [{transform_indices = #map}, {transform_indices = #map}, {transform_indices = #map}, {transform_indices = #map}, {transform_indices = #map1}]} {
    %mul3A = arith.constant 16 : i32
    %mul3A_0 = arith.muli %arg0, %mul3A : i32
    %add3A = arith.addi %mul3A_0, %arg1 : i32
    %mul3A_1 = arith.constant 632 : i32
    %mul3A_2 = arith.muli %arg1, %mul3A_1 : i32
    %run_scoped3A = arith.constant 0 : i32
    "tpu.region"() ({
      %run_scoped3A_82 = tpu.sem_alloc : memref<!tpu.dma_semaphore, #tpu.memory_space<semaphore_mem>>
      %dma_start3A_83 = arith.constant 0 : i32
      %dma_start3A_84 = arith.constant 0 : i32
      %dma_start3A_85 = tpu.memref_slice %arg9[%run_scoped3A, %dma_start3A_83, %dma_start3A_84] : memref<2x128x128xf32, #tpu.memory_space<vmem>> -> memref<1x128x128xf32, #tpu.memory_space<vmem>>
      %dma_start3A_86 = tpu.memref_squeeze %dma_start3A_85 : memref<1x128x128xf32, #tpu.memory_space<vmem>> -> memref<128x128xf32, #tpu.memory_space<vmem>>
      %dma_start3A_87 = arith.constant 0 : i32
      %dma_start3A_88 = arith.constant 0 : i32
      %dma_start3A_89 = tpu.memref_slice %arg9[%run_scoped3A, %dma_start3A_87, %dma_start3A_88] : memref<2x128x128xf32, #tpu.memory_space<vmem>> -> memref<1x128x128xf32, #tpu.memory_space<vmem>>
      %dma_start3A_90 = tpu.memref_squeeze %dma_start3A_89 : memref<1x128x128xf32, #tpu.memory_space<vmem>> -> memref<128x128xf32, #tpu.memory_space<vmem>>
      tpu.enqueue_dma source(%arg5 : memref<128x128xf32, #tpu.memory_space<hbm>>) target(%dma_start3A_90 : memref<128x128xf32, #tpu.memory_space<vmem>>) target_semaphore(%run_scoped3A_82 : memref<!tpu.dma_semaphore, #tpu.memory_space<semaphore_mem>>)
      %dma_wait3A = arith.constant 0 : i32
      %dma_wait3A_91 = arith.constant 0 : i32
      %dma_wait3A_92 = tpu.memref_slice %arg9[%run_scoped3A, %dma_wait3A, %dma_wait3A_91] : memref<2x128x128xf32, #tpu.memory_space<vmem>> -> memref<1x128x128xf32, #tpu.memory_space<vmem>>
      %dma_wait3A_93 = tpu.memref_squeeze %dma_wait3A_92 : memref<1x128x128xf32, #tpu.memory_space<vmem>> -> memref<128x128xf32, #tpu.memory_space<vmem>>
      %dma_wait3A_94 = arith.constant 0 : i32
      %dma_wait3A_95 = arith.constant 0 : i32
      %dma_wait3A_96 = tpu.memref_slice %arg9[%run_scoped3A, %dma_wait3A_94, %dma_wait3A_95] : memref<2x128x128xf32, #tpu.memory_space<vmem>> -> memref<1x128x128xf32, #tpu.memory_space<vmem>>
      %dma_wait3A_97 = tpu.memref_squeeze %dma_wait3A_96 : memref<1x128x128xf32, #tpu.memory_space<vmem>> -> memref<128x128xf32, #tpu.memory_space<vmem>>
      tpu.wait_dma2 semaphore(%run_scoped3A_82 : memref<!tpu.dma_semaphore, #tpu.memory_space<semaphore_mem>>) src(%arg5 : memref<128x128xf32, #tpu.memory_space<hbm>>) dst(%dma_wait3A_97 : memref<128x128xf32, #tpu.memory_space<vmem>>)
      tpu.yield
    }) : () -> ()
    %scan3A = arith.constant 0 : i32
    %scan3A_3 = arith.constant 0 : i32
    %scan3A_4 = arith.constant 4 : i32
    %scan3A_5 = arith.addi %scan3A_3, %scan3A_4 : i32
    %scan3A_6 = arith.constant 1 : i32
    %scan3A_7 = scf.for %scan3A_82 = %scan3A_3 to %scan3A_5 step %scan3A_6 iter_args(%scan3A_83 = %scan3A) -> (i32)  : i32 {
      %mul3A_84 = arith.constant 128 : i32
      %mul3A_85 = arith.muli %scan3A_82, %mul3A_84 : i32
      %add3A_86 = arith.addi %mul3A_2, %mul3A_85 : i32
      %run_scoped3A_87 = arith.constant 0 : i32
      "tpu.region"() ({
        %run_scoped3A_89 = tpu.sem_alloc : memref<!tpu.dma_semaphore, #tpu.memory_space<semaphore_mem>>
        %dma_start3A_90 = arith.constant 0 : i32
        %dma_start3A_91 = arith.constant 0 : i32
        %dma_start3A_92 = tpu.memref_slice %arg9[%run_scoped3A_87, %dma_start3A_90, %dma_start3A_91] : memref<2x128x128xf32, #tpu.memory_space<vmem>> -> memref<1x128x128xf32, #tpu.memory_space<vmem>>
        %dma_start3A_93 = tpu.memref_squeeze %dma_start3A_92 : memref<1x128x128xf32, #tpu.memory_space<vmem>> -> memref<128x128xf32, #tpu.memory_space<vmem>>
        %dma_start3A_94 = arith.constant 0 : i32
        %dma_start3A_95 = tpu.memref_slice %arg10[%add3A_86, %dma_start3A_94] : memref<10112x128xf32, #tpu.memory_space<vmem_shared>> -> memref<128x128xf32, #tpu.memory_space<vmem_shared>>
        %dma_start3A_96 = arith.constant 0 : i32
        %dma_start3A_97 = tpu.memref_slice %arg10[%add3A_86, %dma_start3A_96] : memref<10112x128xf32, #tpu.memory_space<vmem_shared>> -> memref<128x128xf32, #tpu.memory_space<vmem_shared>>
        %dma_start3A_98 = arith.constant 0 : i32
        %dma_start3A_99 = arith.constant 0 : i32
        %dma_start3A_100 = tpu.memref_slice %arg9[%run_scoped3A_87, %dma_start3A_98, %dma_start3A_99] : memref<2x128x128xf32, #tpu.memory_space<vmem>> -> memref<1x128x128xf32, #tpu.memory_space<vmem>>
        %dma_start3A_101 = tpu.memref_squeeze %dma_start3A_100 : memref<1x128x128xf32, #tpu.memory_space<vmem>> -> memref<128x128xf32, #tpu.memory_space<vmem>>
        tpu.enqueue_dma source(%dma_start3A_101 : memref<128x128xf32, #tpu.memory_space<vmem>>) target(%dma_start3A_97 : memref<128x128xf32, #tpu.memory_space<vmem_shared>>) target_semaphore(%run_scoped3A_89 : memref<!tpu.dma_semaphore, #tpu.memory_space<semaphore_mem>>)
        %dma_wait3A = arith.constant 0 : i32
        %dma_wait3A_102 = arith.constant 0 : i32
        %dma_wait3A_103 = tpu.memref_slice %arg9[%run_scoped3A_87, %dma_wait3A, %dma_wait3A_102] : memref<2x128x128xf32, #tpu.memory_space<vmem>> -> memref<1x128x128xf32, #tpu.memory_space<vmem>>
        %dma_wait3A_104 = tpu.memref_squeeze %dma_wait3A_103 : memref<1x128x128xf32, #tpu.memory_space<vmem>> -> memref<128x128xf32, #tpu.memory_space<vmem>>
        %dma_wait3A_105 = arith.constant 0 : i32
        %dma_wait3A_106 = tpu.memref_slice %arg10[%add3A_86, %dma_wait3A_105] : memref<10112x128xf32, #tpu.memory_space<vmem_shared>> -> memref<128x128xf32, #tpu.memory_space<vmem_shared>>
        %dma_wait3A_107 = arith.constant 0 : i32
        %dma_wait3A_108 = tpu.memref_slice %arg10[%add3A_86, %dma_wait3A_107] : memref<10112x128xf32, #tpu.memory_space<vmem_shared>> -> memref<128x128xf32, #tpu.memory_space<vmem_shared>>
        %dma_wait3A_109 = arith.constant 0 : i32
        %dma_wait3A_110 = arith.constant 0 : i32
        %dma_wait3A_111 = tpu.memref_slice %arg9[%run_scoped3A_87, %dma_wait3A_109, %dma_wait3A_110] : memref<2x128x128xf32, #tpu.memory_space<vmem>> -> memref<1x128x128xf32, #tpu.memory_space<vmem>>
        %dma_wait3A_112 = tpu.memref_squeeze %dma_wait3A_111 : memref<1x128x128xf32, #tpu.memory_space<vmem>> -> memref<128x128xf32, #tpu.memory_space<vmem>>
        tpu.wait_dma2 semaphore(%run_scoped3A_89 : memref<!tpu.dma_semaphore, #tpu.memory_space<semaphore_mem>>) src(%dma_wait3A_112 : memref<128x128xf32, #tpu.memory_space<vmem>>) dst(%dma_wait3A_108 : memref<128x128xf32, #tpu.memory_space<vmem_shared>>)
        tpu.yield
      }) : () -> ()
      %scan3A_88 = arith.constant 0 : i32
      scf.yield %scan3A_88 : i32
    }
    %scan3A_8 = arith.constant 4 : i32
    %add3A_9 = arith.constant 512 : i32
    %add3A_10 = arith.addi %mul3A_2, %add3A_9 : i32
    %run_scoped3A_11 = arith.constant 0 : i32
    "tpu.region"() ({
      %run_scoped3A_82 = tpu.sem_alloc : memref<!tpu.dma_semaphore, #tpu.memory_space<semaphore_mem>>
      %dma_start3A_83 = arith.constant 0 : i32
      %dma_start3A_84 = arith.constant 0 : i32
      %dma_start3A_85 = tpu.memref_slice %arg9[%run_scoped3A_11, %dma_start3A_83, %dma_start3A_84] : memref<2x128x128xf32, #tpu.memory_space<vmem>> -> memref<1x120x128xf32, #tpu.memory_space<vmem>>
      %dma_start3A_86 = tpu.memref_squeeze %dma_start3A_85 : memref<1x120x128xf32, #tpu.memory_space<vmem>> -> memref<120x128xf32, #tpu.memory_space<vmem>>
      %dma_start3A_87 = arith.constant 0 : i32
      %dma_start3A_88 = tpu.memref_slice %arg10[%add3A_10, %dma_start3A_87] : memref<10112x128xf32, #tpu.memory_space<vmem_shared>> -> memref<120x128xf32, #tpu.memory_space<vmem_shared>>
      %dma_start3A_89 = arith.constant 0 : i32
      %dma_start3A_90 = tpu.memref_slice %arg10[%add3A_10, %dma_start3A_89] : memref<10112x128xf32, #tpu.memory_space<vmem_shared>> -> memref<120x128xf32, #tpu.memory_space<vmem_shared>>
      %dma_start3A_91 = arith.constant 0 : i32
      %dma_start3A_92 = arith.constant 0 : i32
      %dma_start3A_93 = tpu.memref_slice %arg9[%run_scoped3A_11, %dma_start3A_91, %dma_start3A_92] : memref<2x128x128xf32, #tpu.memory_space<vmem>> -> memref<1x120x128xf32, #tpu.memory_space<vmem>>
      %dma_start3A_94 = tpu.memref_squeeze %dma_start3A_93 : memref<1x120x128xf32, #tpu.memory_space<vmem>> -> memref<120x128xf32, #tpu.memory_space<vmem>>
      tpu.enqueue_dma source(%dma_start3A_94 : memref<120x128xf32, #tpu.memory_space<vmem>>) target(%dma_start3A_90 : memref<120x128xf32, #tpu.memory_space<vmem_shared>>) target_semaphore(%run_scoped3A_82 : memref<!tpu.dma_semaphore, #tpu.memory_space<semaphore_mem>>)
      %dma_wait3A = arith.constant 0 : i32
      %dma_wait3A_95 = arith.constant 0 : i32
      %dma_wait3A_96 = tpu.memref_slice %arg9[%run_scoped3A_11, %dma_wait3A, %dma_wait3A_95] : memref<2x128x128xf32, #tpu.memory_space<vmem>> -> memref<1x120x128xf32, #tpu.memory_space<vmem>>
      %dma_wait3A_97 = tpu.memref_squeeze %dma_wait3A_96 : memref<1x120x128xf32, #tpu.memory_space<vmem>> -> memref<120x128xf32, #tpu.memory_space<vmem>>
      %dma_wait3A_98 = arith.constant 0 : i32
      %dma_wait3A_99 = tpu.memref_slice %arg10[%add3A_10, %dma_wait3A_98] : memref<10112x128xf32, #tpu.memory_space<vmem_shared>> -> memref<120x128xf32, #tpu.memory_space<vmem_shared>>
      %dma_wait3A_100 = arith.constant 0 : i32
      %dma_wait3A_101 = tpu.memref_slice %arg10[%add3A_10, %dma_wait3A_100] : memref<10112x128xf32, #tpu.memory_space<vmem_shared>> -> memref<120x128xf32, #tpu.memory_space<vmem_shared>>
      %dma_wait3A_102 = arith.constant 0 : i32
      %dma_wait3A_103 = arith.constant 0 : i32
      %dma_wait3A_104 = tpu.memref_slice %arg9[%run_scoped3A_11, %dma_wait3A_102, %dma_wait3A_103] : memref<2x128x128xf32, #tpu.memory_space<vmem>> -> memref<1x120x128xf32, #tpu.memory_space<vmem>>
      %dma_wait3A_105 = tpu.memref_squeeze %dma_wait3A_104 : memref<1x120x128xf32, #tpu.memory_space<vmem>> -> memref<120x128xf32, #tpu.memory_space<vmem>>
      tpu.wait_dma2 semaphore(%run_scoped3A_82 : memref<!tpu.dma_semaphore, #tpu.memory_space<semaphore_mem>>) src(%dma_wait3A_105 : memref<120x128xf32, #tpu.memory_space<vmem>>) dst(%dma_wait3A_101 : memref<120x128xf32, #tpu.memory_space<vmem_shared>>)
      tpu.yield
    }) : () -> ()
    %barrier3A = arith.constant 0 : index
    tpu.barrier barrier_id(%barrier3A)
    %mul3A_12 = arith.constant 80 : i32
    %mul3A_13 = arith.muli %add3A, %mul3A_12 : i32
    %add3A_14 = arith.constant 0 : i32
    %add3A_15 = arith.addi %mul3A_13, %add3A_14 : i32
    "tpu.region"() ({
      %run_scoped3A_82 = tpu.sem_alloc : memref<!tpu.dma_semaphore, #tpu.memory_space<semaphore_mem>>
      %dma_start3A_83 = arith.constant 0 : i32
      %dma_start3A_84 = tpu.memref_slice %arg3[%add3A_15, %dma_start3A_83] : memref<2560x128xi32, #tpu.memory_space<hbm>> -> memref<40x128xi32, #tpu.memory_space<hbm>>
      %dma_start3A_85 = arith.constant 0 : i32
      %dma_start3A_86 = tpu.memref_slice %arg3[%add3A_15, %dma_start3A_85] : memref<2560x128xi32, #tpu.memory_space<hbm>> -> memref<40x128xi32, #tpu.memory_space<hbm>>
      tpu.enqueue_dma source(%dma_start3A_86 : memref<40x128xi32, #tpu.memory_space<hbm>>) target(%arg7 : memref<40x128xi32, #tpu.memory_space<vmem>>) target_semaphore(%run_scoped3A_82 : memref<!tpu.dma_semaphore, #tpu.memory_space<semaphore_mem>>)
      %dma_wait3A = arith.constant 0 : i32
      %dma_wait3A_87 = tpu.memref_slice %arg3[%add3A_15, %dma_wait3A] : memref<2560x128xi32, #tpu.memory_space<hbm>> -> memref<40x128xi32, #tpu.memory_space<hbm>>
      %dma_wait3A_88 = arith.constant 0 : i32
      %dma_wait3A_89 = tpu.memref_slice %arg3[%add3A_15, %dma_wait3A_88] : memref<2560x128xi32, #tpu.memory_space<hbm>> -> memref<40x128xi32, #tpu.memory_space<hbm>>
      tpu.wait_dma2 semaphore(%run_scoped3A_82 : memref<!tpu.dma_semaphore, #tpu.memory_space<semaphore_mem>>) src(%dma_wait3A_89 : memref<40x128xi32, #tpu.memory_space<hbm>>) dst(%arg7 : memref<40x128xi32, #tpu.memory_space<vmem>>)
      tpu.yield
    }) : () -> ()
    "tpu.region"() ({
      %run_scoped3A_82 = tpu.sem_alloc : memref<!tpu.dma_semaphore, #tpu.memory_space<semaphore_mem>>
      %dma_start3A_83 = arith.constant 0 : i32
      %dma_start3A_84 = tpu.memref_slice %arg4[%add3A_15, %dma_start3A_83] : memref<2560x128xi32, #tpu.memory_space<hbm>> -> memref<40x128xi32, #tpu.memory_space<hbm>>
      %dma_start3A_85 = arith.constant 0 : i32
      %dma_start3A_86 = tpu.memref_slice %arg4[%add3A_15, %dma_start3A_85] : memref<2560x128xi32, #tpu.memory_space<hbm>> -> memref<40x128xi32, #tpu.memory_space<hbm>>
      tpu.enqueue_dma source(%dma_start3A_86 : memref<40x128xi32, #tpu.memory_space<hbm>>) target(%arg8 : memref<40x128xi32, #tpu.memory_space<vmem>>) target_semaphore(%run_scoped3A_82 : memref<!tpu.dma_semaphore, #tpu.memory_space<semaphore_mem>>)
      %dma_wait3A = arith.constant 0 : i32
      %dma_wait3A_87 = tpu.memref_slice %arg4[%add3A_15, %dma_wait3A] : memref<2560x128xi32, #tpu.memory_space<hbm>> -> memref<40x128xi32, #tpu.memory_space<hbm>>
      %dma_wait3A_88 = arith.constant 0 : i32
      %dma_wait3A_89 = tpu.memref_slice %arg4[%add3A_15, %dma_wait3A_88] : memref<2560x128xi32, #tpu.memory_space<hbm>> -> memref<40x128xi32, #tpu.memory_space<hbm>>
      tpu.wait_dma2 semaphore(%run_scoped3A_82 : memref<!tpu.dma_semaphore, #tpu.memory_space<semaphore_mem>>) src(%dma_wait3A_89 : memref<40x128xi32, #tpu.memory_space<hbm>>) dst(%arg8 : memref<40x128xi32, #tpu.memory_space<vmem>>)
      tpu.yield
    }) : () -> ()
    %dma_start3A = arith.constant 0 : i32
    %dma_start3A_16 = arith.constant 0 : i32
    %dma_start3A_17 = arith.constant 0 : i32
    %dma_start3A_18 = arith.constant 0 : i32
    %dma_start3A_19 = tpu.memref_slice %arg9[%dma_start3A_16, %dma_start3A_17, %dma_start3A_18] : memref<2x128x128xf32, #tpu.memory_space<vmem>> -> memref<1x64x128xf32, #tpu.memory_space<vmem>>
    %dma_start3A_20 = tpu.memref_squeeze %dma_start3A_19 : memref<1x64x128xf32, #tpu.memory_space<vmem>> -> memref<64x128xf32, #tpu.memory_space<vmem>>
    %dma_start3A_21 = arith.constant 0 : i32
    %dma_start3A_22 = tpu.memref_slice %arg7[%dma_start3A, %dma_start3A_21] : memref<40x128xi32, #tpu.memory_space<vmem>> -> memref<1x64xi32, #tpu.memory_space<vmem>>
    %dma_start3A_23 = tpu.memref_squeeze %dma_start3A_22 : memref<1x64xi32, #tpu.memory_space<vmem>> -> memref<64xi32, #tpu.memory_space<vmem>>
    %dma_start3A_24 = arith.constant 0 : i32
    %dma_start3A_25 = arith.constant 0 : i32
    %dma_start3A_26 = tpu.memref_slice %arg2[%dma_start3A_24, %dma_start3A_25] : memref<10000x128xf32, #tpu.memory_space<hbm>> -> memref<10000x128xf32, #tpu.memory_space<hbm>>
    tpu.enqueue_indirect_dma source(%dma_start3A_26 : memref<10000x128xf32, #tpu.memory_space<hbm>>) target(%dma_start3A_20 : memref<64x128xf32, #tpu.memory_space<vmem>>) offsets(%dma_start3A_23 : memref<64xi32, #tpu.memory_space<vmem>>) semaphore(%arg11 : memref<!tpu.dma_semaphore, #tpu.memory_space<semaphore_mem>>)
    %dma_start3A_27 = arith.constant 0 : i32
    %dma_start3A_28 = arith.constant 0 : i32
    %dma_start3A_29 = arith.constant 64 : i32
    %dma_start3A_30 = arith.constant 0 : i32
    %dma_start3A_31 = tpu.memref_slice %arg9[%dma_start3A_28, %dma_start3A_29, %dma_start3A_30] : memref<2x128x128xf32, #tpu.memory_space<vmem>> -> memref<1x64x128xf32, #tpu.memory_space<vmem>>
    %dma_start3A_32 = tpu.memref_squeeze %dma_start3A_31 : memref<1x64x128xf32, #tpu.memory_space<vmem>> -> memref<64x128xf32, #tpu.memory_space<vmem>>
    %dma_start3A_33 = arith.constant 64 : i32
    %dma_start3A_34 = tpu.memref_slice %arg7[%dma_start3A_27, %dma_start3A_33] : memref<40x128xi32, #tpu.memory_space<vmem>> -> memref<1x64xi32, #tpu.memory_space<vmem>>
    %dma_start3A_35 = tpu.memref_squeeze %dma_start3A_34 : memref<1x64xi32, #tpu.memory_space<vmem>> -> memref<64xi32, #tpu.memory_space<vmem>>
    %dma_start3A_36 = arith.constant 0 : i32
    %dma_start3A_37 = arith.constant 0 : i32
    %dma_start3A_38 = tpu.memref_slice %arg2[%dma_start3A_36, %dma_start3A_37] : memref<10000x128xf32, #tpu.memory_space<hbm>> -> memref<10000x128xf32, #tpu.memory_space<hbm>>
    tpu.enqueue_indirect_dma source(%dma_start3A_38 : memref<10000x128xf32, #tpu.memory_space<hbm>>) target(%dma_start3A_32 : memref<64x128xf32, #tpu.memory_space<vmem>>) offsets(%dma_start3A_35 : memref<64xi32, #tpu.memory_space<vmem>>) semaphore(%arg12 : memref<!tpu.dma_semaphore, #tpu.memory_space<semaphore_mem>>)
    %scan3A_39 = arith.constant 0 : i32
    %scan3A_40 = arith.constant 0 : i32
    %scan3A_41 = arith.constant 20 : i32
    %scan3A_42 = arith.addi %scan3A_40, %scan3A_41 : i32
    %scan3A_43 = arith.constant 1 : i32
    %scan3A_44 = scf.for %scan3A_82 = %scan3A_40 to %scan3A_42 step %scan3A_43 iter_args(%scan3A_83 = %scan3A_39) -> (i32)  : i32 {
      %mul3A_84 = arith.constant 2 : i32
      %mul3A_85 = arith.muli %mul3A_84, %scan3A_82 : i32
      %add3A_86 = arith.constant 1 : i32
      %add3A_87 = arith.addi %mul3A_85, %add3A_86 : i32
      %lt3A = arith.constant 40 : i32
      %lt3A_88 = arith.cmpi slt, %add3A_87, %lt3A : i32
      %convert_element_type3A = arith.extui %lt3A_88 : i1 to i32
      %cond3A = arith.constant 0 : i32
      %cond3A_89 = arith.cmpi ne, %convert_element_type3A, %cond3A : i32
      scf.if %cond3A_89 {
        %add3A_147 = arith.constant 1 : i32
        %add3A_148 = arith.addi %mul3A_85, %add3A_147 : i32
        %dma_start3A_149 = arith.constant 1 : i32
        %dma_start3A_150 = arith.constant 0 : i32
        %dma_start3A_151 = arith.constant 0 : i32
        %dma_start3A_152 = tpu.memref_slice %arg9[%dma_start3A_149, %dma_start3A_150, %dma_start3A_151] : memref<2x128x128xf32, #tpu.memory_space<vmem>> -> memref<1x64x128xf32, #tpu.memory_space<vmem>>
        %dma_start3A_153 = tpu.memref_squeeze %dma_start3A_152 : memref<1x64x128xf32, #tpu.memory_space<vmem>> -> memref<64x128xf32, #tpu.memory_space<vmem>>
        %dma_start3A_154 = arith.constant 0 : i32
        %dma_start3A_155 = tpu.memref_slice %arg7[%add3A_148, %dma_start3A_154] : memref<40x128xi32, #tpu.memory_space<vmem>> -> memref<1x64xi32, #tpu.memory_space<vmem>>
        %dma_start3A_156 = tpu.memref_squeeze %dma_start3A_155 : memref<1x64xi32, #tpu.memory_space<vmem>> -> memref<64xi32, #tpu.memory_space<vmem>>
        %dma_start3A_157 = arith.constant 0 : i32
        %dma_start3A_158 = arith.constant 0 : i32
        %dma_start3A_159 = tpu.memref_slice %arg2[%dma_start3A_157, %dma_start3A_158] : memref<10000x128xf32, #tpu.memory_space<hbm>> -> memref<10000x128xf32, #tpu.memory_space<hbm>>
        tpu.enqueue_indirect_dma source(%dma_start3A_159 : memref<10000x128xf32, #tpu.memory_space<hbm>>) target(%dma_start3A_153 : memref<64x128xf32, #tpu.memory_space<vmem>>) offsets(%dma_start3A_156 : memref<64xi32, #tpu.memory_space<vmem>>) semaphore(%arg13 : memref<!tpu.dma_semaphore, #tpu.memory_space<semaphore_mem>>)
        %dma_start3A_160 = arith.constant 1 : i32
        %dma_start3A_161 = arith.constant 64 : i32
        %dma_start3A_162 = arith.constant 0 : i32
        %dma_start3A_163 = tpu.memref_slice %arg9[%dma_start3A_160, %dma_start3A_161, %dma_start3A_162] : memref<2x128x128xf32, #tpu.memory_space<vmem>> -> memref<1x64x128xf32, #tpu.memory_space<vmem>>
        %dma_start3A_164 = tpu.memref_squeeze %dma_start3A_163 : memref<1x64x128xf32, #tpu.memory_space<vmem>> -> memref<64x128xf32, #tpu.memory_space<vmem>>
        %dma_start3A_165 = arith.constant 64 : i32
        %dma_start3A_166 = tpu.memref_slice %arg7[%add3A_148, %dma_start3A_165] : memref<40x128xi32, #tpu.memory_space<vmem>> -> memref<1x64xi32, #tpu.memory_space<vmem>>
        %dma_start3A_167 = tpu.memref_squeeze %dma_start3A_166 : memref<1x64xi32, #tpu.memory_space<vmem>> -> memref<64xi32, #tpu.memory_space<vmem>>
        %dma_start3A_168 = arith.constant 0 : i32
        %dma_start3A_169 = arith.constant 0 : i32
        %dma_start3A_170 = tpu.memref_slice %arg2[%dma_start3A_168, %dma_start3A_169] : memref<10000x128xf32, #tpu.memory_space<hbm>> -> memref<10000x128xf32, #tpu.memory_space<hbm>>
        tpu.enqueue_indirect_dma source(%dma_start3A_170 : memref<10000x128xf32, #tpu.memory_space<hbm>>) target(%dma_start3A_164 : memref<64x128xf32, #tpu.memory_space<vmem>>) offsets(%dma_start3A_167 : memref<64xi32, #tpu.memory_space<vmem>>) semaphore(%arg14 : memref<!tpu.dma_semaphore, #tpu.memory_space<semaphore_mem>>)
      } else {
      }
      %dma_wait3A = arith.constant 0 : i32
      %dma_wait3A_90 = arith.constant 0 : i32
      %dma_wait3A_91 = arith.constant 0 : i32
      %dma_wait3A_92 = tpu.memref_slice %arg9[%dma_wait3A, %dma_wait3A_90, %dma_wait3A_91] : memref<2x128x128xf32, #tpu.memory_space<vmem>> -> memref<1x64x128xf32, #tpu.memory_space<vmem>>
      %dma_wait3A_93 = tpu.memref_squeeze %dma_wait3A_92 : memref<1x64x128xf32, #tpu.memory_space<vmem>> -> memref<64x128xf32, #tpu.memory_space<vmem>>
      %dma_wait3A_94 = arith.constant 0 : i32
      %dma_wait3A_95 = tpu.memref_slice %arg7[%mul3A_85, %dma_wait3A_94] : memref<40x128xi32, #tpu.memory_space<vmem>> -> memref<1x64xi32, #tpu.memory_space<vmem>>
      %dma_wait3A_96 = tpu.memref_squeeze %dma_wait3A_95 : memref<1x64xi32, #tpu.memory_space<vmem>> -> memref<64xi32, #tpu.memory_space<vmem>>
      %dma_wait3A_97 = arith.constant 0 : i32
      %dma_wait3A_98 = arith.constant 0 : i32
      %dma_wait3A_99 = tpu.memref_slice %arg2[%dma_wait3A_97, %dma_wait3A_98] : memref<10000x128xf32, #tpu.memory_space<hbm>> -> memref<10000x128xf32, #tpu.memory_space<hbm>>
      tpu.wait_indirect_dma semaphore(%arg11 : memref<!tpu.dma_semaphore, #tpu.memory_space<semaphore_mem>>) src(%dma_wait3A_99 : memref<10000x128xf32, #tpu.memory_space<hbm>>) dst(%dma_wait3A_93 : memref<64x128xf32, #tpu.memory_space<vmem>>)
      %dma_wait3A_100 = arith.constant 0 : i32
      %dma_wait3A_101 = arith.constant 64 : i32
      %dma_wait3A_102 = arith.constant 0 : i32
      %dma_wait3A_103 = tpu.memref_slice %arg9[%dma_wait3A_100, %dma_wait3A_101, %dma_wait3A_102] : memref<2x128x128xf32, #tpu.memory_space<vmem>> -> memref<1x64x128xf32, #tpu.memory_space<vmem>>
      %dma_wait3A_104 = tpu.memref_squeeze %dma_wait3A_103 : memref<1x64x128xf32, #tpu.memory_space<vmem>> -> memref<64x128xf32, #tpu.memory_space<vmem>>
      %dma_wait3A_105 = arith.constant 64 : i32
      %dma_wait3A_106 = tpu.memref_slice %arg7[%mul3A_85, %dma_wait3A_105] : memref<40x128xi32, #tpu.memory_space<vmem>> -> memref<1x64xi32, #tpu.memory_space<vmem>>
      %dma_wait3A_107 = tpu.memref_squeeze %dma_wait3A_106 : memref<1x64xi32, #tpu.memory_space<vmem>> -> memref<64xi32, #tpu.memory_space<vmem>>
      %dma_wait3A_108 = arith.constant 0 : i32
      %dma_wait3A_109 = arith.constant 0 : i32
      %dma_wait3A_110 = tpu.memref_slice %arg2[%dma_wait3A_108, %dma_wait3A_109] : memref<10000x128xf32, #tpu.memory_space<hbm>> -> memref<10000x128xf32, #tpu.memory_space<hbm>>
      tpu.wait_indirect_dma semaphore(%arg12 : memref<!tpu.dma_semaphore, #tpu.memory_space<semaphore_mem>>) src(%dma_wait3A_110 : memref<10000x128xf32, #tpu.memory_space<hbm>>) dst(%dma_wait3A_104 : memref<64x128xf32, #tpu.memory_space<vmem>>)
      %run_scoped3A_111 = arith.constant 0 : i32
      "tpu.region"() ({
        %run_scoped3A_147 = tpu.sem_alloc : memref<!tpu.dma_semaphore, #tpu.memory_space<semaphore_mem>>
        %dma_start3A_148 = arith.constant 0 : i32
        %dma_start3A_149 = arith.constant 0 : i32
        %dma_start3A_150 = tpu.memref_slice %arg9[%run_scoped3A_111, %dma_start3A_148, %dma_start3A_149] : memref<2x128x128xf32, #tpu.memory_space<vmem>> -> memref<1x128x128xf32, #tpu.memory_space<vmem>>
        %dma_start3A_151 = tpu.memref_squeeze %dma_start3A_150 : memref<1x128x128xf32, #tpu.memory_space<vmem>> -> memref<128x128xf32, #tpu.memory_space<vmem>>
        %dma_start3A_152 = arith.constant 0 : i32
        %dma_start3A_153 = tpu.memref_slice %arg8[%mul3A_85, %dma_start3A_152] : memref<40x128xi32, #tpu.memory_space<vmem>> -> memref<1x128xi32, #tpu.memory_space<vmem>>
        %dma_start3A_154 = tpu.memref_squeeze %dma_start3A_153 : memref<1x128xi32, #tpu.memory_space<vmem>> -> memref<128xi32, #tpu.memory_space<vmem>>
        %dma_start3A_155 = arith.constant 0 : i32
        %dma_start3A_156 = arith.constant 0 : i32
        %dma_start3A_157 = tpu.memref_slice %arg10[%dma_start3A_155, %dma_start3A_156] : memref<10112x128xf32, #tpu.memory_space<vmem_shared>> -> memref<10112x128xf32, #tpu.memory_space<vmem_shared>>
        tpu.enqueue_indirect_dma source(%dma_start3A_151 : memref<128x128xf32, #tpu.memory_space<vmem>>) target(%dma_start3A_157 : memref<10112x128xf32, #tpu.memory_space<vmem_shared>>) offsets(%dma_start3A_154 : memref<128xi32, #tpu.memory_space<vmem>>) semaphore(%run_scoped3A_147 : memref<!tpu.dma_semaphore, #tpu.memory_space<semaphore_mem>>) {add = true}
        %dma_wait3A_158 = arith.constant 0 : i32
        %dma_wait3A_159 = arith.constant 0 : i32
        %dma_wait3A_160 = tpu.memref_slice %arg9[%run_scoped3A_111, %dma_wait3A_158, %dma_wait3A_159] : memref<2x128x128xf32, #tpu.memory_space<vmem>> -> memref<1x128x128xf32, #tpu.memory_space<vmem>>
        %dma_wait3A_161 = tpu.memref_squeeze %dma_wait3A_160 : memref<1x128x128xf32, #tpu.memory_space<vmem>> -> memref<128x128xf32, #tpu.memory_space<vmem>>
        %dma_wait3A_162 = arith.constant 0 : i32
        %dma_wait3A_163 = tpu.memref_slice %arg8[%mul3A_85, %dma_wait3A_162] : memref<40x128xi32, #tpu.memory_space<vmem>> -> memref<1x128xi32, #tpu.memory_space<vmem>>
        %dma_wait3A_164 = tpu.memref_squeeze %dma_wait3A_163 : memref<1x128xi32, #tpu.memory_space<vmem>> -> memref<128xi32, #tpu.memory_space<vmem>>
        %dma_wait3A_165 = arith.constant 0 : i32
        %dma_wait3A_166 = arith.constant 0 : i32
        %dma_wait3A_167 = tpu.memref_slice %arg10[%dma_wait3A_165, %dma_wait3A_166] : memref<10112x128xf32, #tpu.memory_space<vmem_shared>> -> memref<10112x128xf32, #tpu.memory_space<vmem_shared>>
        tpu.wait_indirect_dma semaphore(%run_scoped3A_147 : memref<!tpu.dma_semaphore, #tpu.memory_space<semaphore_mem>>) src(%dma_wait3A_161 : memref<128x128xf32, #tpu.memory_space<vmem>>) dst(%dma_wait3A_167 : memref<10112x128xf32, #tpu.memory_space<vmem_shared>>)
        tpu.yield
      }) : () -> ()
      %mul3A_112 = arith.constant 2 : i32
      %mul3A_113 = arith.muli %mul3A_112, %scan3A_82 : i32
      %add3A_114 = arith.constant 1 : i32
      %add3A_115 = arith.addi %mul3A_113, %add3A_114 : i32
      %add3A_116 = arith.constant 1 : i32
      %add3A_117 = arith.addi %add3A_115, %add3A_116 : i32
      %lt3A_118 = arith.constant 40 : i32
      %lt3A_119 = arith.cmpi slt, %add3A_117, %lt3A_118 : i32
      %convert_element_type3A_120 = arith.extui %lt3A_119 : i1 to i32
      %cond3A_121 = arith.constant 0 : i32
      %cond3A_122 = arith.cmpi ne, %convert_element_type3A_120, %cond3A_121 : i32
      scf.if %cond3A_122 {
        %add3A_147 = arith.constant 1 : i32
        %add3A_148 = arith.addi %add3A_115, %add3A_147 : i32
        %dma_start3A_149 = arith.constant 0 : i32
        %dma_start3A_150 = arith.constant 0 : i32
        %dma_start3A_151 = arith.constant 0 : i32
        %dma_start3A_152 = tpu.memref_slice %arg9[%dma_start3A_149, %dma_start3A_150, %dma_start3A_151] : memref<2x128x128xf32, #tpu.memory_space<vmem>> -> memref<1x64x128xf32, #tpu.memory_space<vmem>>
        %dma_start3A_153 = tpu.memref_squeeze %dma_start3A_152 : memref<1x64x128xf32, #tpu.memory_space<vmem>> -> memref<64x128xf32, #tpu.memory_space<vmem>>
        %dma_start3A_154 = arith.constant 0 : i32
        %dma_start3A_155 = tpu.memref_slice %arg7[%add3A_148, %dma_start3A_154] : memref<40x128xi32, #tpu.memory_space<vmem>> -> memref<1x64xi32, #tpu.memory_space<vmem>>
        %dma_start3A_156 = tpu.memref_squeeze %dma_start3A_155 : memref<1x64xi32, #tpu.memory_space<vmem>> -> memref<64xi32, #tpu.memory_space<vmem>>
        %dma_start3A_157 = arith.constant 0 : i32
        %dma_start3A_158 = arith.constant 0 : i32
        %dma_start3A_159 = tpu.memref_slice %arg2[%dma_start3A_157, %dma_start3A_158] : memref<10000x128xf32, #tpu.memory_space<hbm>> -> memref<10000x128xf32, #tpu.memory_space<hbm>>
        tpu.enqueue_indirect_dma source(%dma_start3A_159 : memref<10000x128xf32, #tpu.memory_space<hbm>>) target(%dma_start3A_153 : memref<64x128xf32, #tpu.memory_space<vmem>>) offsets(%dma_start3A_156 : memref<64xi32, #tpu.memory_space<vmem>>) semaphore(%arg11 : memref<!tpu.dma_semaphore, #tpu.memory_space<semaphore_mem>>)
        %dma_start3A_160 = arith.constant 0 : i32
        %dma_start3A_161 = arith.constant 64 : i32
        %dma_start3A_162 = arith.constant 0 : i32
        %dma_start3A_163 = tpu.memref_slice %arg9[%dma_start3A_160, %dma_start3A_161, %dma_start3A_162] : memref<2x128x128xf32, #tpu.memory_space<vmem>> -> memref<1x64x128xf32, #tpu.memory_space<vmem>>
        %dma_start3A_164 = tpu.memref_squeeze %dma_start3A_163 : memref<1x64x128xf32, #tpu.memory_space<vmem>> -> memref<64x128xf32, #tpu.memory_space<vmem>>
        %dma_start3A_165 = arith.constant 64 : i32
        %dma_start3A_166 = tpu.memref_slice %arg7[%add3A_148, %dma_start3A_165] : memref<40x128xi32, #tpu.memory_space<vmem>> -> memref<1x64xi32, #tpu.memory_space<vmem>>
        %dma_start3A_167 = tpu.memref_squeeze %dma_start3A_166 : memref<1x64xi32, #tpu.memory_space<vmem>> -> memref<64xi32, #tpu.memory_space<vmem>>
        %dma_start3A_168 = arith.constant 0 : i32
        %dma_start3A_169 = arith.constant 0 : i32
        %dma_start3A_170 = tpu.memref_slice %arg2[%dma_start3A_168, %dma_start3A_169] : memref<10000x128xf32, #tpu.memory_space<hbm>> -> memref<10000x128xf32, #tpu.memory_space<hbm>>
        tpu.enqueue_indirect_dma source(%dma_start3A_170 : memref<10000x128xf32, #tpu.memory_space<hbm>>) target(%dma_start3A_164 : memref<64x128xf32, #tpu.memory_space<vmem>>) offsets(%dma_start3A_167 : memref<64xi32, #tpu.memory_space<vmem>>) semaphore(%arg12 : memref<!tpu.dma_semaphore, #tpu.memory_space<semaphore_mem>>)
      } else {
      }
      %dma_wait3A_123 = arith.constant 1 : i32
      %dma_wait3A_124 = arith.constant 0 : i32
      %dma_wait3A_125 = arith.constant 0 : i32
      %dma_wait3A_126 = tpu.memref_slice %arg9[%dma_wait3A_123, %dma_wait3A_124, %dma_wait3A_125] : memref<2x128x128xf32, #tpu.memory_space<vmem>> -> memref<1x64x128xf32, #tpu.memory_space<vmem>>
      %dma_wait3A_127 = tpu.memref_squeeze %dma_wait3A_126 : memref<1x64x128xf32, #tpu.memory_space<vmem>> -> memref<64x128xf32, #tpu.memory_space<vmem>>
      %dma_wait3A_128 = arith.constant 0 : i32
      %dma_wait3A_129 = tpu.memref_slice %arg7[%add3A_115, %dma_wait3A_128] : memref<40x128xi32, #tpu.memory_space<vmem>> -> memref<1x64xi32, #tpu.memory_space<vmem>>
      %dma_wait3A_130 = tpu.memref_squeeze %dma_wait3A_129 : memref<1x64xi32, #tpu.memory_space<vmem>> -> memref<64xi32, #tpu.memory_space<vmem>>
      %dma_wait3A_131 = arith.constant 0 : i32
      %dma_wait3A_132 = arith.constant 0 : i32
      %dma_wait3A_133 = tpu.memref_slice %arg2[%dma_wait3A_131, %dma_wait3A_132] : memref<10000x128xf32, #tpu.memory_space<hbm>> -> memref<10000x128xf32, #tpu.memory_space<hbm>>
      tpu.wait_indirect_dma semaphore(%arg13 : memref<!tpu.dma_semaphore, #tpu.memory_space<semaphore_mem>>) src(%dma_wait3A_133 : memref<10000x128xf32, #tpu.memory_space<hbm>>) dst(%dma_wait3A_127 : memref<64x128xf32, #tpu.memory_space<vmem>>)
      %dma_wait3A_134 = arith.constant 1 : i32
      %dma_wait3A_135 = arith.constant 64 : i32
      %dma_wait3A_136 = arith.constant 0 : i32
      %dma_wait3A_137 = tpu.memref_slice %arg9[%dma_wait3A_134, %dma_wait3A_135, %dma_wait3A_136] : memref<2x128x128xf32, #tpu.memory_space<vmem>> -> memref<1x64x128xf32, #tpu.memory_space<vmem>>
      %dma_wait3A_138 = tpu.memref_squeeze %dma_wait3A_137 : memref<1x64x128xf32, #tpu.memory_space<vmem>> -> memref<64x128xf32, #tpu.memory_space<vmem>>
      %dma_wait3A_139 = arith.constant 64 : i32
      %dma_wait3A_140 = tpu.memref_slice %arg7[%add3A_115, %dma_wait3A_139] : memref<40x128xi32, #tpu.memory_space<vmem>> -> memref<1x64xi32, #tpu.memory_space<vmem>>
      %dma_wait3A_141 = tpu.memref_squeeze %dma_wait3A_140 : memref<1x64xi32, #tpu.memory_space<vmem>> -> memref<64xi32, #tpu.memory_space<vmem>>
      %dma_wait3A_142 = arith.constant 0 : i32
      %dma_wait3A_143 = arith.constant 0 : i32
      %dma_wait3A_144 = tpu.memref_slice %arg2[%dma_wait3A_142, %dma_wait3A_143] : memref<10000x128xf32, #tpu.memory_space<hbm>> -> memref<10000x128xf32, #tpu.memory_space<hbm>>
      tpu.wait_indirect_dma semaphore(%arg14 : memref<!tpu.dma_semaphore, #tpu.memory_space<semaphore_mem>>) src(%dma_wait3A_144 : memref<10000x128xf32, #tpu.memory_space<hbm>>) dst(%dma_wait3A_138 : memref<64x128xf32, #tpu.memory_space<vmem>>)
      %run_scoped3A_145 = arith.constant 1 : i32
      "tpu.region"() ({
        %run_scoped3A_147 = tpu.sem_alloc : memref<!tpu.dma_semaphore, #tpu.memory_space<semaphore_mem>>
        %dma_start3A_148 = arith.constant 0 : i32
        %dma_start3A_149 = arith.constant 0 : i32
        %dma_start3A_150 = tpu.memref_slice %arg9[%run_scoped3A_145, %dma_start3A_148, %dma_start3A_149] : memref<2x128x128xf32, #tpu.memory_space<vmem>> -> memref<1x128x128xf32, #tpu.memory_space<vmem>>
        %dma_start3A_151 = tpu.memref_squeeze %dma_start3A_150 : memref<1x128x128xf32, #tpu.memory_space<vmem>> -> memref<128x128xf32, #tpu.memory_space<vmem>>
        %dma_start3A_152 = arith.constant 0 : i32
        %dma_start3A_153 = tpu.memref_slice %arg8[%add3A_115, %dma_start3A_152] : memref<40x128xi32, #tpu.memory_space<vmem>> -> memref<1x128xi32, #tpu.memory_space<vmem>>
        %dma_start3A_154 = tpu.memref_squeeze %dma_start3A_153 : memref<1x128xi32, #tpu.memory_space<vmem>> -> memref<128xi32, #tpu.memory_space<vmem>>
        %dma_start3A_155 = arith.constant 0 : i32
        %dma_start3A_156 = arith.constant 0 : i32
        %dma_start3A_157 = tpu.memref_slice %arg10[%dma_start3A_155, %dma_start3A_156] : memref<10112x128xf32, #tpu.memory_space<vmem_shared>> -> memref<10112x128xf32, #tpu.memory_space<vmem_shared>>
        tpu.enqueue_indirect_dma source(%dma_start3A_151 : memref<128x128xf32, #tpu.memory_space<vmem>>) target(%dma_start3A_157 : memref<10112x128xf32, #tpu.memory_space<vmem_shared>>) offsets(%dma_start3A_154 : memref<128xi32, #tpu.memory_space<vmem>>) semaphore(%run_scoped3A_147 : memref<!tpu.dma_semaphore, #tpu.memory_space<semaphore_mem>>) {add = true}
        %dma_wait3A_158 = arith.constant 0 : i32
        %dma_wait3A_159 = arith.constant 0 : i32
        %dma_wait3A_160 = tpu.memref_slice %arg9[%run_scoped3A_145, %dma_wait3A_158, %dma_wait3A_159] : memref<2x128x128xf32, #tpu.memory_space<vmem>> -> memref<1x128x128xf32, #tpu.memory_space<vmem>>
        %dma_wait3A_161 = tpu.memref_squeeze %dma_wait3A_160 : memref<1x128x128xf32, #tpu.memory_space<vmem>> -> memref<128x128xf32, #tpu.memory_space<vmem>>
        %dma_wait3A_162 = arith.constant 0 : i32
        %dma_wait3A_163 = tpu.memref_slice %arg8[%add3A_115, %dma_wait3A_162] : memref<40x128xi32, #tpu.memory_space<vmem>> -> memref<1x128xi32, #tpu.memory_space<vmem>>
        %dma_wait3A_164 = tpu.memref_squeeze %dma_wait3A_163 : memref<1x128xi32, #tpu.memory_space<vmem>> -> memref<128xi32, #tpu.memory_space<vmem>>
        %dma_wait3A_165 = arith.constant 0 : i32
        %dma_wait3A_166 = arith.constant 0 : i32
        %dma_wait3A_167 = tpu.memref_slice %arg10[%dma_wait3A_165, %dma_wait3A_166] : memref<10112x128xf32, #tpu.memory_space<vmem_shared>> -> memref<10112x128xf32, #tpu.memory_space<vmem_shared>>
        tpu.wait_indirect_dma semaphore(%run_scoped3A_147 : memref<!tpu.dma_semaphore, #tpu.memory_space<semaphore_mem>>) src(%dma_wait3A_161 : memref<128x128xf32, #tpu.memory_space<vmem>>) dst(%dma_wait3A_167 : memref<10112x128xf32, #tpu.memory_space<vmem_shared>>)
        tpu.yield
      }) : () -> ()
      %scan3A_146 = arith.constant 0 : i32
      scf.yield %scan3A_146 : i32
    }
    %scan3A_45 = arith.constant 20 : i32
    %mul3A_46 = arith.constant 80 : i32
    %mul3A_47 = arith.muli %add3A, %mul3A_46 : i32
    %add3A_48 = arith.constant 40 : i32
    %add3A_49 = arith.addi %mul3A_47, %add3A_48 : i32
    "tpu.region"() ({
      %run_scoped3A_82 = tpu.sem_alloc : memref<!tpu.dma_semaphore, #tpu.memory_space<semaphore_mem>>
      %dma_start3A_83 = arith.constant 0 : i32
      %dma_start3A_84 = tpu.memref_slice %arg3[%add3A_49, %dma_start3A_83] : memref<2560x128xi32, #tpu.memory_space<hbm>> -> memref<40x128xi32, #tpu.memory_space<hbm>>
      %dma_start3A_85 = arith.constant 0 : i32
      %dma_start3A_86 = tpu.memref_slice %arg3[%add3A_49, %dma_start3A_85] : memref<2560x128xi32, #tpu.memory_space<hbm>> -> memref<40x128xi32, #tpu.memory_space<hbm>>
      tpu.enqueue_dma source(%dma_start3A_86 : memref<40x128xi32, #tpu.memory_space<hbm>>) target(%arg7 : memref<40x128xi32, #tpu.memory_space<vmem>>) target_semaphore(%run_scoped3A_82 : memref<!tpu.dma_semaphore, #tpu.memory_space<semaphore_mem>>)
      %dma_wait3A = arith.constant 0 : i32
      %dma_wait3A_87 = tpu.memref_slice %arg3[%add3A_49, %dma_wait3A] : memref<2560x128xi32, #tpu.memory_space<hbm>> -> memref<40x128xi32, #tpu.memory_space<hbm>>
      %dma_wait3A_88 = arith.constant 0 : i32
      %dma_wait3A_89 = tpu.memref_slice %arg3[%add3A_49, %dma_wait3A_88] : memref<2560x128xi32, #tpu.memory_space<hbm>> -> memref<40x128xi32, #tpu.memory_space<hbm>>
      tpu.wait_dma2 semaphore(%run_scoped3A_82 : memref<!tpu.dma_semaphore, #tpu.memory_space<semaphore_mem>>) src(%dma_wait3A_89 : memref<40x128xi32, #tpu.memory_space<hbm>>) dst(%arg7 : memref<40x128xi32, #tpu.memory_space<vmem>>)
      tpu.yield
    }) : () -> ()
    "tpu.region"() ({
      %run_scoped3A_82 = tpu.sem_alloc : memref<!tpu.dma_semaphore, #tpu.memory_space<semaphore_mem>>
      %dma_start3A_83 = arith.constant 0 : i32
      %dma_start3A_84 = tpu.memref_slice %arg4[%add3A_49, %dma_start3A_83] : memref<2560x128xi32, #tpu.memory_space<hbm>> -> memref<40x128xi32, #tpu.memory_space<hbm>>
      %dma_start3A_85 = arith.constant 0 : i32
      %dma_start3A_86 = tpu.memref_slice %arg4[%add3A_49, %dma_start3A_85] : memref<2560x128xi32, #tpu.memory_space<hbm>> -> memref<40x128xi32, #tpu.memory_space<hbm>>
      tpu.enqueue_dma source(%dma_start3A_86 : memref<40x128xi32, #tpu.memory_space<hbm>>) target(%arg8 : memref<40x128xi32, #tpu.memory_space<vmem>>) target_semaphore(%run_scoped3A_82 : memref<!tpu.dma_semaphore, #tpu.memory_space<semaphore_mem>>)
      %dma_wait3A = arith.constant 0 : i32
      %dma_wait3A_87 = tpu.memref_slice %arg4[%add3A_49, %dma_wait3A] : memref<2560x128xi32, #tpu.memory_space<hbm>> -> memref<40x128xi32, #tpu.memory_space<hbm>>
      %dma_wait3A_88 = arith.constant 0 : i32
      %dma_wait3A_89 = tpu.memref_slice %arg4[%add3A_49, %dma_wait3A_88] : memref<2560x128xi32, #tpu.memory_space<hbm>> -> memref<40x128xi32, #tpu.memory_space<hbm>>
      tpu.wait_dma2 semaphore(%run_scoped3A_82 : memref<!tpu.dma_semaphore, #tpu.memory_space<semaphore_mem>>) src(%dma_wait3A_89 : memref<40x128xi32, #tpu.memory_space<hbm>>) dst(%arg8 : memref<40x128xi32, #tpu.memory_space<vmem>>)
      tpu.yield
    }) : () -> ()
    %dma_start3A_50 = arith.constant 0 : i32
    %dma_start3A_51 = arith.constant 0 : i32
    %dma_start3A_52 = arith.constant 0 : i32
    %dma_start3A_53 = arith.constant 0 : i32
    %dma_start3A_54 = tpu.memref_slice %arg9[%dma_start3A_51, %dma_start3A_52, %dma_start3A_53] : memref<2x128x128xf32, #tpu.memory_space<vmem>> -> memref<1x64x128xf32, #tpu.memory_space<vmem>>
    %dma_start3A_55 = tpu.memref_squeeze %dma_start3A_54 : memref<1x64x128xf32, #tpu.memory_space<vmem>> -> memref<64x128xf32, #tpu.memory_space<vmem>>
    %dma_start3A_56 = arith.constant 0 : i32
    %dma_start3A_57 = tpu.memref_slice %arg7[%dma_start3A_50, %dma_start3A_56] : memref<40x128xi32, #tpu.memory_space<vmem>> -> memref<1x64xi32, #tpu.memory_space<vmem>>
    %dma_start3A_58 = tpu.memref_squeeze %dma_start3A_57 : memref<1x64xi32, #tpu.memory_space<vmem>> -> memref<64xi32, #tpu.memory_space<vmem>>
    %dma_start3A_59 = arith.constant 0 : i32
    %dma_start3A_60 = arith.constant 0 : i32
    %dma_start3A_61 = tpu.memref_slice %arg2[%dma_start3A_59, %dma_start3A_60] : memref<10000x128xf32, #tpu.memory_space<hbm>> -> memref<10000x128xf32, #tpu.memory_space<hbm>>
    tpu.enqueue_indirect_dma source(%dma_start3A_61 : memref<10000x128xf32, #tpu.memory_space<hbm>>) target(%dma_start3A_55 : memref<64x128xf32, #tpu.memory_space<vmem>>) offsets(%dma_start3A_58 : memref<64xi32, #tpu.memory_space<vmem>>) semaphore(%arg11 : memref<!tpu.dma_semaphore, #tpu.memory_space<semaphore_mem>>)
    %dma_start3A_62 = arith.constant 0 : i32
    %dma_start3A_63 = arith.constant 0 : i32
    %dma_start3A_64 = arith.constant 64 : i32
    %dma_start3A_65 = arith.constant 0 : i32
    %dma_start3A_66 = tpu.memref_slice %arg9[%dma_start3A_63, %dma_start3A_64, %dma_start3A_65] : memref<2x128x128xf32, #tpu.memory_space<vmem>> -> memref<1x64x128xf32, #tpu.memory_space<vmem>>
    %dma_start3A_67 = tpu.memref_squeeze %dma_start3A_66 : memref<1x64x128xf32, #tpu.memory_space<vmem>> -> memref<64x128xf32, #tpu.memory_space<vmem>>
    %dma_start3A_68 = arith.constant 64 : i32
    %dma_start3A_69 = tpu.memref_slice %arg7[%dma_start3A_62, %dma_start3A_68] : memref<40x128xi32, #tpu.memory_space<vmem>> -> memref<1x64xi32, #tpu.memory_space<vmem>>
    %dma_start3A_70 = tpu.memref_squeeze %dma_start3A_69 : memref<1x64xi32, #tpu.memory_space<vmem>> -> memref<64xi32, #tpu.memory_space<vmem>>
    %dma_start3A_71 = arith.constant 0 : i32
    %dma_start3A_72 = arith.constant 0 : i32
    %dma_start3A_73 = tpu.memref_slice %arg2[%dma_start3A_71, %dma_start3A_72] : memref<10000x128xf32, #tpu.memory_space<hbm>> -> memref<10000x128xf32, #tpu.memory_space<hbm>>
    tpu.enqueue_indirect_dma source(%dma_start3A_73 : memref<10000x128xf32, #tpu.memory_space<hbm>>) target(%dma_start3A_67 : memref<64x128xf32, #tpu.memory_space<vmem>>) offsets(%dma_start3A_70 : memref<64xi32, #tpu.memory_space<vmem>>) semaphore(%arg12 : memref<!tpu.dma_semaphore, #tpu.memory_space<semaphore_mem>>)
    %scan3A_74 = arith.constant 0 : i32
    %scan3A_75 = arith.constant 0 : i32
    %scan3A_76 = arith.constant 20 : i32
    %scan3A_77 = arith.addi %scan3A_75, %scan3A_76 : i32
    %scan3A_78 = arith.constant 1 : i32
    %scan3A_79 = scf.for %scan3A_82 = %scan3A_75 to %scan3A_77 step %scan3A_78 iter_args(%scan3A_83 = %scan3A_74) -> (i32)  : i32 {
      %mul3A_84 = arith.constant 2 : i32
      %mul3A_85 = arith.muli %mul3A_84, %scan3A_82 : i32
      %add3A_86 = arith.constant 1 : i32
      %add3A_87 = arith.addi %mul3A_85, %add3A_86 : i32
      %lt3A = arith.constant 40 : i32
      %lt3A_88 = arith.cmpi slt, %add3A_87, %lt3A : i32
      %convert_element_type3A = arith.extui %lt3A_88 : i1 to i32
      %cond3A = arith.constant 0 : i32
      %cond3A_89 = arith.cmpi ne, %convert_element_type3A, %cond3A : i32
      scf.if %cond3A_89 {
        %add3A_147 = arith.constant 1 : i32
        %add3A_148 = arith.addi %mul3A_85, %add3A_147 : i32
        %dma_start3A_149 = arith.constant 1 : i32
        %dma_start3A_150 = arith.constant 0 : i32
        %dma_start3A_151 = arith.constant 0 : i32
        %dma_start3A_152 = tpu.memref_slice %arg9[%dma_start3A_149, %dma_start3A_150, %dma_start3A_151] : memref<2x128x128xf32, #tpu.memory_space<vmem>> -> memref<1x64x128xf32, #tpu.memory_space<vmem>>
        %dma_start3A_153 = tpu.memref_squeeze %dma_start3A_152 : memref<1x64x128xf32, #tpu.memory_space<vmem>> -> memref<64x128xf32, #tpu.memory_space<vmem>>
        %dma_start3A_154 = arith.constant 0 : i32
        %dma_start3A_155 = tpu.memref_slice %arg7[%add3A_148, %dma_start3A_154] : memref<40x128xi32, #tpu.memory_space<vmem>> -> memref<1x64xi32, #tpu.memory_space<vmem>>
        %dma_start3A_156 = tpu.memref_squeeze %dma_start3A_155 : memref<1x64xi32, #tpu.memory_space<vmem>> -> memref<64xi32, #tpu.memory_space<vmem>>
        %dma_start3A_157 = arith.constant 0 : i32
        %dma_start3A_158 = arith.constant 0 : i32
        %dma_start3A_159 = tpu.memref_slice %arg2[%dma_start3A_157, %dma_start3A_158] : memref<10000x128xf32, #tpu.memory_space<hbm>> -> memref<10000x128xf32, #tpu.memory_space<hbm>>
        tpu.enqueue_indirect_dma source(%dma_start3A_159 : memref<10000x128xf32, #tpu.memory_space<hbm>>) target(%dma_start3A_153 : memref<64x128xf32, #tpu.memory_space<vmem>>) offsets(%dma_start3A_156 : memref<64xi32, #tpu.memory_space<vmem>>) semaphore(%arg13 : memref<!tpu.dma_semaphore, #tpu.memory_space<semaphore_mem>>)
        %dma_start3A_160 = arith.constant 1 : i32
        %dma_start3A_161 = arith.constant 64 : i32
        %dma_start3A_162 = arith.constant 0 : i32
        %dma_start3A_163 = tpu.memref_slice %arg9[%dma_start3A_160, %dma_start3A_161, %dma_start3A_162] : memref<2x128x128xf32, #tpu.memory_space<vmem>> -> memref<1x64x128xf32, #tpu.memory_space<vmem>>
        %dma_start3A_164 = tpu.memref_squeeze %dma_start3A_163 : memref<1x64x128xf32, #tpu.memory_space<vmem>> -> memref<64x128xf32, #tpu.memory_space<vmem>>
        %dma_start3A_165 = arith.constant 64 : i32
        %dma_start3A_166 = tpu.memref_slice %arg7[%add3A_148, %dma_start3A_165] : memref<40x128xi32, #tpu.memory_space<vmem>> -> memref<1x64xi32, #tpu.memory_space<vmem>>
        %dma_start3A_167 = tpu.memref_squeeze %dma_start3A_166 : memref<1x64xi32, #tpu.memory_space<vmem>> -> memref<64xi32, #tpu.memory_space<vmem>>
        %dma_start3A_168 = arith.constant 0 : i32
        %dma_start3A_169 = arith.constant 0 : i32
        %dma_start3A_170 = tpu.memref_slice %arg2[%dma_start3A_168, %dma_start3A_169] : memref<10000x128xf32, #tpu.memory_space<hbm>> -> memref<10000x128xf32, #tpu.memory_space<hbm>>
        tpu.enqueue_indirect_dma source(%dma_start3A_170 : memref<10000x128xf32, #tpu.memory_space<hbm>>) target(%dma_start3A_164 : memref<64x128xf32, #tpu.memory_space<vmem>>) offsets(%dma_start3A_167 : memref<64xi32, #tpu.memory_space<vmem>>) semaphore(%arg14 : memref<!tpu.dma_semaphore, #tpu.memory_space<semaphore_mem>>)
      } else {
      }
      %dma_wait3A = arith.constant 0 : i32
      %dma_wait3A_90 = arith.constant 0 : i32
      %dma_wait3A_91 = arith.constant 0 : i32
      %dma_wait3A_92 = tpu.memref_slice %arg9[%dma_wait3A, %dma_wait3A_90, %dma_wait3A_91] : memref<2x128x128xf32, #tpu.memory_space<vmem>> -> memref<1x64x128xf32, #tpu.memory_space<vmem>>
      %dma_wait3A_93 = tpu.memref_squeeze %dma_wait3A_92 : memref<1x64x128xf32, #tpu.memory_space<vmem>> -> memref<64x128xf32, #tpu.memory_space<vmem>>
      %dma_wait3A_94 = arith.constant 0 : i32
      %dma_wait3A_95 = tpu.memref_slice %arg7[%mul3A_85, %dma_wait3A_94] : memref<40x128xi32, #tpu.memory_space<vmem>> -> memref<1x64xi32, #tpu.memory_space<vmem>>
      %dma_wait3A_96 = tpu.memref_squeeze %dma_wait3A_95 : memref<1x64xi32, #tpu.memory_space<vmem>> -> memref<64xi32, #tpu.memory_space<vmem>>
      %dma_wait3A_97 = arith.constant 0 : i32
      %dma_wait3A_98 = arith.constant 0 : i32
      %dma_wait3A_99 = tpu.memref_slice %arg2[%dma_wait3A_97, %dma_wait3A_98] : memref<10000x128xf32, #tpu.memory_space<hbm>> -> memref<10000x128xf32, #tpu.memory_space<hbm>>
      tpu.wait_indirect_dma semaphore(%arg11 : memref<!tpu.dma_semaphore, #tpu.memory_space<semaphore_mem>>) src(%dma_wait3A_99 : memref<10000x128xf32, #tpu.memory_space<hbm>>) dst(%dma_wait3A_93 : memref<64x128xf32, #tpu.memory_space<vmem>>)
      %dma_wait3A_100 = arith.constant 0 : i32
      %dma_wait3A_101 = arith.constant 64 : i32
      %dma_wait3A_102 = arith.constant 0 : i32
      %dma_wait3A_103 = tpu.memref_slice %arg9[%dma_wait3A_100, %dma_wait3A_101, %dma_wait3A_102] : memref<2x128x128xf32, #tpu.memory_space<vmem>> -> memref<1x64x128xf32, #tpu.memory_space<vmem>>
      %dma_wait3A_104 = tpu.memref_squeeze %dma_wait3A_103 : memref<1x64x128xf32, #tpu.memory_space<vmem>> -> memref<64x128xf32, #tpu.memory_space<vmem>>
      %dma_wait3A_105 = arith.constant 64 : i32
      %dma_wait3A_106 = tpu.memref_slice %arg7[%mul3A_85, %dma_wait3A_105] : memref<40x128xi32, #tpu.memory_space<vmem>> -> memref<1x64xi32, #tpu.memory_space<vmem>>
      %dma_wait3A_107 = tpu.memref_squeeze %dma_wait3A_106 : memref<1x64xi32, #tpu.memory_space<vmem>> -> memref<64xi32, #tpu.memory_space<vmem>>
      %dma_wait3A_108 = arith.constant 0 : i32
      %dma_wait3A_109 = arith.constant 0 : i32
      %dma_wait3A_110 = tpu.memref_slice %arg2[%dma_wait3A_108, %dma_wait3A_109] : memref<10000x128xf32, #tpu.memory_space<hbm>> -> memref<10000x128xf32, #tpu.memory_space<hbm>>
      tpu.wait_indirect_dma semaphore(%arg12 : memref<!tpu.dma_semaphore, #tpu.memory_space<semaphore_mem>>) src(%dma_wait3A_110 : memref<10000x128xf32, #tpu.memory_space<hbm>>) dst(%dma_wait3A_104 : memref<64x128xf32, #tpu.memory_space<vmem>>)
      %run_scoped3A_111 = arith.constant 0 : i32
      "tpu.region"() ({
        %run_scoped3A_147 = tpu.sem_alloc : memref<!tpu.dma_semaphore, #tpu.memory_space<semaphore_mem>>
        %dma_start3A_148 = arith.constant 0 : i32
        %dma_start3A_149 = arith.constant 0 : i32
        %dma_start3A_150 = tpu.memref_slice %arg9[%run_scoped3A_111, %dma_start3A_148, %dma_start3A_149] : memref<2x128x128xf32, #tpu.memory_space<vmem>> -> memref<1x128x128xf32, #tpu.memory_space<vmem>>
        %dma_start3A_151 = tpu.memref_squeeze %dma_start3A_150 : memref<1x128x128xf32, #tpu.memory_space<vmem>> -> memref<128x128xf32, #tpu.memory_space<vmem>>
        %dma_start3A_152 = arith.constant 0 : i32
        %dma_start3A_153 = tpu.memref_slice %arg8[%mul3A_85, %dma_start3A_152] : memref<40x128xi32, #tpu.memory_space<vmem>> -> memref<1x128xi32, #tpu.memory_space<vmem>>
        %dma_start3A_154 = tpu.memref_squeeze %dma_start3A_153 : memref<1x128xi32, #tpu.memory_space<vmem>> -> memref<128xi32, #tpu.memory_space<vmem>>
        %dma_start3A_155 = arith.constant 0 : i32
        %dma_start3A_156 = arith.constant 0 : i32
        %dma_start3A_157 = tpu.memref_slice %arg10[%dma_start3A_155, %dma_start3A_156] : memref<10112x128xf32, #tpu.memory_space<vmem_shared>> -> memref<10112x128xf32, #tpu.memory_space<vmem_shared>>
        tpu.enqueue_indirect_dma source(%dma_start3A_151 : memref<128x128xf32, #tpu.memory_space<vmem>>) target(%dma_start3A_157 : memref<10112x128xf32, #tpu.memory_space<vmem_shared>>) offsets(%dma_start3A_154 : memref<128xi32, #tpu.memory_space<vmem>>) semaphore(%run_scoped3A_147 : memref<!tpu.dma_semaphore, #tpu.memory_space<semaphore_mem>>) {add = true}
        %dma_wait3A_158 = arith.constant 0 : i32
        %dma_wait3A_159 = arith.constant 0 : i32
        %dma_wait3A_160 = tpu.memref_slice %arg9[%run_scoped3A_111, %dma_wait3A_158, %dma_wait3A_159] : memref<2x128x128xf32, #tpu.memory_space<vmem>> -> memref<1x128x128xf32, #tpu.memory_space<vmem>>
        %dma_wait3A_161 = tpu.memref_squeeze %dma_wait3A_160 : memref<1x128x128xf32, #tpu.memory_space<vmem>> -> memref<128x128xf32, #tpu.memory_space<vmem>>
        %dma_wait3A_162 = arith.constant 0 : i32
        %dma_wait3A_163 = tpu.memref_slice %arg8[%mul3A_85, %dma_wait3A_162] : memref<40x128xi32, #tpu.memory_space<vmem>> -> memref<1x128xi32, #tpu.memory_space<vmem>>
        %dma_wait3A_164 = tpu.memref_squeeze %dma_wait3A_163 : memref<1x128xi32, #tpu.memory_space<vmem>> -> memref<128xi32, #tpu.memory_space<vmem>>
        %dma_wait3A_165 = arith.constant 0 : i32
        %dma_wait3A_166 = arith.constant 0 : i32
        %dma_wait3A_167 = tpu.memref_slice %arg10[%dma_wait3A_165, %dma_wait3A_166] : memref<10112x128xf32, #tpu.memory_space<vmem_shared>> -> memref<10112x128xf32, #tpu.memory_space<vmem_shared>>
        tpu.wait_indirect_dma semaphore(%run_scoped3A_147 : memref<!tpu.dma_semaphore, #tpu.memory_space<semaphore_mem>>) src(%dma_wait3A_161 : memref<128x128xf32, #tpu.memory_space<vmem>>) dst(%dma_wait3A_167 : memref<10112x128xf32, #tpu.memory_space<vmem_shared>>)
        tpu.yield
      }) : () -> ()
      %mul3A_112 = arith.constant 2 : i32
      %mul3A_113 = arith.muli %mul3A_112, %scan3A_82 : i32
      %add3A_114 = arith.constant 1 : i32
      %add3A_115 = arith.addi %mul3A_113, %add3A_114 : i32
      %add3A_116 = arith.constant 1 : i32
      %add3A_117 = arith.addi %add3A_115, %add3A_116 : i32
      %lt3A_118 = arith.constant 40 : i32
      %lt3A_119 = arith.cmpi slt, %add3A_117, %lt3A_118 : i32
      %convert_element_type3A_120 = arith.extui %lt3A_119 : i1 to i32
      %cond3A_121 = arith.constant 0 : i32
      %cond3A_122 = arith.cmpi ne, %convert_element_type3A_120, %cond3A_121 : i32
      scf.if %cond3A_122 {
        %add3A_147 = arith.constant 1 : i32
        %add3A_148 = arith.addi %add3A_115, %add3A_147 : i32
        %dma_start3A_149 = arith.constant 0 : i32
        %dma_start3A_150 = arith.constant 0 : i32
        %dma_start3A_151 = arith.constant 0 : i32
        %dma_start3A_152 = tpu.memref_slice %arg9[%dma_start3A_149, %dma_start3A_150, %dma_start3A_151] : memref<2x128x128xf32, #tpu.memory_space<vmem>> -> memref<1x64x128xf32, #tpu.memory_space<vmem>>
        %dma_start3A_153 = tpu.memref_squeeze %dma_start3A_152 : memref<1x64x128xf32, #tpu.memory_space<vmem>> -> memref<64x128xf32, #tpu.memory_space<vmem>>
        %dma_start3A_154 = arith.constant 0 : i32
        %dma_start3A_155 = tpu.memref_slice %arg7[%add3A_148, %dma_start3A_154] : memref<40x128xi32, #tpu.memory_space<vmem>> -> memref<1x64xi32, #tpu.memory_space<vmem>>
        %dma_start3A_156 = tpu.memref_squeeze %dma_start3A_155 : memref<1x64xi32, #tpu.memory_space<vmem>> -> memref<64xi32, #tpu.memory_space<vmem>>
        %dma_start3A_157 = arith.constant 0 : i32
        %dma_start3A_158 = arith.constant 0 : i32
        %dma_start3A_159 = tpu.memref_slice %arg2[%dma_start3A_157, %dma_start3A_158] : memref<10000x128xf32, #tpu.memory_space<hbm>> -> memref<10000x128xf32, #tpu.memory_space<hbm>>
        tpu.enqueue_indirect_dma source(%dma_start3A_159 : memref<10000x128xf32, #tpu.memory_space<hbm>>) target(%dma_start3A_153 : memref<64x128xf32, #tpu.memory_space<vmem>>) offsets(%dma_start3A_156 : memref<64xi32, #tpu.memory_space<vmem>>) semaphore(%arg11 : memref<!tpu.dma_semaphore, #tpu.memory_space<semaphore_mem>>)
        %dma_start3A_160 = arith.constant 0 : i32
        %dma_start3A_161 = arith.constant 64 : i32
        %dma_start3A_162 = arith.constant 0 : i32
        %dma_start3A_163 = tpu.memref_slice %arg9[%dma_start3A_160, %dma_start3A_161, %dma_start3A_162] : memref<2x128x128xf32, #tpu.memory_space<vmem>> -> memref<1x64x128xf32, #tpu.memory_space<vmem>>
        %dma_start3A_164 = tpu.memref_squeeze %dma_start3A_163 : memref<1x64x128xf32, #tpu.memory_space<vmem>> -> memref<64x128xf32, #tpu.memory_space<vmem>>
        %dma_start3A_165 = arith.constant 64 : i32
        %dma_start3A_166 = tpu.memref_slice %arg7[%add3A_148, %dma_start3A_165] : memref<40x128xi32, #tpu.memory_space<vmem>> -> memref<1x64xi32, #tpu.memory_space<vmem>>
        %dma_start3A_167 = tpu.memref_squeeze %dma_start3A_166 : memref<1x64xi32, #tpu.memory_space<vmem>> -> memref<64xi32, #tpu.memory_space<vmem>>
        %dma_start3A_168 = arith.constant 0 : i32
        %dma_start3A_169 = arith.constant 0 : i32
        %dma_start3A_170 = tpu.memref_slice %arg2[%dma_start3A_168, %dma_start3A_169] : memref<10000x128xf32, #tpu.memory_space<hbm>> -> memref<10000x128xf32, #tpu.memory_space<hbm>>
        tpu.enqueue_indirect_dma source(%dma_start3A_170 : memref<10000x128xf32, #tpu.memory_space<hbm>>) target(%dma_start3A_164 : memref<64x128xf32, #tpu.memory_space<vmem>>) offsets(%dma_start3A_167 : memref<64xi32, #tpu.memory_space<vmem>>) semaphore(%arg12 : memref<!tpu.dma_semaphore, #tpu.memory_space<semaphore_mem>>)
      } else {
      }
      %dma_wait3A_123 = arith.constant 1 : i32
      %dma_wait3A_124 = arith.constant 0 : i32
      %dma_wait3A_125 = arith.constant 0 : i32
      %dma_wait3A_126 = tpu.memref_slice %arg9[%dma_wait3A_123, %dma_wait3A_124, %dma_wait3A_125] : memref<2x128x128xf32, #tpu.memory_space<vmem>> -> memref<1x64x128xf32, #tpu.memory_space<vmem>>
      %dma_wait3A_127 = tpu.memref_squeeze %dma_wait3A_126 : memref<1x64x128xf32, #tpu.memory_space<vmem>> -> memref<64x128xf32, #tpu.memory_space<vmem>>
      %dma_wait3A_128 = arith.constant 0 : i32
      %dma_wait3A_129 = tpu.memref_slice %arg7[%add3A_115, %dma_wait3A_128] : memref<40x128xi32, #tpu.memory_space<vmem>> -> memref<1x64xi32, #tpu.memory_space<vmem>>
      %dma_wait3A_130 = tpu.memref_squeeze %dma_wait3A_129 : memref<1x64xi32, #tpu.memory_space<vmem>> -> memref<64xi32, #tpu.memory_space<vmem>>
      %dma_wait3A_131 = arith.constant 0 : i32
      %dma_wait3A_132 = arith.constant 0 : i32
      %dma_wait3A_133 = tpu.memref_slice %arg2[%dma_wait3A_131, %dma_wait3A_132] : memref<10000x128xf32, #tpu.memory_space<hbm>> -> memref<10000x128xf32, #tpu.memory_space<hbm>>
      tpu.wait_indirect_dma semaphore(%arg13 : memref<!tpu.dma_semaphore, #tpu.memory_space<semaphore_mem>>) src(%dma_wait3A_133 : memref<10000x128xf32, #tpu.memory_space<hbm>>) dst(%dma_wait3A_127 : memref<64x128xf32, #tpu.memory_space<vmem>>)
      %dma_wait3A_134 = arith.constant 1 : i32
      %dma_wait3A_135 = arith.constant 64 : i32
      %dma_wait3A_136 = arith.constant 0 : i32
      %dma_wait3A_137 = tpu.memref_slice %arg9[%dma_wait3A_134, %dma_wait3A_135, %dma_wait3A_136] : memref<2x128x128xf32, #tpu.memory_space<vmem>> -> memref<1x64x128xf32, #tpu.memory_space<vmem>>
      %dma_wait3A_138 = tpu.memref_squeeze %dma_wait3A_137 : memref<1x64x128xf32, #tpu.memory_space<vmem>> -> memref<64x128xf32, #tpu.memory_space<vmem>>
      %dma_wait3A_139 = arith.constant 64 : i32
      %dma_wait3A_140 = tpu.memref_slice %arg7[%add3A_115, %dma_wait3A_139] : memref<40x128xi32, #tpu.memory_space<vmem>> -> memref<1x64xi32, #tpu.memory_space<vmem>>
      %dma_wait3A_141 = tpu.memref_squeeze %dma_wait3A_140 : memref<1x64xi32, #tpu.memory_space<vmem>> -> memref<64xi32, #tpu.memory_space<vmem>>
      %dma_wait3A_142 = arith.constant 0 : i32
      %dma_wait3A_143 = arith.constant 0 : i32
      %dma_wait3A_144 = tpu.memref_slice %arg2[%dma_wait3A_142, %dma_wait3A_143] : memref<10000x128xf32, #tpu.memory_space<hbm>> -> memref<10000x128xf32, #tpu.memory_space<hbm>>
      tpu.wait_indirect_dma semaphore(%arg14 : memref<!tpu.dma_semaphore, #tpu.memory_space<semaphore_mem>>) src(%dma_wait3A_144 : memref<10000x128xf32, #tpu.memory_space<hbm>>) dst(%dma_wait3A_138 : memref<64x128xf32, #tpu.memory_space<vmem>>)
      %run_scoped3A_145 = arith.constant 1 : i32
      "tpu.region"() ({
        %run_scoped3A_147 = tpu.sem_alloc : memref<!tpu.dma_semaphore, #tpu.memory_space<semaphore_mem>>
        %dma_start3A_148 = arith.constant 0 : i32
        %dma_start3A_149 = arith.constant 0 : i32
        %dma_start3A_150 = tpu.memref_slice %arg9[%run_scoped3A_145, %dma_start3A_148, %dma_start3A_149] : memref<2x128x128xf32, #tpu.memory_space<vmem>> -> memref<1x128x128xf32, #tpu.memory_space<vmem>>
        %dma_start3A_151 = tpu.memref_squeeze %dma_start3A_150 : memref<1x128x128xf32, #tpu.memory_space<vmem>> -> memref<128x128xf32, #tpu.memory_space<vmem>>
        %dma_start3A_152 = arith.constant 0 : i32
        %dma_start3A_153 = tpu.memref_slice %arg8[%add3A_115, %dma_start3A_152] : memref<40x128xi32, #tpu.memory_space<vmem>> -> memref<1x128xi32, #tpu.memory_space<vmem>>
        %dma_start3A_154 = tpu.memref_squeeze %dma_start3A_153 : memref<1x128xi32, #tpu.memory_space<vmem>> -> memref<128xi32, #tpu.memory_space<vmem>>
        %dma_start3A_155 = arith.constant 0 : i32
        %dma_start3A_156 = arith.constant 0 : i32
        %dma_start3A_157 = tpu.memref_slice %arg10[%dma_start3A_155, %dma_start3A_156] : memref<10112x128xf32, #tpu.memory_space<vmem_shared>> -> memref<10112x128xf32, #tpu.memory_space<vmem_shared>>
        tpu.enqueue_indirect_dma source(%dma_start3A_151 : memref<128x128xf32, #tpu.memory_space<vmem>>) target(%dma_start3A_157 : memref<10112x128xf32, #tpu.memory_space<vmem_shared>>) offsets(%dma_start3A_154 : memref<128xi32, #tpu.memory_space<vmem>>) semaphore(%run_scoped3A_147 : memref<!tpu.dma_semaphore, #tpu.memory_space<semaphore_mem>>) {add = true}
        %dma_wait3A_158 = arith.constant 0 : i32
        %dma_wait3A_159 = arith.constant 0 : i32
        %dma_wait3A_160 = tpu.memref_slice %arg9[%run_scoped3A_145, %dma_wait3A_158, %dma_wait3A_159] : memref<2x128x128xf32, #tpu.memory_space<vmem>> -> memref<1x128x128xf32, #tpu.memory_space<vmem>>
        %dma_wait3A_161 = tpu.memref_squeeze %dma_wait3A_160 : memref<1x128x128xf32, #tpu.memory_space<vmem>> -> memref<128x128xf32, #tpu.memory_space<vmem>>
        %dma_wait3A_162 = arith.constant 0 : i32
        %dma_wait3A_163 = tpu.memref_slice %arg8[%add3A_115, %dma_wait3A_162] : memref<40x128xi32, #tpu.memory_space<vmem>> -> memref<1x128xi32, #tpu.memory_space<vmem>>
        %dma_wait3A_164 = tpu.memref_squeeze %dma_wait3A_163 : memref<1x128xi32, #tpu.memory_space<vmem>> -> memref<128xi32, #tpu.memory_space<vmem>>
        %dma_wait3A_165 = arith.constant 0 : i32
        %dma_wait3A_166 = arith.constant 0 : i32
        %dma_wait3A_167 = tpu.memref_slice %arg10[%dma_wait3A_165, %dma_wait3A_166] : memref<10112x128xf32, #tpu.memory_space<vmem_shared>> -> memref<10112x128xf32, #tpu.memory_space<vmem_shared>>
        tpu.wait_indirect_dma semaphore(%run_scoped3A_147 : memref<!tpu.dma_semaphore, #tpu.memory_space<semaphore_mem>>) src(%dma_wait3A_161 : memref<128x128xf32, #tpu.memory_space<vmem>>) dst(%dma_wait3A_167 : memref<10112x128xf32, #tpu.memory_space<vmem_shared>>)
        tpu.yield
      }) : () -> ()
      %scan3A_146 = arith.constant 0 : i32
      scf.yield %scan3A_146 : i32
    }
    %scan3A_80 = arith.constant 20 : i32
    %barrier3A_81 = arith.constant 0 : index
    tpu.barrier barrier_id(%barrier3A_81)
    "tpu.region"() ({
      %run_scoped3A_82 = tpu.sem_alloc : memref<!tpu.dma_semaphore, #tpu.memory_space<semaphore_mem>>
      %dma_start3A_83 = arith.constant 0 : i32
      %dma_start3A_84 = arith.constant 0 : i32
      %dma_start3A_85 = tpu.memref_slice %arg6[%arg0, %dma_start3A_83, %dma_start3A_84] : memref<2x10112x128xf32, #tpu.memory_space<hbm>> -> memref<1x10112x128xf32, #tpu.memory_space<hbm>>
      %dma_start3A_86 = tpu.memref_squeeze %dma_start3A_85 : memref<1x10112x128xf32, #tpu.memory_space<hbm>> -> memref<10112x128xf32, #tpu.memory_space<hbm>>
      %dma_start3A_87 = arith.constant 0 : i32
      %dma_start3A_88 = tpu.memref_slice %dma_start3A_86[%mul3A_2, %dma_start3A_87] : memref<10112x128xf32, #tpu.memory_space<hbm>> -> memref<632x128xf32, #tpu.memory_space<hbm>>
      %dma_start3A_89 = arith.constant 0 : i32
      %dma_start3A_90 = tpu.memref_slice %arg10[%mul3A_2, %dma_start3A_89] : memref<10112x128xf32, #tpu.memory_space<vmem_shared>> -> memref<632x128xf32, #tpu.memory_space<vmem_shared>>
      tpu.enqueue_dma source(%dma_start3A_90 : memref<632x128xf32, #tpu.memory_space<vmem_shared>>) target(%dma_start3A_88 : memref<632x128xf32, #tpu.memory_space<hbm>>) target_semaphore(%run_scoped3A_82 : memref<!tpu.dma_semaphore, #tpu.memory_space<semaphore_mem>>)
      %dma_wait3A = arith.constant 0 : i32
      %dma_wait3A_91 = arith.constant 0 : i32
      %dma_wait3A_92 = tpu.memref_slice %arg6[%arg0, %dma_wait3A, %dma_wait3A_91] : memref<2x10112x128xf32, #tpu.memory_space<hbm>> -> memref<1x10112x128xf32, #tpu.memory_space<hbm>>
      %dma_wait3A_93 = tpu.memref_squeeze %dma_wait3A_92 : memref<1x10112x128xf32, #tpu.memory_space<hbm>> -> memref<10112x128xf32, #tpu.memory_space<hbm>>
      %dma_wait3A_94 = arith.constant 0 : i32
      %dma_wait3A_95 = tpu.memref_slice %dma_wait3A_93[%mul3A_2, %dma_wait3A_94] : memref<10112x128xf32, #tpu.memory_space<hbm>> -> memref<632x128xf32, #tpu.memory_space<hbm>>
      %dma_wait3A_96 = arith.constant 0 : i32
      %dma_wait3A_97 = tpu.memref_slice %arg10[%mul3A_2, %dma_wait3A_96] : memref<10112x128xf32, #tpu.memory_space<vmem_shared>> -> memref<632x128xf32, #tpu.memory_space<vmem_shared>>
      tpu.wait_dma2 semaphore(%run_scoped3A_82 : memref<!tpu.dma_semaphore, #tpu.memory_space<semaphore_mem>>) src(%dma_wait3A_97 : memref<632x128xf32, #tpu.memory_space<vmem_shared>>) dst(%dma_wait3A_95 : memref<632x128xf32, #tpu.memory_space<hbm>>)
      tpu.yield
    }) : () -> ()
    return
  }
}

module attributes {stable_mosaic.version = 14 : i64} {
  func.func @body(%arg0: memref<10000x128xf32, #tpu.memory_space<vmem>>, %arg1: memref<2x10112x128xf32, #tpu.memory_space<vmem>>, %arg2: memref<128x128xf32, #tpu.memory_space<vmem>>, %arg3: memref<1x128xf32, #tpu.memory_space<vmem>>, %arg4: memref<1x128xf32, #tpu.memory_space<vmem>>, %arg5: memref<1x128xf32, #tpu.memory_space<vmem>>, %arg6: memref<128x128xf32, #tpu.memory_space<vmem>>, %arg7: memref<1x128xf32, #tpu.memory_space<vmem>>, %arg8: memref<1x128xf32, #tpu.memory_space<vmem>>, %arg9: memref<1x128xf32, #tpu.memory_space<vmem>>, %arg10: memref<10000x128xf32, #tpu.memory_space<vmem>>) attributes {dimension_semantics = [], scalar_prefetch = 0 : i64, scratch_operands = 0 : i64, tpu.core_type = #tpu.core_type<tc>} {
    %get3A = arith.constant 0 : index
    %get3A_0 = arith.constant 0 : index
    %get3A_1 = vector.load %arg0[%get3A, %get3A_0] : memref<10000x128xf32, #tpu.memory_space<vmem>>, vector<10000x128xf32>
    %get3A_2 = arith.constant 0 : index
    %get3A_3 = arith.constant 0 : index
    %get3A_4 = arith.constant 0 : index
    %get3A_5 = vector.load %arg1[%get3A_2, %get3A_3, %get3A_4] : memref<2x10112x128xf32, #tpu.memory_space<vmem>>, vector<1x10000x128xf32>
    %get3A_6 = vector.shape_cast %get3A_5 : vector<1x10000x128xf32> to vector<10000x128xf32>
    %add3A = arith.addf %get3A_1, %get3A_6 : vector<10000x128xf32>
    %get3A_7 = arith.constant 1 : index
    %get3A_8 = arith.constant 0 : index
    %get3A_9 = arith.constant 0 : index
    %get3A_10 = vector.load %arg1[%get3A_7, %get3A_8, %get3A_9] : memref<2x10112x128xf32, #tpu.memory_space<vmem>>, vector<1x10000x128xf32>
    %get3A_11 = vector.shape_cast %get3A_10 : vector<1x10000x128xf32> to vector<10000x128xf32>
    %add3A_12 = arith.addf %add3A, %get3A_11 : vector<10000x128xf32>
    %get3A_13 = arith.constant 0 : index
    %get3A_14 = arith.constant 0 : index
    %get3A_15 = vector.load %arg2[%get3A_13, %get3A_14] : memref<128x128xf32, #tpu.memory_space<vmem>>, vector<128x128xf32>
    %dot_general3A = arith.constant dense<0.000000e+00> : vector<10000x128xf32>
    %dot_general3A_16 = tpu.matmul %add3A_12, %get3A_15, %dot_general3A {dimension_numbers = #tpu.dot_dimension_numbers<[1], [0], [0], [1], [0, 0, 1, 1], [], []>, transpose_lhs_hint = false} : vector<10000x128xf32>, vector<128x128xf32>, vector<10000x128xf32> -> vector<10000x128xf32>
    %get3A_17 = arith.constant 0 : index
    %get3A_18 = arith.constant 0 : index
    %get3A_19 = vector.load %arg3[%get3A_17, %get3A_18] : memref<1x128xf32, #tpu.memory_space<vmem>>, vector<1x128xf32>
    %add3A_20 = vector.broadcast %get3A_19 : vector<1x128xf32> to vector<10000x128xf32>
    %add3A_21 = arith.addf %dot_general3A_16, %add3A_20 : vector<10000x128xf32>
    %reduce_sum3A = arith.constant dense<0.000000e+00> : vector<128xf32>
    %reduce_sum3A_22 = vector.multi_reduction <add>, %add3A_21, %reduce_sum3A [0] : vector<10000x128xf32> to vector<128xf32>
    %broadcast_in_dim3A = vector.shape_cast %reduce_sum3A_22 : vector<128xf32> to vector<1x128xf32>
    %div3A = arith.constant 1.000000e+04 : f32
    %div3A_23 = vector.broadcast %div3A : f32 to vector<1x128xf32>
    %div3A_24 = arith.divf %broadcast_in_dim3A, %div3A_23 : vector<1x128xf32>
    %sub3A = vector.broadcast %div3A_24 : vector<1x128xf32> to vector<10000x128xf32>
    %sub3A_25 = arith.subf %add3A_21, %sub3A : vector<10000x128xf32>
    %square3A = arith.mulf %sub3A_25, %sub3A_25 : vector<10000x128xf32>
    %reduce_sum3A_26 = arith.constant dense<0.000000e+00> : vector<128xf32>
    %reduce_sum3A_27 = vector.multi_reduction <add>, %square3A, %reduce_sum3A_26 [0] : vector<10000x128xf32> to vector<128xf32>
    %broadcast_in_dim3A_28 = vector.shape_cast %reduce_sum3A_27 : vector<128xf32> to vector<1x128xf32>
    %div3A_29 = arith.constant 1.000000e+04 : f32
    %div3A_30 = vector.broadcast %div3A_29 : f32 to vector<1x128xf32>
    %div3A_31 = arith.divf %broadcast_in_dim3A_28, %div3A_30 : vector<1x128xf32>
    %get3A_32 = arith.constant 0 : index
    %get3A_33 = arith.constant 0 : index
    %get3A_34 = vector.load %arg4[%get3A_32, %get3A_33] : memref<1x128xf32, #tpu.memory_space<vmem>>, vector<1x128xf32>
    %sub3A_35 = vector.broadcast %div3A_24 : vector<1x128xf32> to vector<10000x128xf32>
    %sub3A_36 = arith.subf %add3A_21, %sub3A_35 : vector<10000x128xf32>
    %mul3A = vector.broadcast %get3A_34 : vector<1x128xf32> to vector<10000x128xf32>
    %mul3A_37 = arith.mulf %mul3A, %sub3A_36 : vector<10000x128xf32>
    %add3A_38 = arith.constant 9.99999974E-6 : f32
    %add3A_39 = vector.broadcast %add3A_38 : f32 to vector<1x128xf32>
    %add3A_40 = arith.addf %div3A_31, %add3A_39 : vector<1x128xf32>
    %rsqrt3A = math.rsqrt %add3A_40 : vector<1x128xf32>
    %mul3A_41 = vector.broadcast %rsqrt3A : vector<1x128xf32> to vector<10000x128xf32>
    %mul3A_42 = arith.mulf %mul3A_37, %mul3A_41 : vector<10000x128xf32>
    %get3A_43 = arith.constant 0 : index
    %get3A_44 = arith.constant 0 : index
    %get3A_45 = vector.load %arg5[%get3A_43, %get3A_44] : memref<1x128xf32, #tpu.memory_space<vmem>>, vector<1x128xf32>
    %add3A_46 = vector.broadcast %get3A_45 : vector<1x128xf32> to vector<10000x128xf32>
    %add3A_47 = arith.addf %mul3A_42, %add3A_46 : vector<10000x128xf32>
    %max3A = arith.constant 0.000000e+00 : f32
    %max3A_48 = vector.broadcast %max3A : f32 to vector<10000x128xf32>
    %max3A_49 = arith.maximumf %add3A_47, %max3A_48 : vector<10000x128xf32>
    %get3A_50 = arith.constant 0 : index
    %get3A_51 = arith.constant 0 : index
    %get3A_52 = vector.load %arg6[%get3A_50, %get3A_51] : memref<128x128xf32, #tpu.memory_space<vmem>>, vector<128x128xf32>
    %dot_general3A_53 = arith.constant dense<0.000000e+00> : vector<10000x128xf32>
    %dot_general3A_54 = tpu.matmul %max3A_49, %get3A_52, %dot_general3A_53 {dimension_numbers = #tpu.dot_dimension_numbers<[1], [0], [0], [1], [0, 0, 1, 1], [], []>, transpose_lhs_hint = false} : vector<10000x128xf32>, vector<128x128xf32>, vector<10000x128xf32> -> vector<10000x128xf32>
    %get3A_55 = arith.constant 0 : index
    %get3A_56 = arith.constant 0 : index
    %get3A_57 = vector.load %arg7[%get3A_55, %get3A_56] : memref<1x128xf32, #tpu.memory_space<vmem>>, vector<1x128xf32>
    %add3A_58 = vector.broadcast %get3A_57 : vector<1x128xf32> to vector<10000x128xf32>
    %add3A_59 = arith.addf %dot_general3A_54, %add3A_58 : vector<10000x128xf32>
    %swap3A = arith.constant 0 : index
    %swap3A_60 = arith.constant 0 : index
    %swap3A_61 = vector.load %arg10[%swap3A, %swap3A_60] : memref<10000x128xf32, #tpu.memory_space<vmem>>, vector<10000x128xf32>
    tpu.vector_store %arg10[%swap3A, %swap3A_60], %add3A_59 {strides = array<i32>} : memref<10000x128xf32, #tpu.memory_space<vmem>>, vector<10000x128xf32>,
    return
  }
}

module attributes {stable_mosaic.version = 14 : i64} {
  func.func @body(%arg0: memref<10000x128xf32, #tpu.memory_space<vmem>>, %arg1: memref<2x10112x128xf32, #tpu.memory_space<vmem>>, %arg2: memref<128x128xf32, #tpu.memory_space<vmem>>, %arg3: memref<1x128xf32, #tpu.memory_space<vmem>>, %arg4: memref<1x128xf32, #tpu.memory_space<vmem>>, %arg5: memref<1x128xf32, #tpu.memory_space<vmem>>, %arg6: memref<128x128xf32, #tpu.memory_space<vmem>>, %arg7: memref<1x128xf32, #tpu.memory_space<vmem>>, %arg8: memref<1x128xf32, #tpu.memory_space<vmem>>, %arg9: memref<1x128xf32, #tpu.memory_space<vmem>>, %arg10: memref<10000x128xf32, #tpu.memory_space<vmem>>) attributes {dimension_semantics = [], scalar_prefetch = 0 : i64, scratch_operands = 0 : i64, tpu.core_type = #tpu.core_type<tc>} {
    %get3A = arith.constant 0 : index
    %get3A_0 = arith.constant 0 : index
    %get3A_1 = vector.load %arg0[%get3A, %get3A_0] : memref<10000x128xf32, #tpu.memory_space<vmem>>, vector<10000x128xf32>
    %get3A_2 = arith.constant 0 : index
    %get3A_3 = arith.constant 0 : index
    %get3A_4 = arith.constant 0 : index
    %get3A_5 = vector.load %arg1[%get3A_2, %get3A_3, %get3A_4] : memref<2x10112x128xf32, #tpu.memory_space<vmem>>, vector<1x10000x128xf32>
    %get3A_6 = vector.shape_cast %get3A_5 : vector<1x10000x128xf32> to vector<10000x128xf32>
    %add3A = arith.addf %get3A_1, %get3A_6 : vector<10000x128xf32>
    %get3A_7 = arith.constant 1 : index
    %get3A_8 = arith.constant 0 : index
    %get3A_9 = arith.constant 0 : index
    %get3A_10 = vector.load %arg1[%get3A_7, %get3A_8, %get3A_9] : memref<2x10112x128xf32, #tpu.memory_space<vmem>>, vector<1x10000x128xf32>
    %get3A_11 = vector.shape_cast %get3A_10 : vector<1x10000x128xf32> to vector<10000x128xf32>
    %add3A_12 = arith.addf %add3A, %get3A_11 : vector<10000x128xf32>
    %get3A_13 = arith.constant 0 : index
    %get3A_14 = arith.constant 0 : index
    %get3A_15 = vector.load %arg2[%get3A_13, %get3A_14] : memref<128x128xf32, #tpu.memory_space<vmem>>, vector<128x128xf32>
    %dot_general3A = arith.constant dense<0.000000e+00> : vector<10000x128xf32>
    %dot_general3A_16 = tpu.matmul %add3A_12, %get3A_15, %dot_general3A {dimension_numbers = #tpu.dot_dimension_numbers<[1], [0], [0], [1], [0, 0, 1, 1], [], []>, transpose_lhs_hint = false} : vector<10000x128xf32>, vector<128x128xf32>, vector<10000x128xf32> -> vector<10000x128xf32>
    %get3A_17 = arith.constant 0 : index
    %get3A_18 = arith.constant 0 : index
    %get3A_19 = vector.load %arg3[%get3A_17, %get3A_18] : memref<1x128xf32, #tpu.memory_space<vmem>>, vector<1x128xf32>
    %add3A_20 = vector.broadcast %get3A_19 : vector<1x128xf32> to vector<10000x128xf32>
    %add3A_21 = arith.addf %dot_general3A_16, %add3A_20 : vector<10000x128xf32>
    %reduce_sum3A = arith.constant dense<0.000000e+00> : vector<128xf32>
    %reduce_sum3A_22 = vector.multi_reduction <add>, %add3A_21, %reduce_sum3A [0] : vector<10000x128xf32> to vector<128xf32>
    %broadcast_in_dim3A = vector.shape_cast %reduce_sum3A_22 : vector<128xf32> to vector<1x128xf32>
    %div3A = arith.constant 1.000000e+04 : f32
    %div3A_23 = vector.broadcast %div3A : f32 to vector<1x128xf32>
    %div3A_24 = arith.divf %broadcast_in_dim3A, %div3A_23 : vector<1x128xf32>
    %sub3A = vector.broadcast %div3A_24 : vector<1x128xf32> to vector<10000x128xf32>
    %sub3A_25 = arith.subf %add3A_21, %sub3A : vector<10000x128xf32>
    %square3A = arith.mulf %sub3A_25, %sub3A_25 : vector<10000x128xf32>
    %reduce_sum3A_26 = arith.constant dense<0.000000e+00> : vector<128xf32>
    %reduce_sum3A_27 = vector.multi_reduction <add>, %square3A, %reduce_sum3A_26 [0] : vector<10000x128xf32> to vector<128xf32>
    %broadcast_in_dim3A_28 = vector.shape_cast %reduce_sum3A_27 : vector<128xf32> to vector<1x128xf32>
    %div3A_29 = arith.constant 1.000000e+04 : f32
    %div3A_30 = vector.broadcast %div3A_29 : f32 to vector<1x128xf32>
    %div3A_31 = arith.divf %broadcast_in_dim3A_28, %div3A_30 : vector<1x128xf32>
    %get3A_32 = arith.constant 0 : index
    %get3A_33 = arith.constant 0 : index
    %get3A_34 = vector.load %arg4[%get3A_32, %get3A_33] : memref<1x128xf32, #tpu.memory_space<vmem>>, vector<1x128xf32>
    %sub3A_35 = vector.broadcast %div3A_24 : vector<1x128xf32> to vector<10000x128xf32>
    %sub3A_36 = arith.subf %add3A_21, %sub3A_35 : vector<10000x128xf32>
    %mul3A = vector.broadcast %get3A_34 : vector<1x128xf32> to vector<10000x128xf32>
    %mul3A_37 = arith.mulf %mul3A, %sub3A_36 : vector<10000x128xf32>
    %add3A_38 = arith.constant 9.99999974E-6 : f32
    %add3A_39 = vector.broadcast %add3A_38 : f32 to vector<1x128xf32>
    %add3A_40 = arith.addf %div3A_31, %add3A_39 : vector<1x128xf32>
    %rsqrt3A = math.rsqrt %add3A_40 : vector<1x128xf32>
    %mul3A_41 = vector.broadcast %rsqrt3A : vector<1x128xf32> to vector<10000x128xf32>
    %mul3A_42 = arith.mulf %mul3A_37, %mul3A_41 : vector<10000x128xf32>
    %get3A_43 = arith.constant 0 : index
    %get3A_44 = arith.constant 0 : index
    %get3A_45 = vector.load %arg5[%get3A_43, %get3A_44] : memref<1x128xf32, #tpu.memory_space<vmem>>, vector<1x128xf32>
    %add3A_46 = vector.broadcast %get3A_45 : vector<1x128xf32> to vector<10000x128xf32>
    %add3A_47 = arith.addf %mul3A_42, %add3A_46 : vector<10000x128xf32>
    %max3A = arith.constant 0.000000e+00 : f32
    %max3A_48 = vector.broadcast %max3A : f32 to vector<10000x128xf32>
    %max3A_49 = arith.maximumf %add3A_47, %max3A_48 : vector<10000x128xf32>
    %get3A_50 = arith.constant 0 : index
    %get3A_51 = arith.constant 0 : index
    %get3A_52 = vector.load %arg6[%get3A_50, %get3A_51] : memref<128x128xf32, #tpu.memory_space<vmem>>, vector<128x128xf32>
    %dot_general3A_53 = arith.constant dense<0.000000e+00> : vector<10000x128xf32>
    %dot_general3A_54 = tpu.matmul %max3A_49, %get3A_52, %dot_general3A_53 {dimension_numbers = #tpu.dot_dimension_numbers<[1], [0], [0], [1], [0, 0, 1, 1], [], []>, transpose_lhs_hint = false} : vector<10000x128xf32>, vector<128x128xf32>, vector<10000x128xf32> -> vector<10000x128xf32>
    %get3A_55 = arith.constant 0 : index
    %get3A_56 = arith.constant 0 : index
    %get3A_57 = vector.load %arg7[%get3A_55, %get3A_56] : memref<1x128xf32, #tpu.memory_space<vmem>>, vector<1x128xf32>
    %add3A_58 = vector.broadcast %get3A_57 : vector<1x128xf32> to vector<10000x128xf32>
    %add3A_59 = arith.addf %dot_general3A_54, %add3A_58 : vector<10000x128xf32>
    %reduce_sum3A_60 = arith.constant dense<0.000000e+00> : vector<128xf32>
    %reduce_sum3A_61 = vector.multi_reduction <add>, %add3A_59, %reduce_sum3A_60 [0] : vector<10000x128xf32> to vector<128xf32>
    %broadcast_in_dim3A_62 = vector.shape_cast %reduce_sum3A_61 : vector<128xf32> to vector<1x128xf32>
    %div3A_63 = arith.constant 1.000000e+04 : f32
    %div3A_64 = vector.broadcast %div3A_63 : f32 to vector<1x128xf32>
    %div3A_65 = arith.divf %broadcast_in_dim3A_62, %div3A_64 : vector<1x128xf32>
    %sub3A_66 = vector.broadcast %div3A_65 : vector<1x128xf32> to vector<10000x128xf32>
    %sub3A_67 = arith.subf %add3A_59, %sub3A_66 : vector<10000x128xf32>
    %square3A_68 = arith.mulf %sub3A_67, %sub3A_67 : vector<10000x128xf32>
    %reduce_sum3A_69 = arith.constant dense<0.000000e+00> : vector<128xf32>
    %reduce_sum3A_70 = vector.multi_reduction <add>, %square3A_68, %reduce_sum3A_69 [0] : vector<10000x128xf32> to vector<128xf32>
    %broadcast_in_dim3A_71 = vector.shape_cast %reduce_sum3A_70 : vector<128xf32> to vector<1x128xf32>
    %div3A_72 = arith.constant 1.000000e+04 : f32
    %div3A_73 = vector.broadcast %div3A_72 : f32 to vector<1x128xf32>
    %div3A_74 = arith.divf %broadcast_in_dim3A_71, %div3A_73 : vector<1x128xf32>
    %get3A_75 = arith.constant 0 : index
    %get3A_76 = arith.constant 0 : index
    %get3A_77 = vector.load %arg8[%get3A_75, %get3A_76] : memref<1x128xf32, #tpu.memory_space<vmem>>, vector<1x128xf32>
    %sub3A_78 = vector.broadcast %div3A_65 : vector<1x128xf32> to vector<10000x128xf32>
    %sub3A_79 = arith.subf %add3A_59, %sub3A_78 : vector<10000x128xf32>
    %mul3A_80 = vector.broadcast %get3A_77 : vector<1x128xf32> to vector<10000x128xf32>
    %mul3A_81 = arith.mulf %mul3A_80, %sub3A_79 : vector<10000x128xf32>
    %add3A_82 = arith.constant 9.99999974E-6 : f32
    %add3A_83 = vector.broadcast %add3A_82 : f32 to vector<1x128xf32>
    %add3A_84 = arith.addf %div3A_74, %add3A_83 : vector<1x128xf32>
    %rsqrt3A_85 = math.rsqrt %add3A_84 : vector<1x128xf32>
    %mul3A_86 = vector.broadcast %rsqrt3A_85 : vector<1x128xf32> to vector<10000x128xf32>
    %mul3A_87 = arith.mulf %mul3A_81, %mul3A_86 : vector<10000x128xf32>
    %get3A_88 = arith.constant 0 : index
    %get3A_89 = arith.constant 0 : index
    %get3A_90 = vector.load %arg9[%get3A_88, %get3A_89] : memref<1x128xf32, #tpu.memory_space<vmem>>, vector<1x128xf32>
    %add3A_91 = vector.broadcast %get3A_90 : vector<1x128xf32> to vector<10000x128xf32>
    %add3A_92 = arith.addf %mul3A_87, %add3A_91 : vector<10000x128xf32>
    %max3A_93 = arith.constant 0.000000e+00 : f32
    %max3A_94 = vector.broadcast %max3A_93 : f32 to vector<10000x128xf32>
    %max3A_95 = arith.maximumf %add3A_92, %max3A_94 : vector<10000x128xf32>
    %swap3A = arith.constant 0 : index
    %swap3A_96 = arith.constant 0 : index
    %swap3A_97 = vector.load %arg10[%swap3A, %swap3A_96] : memref<10000x128xf32, #tpu.memory_space<vmem>>, vector<10000x128xf32>
    tpu.vector_store %arg10[%swap3A, %swap3A_96], %max3A_95 {strides = array<i32>} : memref<10000x128xf32, #tpu.memory_space<vmem>>, vector<10000x128xf32>,
    return
  }
}

</mosaic_0001>

<sc_bundles>
// kernel: kernel.11.cloned.1.call-start
scs
__scs_entry_jumppad:
0x0: {  	(pc) =	sbr.rel $0x88, $3  }
0x1: {  	(tag) =	ssettag $0x0;
	lr =	simm.s32 $0x1  }
0x2: {  	[smem:$0x3F97] =	sst lr;
	_ =	strace $0xD0000000  }
0x3: {  	_ = 	snop  }
0x4: {  	_ = 	snop  }
0x5: {  	_ = 	snop  }
0x6: {  	_ = 	snop  }
0x7: {  	_ = 	snop  }
__scs_overlays_trampoline_lowered:
0x8: {  	[smem:$0x3FA6] =	sst s0  }
0x9: {  	[smem:$0x3FA7] =	sst s1  }
0xa: {  	[smem:$0x3FA8] =	sst s2  }
0xb: {  	[smem:$0x3FA9] =	sst s3  }
0xc: {  	[smem:$0x3FAA] =	sst s4  }
0xd: {  	[smem:$0x3FAB] =	sst s5  }
0xe: {  	[smem:$0x3FAC] =	sst s6  }
0xf: {  	[smem:$0x3FAD] =	sst s7  }
0x10: {  	[smem:$0x3FAE] =	sst s8  }
0x11: {  	[smem:$0x3FAF] =	sst s9;
	s0 =	simm.s32 @!p0 $0x0  }
0x12: {  	s1 =	sld [smem:$0x3F95];
	s0 =	simm.s32 @p0 $0x1  }
0x13: {  	[smem:$0x3FB0] =	sst s0;
	s0 =	simm.s32 @!p1 $0x0  }
0x14: {  	s2 =	sld [smem:$0x3F94];
	s0 =	simm.s32 @p1 $0x1  }
0x15: {  	[smem:$0x3FB1] =	sst s0;
	s0 =	simm.s32 @!p2 $0x0  }
0x16: {  	s3 =	sld [smem:$0x3FDB];
	s0 =	simm.s32 @p2 $0x1  }
0x17: {  	s4 =	simm.s32 $0x1BF5;
	[smem:$0x3FB3] =	sst s0  }
0x18: {  	s0 =	sld [smem:$0x3F96];
	_ =	swait.ge [sflag:s4], $0x0  }
0x19: {  	s7 =	sld [smem:$0x3F97]  }
0x1a: {  	s8 =	sadd.s32 $0xFFFFE003, lr  }
0x1b: {  	s9 =	sadd.s32 $0xFFFFFEF7, lr;
	s5 =	simm.s32 $0xFFFFFFFF;
	p2 =	slt.u32 s8, $0xFFFFF086  }
0x1c: {  	p1 =	slt.u32 s9, $0xF7A;
	s5 =	simm.s32 @!p2 $0x0  }
0x1d: {  	s5 =	simm.s32 @p1 $0x1;
	p0 =	seq.s32 s7, s2  }
0x1e: {  	s7 =	smul.u32 @!p0 $0xF7A, s2;
	p2 =	seq.s32 @!p0 s5, $0x0  }
0x1f: {  	s9 =	smul.u32 $0xF7A, s1;
	s8 =	simm.s32 @!p0 $0x1BF5;
	p2 =	por !p2, p0  }
0x20: {  	[sflag:s8] =	ssyncset.s32 @!p0 $0xFFFFF086;
	s6 =	sadd.s32 @!p0 s3, s7;
	s7 =	simm.s32 @!p0 $0x108  }
0x21: {  	s3 =	sadd.s32 s3, s9;
	s6 =	sadd.s32 @!p0 $0x88, s6;
	s7 =	simm.s32 @p2 $0x1082  }
0x22: {  	[simem:s7], [sflag:s8] =	dma.local @!p0 [hbm:s6], $0xF7A  }
0x23: {  	s9 =	sor.u32 $0xD0000000, s2;
	s6 =	simm.s32 $0x108;
	_ =	swait.ge @!p0 [sflag:s8], $0x0  }
0x24: {  	s3 =	sadd.s32 $0x88, s3;
	s6 =	simm.s32 @!p1 $0x1082;
	[sflag:s4] =	ssyncset.s32 $0xFFFFF086  }
0x25: {  	[simem:s6], [sflag:s4] =	dma.local [hbm:s3], $0xF7A  }
0x26: {  	[smem:$0x3F97] =	sst s1;
	(tag) =	ssettag s2;
	_ =	strace s9  }
0x27: {  	s1 =	sld [smem:$0x3FA7]  }
0x28: {  	s2 =	sld [smem:$0x3FA8]  }
0x29: {  	s4 =	sld [smem:$0x3FAA]  }
0x2a: {  	p0 =	seq.s32 s5, $0x0;
	s5 =	sld [smem:$0x3FAB]  }
0x2b: {  	s6 =	sld [smem:$0x3FAC]  }
0x2c: {  	s7 =	sld [smem:$0x3FAD]  }
0x2d: {  	s3 =	simm.s32 $0x108;
	s8 =	sld [smem:$0x3FAE]  }
0x2e: {  	s3 =	simm.s32 @!p0 $0x1082;
	s9 =	sld [smem:$0x3FAF]  }
0x2f: {  	lr =	sadd.s32 s0, s3;
	s0 =	sld [smem:$0x3FA6]  }
0x30: {  	s3 =	sld [smem:$0x3FA9]  }
0x31: {  	[smem:$0x3FB2] =	sst s10  }
0x32: {  	s10 =	sld [smem:$0x3FB0];
	_ =	sdelay $0x3  }
0x33: {  	p0 =	seq.s32 s10, $0x1;
	s10 =	sld [smem:$0x3FB2];
	_ =	sdelay $0x3  }
0x34: {  	[smem:$0x3FB2] =	sst s10  }
0x35: {  	s10 =	sld [smem:$0x3FB1];
	_ =	sdelay $0x3  }
0x36: {  	p1 =	seq.s32 s10, $0x1;
	s10 =	sld [smem:$0x3FB2];
	_ =	sdelay $0x3  }
0x37: {  	[smem:$0x3FB2] =	sst s10  }
0x38: {  	s10 =	sld [smem:$0x3FB3]  }
0x39: {  	_ = 	snop;
	(pc) =	sbr.ind lr, $3  }
0x3a: {  	_ = 	snop  }
0x3b: {  	_ = 	snop  }
0x3c: {  	p2 =	seq.s32 s10, $0x1;
	s10 =	sld [smem:$0x3FB2]  }
0x3d: {  	_ =	shalt  }
0x3e: {  	_ =	shalt  }
0x3f: {  	_ =	shalt  }
0x40: {  	_ =	shalt  }
0x41: {  	_ =	shalt  }
0x42: {  	_ =	shalt  }
0x43: {  	_ =	shalt  }
0x44: {  	_ =	shalt  }
0x45: {  	_ =	shalt  }
0x46: {  	_ =	shalt  }
0x47: {  	_ =	shalt  }
0x48: {  	_ =	shalt  }
0x49: {  	_ =	shalt  }
0x4a: {  	_ =	shalt  }
0x4b: {  	_ =	shalt  }
0x4c: {  	_ =	shalt  }
0x4d: {  	_ =	shalt  }
0x4e: {  	_ =	shalt  }
0x4f: {  	_ =	shalt  }
0x50: {  	_ =	shalt  }
0x51: {  	_ =	shalt  }
0x52: {  	_ =	shalt  }
0x53: {  	_ =	shalt  }
0x54: {  	_ =	shalt  }
0x55: {  	_ =	shalt  }
0x56: {  	_ =	shalt  }
0x57: {  	_ =	shalt  }
0x58: {  	_ =	shalt  }
0x59: {  	_ =	shalt  }
0x5a: {  	_ =	shalt  }
0x5b: {  	_ =	shalt  }
0x5c: {  	_ =	shalt  }
0x5d: {  	_ =	shalt  }
0x5e: {  	_ =	shalt  }
0x5f: {  	_ =	shalt  }
0x60: {  	_ =	shalt  }
0x61: {  	_ =	shalt  }
0x62: {  	_ =	shalt  }
0x63: {  	_ =	shalt  }
0x64: {  	_ =	shalt  }
0x65: {  	_ =	shalt  }
0x66: {  	_ =	shalt  }
0x67: {  	_ =	shalt  }
0x68: {  	_ =	shalt  }
0x69: {  	_ =	shalt  }
0x6a: {  	_ =	shalt  }
0x6b: {  	_ =	shalt  }
0x6c: {  	_ =	shalt  }
0x6d: {  	_ =	shalt  }
0x6e: {  	_ =	shalt  }
0x6f: {  	_ =	shalt  }
0x70: {  	_ =	shalt  }
0x71: {  	_ =	shalt  }
0x72: {  	_ =	shalt  }
0x73: {  	_ =	shalt  }
0x74: {  	_ =	shalt  }
0x75: {  	_ =	shalt  }
0x76: {  	_ =	shalt  }
0x77: {  	_ =	shalt  }
0x78: {  	_ =	shalt  }
0x79: {  	_ =	shalt  }
0x7a: {  	_ =	shalt  }
0x7b: {  	_ =	shalt  }
0x7c: {  	_ =	shalt  }
0x7d: {  	_ =	shalt  }
0x7e: {  	_ =	shalt  }
0x7f: {  	_ =	shalt  }
0x80: {  	_ =	shalt  }
0x81: {  	_ =	shalt  }
0x82: {  	_ =	shalt  }
0x83: {  	_ =	shalt  }
0x84: {  	_ =	shalt  }
0x85: {  	_ =	shalt  }
0x86: {  	_ =	shalt  }
0x87: {  	_ =	shalt  }
.Lfunc_end0:
.L_simem_size_0:
called_computation.1_lowered:
.L_overlay_start_0:
0x88: {  	s2 =	sld [smem:$0x3FD9]  }
0x89: {  	s3 =	sld [smem:$0x3FFE];
	_ =	sdelay $0x1  }
0x8a: {  	s1 =	srdreg.scid  }
0x8b: {  	s0 =	sand.u32 $0x1, s1  }
0x8c: {  	s17 =	sshll.u32 s0, $0xA;
	s2 =	sadd.s32 s3, s2  }
0x8d: {  	s2 =	sadd.s32 s2, s17  }
0x8e: {  	[smem:$0x3FBE] =	sst s2  }
0x8f: {  	_ = 	snop  }
0x90: {  	s2 =	sld [smem:$0x3FD0];
	(tm) =	ssettm $0x1  }
0x91: {  	s18 =	sld [smem:$0x3FFB];
	_ =	sdelay $0x3  }
0x92: {  	_ =	strace s18  }
0x93: {  	s3 =	sld [smem:$0x3FFC];
	_ =	sdelay $0x3  }
0x94: {  	_ =	strace s3  }
0x95: {  	s3 =	sld [smem:$0x3FFD];
	_ =	sdelay $0x3  }
0x96: {  	_ =	strace s3  }
0x97: {  	_ =	strace $0x8FFFFFFF  }
0x98: {  	s19 =	sld [smem:$0x3FDB];
	_ =	sdelay $0x1  }
0x99: {  	s4 =	simm.s32 $_scs_section_size  }
0x9a: {  	s5 =	simm.s32 $_size__tile_overlayer_lowered;
	s6 =	simm.s32 $_tile_overlayer_lowered  }
0x9b: {  	s22 =	simm.s32 $0x1BFF;
	s21 =	sshll.u32 s6, $0x1;
	s3 =	sadd.s32 s4, s19  }
0x9c: {  	s7 =	simm.s32 $0x0;
	s20 =	sshll.u32 s5, $0x1;
	s5 =	sadd.s32 s21, s3  }
0x9d: {  	[timem:s7], [sflag:s22] =	dma.local [hbm:s5], s20  }
0x9e: {  	_ =	swait.ge [sflag:s22], s20  }
0x9f: {  	s4 =	ssub.s32 $0x0, s20;
	[sflag:s22] =	ssyncset.done $0x0  }
0xa0: {  	[sflag:s22] =	ssyncadd.s32 s4;
	_ =	sdelay $0x1  }
0xa1: {  	s23 =	simm.s32 $0x1B8B  }
0xa2: {  	_ =	swait.ge [sflag:s23], $0x1  }
0xa3: {  	[sflag:s23] =	ssyncset.done $0x0  }
0xa4: {  	s25 =	simm.s32 $0x1B8E;
	s24 =	sld [smem:$0x3FFE];
	[sflag:s23] =	ssyncadd.s32 $0xFFFFFFFF  }
0xa5: {  	s26 =	simm.s32 $execute0_lowered;
	[smem:$0x3FD2] =	sst s25  }
0xa6: {  	s5 =	sshll.u32 s26, $0x1;
	_ =	strace $0x80000049;
	[dreg:$0x1] =	wrdreg $0xFFFFFFFF  }
0xa7: {  	s28 =	simm.s32 $_size_execute0_lowered;
	s3 =	sadd.s32 s3, s5;
	[dreg:$0x0] =	wrdreg $0x0  }
0xa8: {  	s5 =	sshll.u32 s28, $0x1;
	[dreg:$0x2] =	wrdreg s3  }
0xa9: {  	[dreg:$0x3] =	wrdreg s5  }
0xaa: {  	[dreg:$0x4] =	wrdreg $0xC0  }
0xab: {  	_ =	task [dreg:s7], $0x5FFFF  }
0xac: {  	[dreg:$0x1] =	wrdreg $0xFFFFFFFF  }
0xad: {  	[dreg:$0x0] =	wrdreg $0x60  }
0xae: {  	[dreg:$0x2] =	wrdreg s2  }
0xaf: {  	[dreg:$0x3] =	wrdreg s24  }
0xb0: {  	[dreg:$0x4] =	wrdreg $0xA8000  }
0xb1: {  	[dreg:$0x5] =	wrdreg $0x9  }
0xb2: {  	_ =	task.clear_ibuf [dreg:s7], $0x6FFFF;
	_ =	strace $0x90000049  }
0xb3: {  	s29 =	simm.s32 $0x9;
	_ =	strace $0x8000004B  }
0xb4: {  	_ =	swait.ge [sflag:s29], $0x1  }
0xb5: {  	[sflag:s29] =	ssyncadd.s32 $0xFFFFFFFF  }
0xb6: {  	_ =	strace $0x9000004B  }
0xb7: {  	_ =	sfence  }
0xb8: {  	s30 =	sld [smem:$0x0];
	_ =	sdelay $0x2  }
0xb9: {  	s31 =	sshll.u32 s1, $0xD;
	s1 =	sshrl.u32 s1, $0x2  }
0xba: {  	s3 =	sand.u32 $0x4000, s31;
	s1 =	sadd.s32 s1, s30  }
0xbb: {  	s0 =	sor.u32 s3, s0;
	s1 =	sshll.u32 s1, $0x11  }
0xbc: {  	s0 =	sor.u32 s1, s0  }
0xbd: {  	s0 =	sadd.s32 $0x8F2B, s0  }
0xbe: {  	[sflag:s0] =	ssyncadd.remote.s32 $0x1  }
0xbf: {  	_ =	sfence.sel $0xFFFF  }
0xc0: {  	[dreg:$0x0] =	wrdreg $0xFFFFFFFF;
	(pc) =	sbr.abs _section_cstart, $3  }
0xc1: {  	[dreg:$0x1] =	wrdreg $0xFFFFFFFF  }
0xc2: {  	_ =	task.clear_ibuf [dreg:s7], $0x2FFFF;
	_ =	strace $0x9FFFFFFF  }
0xc3: {  	(tm) =	ssettm $0x7FFFFFFF  }
tec
execute0_lowered:
.L_overlay_start_1:
0x0: {  	(tag) =	ssettag $0x1  }
0x1: {  	s1 =	rddreg [dreg:$0x0]  }
0x2: {  	s0 =	rddreg [dreg:$0x1]  }
0x3: {  	s2 =	rddreg [dreg:$0x2];
	s3 =	simm.s32 $0x0  }
0x4: {  	s4 =	srdreg.scid;
	s12 =	stileid.u32;
	s16 =	simm.s32 $0x2800  }
0x5: {  	s17 =	simm.s32 $0x5;
	s18 =	simm.s32 $0x1400;
	s19 =	simm.s32 $0x40  }
0x6: {  	s28 =	simm.s32 $0x3;
	s29 =	simm.s32 $0x4;
	s30 =	simm.s32 $0x1380  }
0x7: {  	s31 =	simm.s32 $0x13C0;
	[smem:$0x7FF] =	sst s3;
	s5 =	sadd.s32 $0xD400, s0  }
0x8: {  	s7 =	sadd.s32 $0x3400, s0;
	s4 =	sand.u32 $0x1, s4;
	s20 =	smul.u32 $0x4F000, s12  }
0x9: {  	s9 =	sadd.s32 $0x17400, s0;
	s26 =	smul.u32 $0x2780, s12;
	_ =	strace $0x8000004A  }
0xa: {  	s6 =	smul.u32 $0x27800, s4;
	s8 =	sshll.u32 s4, $0x4;
	s4 =	ssub.s32 $0x2, s4  }
0xb: {  	[dreg:$0x4] =	wrdreg s9;
	s8 =	sor.u32 s12, s8;
	s21 =	sshrl.u32 s4, $0x1  }
0xc: {  	s9 =	sshrl.u32 s20, $0x2;
	s20 =	simm.s32 $0x4800;
	s10 =	smul.u32 $0x2800, s8  }
0xd: {  	s0 =	sadd.s32 s6, s0;
	s8 =	smul.u32 $0x500, s8;
	s6 =	sadd.s32 s9, s2  }
0xe: {  	s4 =	ssub.s32 s4, s21;
	s21 =	simm.s32 $0x6800;
	s23 =	sadd.s32 $0x10000, s6  }
0xf: {  	s0 =	sadd.s32 $0x17C00, s0;
	s12 =	smax.u32 s4, $0x1;
	s13 =	sadd.s32 $0x4000, s6  }
0x10: {  	s14 =	sadd.s32 $0x8000, s6;
	s15 =	sadd.s32 $0xC000, s6;
	s4 =	simm.s32 $0x2780  }
0x11: {  	s22 =	sshrl.u32 s10, $0x3;
	[dreg:$0x5] =	wrdreg s23;
	s24 =	sadd.s32 s5, s8  }
0x12: {  	s8 =	sadd.s32 s7, s8;
	s23 =	simm.s32 $0x1;
	[dreg:$0x6] =	wrdreg s24  }
0x13: {  	s11 =	sadd.s32 $0x280, s22;
	[dreg:$0x7] =	wrdreg s8;
	s22 =	simm.s32 $0x8800  }
0x14: {  	s24 =	sadd.s32 s26, s0;
	s26 =	simm.s32 $0x80;
	s5 =	sadd.s32 s5, s11  }
0x15: {  	s0 =	simm.s32 $0x2700;
	s25 =	sadd.s32 s7, s11;
	[dreg:$0x8] =	wrdreg s5  }
0x16: {  	[dreg:$0x9] =	wrdreg s25;
	s25 =	simm.s32 $0x2;
	s5 =	simm.s32 $0x0  }
.LBB2_1:
0x17: {  	s7 =	rddreg [dreg:$0x4]  }
0x18: {  	[tilespmem:s16], [sflag:$0x5] =	stream.linear.gather [hbm4b:s7+s3], $0x4000, $0x38;
	[tilespmem:$0x1E400] =	vst v63  }
0x19: {  	_ =	swait.ge [sflag:s17], $0x4000  }
0x1a: {  	[sflag:s17] =	ssyncset.done $0x0  }
0x1b: {  	[sflag:s17] =	ssyncadd.s32 $0xFFFFC000  }
0x1c: {  	[spmem:s6] =	stream.linear.scatter [tilespmem:s16], [sflag:$0x5], $0x4000, $0x38;
	[tilespmem:$0x1E400] =	vst v63  }
0x1d: {  	_ =	swait.ge [sflag:s17], $0x4000  }
0x1e: {  	[sflag:s17] =	ssyncset.done $0x0  }
0x1f: {  	[sflag:s17] =	ssyncadd.s32 $0xFFFFC000  }
0x20: {  	[spmem:s13] =	stream.linear.scatter [tilespmem:s16], [sflag:$0x5], $0x4000, $0x38;
	[tilespmem:$0x1E400] =	vst v63  }
0x21: {  	_ =	swait.ge [sflag:s17], $0x4000  }
0x22: {  	[sflag:s17] =	ssyncset.done $0x0  }
0x23: {  	[sflag:s17] =	ssyncadd.s32 $0xFFFFC000  }
0x24: {  	[spmem:s14] =	stream.linear.scatter [tilespmem:s16], [sflag:$0x5], $0x4000, $0x38;
	[tilespmem:$0x1E400] =	vst v63  }
0x25: {  	_ =	swait.ge [sflag:s17], $0x4000  }
0x26: {  	[sflag:s17] =	ssyncset.done $0x0  }
0x27: {  	[sflag:s17] =	ssyncadd.s32 $0xFFFFC000  }
0x28: {  	[spmem:s15] =	stream.linear.scatter [tilespmem:s16], [sflag:$0x5], $0x4000, $0x38;
	[tilespmem:$0x1E400] =	vst v63  }
0x29: {  	_ =	swait.ge [sflag:s17], $0x4000  }
0x2a: {  	[sflag:s17] =	ssyncset.done $0x0  }
0x2b: {  	s11 =	rddreg [dreg:$0x5];
	[sflag:s17] =	ssyncadd.s32 $0xFFFFC000  }
0x2c: {  	[spmem:s11] =	stream.linear.scatter [tilespmem:s16], [sflag:$0x5], $0x3C00, $0x38;
	[tilespmem:$0x1E400] =	vst v63  }
0x2d: {  	_ =	swait.ge [sflag:s17], $0x3C00  }
0x2e: {  	[sflag:s17] =	ssyncset.done $0x0  }
0x2f: {  	[sflag:s17] =	ssyncadd.s32 $0xFFFFC400  }
0x30: {  	[bflag:$0x0] =	sbarrier.arrive $0xFFFF  }
0x31: {  	s8 =	rddreg [dreg:$0x6]  }
0x32: {  	[tilespmem:s3], [sflag:$0x5] =	stream.linear.gather [hbm4b:s8+s3], $0x1400, $0x38;
	[tilespmem:$0x1E400] =	vst v63  }
0x33: {  	_ =	swait.ge [sflag:s17], $0x1400  }
0x34: {  	[sflag:s17] =	ssyncset.done $0x0  }
0x35: {  	s9 =	rddreg [dreg:$0x7];
	[sflag:s17] =	ssyncadd.s32 $0xFFFFEC00  }
0x36: {  	[tilespmem:s18], [sflag:$0x5] =	stream.linear.gather [hbm4b:s9+s3], $0x1400, $0x38;
	[tilespmem:$0x1E400] =	vst v63  }
0x37: {  	_ =	swait.ge [sflag:s17], $0x1400  }
0x38: {  	[sflag:s17] =	ssyncset.done $0x0  }
0x39: {  	[sflag:s17] =	ssyncadd.s32 $0xFFFFEC00  }
0x3a: {  	[tilespmem:s16], [sflag:$0x1] =	stream.indirect.gather [hbm4b:s1+s19], $0x80, s3, s19, $0xb8;
	[tilespmem:$0x1E400] =	vst v63  }
0x3b: {  	_ = 	snop  }
0x3c: {  	[tilespmem:s20], [sflag:$0x2] =	stream.indirect.gather [hbm4b:s1+s19], $0x80, s19, s19, $0xb8;
	[tilespmem:$0x1E400] =	vst v63  }
0x3d: {  	s10 =	simm.s32 $0x80  }
0x3e: {  	[tilespmem:s21], [sflag:$0x3] =	stream.indirect.gather [hbm4b:s1+s19], $0x80, s10, s19, $0xb8;
	[tilespmem:$0x1E400] =	vst v63  }
0x3f: {  	s11 =	simm.s32 $0xC0  }
0x40: {  	[tilespmem:s22], [sflag:$0x4] =	stream.indirect.gather [hbm4b:s1+s19], $0x80, s11, s19, $0xb8;
	[tilespmem:$0x1E400] =	vst v63  }
0x41: {  	_ =	swait.ge [sflag:s23], $0x2000  }
0x42: {  	[sflag:s23] =	ssyncset.done $0x0  }
0x43: {  	[sflag:s23] =	ssyncadd.s32 $0xFFFFE000  }
0x44: {  	_ =	swait.ge [sflag:s25], $0x2000  }
0x45: {  	[sflag:s25] =	ssyncset.done $0x0  }
0x46: {  	s8 =	simm.s32 $0x1400;
	[sflag:s25] =	ssyncadd.s32 $0xFFFFE000  }
0x47: {  	[spmem:s2] =	stream.indirect.scatter.add.f32 [tilespmem:s16], [sflag:$0x5], $0x80, s8, s26, $0xb8;
	[tilespmem:$0x1E400] =	vst v63  }
0x48: {  	_ =	swait.ge [sflag:s17], $0x4000  }
0x49: {  	[sflag:s17] =	ssyncset.done $0x0  }
0x4a: {  	s9 =	simm.s32 $0x100;
	[sflag:s17] =	ssyncadd.s32 $0xFFFFC000  }
0x4b: {  	[tilespmem:s16], [sflag:$0x1] =	stream.indirect.gather [hbm4b:s1+s19], $0x80, s9, s19, $0xb8;
	[tilespmem:$0x1E400] =	vst v63  }
0x4c: {  	s10 =	simm.s32 $0x140  }
0x4d: {  	[tilespmem:s20], [sflag:$0x2] =	stream.indirect.gather [hbm4b:s1+s19], $0x80, s10, s19, $0xb8;
	[tilespmem:$0x1E400] =	vst v63  }
0x4e: {  	_ =	swait.ge [sflag:s28], $0x2000  }
0x4f: {  	[sflag:s28] =	ssyncset.done $0x0  }
0x50: {  	[sflag:s28] =	ssyncadd.s32 $0xFFFFE000  }
0x51: {  	_ =	swait.ge [sflag:s29], $0x2000  }
0x52: {  	[sflag:s29] =	ssyncset.done $0x0  }
0x53: {  	s11 =	simm.s32 $0x1480;
	[sflag:s29] =	ssyncadd.s32 $0xFFFFE000  }
0x54: {  	[spmem:s2] =	stream.indirect.scatter.add.f32 [tilespmem:s21], [sflag:$0x5], $0x80, s11, s26, $0xb8;
	[tilespmem:$0x1E400] =	vst v63  }
0x55: {  	_ =	swait.ge [sflag:s17], $0x4000  }
0x56: {  	s7 =	simm.s32 $0x100;
	s8 =	simm.s32 $0x800;
	[sflag:s17] =	ssyncset.done $0x0  }
.LBB2_2:
0x57: {  	s9 =	sadd.s32 $0x80, s7  }
0x58: {  	[sflag:s17] =	ssyncadd.s32 $0xFFFFC000;
	s10 =	smov.u32 s8;
	s11 =	sadd.s32 $0x400, s8  }
0x59: {  	[tilespmem:s21], [sflag:$0x3] =	stream.indirect.gather [hbm4b:s1+s19], $0x80, s9, s19, $0xb8;
	[tilespmem:$0x1E400] =	vst v63  }
0x5a: {  	p0 =	sne.s32 s8, $0x4800;
	s8 =	sadd.s32 $0xC0, s7  }
0x5b: {  	[tilespmem:s22], [sflag:$0x4] =	stream.indirect.gather [hbm4b:s1+s19], $0x80, s8, s19, $0xb8;
	[tilespmem:$0x1E400] =	vst v63  }
0x5c: {  	_ =	swait.ge [sflag:s23], $0x2000  }
0x5d: {  	[sflag:s23] =	ssyncset.done $0x0  }
0x5e: {  	[sflag:s23] =	ssyncadd.s32 $0xFFFFE000  }
0x5f: {  	_ =	swait.ge [sflag:s25], $0x2000  }
0x60: {  	[sflag:s25] =	ssyncset.done $0x0  }
0x61: {  	s8 =	sadd.s32 $0x1400, s7;
	[sflag:s25] =	ssyncadd.s32 $0xFFFFE000  }
0x62: {  	[spmem:s2] =	stream.indirect.scatter.add.f32 [tilespmem:s16], [sflag:$0x5], $0x80, s8, s26, $0xb8;
	[tilespmem:$0x1E400] =	vst v63  }
0x63: {  	_ =	swait.ge [sflag:s17], $0x4000  }
0x64: {  	[sflag:s17] =	ssyncset.done $0x0  }
0x65: {  	s8 =	sadd.s32 $0x100, s7;
	[sflag:s17] =	ssyncadd.s32 $0xFFFFC000  }
0x66: {  	[tilespmem:s16], [sflag:$0x1] =	stream.indirect.gather [hbm4b:s1+s19], $0x80, s8, s19, $0xb8;
	[tilespmem:$0x1E400] =	vst v63  }
0x67: {  	s8 =	sadd.s32 $0x140, s7  }
0x68: {  	[tilespmem:s20], [sflag:$0x2] =	stream.indirect.gather [hbm4b:s1+s19], $0x80, s8, s19, $0xb8;
	[tilespmem:$0x1E400] =	vst v63  }
0x69: {  	_ =	swait.ge [sflag:s28], $0x2000  }
0x6a: {  	[sflag:s28] =	ssyncset.done $0x0  }
0x6b: {  	[sflag:s28] =	ssyncadd.s32 $0xFFFFE000  }
0x6c: {  	_ =	swait.ge [sflag:s29], $0x2000  }
.Ltmp0:
0x6d: {  	[sflag:s29] =	ssyncset.done $0x0;
	(pc) =	sbr.rel @p0 .LBB2_2-.Ltmp0, $4  }
0x6e: {  	s7 =	sadd.s32 $0x1480, s7;
	[sflag:s29] =	ssyncadd.s32 $0xFFFFE000  }
0x6f: {  	[spmem:s2] =	stream.indirect.scatter.add.f32 [tilespmem:s21], [sflag:$0x5], $0x80, s7, s26, $0xb8;
	[tilespmem:$0x1E400] =	vst v63  }
0x70: {  	_ =	swait.ge [sflag:s17], $0x4000  }
0x71: {  	s8 =	smov.u32 s11;
	s7 =	sshra.s32 s10, $0x2;
	[sflag:s17] =	ssyncset.done $0x0  }
0x72: {  	s8 =	sadd.s32 $0x80, s7;
	[sflag:s17] =	ssyncadd.s32 $0xFFFFC000  }
0x73: {  	[tilespmem:s21], [sflag:$0x3] =	stream.indirect.gather [hbm4b:s1+s19], $0x80, s8, s19, $0xb8;
	[tilespmem:$0x1E400] =	vst v63  }
0x74: {  	s11 =	sadd.s32 $0xC0, s7  }
0x75: {  	[tilespmem:s22], [sflag:$0x4] =	stream.indirect.gather [hbm4b:s1+s19], $0x80, s11, s19, $0xb8;
	[tilespmem:$0x1E400] =	vst v63  }
0x76: {  	_ =	swait.ge [sflag:s23], $0x2000  }
0x77: {  	[sflag:s23] =	ssyncset.done $0x0  }
0x78: {  	[sflag:s23] =	ssyncadd.s32 $0xFFFFE000  }
0x79: {  	_ =	swait.ge [sflag:s25], $0x2000  }
0x7a: {  	[sflag:s25] =	ssyncset.done $0x0  }
0x7b: {  	s9 =	sadd.s32 $0x1400, s7;
	[sflag:s25] =	ssyncadd.s32 $0xFFFFE000  }
0x7c: {  	[spmem:s2] =	stream.indirect.scatter.add.f32 [tilespmem:s16], [sflag:$0x5], $0x80, s9, s26, $0xb8;
	[tilespmem:$0x1E400] =	vst v63  }
0x7d: {  	_ =	swait.ge [sflag:s17], $0x4000  }
0x7e: {  	[sflag:s17] =	ssyncset.done $0x0  }
0x7f: {  	s10 =	sadd.s32 $0x100, s7;
	[sflag:s17] =	ssyncadd.s32 $0xFFFFC000  }
0x80: {  	[tilespmem:s16], [sflag:$0x1] =	stream.indirect.gather [hbm4b:s1+s19], $0x80, s10, s19, $0xb8;
	[tilespmem:$0x1E400] =	vst v63  }
0x81: {  	s11 =	sadd.s32 $0x140, s7  }
0x82: {  	[tilespmem:s20], [sflag:$0x2] =	stream.indirect.gather [hbm4b:s1+s19], $0x80, s11, s19, $0xb8;
	[tilespmem:$0x1E400] =	vst v63  }
0x83: {  	_ =	swait.ge [sflag:s28], $0x2000  }
0x84: {  	[sflag:s28] =	ssyncset.done $0x0  }
0x85: {  	[sflag:s28] =	ssyncadd.s32 $0xFFFFE000  }
0x86: {  	_ =	swait.ge [sflag:s29], $0x2000  }
0x87: {  	[sflag:s29] =	ssyncset.done $0x0  }
0x88: {  	s9 =	sadd.s32 $0x1480, s7;
	[sflag:s29] =	ssyncadd.s32 $0xFFFFE000  }
0x89: {  	[spmem:s2] =	stream.indirect.scatter.add.f32 [tilespmem:s21], [sflag:$0x5], $0x80, s9, s26, $0xb8;
	[tilespmem:$0x1E400] =	vst v63  }
0x8a: {  	_ =	swait.ge [sflag:s17], $0x4000  }
0x8b: {  	[sflag:s17] =	ssyncset.done $0x0  }
0x8c: {  	[sflag:s17] =	ssyncadd.s32 $0xFFFFC000  }
0x8d: {  	[tilespmem:s21], [sflag:$0x3] =	stream.indirect.gather [hbm4b:s1+s19], $0x80, s30, s19, $0xb8;
	[tilespmem:$0x1E400] =	vst v63  }
0x8e: {  	_ = 	snop  }
0x8f: {  	[tilespmem:s22], [sflag:$0x4] =	stream.indirect.gather [hbm4b:s1+s19], $0x80, s31, s19, $0xb8;
	[tilespmem:$0x1E400] =	vst v63  }
0x90: {  	_ =	swait.ge [sflag:s23], $0x2000  }
0x91: {  	[sflag:s23] =	ssyncset.done $0x0  }
0x92: {  	[sflag:s23] =	ssyncadd.s32 $0xFFFFE000  }
0x93: {  	_ =	swait.ge [sflag:s25], $0x2000  }
0x94: {  	[sflag:s25] =	ssyncset.done $0x0  }
0x95: {  	[sflag:s25] =	ssyncadd.s32 $0xFFFFE000  }
0x96: {  	[spmem:s2] =	stream.indirect.scatter.add.f32 [tilespmem:s16], [sflag:$0x5], $0x80, s0, s26, $0xb8;
	[tilespmem:$0x1E400] =	vst v63  }
0x97: {  	_ =	swait.ge [sflag:s17], $0x4000  }
0x98: {  	[sflag:s17] =	ssyncset.done $0x0  }
0x99: {  	[sflag:s17] =	ssyncadd.s32 $0xFFFFC000  }
0x9a: {  	_ =	swait.ge [sflag:s28], $0x2000  }
0x9b: {  	[sflag:s28] =	ssyncset.done $0x0  }
0x9c: {  	[sflag:s28] =	ssyncadd.s32 $0xFFFFE000  }
0x9d: {  	_ =	swait.ge [sflag:s29], $0x2000  }
0x9e: {  	[sflag:s29] =	ssyncset.done $0x0  }
0x9f: {  	[sflag:s29] =	ssyncadd.s32 $0xFFFFE000  }
0xa0: {  	[spmem:s2] =	stream.indirect.scatter.add.f32 [tilespmem:s21], [sflag:$0x5], $0x80, s4, s26, $0xb8;
	[tilespmem:$0x1E400] =	vst v63  }
0xa1: {  	_ =	swait.ge [sflag:s17], $0x4000  }
0xa2: {  	[sflag:s17] =	ssyncset.done $0x0  }
0xa3: {  	s10 =	simm.s32 $0x0;
	s11 =	rddreg [dreg:$0x8];
	[sflag:s17] =	ssyncadd.s32 $0xFFFFC000  }
0xa4: {  	[tilespmem:s10], [sflag:$0x5] =	stream.linear.gather [hbm4b:s11+s10], $0x1400, $0x38;
	[tilespmem:$0x1E400] =	vst v63  }
0xa5: {  	_ =	swait.ge [sflag:s17], $0x1400  }
0xa6: {  	[sflag:s17] =	ssyncset.done $0x0  }
0xa7: {  	s9 =	rddreg [dreg:$0x9];
	[sflag:s17] =	ssyncadd.s32 $0xFFFFEC00  }
0xa8: {  	[tilespmem:s18], [sflag:$0x5] =	stream.linear.gather [hbm4b:s9+s10], $0x1400, $0x38;
	[tilespmem:$0x1E400] =	vst v63  }
0xa9: {  	_ =	swait.ge [sflag:s17], $0x1400  }
0xaa: {  	[sflag:s17] =	ssyncset.done $0x0  }
0xab: {  	[sflag:s17] =	ssyncadd.s32 $0xFFFFEC00  }
0xac: {  	[tilespmem:s16], [sflag:$0x1] =	stream.indirect.gather [hbm4b:s1+s19], $0x80, s10, s19, $0xb8;
	[tilespmem:$0x1E400] =	vst v63  }
0xad: {  	_ = 	snop  }
0xae: {  	[tilespmem:s20], [sflag:$0x2] =	stream.indirect.gather [hbm4b:s1+s19], $0x80, s19, s19, $0xb8;
	[tilespmem:$0x1E400] =	vst v63  }
0xaf: {  	s10 =	simm.s32 $0x80  }
0xb0: {  	[tilespmem:s21], [sflag:$0x3] =	stream.indirect.gather [hbm4b:s1+s19], $0x80, s10, s19, $0xb8;
	[tilespmem:$0x1E400] =	vst v63  }
0xb1: {  	s11 =	simm.s32 $0xC0  }
0xb2: {  	[tilespmem:s22], [sflag:$0x4] =	stream.indirect.gather [hbm4b:s1+s19], $0x80, s11, s19, $0xb8;
	[tilespmem:$0x1E400] =	vst v63  }
0xb3: {  	_ =	swait.ge [sflag:s23], $0x2000  }
0xb4: {  	[sflag:s23] =	ssyncset.done $0x0  }
0xb5: {  	[sflag:s23] =	ssyncadd.s32 $0xFFFFE000  }
0xb6: {  	_ =	swait.ge [sflag:s25], $0x2000  }
0xb7: {  	[sflag:s25] =	ssyncset.done $0x0  }
0xb8: {  	s8 =	simm.s32 $0x1400;
	[sflag:s25] =	ssyncadd.s32 $0xFFFFE000  }
0xb9: {  	[spmem:s2] =	stream.indirect.scatter.add.f32 [tilespmem:s16], [sflag:$0x5], $0x80, s8, s26, $0xb8;
	[tilespmem:$0x1E400] =	vst v63  }
0xba: {  	_ =	swait.ge [sflag:s17], $0x4000  }
0xbb: {  	[sflag:s17] =	ssyncset.done $0x0  }
0xbc: {  	s9 =	simm.s32 $0x100;
	[sflag:s17] =	ssyncadd.s32 $0xFFFFC000  }
0xbd: {  	[tilespmem:s16], [sflag:$0x1] =	stream.indirect.gather [hbm4b:s1+s19], $0x80, s9, s19, $0xb8;
	[tilespmem:$0x1E400] =	vst v63  }
0xbe: {  	s10 =	simm.s32 $0x140  }
0xbf: {  	[tilespmem:s20], [sflag:$0x2] =	stream.indirect.gather [hbm4b:s1+s19], $0x80, s10, s19, $0xb8;
	[tilespmem:$0x1E400] =	vst v63  }
0xc0: {  	_ =	swait.ge [sflag:s28], $0x2000  }
0xc1: {  	[sflag:s28] =	ssyncset.done $0x0  }
0xc2: {  	[sflag:s28] =	ssyncadd.s32 $0xFFFFE000  }
0xc3: {  	_ =	swait.ge [sflag:s29], $0x2000  }
0xc4: {  	[sflag:s29] =	ssyncset.done $0x0  }
0xc5: {  	s11 =	simm.s32 $0x1480;
	[sflag:s29] =	ssyncadd.s32 $0xFFFFE000  }
0xc6: {  	[spmem:s2] =	stream.indirect.scatter.add.f32 [tilespmem:s21], [sflag:$0x5], $0x80, s11, s26, $0xb8;
	[tilespmem:$0x1E400] =	vst v63  }
0xc7: {  	_ =	swait.ge [sflag:s17], $0x4000  }
0xc8: {  	s7 =	simm.s32 $0x100;
	s8 =	simm.s32 $0x800;
	[sflag:s17] =	ssyncset.done $0x0  }
.LBB2_4:
0xc9: {  	s9 =	sadd.s32 $0x80, s7  }
0xca: {  	[sflag:s17] =	ssyncadd.s32 $0xFFFFC000;
	s10 =	smov.u32 s8;
	s11 =	sadd.s32 $0x400, s8  }
0xcb: {  	[tilespmem:s21], [sflag:$0x3] =	stream.indirect.gather [hbm4b:s1+s19], $0x80, s9, s19, $0xb8;
	[tilespmem:$0x1E400] =	vst v63  }
0xcc: {  	p0 =	sne.s32 s8, $0x4800;
	s8 =	sadd.s32 $0xC0, s7  }
0xcd: {  	[tilespmem:s22], [sflag:$0x4] =	stream.indirect.gather [hbm4b:s1+s19], $0x80, s8, s19, $0xb8;
	[tilespmem:$0x1E400] =	vst v63  }
0xce: {  	_ =	swait.ge [sflag:s23], $0x2000  }
0xcf: {  	[sflag:s23] =	ssyncset.done $0x0  }
0xd0: {  	[sflag:s23] =	ssyncadd.s32 $0xFFFFE000  }
0xd1: {  	_ =	swait.ge [sflag:s25], $0x2000  }
0xd2: {  	[sflag:s25] =	ssyncset.done $0x0  }
0xd3: {  	s8 =	sadd.s32 $0x1400, s7;
	[sflag:s25] =	ssyncadd.s32 $0xFFFFE000  }
0xd4: {  	[spmem:s2] =	stream.indirect.scatter.add.f32 [tilespmem:s16], [sflag:$0x5], $0x80, s8, s26, $0xb8;
	[tilespmem:$0x1E400] =	vst v63  }
0xd5: {  	_ =	swait.ge [sflag:s17], $0x4000  }
0xd6: {  	[sflag:s17] =	ssyncset.done $0x0  }
0xd7: {  	s8 =	sadd.s32 $0x100, s7;
	[sflag:s17] =	ssyncadd.s32 $0xFFFFC000  }
0xd8: {  	[tilespmem:s16], [sflag:$0x1] =	stream.indirect.gather [hbm4b:s1+s19], $0x80, s8, s19, $0xb8;
	[tilespmem:$0x1E400] =	vst v63  }
0xd9: {  	s8 =	sadd.s32 $0x140, s7  }
0xda: {  	[tilespmem:s20], [sflag:$0x2] =	stream.indirect.gather [hbm4b:s1+s19], $0x80, s8, s19, $0xb8;
	[tilespmem:$0x1E400] =	vst v63  }
0xdb: {  	_ =	swait.ge [sflag:s28], $0x2000  }
0xdc: {  	[sflag:s28] =	ssyncset.done $0x0  }
0xdd: {  	[sflag:s28] =	ssyncadd.s32 $0xFFFFE000  }
0xde: {  	_ =	swait.ge [sflag:s29], $0x2000  }
.Ltmp1:
0xdf: {  	[sflag:s29] =	ssyncset.done $0x0;
	(pc) =	sbr.rel @p0 .LBB2_4-.Ltmp1, $4  }
0xe0: {  	s7 =	sadd.s32 $0x1480, s7;
	[sflag:s29] =	ssyncadd.s32 $0xFFFFE000  }
0xe1: {  	[spmem:s2] =	stream.indirect.scatter.add.f32 [tilespmem:s21], [sflag:$0x5], $0x80, s7, s26, $0xb8;
	[tilespmem:$0x1E400] =	vst v63  }
0xe2: {  	_ =	swait.ge [sflag:s17], $0x4000  }
0xe3: {  	s8 =	smov.u32 s11;
	s7 =	sshra.s32 s10, $0x2;
	[sflag:s17] =	ssyncset.done $0x0  }
0xe4: {  	s8 =	sadd.s32 $0x80, s7;
	[sflag:s17] =	ssyncadd.s32 $0xFFFFC000  }
0xe5: {  	[tilespmem:s21], [sflag:$0x3] =	stream.indirect.gather [hbm4b:s1+s19], $0x80, s8, s19, $0xb8;
	[tilespmem:$0x1E400] =	vst v63  }
0xe6: {  	s11 =	sadd.s32 $0xC0, s7  }
0xe7: {  	[tilespmem:s22], [sflag:$0x4] =	stream.indirect.gather [hbm4b:s1+s19], $0x80, s11, s19, $0xb8;
	[tilespmem:$0x1E400] =	vst v63  }
0xe8: {  	_ =	swait.ge [sflag:s23], $0x2000  }
0xe9: {  	[sflag:s23] =	ssyncset.done $0x0  }
0xea: {  	[sflag:s23] =	ssyncadd.s32 $0xFFFFE000  }
0xeb: {  	_ =	swait.ge [sflag:s25], $0x2000  }
0xec: {  	[sflag:s25] =	ssyncset.done $0x0  }
0xed: {  	s9 =	sadd.s32 $0x1400, s7;
	[sflag:s25] =	ssyncadd.s32 $0xFFFFE000  }
0xee: {  	[spmem:s2] =	stream.indirect.scatter.add.f32 [tilespmem:s16], [sflag:$0x5], $0x80, s9, s26, $0xb8;
	[tilespmem:$0x1E400] =	vst v63  }
0xef: {  	_ =	swait.ge [sflag:s17], $0x4000  }
0xf0: {  	[sflag:s17] =	ssyncset.done $0x0  }
0xf1: {  	s10 =	sadd.s32 $0x100, s7;
	[sflag:s17] =	ssyncadd.s32 $0xFFFFC000  }
0xf2: {  	[tilespmem:s16], [sflag:$0x1] =	stream.indirect.gather [hbm4b:s1+s19], $0x80, s10, s19, $0xb8;
	[tilespmem:$0x1E400] =	vst v63  }
0xf3: {  	s11 =	sadd.s32 $0x140, s7  }
0xf4: {  	[tilespmem:s20], [sflag:$0x2] =	stream.indirect.gather [hbm4b:s1+s19], $0x80, s11, s19, $0xb8;
	[tilespmem:$0x1E400] =	vst v63  }
0xf5: {  	_ =	swait.ge [sflag:s28], $0x2000  }
0xf6: {  	[sflag:s28] =	ssyncset.done $0x0  }
0xf7: {  	[sflag:s28] =	ssyncadd.s32 $0xFFFFE000  }
0xf8: {  	_ =	swait.ge [sflag:s29], $0x2000  }
0xf9: {  	[sflag:s29] =	ssyncset.done $0x0  }
0xfa: {  	s9 =	sadd.s32 $0x1480, s7;
	[sflag:s29] =	ssyncadd.s32 $0xFFFFE000  }
0xfb: {  	[spmem:s2] =	stream.indirect.scatter.add.f32 [tilespmem:s21], [sflag:$0x5], $0x80, s9, s26, $0xb8;
	[tilespmem:$0x1E400] =	vst v63  }
0xfc: {  	_ =	swait.ge [sflag:s17], $0x4000  }
0xfd: {  	[sflag:s17] =	ssyncset.done $0x0  }
0xfe: {  	[sflag:s17] =	ssyncadd.s32 $0xFFFFC000  }
0xff: {  	[tilespmem:s21], [sflag:$0x3] =	stream.indirect.gather [hbm4b:s1+s19], $0x80, s30, s19, $0xb8;
	[tilespmem:$0x1E400] =	vst v63  }
0x100: {  	_ = 	snop  }
0x101: {  	[tilespmem:s22], [sflag:$0x4] =	stream.indirect.gather [hbm4b:s1+s19], $0x80, s31, s19, $0xb8;
	[tilespmem:$0x1E400] =	vst v63  }
0x102: {  	_ =	swait.ge [sflag:s23], $0x2000  }
0x103: {  	[sflag:s23] =	ssyncset.done $0x0  }
0x104: {  	[sflag:s23] =	ssyncadd.s32 $0xFFFFE000  }
0x105: {  	_ =	swait.ge [sflag:s25], $0x2000  }
0x106: {  	[sflag:s25] =	ssyncset.done $0x0  }
0x107: {  	[sflag:s25] =	ssyncadd.s32 $0xFFFFE000  }
0x108: {  	[spmem:s2] =	stream.indirect.scatter.add.f32 [tilespmem:s16], [sflag:$0x5], $0x80, s0, s26, $0xb8;
	[tilespmem:$0x1E400] =	vst v63  }
0x109: {  	_ =	swait.ge [sflag:s17], $0x4000  }
0x10a: {  	[sflag:s17] =	ssyncset.done $0x0  }
0x10b: {  	[sflag:s17] =	ssyncadd.s32 $0xFFFFC000  }
0x10c: {  	_ =	swait.ge [sflag:s28], $0x2000  }
0x10d: {  	[sflag:s28] =	ssyncset.done $0x0  }
0x10e: {  	[sflag:s28] =	ssyncadd.s32 $0xFFFFE000  }
0x10f: {  	_ =	swait.ge [sflag:s29], $0x2000  }
0x110: {  	[sflag:s29] =	ssyncset.done $0x0  }
0x111: {  	[sflag:s29] =	ssyncadd.s32 $0xFFFFE000  }
0x112: {  	[spmem:s2] =	stream.indirect.scatter.add.f32 [tilespmem:s21], [sflag:$0x5], $0x80, s4, s26, $0xb8;
	[tilespmem:$0x1E400] =	vst v63  }
0x113: {  	s10 =	stileid.u32;
	_ =	swait.ge [sflag:s17], $0x4000  }
0x114: {  	s5 =	sadd.s32 $0x1, s5;
	s7 =	sshll.u32 s10, $0x6;
	[sflag:s17] =	ssyncset.done $0x0  }
0x115: {  	p0 =	sne.s32 s5, s12;
	s7 =	sor.u32 $0x1C05, s7;
	[sflag:s17] =	ssyncadd.s32 $0xFFFFC000  }
.Ltmp2:
0x116: {  	s11 =	sshrl.u32 s6, $0x3;
	[bflag:$0x0] =	sbarrier.arrive $0xFFFF;
	(pc) =	sbr.rel @p0 .LBB2_1-.Ltmp2, $4  }
0x117: {  	[hbm:s24], [sflag:s7] =	dma.local [spmem:s11], $0x2780  }
0x118: {  	_ =	swait.ge [sflag:s17], $0x2780  }
0x119: {  	[sflag:s17] =	ssyncset.done $0x0  }
0x11a: {  	[sflag:s17] =	ssyncadd.s32 $0xFFFFD880  }
0x11b: {  	_ =	sfence.sel $0x180000  }
0x11c: {  	[bflag:$0x0] =	sbarrier.arrive $0xFFFF  }
0x11d: {  	_ =	strace $0x9000004A  }
0x11e: {  	s0 =	stileid.u32;
	[bflag:$0x2] =	sbarrier.arrive $0xFFFF  }
0x11f: {  	p0 =	sne.s32 s0, $0x0;
	s0 =	rddreg [dreg:$0x3]  }
0x120: {  	s0 =	sadd.s32 @!p0 $0x100000, s0  }
0x121: {  	[sflag:s0] =	ssyncadd.tile.s32 @!p0 $0x1;
	_ =	shalt  }
.Lfunc_end2:
_tile_overlayer_lowered:
.L_overlay_start_2:
0x122: {  	(tag) =	ssettag $0x2  }
0x123: {  	s0 =	rddreg [dreg:$0x0];
	s2 =	stileid.u32  }
0x124: {  	s1 =	rddreg [dreg:$0x1];
	p0 =	sne.s32 s2, $0x0  }
0x125: {  	s3 =	rddreg [dreg:$0x2];
	[bflag:$0x3] =	sbarrier.arrive $0xFFFF;
	s2 =	simm.s32 @!p0 $0x1C05  }
0x126: {  	[timem:s3], [sflag:s2] =	dma.local @!p0 [hbm:s0], s1  }
0x127: {  	s0 =	simm.s32 @!p0 $0x5  }
0x128: {  	_ =	swait.ge @!p0 [sflag:s0], s1  }
0x129: {  	s1 =	ssub.s32 @!p0 $0x0, s1;
	[sflag:s0] =	ssyncset.done @!p0 $0x0  }
0x12a: {  	[sflag:s0] =	ssyncadd.s32 @!p0 s1  }
0x12b: {  	[bflag:$0x3] =	sbarrier.arrive $0xFFFF  }
0x12c: {  	_ =	shalt  }

// kernel: kernel.14.cloned.1.call-start
scs
__scs_entry_jumppad:
0x0: {  	(pc) =	sbr.rel $0x88, $3  }
0x1: {  	(tag) =	ssettag $0x0;
	lr =	simm.s32 $0x1  }
0x2: {  	[smem:$0x3F97] =	sst lr;
	_ =	strace $0xD0000000  }
0x3: {  	_ = 	snop  }
0x4: {  	_ = 	snop  }
0x5: {  	_ = 	snop  }
0x6: {  	_ = 	snop  }
0x7: {  	_ = 	snop  }
__scs_overlays_trampoline_lowered:
0x8: {  	[smem:$0x3FA6] =	sst s0  }
0x9: {  	[smem:$0x3FA7] =	sst s1  }
0xa: {  	[smem:$0x3FA8] =	sst s2  }
0xb: {  	[smem:$0x3FA9] =	sst s3  }
0xc: {  	[smem:$0x3FAA] =	sst s4  }
0xd: {  	[smem:$0x3FAB] =	sst s5  }
0xe: {  	[smem:$0x3FAC] =	sst s6  }
0xf: {  	[smem:$0x3FAD] =	sst s7  }
0x10: {  	[smem:$0x3FAE] =	sst s8  }
0x11: {  	[smem:$0x3FAF] =	sst s9;
	s0 =	simm.s32 @!p0 $0x0  }
0x12: {  	s1 =	sld [smem:$0x3F95];
	s0 =	simm.s32 @p0 $0x1  }
0x13: {  	[smem:$0x3FB0] =	sst s0;
	s0 =	simm.s32 @!p1 $0x0  }
0x14: {  	s2 =	sld [smem:$0x3F94];
	s0 =	simm.s32 @p1 $0x1  }
0x15: {  	[smem:$0x3FB1] =	sst s0;
	s0 =	simm.s32 @!p2 $0x0  }
0x16: {  	s3 =	sld [smem:$0x3FDB];
	s0 =	simm.s32 @p2 $0x1  }
0x17: {  	s4 =	simm.s32 $0x1BF5;
	[smem:$0x3FB3] =	sst s0  }
0x18: {  	s0 =	sld [smem:$0x3F96];
	_ =	swait.ge [sflag:s4], $0x0  }
0x19: {  	s7 =	sld [smem:$0x3F97]  }
0x1a: {  	s8 =	sadd.s32 $0xFFFFE003, lr  }
0x1b: {  	s9 =	sadd.s32 $0xFFFFFEF7, lr;
	s5 =	simm.s32 $0xFFFFFFFF;
	p2 =	slt.u32 s8, $0xFFFFF086  }
0x1c: {  	p1 =	slt.u32 s9, $0xF7A;
	s5 =	simm.s32 @!p2 $0x0  }
0x1d: {  	s5 =	simm.s32 @p1 $0x1;
	p0 =	seq.s32 s7, s2  }
0x1e: {  	s7 =	smul.u32 @!p0 $0xF7A, s2;
	p2 =	seq.s32 @!p0 s5, $0x0  }
0x1f: {  	s9 =	smul.u32 $0xF7A, s1;
	s8 =	simm.s32 @!p0 $0x1BF5;
	p2 =	por !p2, p0  }
0x20: {  	[sflag:s8] =	ssyncset.s32 @!p0 $0xFFFFF086;
	s6 =	sadd.s32 @!p0 s3, s7;
	s7 =	simm.s32 @!p0 $0x108  }
0x21: {  	s3 =	sadd.s32 s3, s9;
	s6 =	sadd.s32 @!p0 $0x88, s6;
	s7 =	simm.s32 @p2 $0x1082  }
0x22: {  	[simem:s7], [sflag:s8] =	dma.local @!p0 [hbm:s6], $0xF7A  }
0x23: {  	s9 =	sor.u32 $0xD0000000, s2;
	s6 =	simm.s32 $0x108;
	_ =	swait.ge @!p0 [sflag:s8], $0x0  }
0x24: {  	s3 =	sadd.s32 $0x88, s3;
	s6 =	simm.s32 @!p1 $0x1082;
	[sflag:s4] =	ssyncset.s32 $0xFFFFF086  }
0x25: {  	[simem:s6], [sflag:s4] =	dma.local [hbm:s3], $0xF7A  }
0x26: {  	[smem:$0x3F97] =	sst s1;
	(tag) =	ssettag s2;
	_ =	strace s9  }
0x27: {  	s1 =	sld [smem:$0x3FA7]  }
0x28: {  	s2 =	sld [smem:$0x3FA8]  }
0x29: {  	s4 =	sld [smem:$0x3FAA]  }
0x2a: {  	p0 =	seq.s32 s5, $0x0;
	s5 =	sld [smem:$0x3FAB]  }
0x2b: {  	s6 =	sld [smem:$0x3FAC]  }
0x2c: {  	s7 =	sld [smem:$0x3FAD]  }
0x2d: {  	s3 =	simm.s32 $0x108;
	s8 =	sld [smem:$0x3FAE]  }
0x2e: {  	s3 =	simm.s32 @!p0 $0x1082;
	s9 =	sld [smem:$0x3FAF]  }
0x2f: {  	lr =	sadd.s32 s0, s3;
	s0 =	sld [smem:$0x3FA6]  }
0x30: {  	s3 =	sld [smem:$0x3FA9]  }
0x31: {  	[smem:$0x3FB2] =	sst s10  }
0x32: {  	s10 =	sld [smem:$0x3FB0];
	_ =	sdelay $0x3  }
0x33: {  	p0 =	seq.s32 s10, $0x1;
	s10 =	sld [smem:$0x3FB2];
	_ =	sdelay $0x3  }
0x34: {  	[smem:$0x3FB2] =	sst s10  }
0x35: {  	s10 =	sld [smem:$0x3FB1];
	_ =	sdelay $0x3  }
0x36: {  	p1 =	seq.s32 s10, $0x1;
	s10 =	sld [smem:$0x3FB2];
	_ =	sdelay $0x3  }
0x37: {  	[smem:$0x3FB2] =	sst s10  }
0x38: {  	s10 =	sld [smem:$0x3FB3]  }
0x39: {  	_ = 	snop;
	(pc) =	sbr.ind lr, $3  }
0x3a: {  	_ = 	snop  }
0x3b: {  	_ = 	snop  }
0x3c: {  	p2 =	seq.s32 s10, $0x1;
	s10 =	sld [smem:$0x3FB2]  }
0x3d: {  	_ =	shalt  }
0x3e: {  	_ =	shalt  }
0x3f: {  	_ =	shalt  }
0x40: {  	_ =	shalt  }
0x41: {  	_ =	shalt  }
0x42: {  	_ =	shalt  }
0x43: {  	_ =	shalt  }
0x44: {  	_ =	shalt  }
0x45: {  	_ =	shalt  }
0x46: {  	_ =	shalt  }
0x47: {  	_ =	shalt  }
0x48: {  	_ =	shalt  }
0x49: {  	_ =	shalt  }
0x4a: {  	_ =	shalt  }
0x4b: {  	_ =	shalt  }
0x4c: {  	_ =	shalt  }
0x4d: {  	_ =	shalt  }
0x4e: {  	_ =	shalt  }
0x4f: {  	_ =	shalt  }
0x50: {  	_ =	shalt  }
0x51: {  	_ =	shalt  }
0x52: {  	_ =	shalt  }
0x53: {  	_ =	shalt  }
0x54: {  	_ =	shalt  }
0x55: {  	_ =	shalt  }
0x56: {  	_ =	shalt  }
0x57: {  	_ =	shalt  }
0x58: {  	_ =	shalt  }
0x59: {  	_ =	shalt  }
0x5a: {  	_ =	shalt  }
0x5b: {  	_ =	shalt  }
0x5c: {  	_ =	shalt  }
0x5d: {  	_ =	shalt  }
0x5e: {  	_ =	shalt  }
0x5f: {  	_ =	shalt  }
0x60: {  	_ =	shalt  }
0x61: {  	_ =	shalt  }
0x62: {  	_ =	shalt  }
0x63: {  	_ =	shalt  }
0x64: {  	_ =	shalt  }
0x65: {  	_ =	shalt  }
0x66: {  	_ =	shalt  }
0x67: {  	_ =	shalt  }
0x68: {  	_ =	shalt  }
0x69: {  	_ =	shalt  }
0x6a: {  	_ =	shalt  }
0x6b: {  	_ =	shalt  }
0x6c: {  	_ =	shalt  }
0x6d: {  	_ =	shalt  }
0x6e: {  	_ =	shalt  }
0x6f: {  	_ =	shalt  }
0x70: {  	_ =	shalt  }
0x71: {  	_ =	shalt  }
0x72: {  	_ =	shalt  }
0x73: {  	_ =	shalt  }
0x74: {  	_ =	shalt  }
0x75: {  	_ =	shalt  }
0x76: {  	_ =	shalt  }
0x77: {  	_ =	shalt  }
0x78: {  	_ =	shalt  }
0x79: {  	_ =	shalt  }
0x7a: {  	_ =	shalt  }
0x7b: {  	_ =	shalt  }
0x7c: {  	_ =	shalt  }
0x7d: {  	_ =	shalt  }
0x7e: {  	_ =	shalt  }
0x7f: {  	_ =	shalt  }
0x80: {  	_ =	shalt  }
0x81: {  	_ =	shalt  }
0x82: {  	_ =	shalt  }
0x83: {  	_ =	shalt  }
0x84: {  	_ =	shalt  }
0x85: {  	_ =	shalt  }
0x86: {  	_ =	shalt  }
0x87: {  	_ =	shalt  }
.Lfunc_end0:
.L_simem_size_0:
called_computation.2_lowered:
.L_overlay_start_0:
0x88: {  	s2 =	sld [smem:$0x3FD9]  }
0x89: {  	s3 =	sld [smem:$0x3FFE];
	_ =	sdelay $0x1  }
0x8a: {  	s1 =	srdreg.scid  }
0x8b: {  	s0 =	sand.u32 $0x1, s1  }
0x8c: {  	s17 =	sshll.u32 s0, $0xA;
	s2 =	sadd.s32 s3, s2  }
0x8d: {  	s2 =	sadd.s32 s2, s17  }
0x8e: {  	[smem:$0x3FBE] =	sst s2  }
0x8f: {  	_ = 	snop  }
0x90: {  	s2 =	sld [smem:$0x3FD0];
	(tm) =	ssettm $0x1  }
0x91: {  	s18 =	sld [smem:$0x3FFB];
	_ =	sdelay $0x3  }
0x92: {  	_ =	strace s18  }
0x93: {  	s3 =	sld [smem:$0x3FFC];
	_ =	sdelay $0x3  }
0x94: {  	_ =	strace s3  }
0x95: {  	s3 =	sld [smem:$0x3FFD];
	_ =	sdelay $0x3  }
0x96: {  	_ =	strace s3  }
0x97: {  	_ =	strace $0x8FFFFFFF  }
0x98: {  	s19 =	sld [smem:$0x3FDB];
	_ =	sdelay $0x1  }
0x99: {  	s4 =	simm.s32 $_scs_section_size  }
0x9a: {  	s5 =	simm.s32 $_size__tile_overlayer_lowered;
	s6 =	simm.s32 $_tile_overlayer_lowered  }
0x9b: {  	s22 =	simm.s32 $0x1BFF;
	s21 =	sshll.u32 s6, $0x1;
	s3 =	sadd.s32 s4, s19  }
0x9c: {  	s7 =	simm.s32 $0x0;
	s20 =	sshll.u32 s5, $0x1;
	s5 =	sadd.s32 s21, s3  }
0x9d: {  	[timem:s7], [sflag:s22] =	dma.local [hbm:s5], s20  }
0x9e: {  	_ =	swait.ge [sflag:s22], s20  }
0x9f: {  	s4 =	ssub.s32 $0x0, s20;
	[sflag:s22] =	ssyncset.done $0x0  }
0xa0: {  	[sflag:s22] =	ssyncadd.s32 s4;
	_ =	sdelay $0x1  }
0xa1: {  	s23 =	simm.s32 $0x1B8B  }
0xa2: {  	_ =	swait.ge [sflag:s23], $0x1  }
0xa3: {  	[sflag:s23] =	ssyncset.done $0x0  }
0xa4: {  	s25 =	simm.s32 $0x1B8E;
	s24 =	sld [smem:$0x3FFE];
	[sflag:s23] =	ssyncadd.s32 $0xFFFFFFFF  }
0xa5: {  	s26 =	simm.s32 $execute0_lowered;
	[smem:$0x3FD2] =	sst s25  }
0xa6: {  	s5 =	sshll.u32 s26, $0x1;
	_ =	strace $0x8000004C;
	[dreg:$0x1] =	wrdreg $0xFFFFFFFF  }
0xa7: {  	s28 =	simm.s32 $_size_execute0_lowered;
	s3 =	sadd.s32 s3, s5;
	[dreg:$0x0] =	wrdreg $0x0  }
0xa8: {  	s5 =	sshll.u32 s28, $0x1;
	[dreg:$0x2] =	wrdreg s3  }
0xa9: {  	[dreg:$0x3] =	wrdreg s5  }
0xaa: {  	[dreg:$0x4] =	wrdreg $0xC0  }
0xab: {  	_ =	task [dreg:s7], $0x5FFFF  }
0xac: {  	[dreg:$0x1] =	wrdreg $0xFFFFFFFF  }
0xad: {  	[dreg:$0x0] =	wrdreg $0x60  }
0xae: {  	[dreg:$0x2] =	wrdreg s2  }
0xaf: {  	[dreg:$0x3] =	wrdreg s24  }
0xb0: {  	[dreg:$0x4] =	wrdreg $0xA8000  }
0xb1: {  	[dreg:$0x5] =	wrdreg $0x9  }
0xb2: {  	_ =	task.clear_ibuf [dreg:s7], $0x6FFFF;
	_ =	strace $0x9000004C  }
0xb3: {  	s29 =	simm.s32 $0x9;
	_ =	strace $0x8000004E  }
0xb4: {  	_ =	swait.ge [sflag:s29], $0x1  }
0xb5: {  	[sflag:s29] =	ssyncadd.s32 $0xFFFFFFFF  }
0xb6: {  	_ =	strace $0x9000004E  }
0xb7: {  	_ =	sfence  }
0xb8: {  	s30 =	sld [smem:$0x0];
	_ =	sdelay $0x2  }
0xb9: {  	s31 =	sshll.u32 s1, $0xD;
	s1 =	sshrl.u32 s1, $0x2  }
0xba: {  	s3 =	sand.u32 $0x4000, s31;
	s1 =	sadd.s32 s1, s30  }
0xbb: {  	s0 =	sor.u32 s3, s0;
	s1 =	sshll.u32 s1, $0x11  }
0xbc: {  	s0 =	sor.u32 s1, s0  }
0xbd: {  	s0 =	sadd.s32 $0x8F2B, s0  }
0xbe: {  	[sflag:s0] =	ssyncadd.remote.s32 $0x1  }
0xbf: {  	_ =	sfence.sel $0xFFFF  }
0xc0: {  	[dreg:$0x0] =	wrdreg $0xFFFFFFFF;
	(pc) =	sbr.abs _section_cstart, $3  }
0xc1: {  	[dreg:$0x1] =	wrdreg $0xFFFFFFFF  }
0xc2: {  	_ =	task.clear_ibuf [dreg:s7], $0x2FFFF;
	_ =	strace $0x9FFFFFFF  }
0xc3: {  	(tm) =	ssettm $0x7FFFFFFF  }
tec
execute0_lowered:
.L_overlay_start_1:
0x0: {  	(tag) =	ssettag $0x1  }
0x1: {  	s1 =	rddreg [dreg:$0x0]  }
0x2: {  	s0 =	rddreg [dreg:$0x1]  }
0x3: {  	s2 =	rddreg [dreg:$0x2];
	s3 =	simm.s32 $0x0  }
0x4: {  	s4 =	srdreg.scid;
	s12 =	stileid.u32;
	s16 =	simm.s32 $0x2800  }
0x5: {  	s17 =	simm.s32 $0x5;
	s18 =	simm.s32 $0x1400;
	s19 =	simm.s32 $0x40  }
0x6: {  	s28 =	simm.s32 $0x3;
	s29 =	simm.s32 $0x4;
	s30 =	simm.s32 $0x1380  }
0x7: {  	s31 =	simm.s32 $0x13C0;
	[smem:$0x7FF] =	sst s3;
	s5 =	sadd.s32 $0xD400, s0  }
0x8: {  	s7 =	sadd.s32 $0x3400, s0;
	s4 =	sand.u32 $0x1, s4;
	s20 =	smul.u32 $0x4F000, s12  }
0x9: {  	s9 =	sadd.s32 $0x17400, s0;
	s26 =	smul.u32 $0x2780, s12;
	_ =	strace $0x8000004D  }
0xa: {  	s6 =	smul.u32 $0x27800, s4;
	s8 =	sshll.u32 s4, $0x4;
	s4 =	ssub.s32 $0x2, s4  }
0xb: {  	[dreg:$0x4] =	wrdreg s9;
	s8 =	sor.u32 s12, s8;
	s21 =	sshrl.u32 s4, $0x1  }
0xc: {  	s9 =	sshrl.u32 s20, $0x2;
	s20 =	simm.s32 $0x4800;
	s10 =	smul.u32 $0x2800, s8  }
0xd: {  	s0 =	sadd.s32 s6, s0;
	s8 =	smul.u32 $0x500, s8;
	s6 =	sadd.s32 s9, s2  }
0xe: {  	s4 =	ssub.s32 s4, s21;
	s21 =	simm.s32 $0x6800;
	s23 =	sadd.s32 $0x10000, s6  }
0xf: {  	s0 =	sadd.s32 $0x17C00, s0;
	s12 =	smax.u32 s4, $0x1;
	s13 =	sadd.s32 $0x4000, s6  }
0x10: {  	s14 =	sadd.s32 $0x8000, s6;
	s15 =	sadd.s32 $0xC000, s6;
	s4 =	simm.s32 $0x2780  }
0x11: {  	s22 =	sshrl.u32 s10, $0x3;
	[dreg:$0x5] =	wrdreg s23;
	s24 =	sadd.s32 s5, s8  }
0x12: {  	s8 =	sadd.s32 s7, s8;
	s23 =	simm.s32 $0x1;
	[dreg:$0x6] =	wrdreg s24  }
0x13: {  	s11 =	sadd.s32 $0x280, s22;
	[dreg:$0x7] =	wrdreg s8;
	s22 =	simm.s32 $0x8800  }
0x14: {  	s24 =	sadd.s32 s26, s0;
	s26 =	simm.s32 $0x80;
	s5 =	sadd.s32 s5, s11  }
0x15: {  	s0 =	simm.s32 $0x2700;
	s25 =	sadd.s32 s7, s11;
	[dreg:$0x8] =	wrdreg s5  }
0x16: {  	[dreg:$0x9] =	wrdreg s25;
	s25 =	simm.s32 $0x2;
	s5 =	simm.s32 $0x0  }
.LBB2_1:
0x17: {  	s7 =	rddreg [dreg:$0x4]  }
0x18: {  	[tilespmem:s16], [sflag:$0x5] =	stream.linear.gather [hbm4b:s7+s3], $0x4000, $0x38;
	[tilespmem:$0x1E400] =	vst v63  }
0x19: {  	_ =	swait.ge [sflag:s17], $0x4000  }
0x1a: {  	[sflag:s17] =	ssyncset.done $0x0  }
0x1b: {  	[sflag:s17] =	ssyncadd.s32 $0xFFFFC000  }
0x1c: {  	[spmem:s6] =	stream.linear.scatter [tilespmem:s16], [sflag:$0x5], $0x4000, $0x38;
	[tilespmem:$0x1E400] =	vst v63  }
0x1d: {  	_ =	swait.ge [sflag:s17], $0x4000  }
0x1e: {  	[sflag:s17] =	ssyncset.done $0x0  }
0x1f: {  	[sflag:s17] =	ssyncadd.s32 $0xFFFFC000  }
0x20: {  	[spmem:s13] =	stream.linear.scatter [tilespmem:s16], [sflag:$0x5], $0x4000, $0x38;
	[tilespmem:$0x1E400] =	vst v63  }
0x21: {  	_ =	swait.ge [sflag:s17], $0x4000  }
0x22: {  	[sflag:s17] =	ssyncset.done $0x0  }
0x23: {  	[sflag:s17] =	ssyncadd.s32 $0xFFFFC000  }
0x24: {  	[spmem:s14] =	stream.linear.scatter [tilespmem:s16], [sflag:$0x5], $0x4000, $0x38;
	[tilespmem:$0x1E400] =	vst v63  }
0x25: {  	_ =	swait.ge [sflag:s17], $0x4000  }
0x26: {  	[sflag:s17] =	ssyncset.done $0x0  }
0x27: {  	[sflag:s17] =	ssyncadd.s32 $0xFFFFC000  }
0x28: {  	[spmem:s15] =	stream.linear.scatter [tilespmem:s16], [sflag:$0x5], $0x4000, $0x38;
	[tilespmem:$0x1E400] =	vst v63  }
0x29: {  	_ =	swait.ge [sflag:s17], $0x4000  }
0x2a: {  	[sflag:s17] =	ssyncset.done $0x0  }
0x2b: {  	s11 =	rddreg [dreg:$0x5];
	[sflag:s17] =	ssyncadd.s32 $0xFFFFC000  }
0x2c: {  	[spmem:s11] =	stream.linear.scatter [tilespmem:s16], [sflag:$0x5], $0x3C00, $0x38;
	[tilespmem:$0x1E400] =	vst v63  }
0x2d: {  	_ =	swait.ge [sflag:s17], $0x3C00  }
0x2e: {  	[sflag:s17] =	ssyncset.done $0x0  }
0x2f: {  	[sflag:s17] =	ssyncadd.s32 $0xFFFFC400  }
0x30: {  	[bflag:$0x0] =	sbarrier.arrive $0xFFFF  }
0x31: {  	s8 =	rddreg [dreg:$0x6]  }
0x32: {  	[tilespmem:s3], [sflag:$0x5] =	stream.linear.gather [hbm4b:s8+s3], $0x1400, $0x38;
	[tilespmem:$0x1E400] =	vst v63  }
0x33: {  	_ =	swait.ge [sflag:s17], $0x1400  }
0x34: {  	[sflag:s17] =	ssyncset.done $0x0  }
0x35: {  	s9 =	rddreg [dreg:$0x7];
	[sflag:s17] =	ssyncadd.s32 $0xFFFFEC00  }
0x36: {  	[tilespmem:s18], [sflag:$0x5] =	stream.linear.gather [hbm4b:s9+s3], $0x1400, $0x38;
	[tilespmem:$0x1E400] =	vst v63  }
0x37: {  	_ =	swait.ge [sflag:s17], $0x1400  }
0x38: {  	[sflag:s17] =	ssyncset.done $0x0  }
0x39: {  	[sflag:s17] =	ssyncadd.s32 $0xFFFFEC00  }
0x3a: {  	[tilespmem:s16], [sflag:$0x1] =	stream.indirect.gather [hbm4b:s1+s19], $0x80, s3, s19, $0xb8;
	[tilespmem:$0x1E400] =	vst v63  }
0x3b: {  	_ = 	snop  }
0x3c: {  	[tilespmem:s20], [sflag:$0x2] =	stream.indirect.gather [hbm4b:s1+s19], $0x80, s19, s19, $0xb8;
	[tilespmem:$0x1E400] =	vst v63  }
0x3d: {  	s10 =	simm.s32 $0x80  }
0x3e: {  	[tilespmem:s21], [sflag:$0x3] =	stream.indirect.gather [hbm4b:s1+s19], $0x80, s10, s19, $0xb8;
	[tilespmem:$0x1E400] =	vst v63  }
0x3f: {  	s11 =	simm.s32 $0xC0  }
0x40: {  	[tilespmem:s22], [sflag:$0x4] =	stream.indirect.gather [hbm4b:s1+s19], $0x80, s11, s19, $0xb8;
	[tilespmem:$0x1E400] =	vst v63  }
0x41: {  	_ =	swait.ge [sflag:s23], $0x2000  }
0x42: {  	[sflag:s23] =	ssyncset.done $0x0  }
0x43: {  	[sflag:s23] =	ssyncadd.s32 $0xFFFFE000  }
0x44: {  	_ =	swait.ge [sflag:s25], $0x2000  }
0x45: {  	[sflag:s25] =	ssyncset.done $0x0  }
0x46: {  	s8 =	simm.s32 $0x1400;
	[sflag:s25] =	ssyncadd.s32 $0xFFFFE000  }
0x47: {  	[spmem:s2] =	stream.indirect.scatter.add.f32 [tilespmem:s16], [sflag:$0x5], $0x80, s8, s26, $0xb8;
	[tilespmem:$0x1E400] =	vst v63  }
0x48: {  	_ =	swait.ge [sflag:s17], $0x4000  }
0x49: {  	[sflag:s17] =	ssyncset.done $0x0  }
0x4a: {  	s9 =	simm.s32 $0x100;
	[sflag:s17] =	ssyncadd.s32 $0xFFFFC000  }
0x4b: {  	[tilespmem:s16], [sflag:$0x1] =	stream.indirect.gather [hbm4b:s1+s19], $0x80, s9, s19, $0xb8;
	[tilespmem:$0x1E400] =	vst v63  }
0x4c: {  	s10 =	simm.s32 $0x140  }
0x4d: {  	[tilespmem:s20], [sflag:$0x2] =	stream.indirect.gather [hbm4b:s1+s19], $0x80, s10, s19, $0xb8;
	[tilespmem:$0x1E400] =	vst v63  }
0x4e: {  	_ =	swait.ge [sflag:s28], $0x2000  }
0x4f: {  	[sflag:s28] =	ssyncset.done $0x0  }
0x50: {  	[sflag:s28] =	ssyncadd.s32 $0xFFFFE000  }
0x51: {  	_ =	swait.ge [sflag:s29], $0x2000  }
0x52: {  	[sflag:s29] =	ssyncset.done $0x0  }
0x53: {  	s11 =	simm.s32 $0x1480;
	[sflag:s29] =	ssyncadd.s32 $0xFFFFE000  }
0x54: {  	[spmem:s2] =	stream.indirect.scatter.add.f32 [tilespmem:s21], [sflag:$0x5], $0x80, s11, s26, $0xb8;
	[tilespmem:$0x1E400] =	vst v63  }
0x55: {  	_ =	swait.ge [sflag:s17], $0x4000  }
0x56: {  	s7 =	simm.s32 $0x100;
	s8 =	simm.s32 $0x800;
	[sflag:s17] =	ssyncset.done $0x0  }
.LBB2_2:
0x57: {  	s9 =	sadd.s32 $0x80, s7  }
0x58: {  	[sflag:s17] =	ssyncadd.s32 $0xFFFFC000;
	s10 =	smov.u32 s8;
	s11 =	sadd.s32 $0x400, s8  }
0x59: {  	[tilespmem:s21], [sflag:$0x3] =	stream.indirect.gather [hbm4b:s1+s19], $0x80, s9, s19, $0xb8;
	[tilespmem:$0x1E400] =	vst v63  }
0x5a: {  	p0 =	sne.s32 s8, $0x4800;
	s8 =	sadd.s32 $0xC0, s7  }
0x5b: {  	[tilespmem:s22], [sflag:$0x4] =	stream.indirect.gather [hbm4b:s1+s19], $0x80, s8, s19, $0xb8;
	[tilespmem:$0x1E400] =	vst v63  }
0x5c: {  	_ =	swait.ge [sflag:s23], $0x2000  }
0x5d: {  	[sflag:s23] =	ssyncset.done $0x0  }
0x5e: {  	[sflag:s23] =	ssyncadd.s32 $0xFFFFE000  }
0x5f: {  	_ =	swait.ge [sflag:s25], $0x2000  }
0x60: {  	[sflag:s25] =	ssyncset.done $0x0  }
0x61: {  	s8 =	sadd.s32 $0x1400, s7;
	[sflag:s25] =	ssyncadd.s32 $0xFFFFE000  }
0x62: {  	[spmem:s2] =	stream.indirect.scatter.add.f32 [tilespmem:s16], [sflag:$0x5], $0x80, s8, s26, $0xb8;
	[tilespmem:$0x1E400] =	vst v63  }
0x63: {  	_ =	swait.ge [sflag:s17], $0x4000  }
0x64: {  	[sflag:s17] =	ssyncset.done $0x0  }
0x65: {  	s8 =	sadd.s32 $0x100, s7;
	[sflag:s17] =	ssyncadd.s32 $0xFFFFC000  }
0x66: {  	[tilespmem:s16], [sflag:$0x1] =	stream.indirect.gather [hbm4b:s1+s19], $0x80, s8, s19, $0xb8;
	[tilespmem:$0x1E400] =	vst v63  }
0x67: {  	s8 =	sadd.s32 $0x140, s7  }
0x68: {  	[tilespmem:s20], [sflag:$0x2] =	stream.indirect.gather [hbm4b:s1+s19], $0x80, s8, s19, $0xb8;
	[tilespmem:$0x1E400] =	vst v63  }
0x69: {  	_ =	swait.ge [sflag:s28], $0x2000  }
0x6a: {  	[sflag:s28] =	ssyncset.done $0x0  }
0x6b: {  	[sflag:s28] =	ssyncadd.s32 $0xFFFFE000  }
0x6c: {  	_ =	swait.ge [sflag:s29], $0x2000  }
.Ltmp0:
0x6d: {  	[sflag:s29] =	ssyncset.done $0x0;
	(pc) =	sbr.rel @p0 .LBB2_2-.Ltmp0, $4  }
0x6e: {  	s7 =	sadd.s32 $0x1480, s7;
	[sflag:s29] =	ssyncadd.s32 $0xFFFFE000  }
0x6f: {  	[spmem:s2] =	stream.indirect.scatter.add.f32 [tilespmem:s21], [sflag:$0x5], $0x80, s7, s26, $0xb8;
	[tilespmem:$0x1E400] =	vst v63  }
0x70: {  	_ =	swait.ge [sflag:s17], $0x4000  }
0x71: {  	s8 =	smov.u32 s11;
	s7 =	sshra.s32 s10, $0x2;
	[sflag:s17] =	ssyncset.done $0x0  }
0x72: {  	s8 =	sadd.s32 $0x80, s7;
	[sflag:s17] =	ssyncadd.s32 $0xFFFFC000  }
0x73: {  	[tilespmem:s21], [sflag:$0x3] =	stream.indirect.gather [hbm4b:s1+s19], $0x80, s8, s19, $0xb8;
	[tilespmem:$0x1E400] =	vst v63  }
0x74: {  	s11 =	sadd.s32 $0xC0, s7  }
0x75: {  	[tilespmem:s22], [sflag:$0x4] =	stream.indirect.gather [hbm4b:s1+s19], $0x80, s11, s19, $0xb8;
	[tilespmem:$0x1E400] =	vst v63  }
0x76: {  	_ =	swait.ge [sflag:s23], $0x2000  }
0x77: {  	[sflag:s23] =	ssyncset.done $0x0  }
0x78: {  	[sflag:s23] =	ssyncadd.s32 $0xFFFFE000  }
0x79: {  	_ =	swait.ge [sflag:s25], $0x2000  }
0x7a: {  	[sflag:s25] =	ssyncset.done $0x0  }
0x7b: {  	s9 =	sadd.s32 $0x1400, s7;
	[sflag:s25] =	ssyncadd.s32 $0xFFFFE000  }
0x7c: {  	[spmem:s2] =	stream.indirect.scatter.add.f32 [tilespmem:s16], [sflag:$0x5], $0x80, s9, s26, $0xb8;
	[tilespmem:$0x1E400] =	vst v63  }
0x7d: {  	_ =	swait.ge [sflag:s17], $0x4000  }
0x7e: {  	[sflag:s17] =	ssyncset.done $0x0  }
0x7f: {  	s10 =	sadd.s32 $0x100, s7;
	[sflag:s17] =	ssyncadd.s32 $0xFFFFC000  }
0x80: {  	[tilespmem:s16], [sflag:$0x1] =	stream.indirect.gather [hbm4b:s1+s19], $0x80, s10, s19, $0xb8;
	[tilespmem:$0x1E400] =	vst v63  }
0x81: {  	s11 =	sadd.s32 $0x140, s7  }
0x82: {  	[tilespmem:s20], [sflag:$0x2] =	stream.indirect.gather [hbm4b:s1+s19], $0x80, s11, s19, $0xb8;
	[tilespmem:$0x1E400] =	vst v63  }
0x83: {  	_ =	swait.ge [sflag:s28], $0x2000  }
0x84: {  	[sflag:s28] =	ssyncset.done $0x0  }
0x85: {  	[sflag:s28] =	ssyncadd.s32 $0xFFFFE000  }
0x86: {  	_ =	swait.ge [sflag:s29], $0x2000  }
0x87: {  	[sflag:s29] =	ssyncset.done $0x0  }
0x88: {  	s9 =	sadd.s32 $0x1480, s7;
	[sflag:s29] =	ssyncadd.s32 $0xFFFFE000  }
0x89: {  	[spmem:s2] =	stream.indirect.scatter.add.f32 [tilespmem:s21], [sflag:$0x5], $0x80, s9, s26, $0xb8;
	[tilespmem:$0x1E400] =	vst v63  }
0x8a: {  	_ =	swait.ge [sflag:s17], $0x4000  }
0x8b: {  	[sflag:s17] =	ssyncset.done $0x0  }
0x8c: {  	[sflag:s17] =	ssyncadd.s32 $0xFFFFC000  }
0x8d: {  	[tilespmem:s21], [sflag:$0x3] =	stream.indirect.gather [hbm4b:s1+s19], $0x80, s30, s19, $0xb8;
	[tilespmem:$0x1E400] =	vst v63  }
0x8e: {  	_ = 	snop  }
0x8f: {  	[tilespmem:s22], [sflag:$0x4] =	stream.indirect.gather [hbm4b:s1+s19], $0x80, s31, s19, $0xb8;
	[tilespmem:$0x1E400] =	vst v63  }
0x90: {  	_ =	swait.ge [sflag:s23], $0x2000  }
0x91: {  	[sflag:s23] =	ssyncset.done $0x0  }
0x92: {  	[sflag:s23] =	ssyncadd.s32 $0xFFFFE000  }
0x93: {  	_ =	swait.ge [sflag:s25], $0x2000  }
0x94: {  	[sflag:s25] =	ssyncset.done $0x0  }
0x95: {  	[sflag:s25] =	ssyncadd.s32 $0xFFFFE000  }
0x96: {  	[spmem:s2] =	stream.indirect.scatter.add.f32 [tilespmem:s16], [sflag:$0x5], $0x80, s0, s26, $0xb8;
	[tilespmem:$0x1E400] =	vst v63  }
0x97: {  	_ =	swait.ge [sflag:s17], $0x4000  }
0x98: {  	[sflag:s17] =	ssyncset.done $0x0  }
0x99: {  	[sflag:s17] =	ssyncadd.s32 $0xFFFFC000  }
0x9a: {  	_ =	swait.ge [sflag:s28], $0x2000  }
0x9b: {  	[sflag:s28] =	ssyncset.done $0x0  }
0x9c: {  	[sflag:s28] =	ssyncadd.s32 $0xFFFFE000  }
0x9d: {  	_ =	swait.ge [sflag:s29], $0x2000  }
0x9e: {  	[sflag:s29] =	ssyncset.done $0x0  }
0x9f: {  	[sflag:s29] =	ssyncadd.s32 $0xFFFFE000  }
0xa0: {  	[spmem:s2] =	stream.indirect.scatter.add.f32 [tilespmem:s21], [sflag:$0x5], $0x80, s4, s26, $0xb8;
	[tilespmem:$0x1E400] =	vst v63  }
0xa1: {  	_ =	swait.ge [sflag:s17], $0x4000  }
0xa2: {  	[sflag:s17] =	ssyncset.done $0x0  }
0xa3: {  	s10 =	simm.s32 $0x0;
	s11 =	rddreg [dreg:$0x8];
	[sflag:s17] =	ssyncadd.s32 $0xFFFFC000  }
0xa4: {  	[tilespmem:s10], [sflag:$0x5] =	stream.linear.gather [hbm4b:s11+s10], $0x1400, $0x38;
	[tilespmem:$0x1E400] =	vst v63  }
0xa5: {  	_ =	swait.ge [sflag:s17], $0x1400  }
0xa6: {  	[sflag:s17] =	ssyncset.done $0x0  }
0xa7: {  	s9 =	rddreg [dreg:$0x9];
	[sflag:s17] =	ssyncadd.s32 $0xFFFFEC00  }
0xa8: {  	[tilespmem:s18], [sflag:$0x5] =	stream.linear.gather [hbm4b:s9+s10], $0x1400, $0x38;
	[tilespmem:$0x1E400] =	vst v63  }
0xa9: {  	_ =	swait.ge [sflag:s17], $0x1400  }
0xaa: {  	[sflag:s17] =	ssyncset.done $0x0  }
0xab: {  	[sflag:s17] =	ssyncadd.s32 $0xFFFFEC00  }
0xac: {  	[tilespmem:s16], [sflag:$0x1] =	stream.indirect.gather [hbm4b:s1+s19], $0x80, s10, s19, $0xb8;
	[tilespmem:$0x1E400] =	vst v63  }
0xad: {  	_ = 	snop  }
0xae: {  	[tilespmem:s20], [sflag:$0x2] =	stream.indirect.gather [hbm4b:s1+s19], $0x80, s19, s19, $0xb8;
	[tilespmem:$0x1E400] =	vst v63  }
0xaf: {  	s10 =	simm.s32 $0x80  }
0xb0: {  	[tilespmem:s21], [sflag:$0x3] =	stream.indirect.gather [hbm4b:s1+s19], $0x80, s10, s19, $0xb8;
	[tilespmem:$0x1E400] =	vst v63  }
0xb1: {  	s11 =	simm.s32 $0xC0  }
0xb2: {  	[tilespmem:s22], [sflag:$0x4] =	stream.indirect.gather [hbm4b:s1+s19], $0x80, s11, s19, $0xb8;
	[tilespmem:$0x1E400] =	vst v63  }
0xb3: {  	_ =	swait.ge [sflag:s23], $0x2000  }
0xb4: {  	[sflag:s23] =	ssyncset.done $0x0  }
0xb5: {  	[sflag:s23] =	ssyncadd.s32 $0xFFFFE000  }
0xb6: {  	_ =	swait.ge [sflag:s25], $0x2000  }
0xb7: {  	[sflag:s25] =	ssyncset.done $0x0  }
0xb8: {  	s8 =	simm.s32 $0x1400;
	[sflag:s25] =	ssyncadd.s32 $0xFFFFE000  }
0xb9: {  	[spmem:s2] =	stream.indirect.scatter.add.f32 [tilespmem:s16], [sflag:$0x5], $0x80, s8, s26, $0xb8;
	[tilespmem:$0x1E400] =	vst v63  }
0xba: {  	_ =	swait.ge [sflag:s17], $0x4000  }
0xbb: {  	[sflag:s17] =	ssyncset.done $0x0  }
0xbc: {  	s9 =	simm.s32 $0x100;
	[sflag:s17] =	ssyncadd.s32 $0xFFFFC000  }
0xbd: {  	[tilespmem:s16], [sflag:$0x1] =	stream.indirect.gather [hbm4b:s1+s19], $0x80, s9, s19, $0xb8;
	[tilespmem:$0x1E400] =	vst v63  }
0xbe: {  	s10 =	simm.s32 $0x140  }
0xbf: {  	[tilespmem:s20], [sflag:$0x2] =	stream.indirect.gather [hbm4b:s1+s19], $0x80, s10, s19, $0xb8;
	[tilespmem:$0x1E400] =	vst v63  }
0xc0: {  	_ =	swait.ge [sflag:s28], $0x2000  }
0xc1: {  	[sflag:s28] =	ssyncset.done $0x0  }
0xc2: {  	[sflag:s28] =	ssyncadd.s32 $0xFFFFE000  }
0xc3: {  	_ =	swait.ge [sflag:s29], $0x2000  }
0xc4: {  	[sflag:s29] =	ssyncset.done $0x0  }
0xc5: {  	s11 =	simm.s32 $0x1480;
	[sflag:s29] =	ssyncadd.s32 $0xFFFFE000  }
0xc6: {  	[spmem:s2] =	stream.indirect.scatter.add.f32 [tilespmem:s21], [sflag:$0x5], $0x80, s11, s26, $0xb8;
	[tilespmem:$0x1E400] =	vst v63  }
0xc7: {  	_ =	swait.ge [sflag:s17], $0x4000  }
0xc8: {  	s7 =	simm.s32 $0x100;
	s8 =	simm.s32 $0x800;
	[sflag:s17] =	ssyncset.done $0x0  }
.LBB2_4:
0xc9: {  	s9 =	sadd.s32 $0x80, s7  }
0xca: {  	[sflag:s17] =	ssyncadd.s32 $0xFFFFC000;
	s10 =	smov.u32 s8;
	s11 =	sadd.s32 $0x400, s8  }
0xcb: {  	[tilespmem:s21], [sflag:$0x3] =	stream.indirect.gather [hbm4b:s1+s19], $0x80, s9, s19, $0xb8;
	[tilespmem:$0x1E400] =	vst v63  }
0xcc: {  	p0 =	sne.s32 s8, $0x4800;
	s8 =	sadd.s32 $0xC0, s7  }
0xcd: {  	[tilespmem:s22], [sflag:$0x4] =	stream.indirect.gather [hbm4b:s1+s19], $0x80, s8, s19, $0xb8;
	[tilespmem:$0x1E400] =	vst v63  }
0xce: {  	_ =	swait.ge [sflag:s23], $0x2000  }
0xcf: {  	[sflag:s23] =	ssyncset.done $0x0  }
0xd0: {  	[sflag:s23] =	ssyncadd.s32 $0xFFFFE000  }
0xd1: {  	_ =	swait.ge [sflag:s25], $0x2000  }
0xd2: {  	[sflag:s25] =	ssyncset.done $0x0  }
0xd3: {  	s8 =	sadd.s32 $0x1400, s7;
	[sflag:s25] =	ssyncadd.s32 $0xFFFFE000  }
0xd4: {  	[spmem:s2] =	stream.indirect.scatter.add.f32 [tilespmem:s16], [sflag:$0x5], $0x80, s8, s26, $0xb8;
	[tilespmem:$0x1E400] =	vst v63  }
0xd5: {  	_ =	swait.ge [sflag:s17], $0x4000  }
0xd6: {  	[sflag:s17] =	ssyncset.done $0x0  }
0xd7: {  	s8 =	sadd.s32 $0x100, s7;
	[sflag:s17] =	ssyncadd.s32 $0xFFFFC000  }
0xd8: {  	[tilespmem:s16], [sflag:$0x1] =	stream.indirect.gather [hbm4b:s1+s19], $0x80, s8, s19, $0xb8;
	[tilespmem:$0x1E400] =	vst v63  }
0xd9: {  	s8 =	sadd.s32 $0x140, s7  }
0xda: {  	[tilespmem:s20], [sflag:$0x2] =	stream.indirect.gather [hbm4b:s1+s19], $0x80, s8, s19, $0xb8;
	[tilespmem:$0x1E400] =	vst v63  }
0xdb: {  	_ =	swait.ge [sflag:s28], $0x2000  }
0xdc: {  	[sflag:s28] =	ssyncset.done $0x0  }
0xdd: {  	[sflag:s28] =	ssyncadd.s32 $0xFFFFE000  }
0xde: {  	_ =	swait.ge [sflag:s29], $0x2000  }
.Ltmp1:
0xdf: {  	[sflag:s29] =	ssyncset.done $0x0;
	(pc) =	sbr.rel @p0 .LBB2_4-.Ltmp1, $4  }
0xe0: {  	s7 =	sadd.s32 $0x1480, s7;
	[sflag:s29] =	ssyncadd.s32 $0xFFFFE000  }
0xe1: {  	[spmem:s2] =	stream.indirect.scatter.add.f32 [tilespmem:s21], [sflag:$0x5], $0x80, s7, s26, $0xb8;
	[tilespmem:$0x1E400] =	vst v63  }
0xe2: {  	_ =	swait.ge [sflag:s17], $0x4000  }
0xe3: {  	s8 =	smov.u32 s11;
	s7 =	sshra.s32 s10, $0x2;
	[sflag:s17] =	ssyncset.done $0x0  }
0xe4: {  	s8 =	sadd.s32 $0x80, s7;
	[sflag:s17] =	ssyncadd.s32 $0xFFFFC000  }
0xe5: {  	[tilespmem:s21], [sflag:$0x3] =	stream.indirect.gather [hbm4b:s1+s19], $0x80, s8, s19, $0xb8;
	[tilespmem:$0x1E400] =	vst v63  }
0xe6: {  	s11 =	sadd.s32 $0xC0, s7  }
0xe7: {  	[tilespmem:s22], [sflag:$0x4] =	stream.indirect.gather [hbm4b:s1+s19], $0x80, s11, s19, $0xb8;
	[tilespmem:$0x1E400] =	vst v63  }
0xe8: {  	_ =	swait.ge [sflag:s23], $0x2000  }
0xe9: {  	[sflag:s23] =	ssyncset.done $0x0  }
0xea: {  	[sflag:s23] =	ssyncadd.s32 $0xFFFFE000  }
0xeb: {  	_ =	swait.ge [sflag:s25], $0x2000  }
0xec: {  	[sflag:s25] =	ssyncset.done $0x0  }
0xed: {  	s9 =	sadd.s32 $0x1400, s7;
	[sflag:s25] =	ssyncadd.s32 $0xFFFFE000  }
0xee: {  	[spmem:s2] =	stream.indirect.scatter.add.f32 [tilespmem:s16], [sflag:$0x5], $0x80, s9, s26, $0xb8;
	[tilespmem:$0x1E400] =	vst v63  }
0xef: {  	_ =	swait.ge [sflag:s17], $0x4000  }
0xf0: {  	[sflag:s17] =	ssyncset.done $0x0  }
0xf1: {  	s10 =	sadd.s32 $0x100, s7;
	[sflag:s17] =	ssyncadd.s32 $0xFFFFC000  }
0xf2: {  	[tilespmem:s16], [sflag:$0x1] =	stream.indirect.gather [hbm4b:s1+s19], $0x80, s10, s19, $0xb8;
	[tilespmem:$0x1E400] =	vst v63  }
0xf3: {  	s11 =	sadd.s32 $0x140, s7  }
0xf4: {  	[tilespmem:s20], [sflag:$0x2] =	stream.indirect.gather [hbm4b:s1+s19], $0x80, s11, s19, $0xb8;
	[tilespmem:$0x1E400] =	vst v63  }
0xf5: {  	_ =	swait.ge [sflag:s28], $0x2000  }
0xf6: {  	[sflag:s28] =	ssyncset.done $0x0  }
0xf7: {  	[sflag:s28] =	ssyncadd.s32 $0xFFFFE000  }
0xf8: {  	_ =	swait.ge [sflag:s29], $0x2000  }
0xf9: {  	[sflag:s29] =	ssyncset.done $0x0  }
0xfa: {  	s9 =	sadd.s32 $0x1480, s7;
	[sflag:s29] =	ssyncadd.s32 $0xFFFFE000  }
0xfb: {  	[spmem:s2] =	stream.indirect.scatter.add.f32 [tilespmem:s21], [sflag:$0x5], $0x80, s9, s26, $0xb8;
	[tilespmem:$0x1E400] =	vst v63  }
0xfc: {  	_ =	swait.ge [sflag:s17], $0x4000  }
0xfd: {  	[sflag:s17] =	ssyncset.done $0x0  }
0xfe: {  	[sflag:s17] =	ssyncadd.s32 $0xFFFFC000  }
0xff: {  	[tilespmem:s21], [sflag:$0x3] =	stream.indirect.gather [hbm4b:s1+s19], $0x80, s30, s19, $0xb8;
	[tilespmem:$0x1E400] =	vst v63  }
0x100: {  	_ = 	snop  }
0x101: {  	[tilespmem:s22], [sflag:$0x4] =	stream.indirect.gather [hbm4b:s1+s19], $0x80, s31, s19, $0xb8;
	[tilespmem:$0x1E400] =	vst v63  }
0x102: {  	_ =	swait.ge [sflag:s23], $0x2000  }
0x103: {  	[sflag:s23] =	ssyncset.done $0x0  }
0x104: {  	[sflag:s23] =	ssyncadd.s32 $0xFFFFE000  }
0x105: {  	_ =	swait.ge [sflag:s25], $0x2000  }
0x106: {  	[sflag:s25] =	ssyncset.done $0x0  }
0x107: {  	[sflag:s25] =	ssyncadd.s32 $0xFFFFE000  }
0x108: {  	[spmem:s2] =	stream.indirect.scatter.add.f32 [tilespmem:s16], [sflag:$0x5], $0x80, s0, s26, $0xb8;
	[tilespmem:$0x1E400] =	vst v63  }
0x109: {  	_ =	swait.ge [sflag:s17], $0x4000  }
0x10a: {  	[sflag:s17] =	ssyncset.done $0x0  }
0x10b: {  	[sflag:s17] =	ssyncadd.s32 $0xFFFFC000  }
0x10c: {  	_ =	swait.ge [sflag:s28], $0x2000  }
0x10d: {  	[sflag:s28] =	ssyncset.done $0x0  }
0x10e: {  	[sflag:s28] =	ssyncadd.s32 $0xFFFFE000  }
0x10f: {  	_ =	swait.ge [sflag:s29], $0x2000  }
0x110: {  	[sflag:s29] =	ssyncset.done $0x0  }
0x111: {  	[sflag:s29] =	ssyncadd.s32 $0xFFFFE000  }
0x112: {  	[spmem:s2] =	stream.indirect.scatter.add.f32 [tilespmem:s21], [sflag:$0x5], $0x80, s4, s26, $0xb8;
	[tilespmem:$0x1E400] =	vst v63  }
0x113: {  	s10 =	stileid.u32;
	_ =	swait.ge [sflag:s17], $0x4000  }
0x114: {  	s5 =	sadd.s32 $0x1, s5;
	s7 =	sshll.u32 s10, $0x6;
	[sflag:s17] =	ssyncset.done $0x0  }
0x115: {  	p0 =	sne.s32 s5, s12;
	s7 =	sor.u32 $0x1C05, s7;
	[sflag:s17] =	ssyncadd.s32 $0xFFFFC000  }
.Ltmp2:
0x116: {  	s11 =	sshrl.u32 s6, $0x3;
	[bflag:$0x0] =	sbarrier.arrive $0xFFFF;
	(pc) =	sbr.rel @p0 .LBB2_1-.Ltmp2, $4  }
0x117: {  	[hbm:s24], [sflag:s7] =	dma.local [spmem:s11], $0x2780  }
0x118: {  	_ =	swait.ge [sflag:s17], $0x2780  }
0x119: {  	[sflag:s17] =	ssyncset.done $0x0  }
0x11a: {  	[sflag:s17] =	ssyncadd.s32 $0xFFFFD880  }
0x11b: {  	_ =	sfence.sel $0x180000  }
0x11c: {  	[bflag:$0x0] =	sbarrier.arrive $0xFFFF  }
0x11d: {  	_ =	strace $0x9000004D  }
0x11e: {  	s0 =	stileid.u32;
	[bflag:$0x2] =	sbarrier.arrive $0xFFFF  }
0x11f: {  	p0 =	sne.s32 s0, $0x0;
	s0 =	rddreg [dreg:$0x3]  }
0x120: {  	s0 =	sadd.s32 @!p0 $0x100000, s0  }
0x121: {  	[sflag:s0] =	ssyncadd.tile.s32 @!p0 $0x1;
	_ =	shalt  }
.Lfunc_end2:
_tile_overlayer_lowered:
.L_overlay_start_2:
0x122: {  	(tag) =	ssettag $0x2  }
0x123: {  	s0 =	rddreg [dreg:$0x0];
	s2 =	stileid.u32  }
0x124: {  	s1 =	rddreg [dreg:$0x1];
	p0 =	sne.s32 s2, $0x0  }
0x125: {  	s3 =	rddreg [dreg:$0x2];
	[bflag:$0x3] =	sbarrier.arrive $0xFFFF;
	s2 =	simm.s32 @!p0 $0x1C05  }
0x126: {  	[timem:s3], [sflag:s2] =	dma.local @!p0 [hbm:s0], s1  }
0x127: {  	s0 =	simm.s32 @!p0 $0x5  }
0x128: {  	_ =	swait.ge @!p0 [sflag:s0], s1  }
0x129: {  	s1 =	ssub.s32 @!p0 $0x0, s1;
	[sflag:s0] =	ssyncset.done @!p0 $0x0  }
0x12a: {  	[sflag:s0] =	ssyncadd.s32 @!p0 s1  }
0x12b: {  	[bflag:$0x3] =	sbarrier.arrive $0xFFFF  }
0x12c: {  	_ =	shalt  }

// kernel: kernel.8.cloned.1.call-start
scs
__scs_entry_jumppad:
0x0: {  	(pc) =	sbr.rel $0x88, $3  }
0x1: {  	(tag) =	ssettag $0x0;
	lr =	simm.s32 $0x1  }
0x2: {  	[smem:$0x3F97] =	sst lr;
	_ =	strace $0xD0000000  }
0x3: {  	_ = 	snop  }
0x4: {  	_ = 	snop  }
0x5: {  	_ = 	snop  }
0x6: {  	_ = 	snop  }
0x7: {  	_ = 	snop  }
__scs_overlays_trampoline_lowered:
0x8: {  	[smem:$0x3FA6] =	sst s0  }
0x9: {  	[smem:$0x3FA7] =	sst s1  }
0xa: {  	[smem:$0x3FA8] =	sst s2  }
0xb: {  	[smem:$0x3FA9] =	sst s3  }
0xc: {  	[smem:$0x3FAA] =	sst s4  }
0xd: {  	[smem:$0x3FAB] =	sst s5  }
0xe: {  	[smem:$0x3FAC] =	sst s6  }
0xf: {  	[smem:$0x3FAD] =	sst s7  }
0x10: {  	[smem:$0x3FAE] =	sst s8  }
0x11: {  	[smem:$0x3FAF] =	sst s9;
	s0 =	simm.s32 @!p0 $0x0  }
0x12: {  	s1 =	sld [smem:$0x3F95];
	s0 =	simm.s32 @p0 $0x1  }
0x13: {  	[smem:$0x3FB0] =	sst s0;
	s0 =	simm.s32 @!p1 $0x0  }
0x14: {  	s2 =	sld [smem:$0x3F94];
	s0 =	simm.s32 @p1 $0x1  }
0x15: {  	[smem:$0x3FB1] =	sst s0;
	s0 =	simm.s32 @!p2 $0x0  }
0x16: {  	s3 =	sld [smem:$0x3FDB];
	s0 =	simm.s32 @p2 $0x1  }
0x17: {  	s4 =	simm.s32 $0x1BF5;
	[smem:$0x3FB3] =	sst s0  }
0x18: {  	s0 =	sld [smem:$0x3F96];
	_ =	swait.ge [sflag:s4], $0x0  }
0x19: {  	s7 =	sld [smem:$0x3F97]  }
0x1a: {  	s8 =	sadd.s32 $0xFFFFE003, lr  }
0x1b: {  	s9 =	sadd.s32 $0xFFFFFEF7, lr;
	s5 =	simm.s32 $0xFFFFFFFF;
	p2 =	slt.u32 s8, $0xFFFFF086  }
0x1c: {  	p1 =	slt.u32 s9, $0xF7A;
	s5 =	simm.s32 @!p2 $0x0  }
0x1d: {  	s5 =	simm.s32 @p1 $0x1;
	p0 =	seq.s32 s7, s2  }
0x1e: {  	s7 =	smul.u32 @!p0 $0xF7A, s2;
	p2 =	seq.s32 @!p0 s5, $0x0  }
0x1f: {  	s9 =	smul.u32 $0xF7A, s1;
	s8 =	simm.s32 @!p0 $0x1BF5;
	p2 =	por !p2, p0  }
0x20: {  	[sflag:s8] =	ssyncset.s32 @!p0 $0xFFFFF086;
	s6 =	sadd.s32 @!p0 s3, s7;
	s7 =	simm.s32 @!p0 $0x108  }
0x21: {  	s3 =	sadd.s32 s3, s9;
	s6 =	sadd.s32 @!p0 $0x88, s6;
	s7 =	simm.s32 @p2 $0x1082  }
0x22: {  	[simem:s7], [sflag:s8] =	dma.local @!p0 [hbm:s6], $0xF7A  }
0x23: {  	s9 =	sor.u32 $0xD0000000, s2;
	s6 =	simm.s32 $0x108;
	_ =	swait.ge @!p0 [sflag:s8], $0x0  }
0x24: {  	s3 =	sadd.s32 $0x88, s3;
	s6 =	simm.s32 @!p1 $0x1082;
	[sflag:s4] =	ssyncset.s32 $0xFFFFF086  }
0x25: {  	[simem:s6], [sflag:s4] =	dma.local [hbm:s3], $0xF7A  }
0x26: {  	[smem:$0x3F97] =	sst s1;
	(tag) =	ssettag s2;
	_ =	strace s9  }
0x27: {  	s1 =	sld [smem:$0x3FA7]  }
0x28: {  	s2 =	sld [smem:$0x3FA8]  }
0x29: {  	s4 =	sld [smem:$0x3FAA]  }
0x2a: {  	p0 =	seq.s32 s5, $0x0;
	s5 =	sld [smem:$0x3FAB]  }
0x2b: {  	s6 =	sld [smem:$0x3FAC]  }
0x2c: {  	s7 =	sld [smem:$0x3FAD]  }
0x2d: {  	s3 =	simm.s32 $0x108;
	s8 =	sld [smem:$0x3FAE]  }
0x2e: {  	s3 =	simm.s32 @!p0 $0x1082;
	s9 =	sld [smem:$0x3FAF]  }
0x2f: {  	lr =	sadd.s32 s0, s3;
	s0 =	sld [smem:$0x3FA6]  }
0x30: {  	s3 =	sld [smem:$0x3FA9]  }
0x31: {  	[smem:$0x3FB2] =	sst s10  }
0x32: {  	s10 =	sld [smem:$0x3FB0];
	_ =	sdelay $0x3  }
0x33: {  	p0 =	seq.s32 s10, $0x1;
	s10 =	sld [smem:$0x3FB2];
	_ =	sdelay $0x3  }
0x34: {  	[smem:$0x3FB2] =	sst s10  }
0x35: {  	s10 =	sld [smem:$0x3FB1];
	_ =	sdelay $0x3  }
0x36: {  	p1 =	seq.s32 s10, $0x1;
	s10 =	sld [smem:$0x3FB2];
	_ =	sdelay $0x3  }
0x37: {  	[smem:$0x3FB2] =	sst s10  }
0x38: {  	s10 =	sld [smem:$0x3FB3]  }
0x39: {  	_ = 	snop;
	(pc) =	sbr.ind lr, $3  }
0x3a: {  	_ = 	snop  }
0x3b: {  	_ = 	snop  }
0x3c: {  	p2 =	seq.s32 s10, $0x1;
	s10 =	sld [smem:$0x3FB2]  }
0x3d: {  	_ =	shalt  }
0x3e: {  	_ =	shalt  }
0x3f: {  	_ =	shalt  }
0x40: {  	_ =	shalt  }
0x41: {  	_ =	shalt  }
0x42: {  	_ =	shalt  }
0x43: {  	_ =	shalt  }
0x44: {  	_ =	shalt  }
0x45: {  	_ =	shalt  }
0x46: {  	_ =	shalt  }
0x47: {  	_ =	shalt  }
0x48: {  	_ =	shalt  }
0x49: {  	_ =	shalt  }
0x4a: {  	_ =	shalt  }
0x4b: {  	_ =	shalt  }
0x4c: {  	_ =	shalt  }
0x4d: {  	_ =	shalt  }
0x4e: {  	_ =	shalt  }
0x4f: {  	_ =	shalt  }
0x50: {  	_ =	shalt  }
0x51: {  	_ =	shalt  }
0x52: {  	_ =	shalt  }
0x53: {  	_ =	shalt  }
0x54: {  	_ =	shalt  }
0x55: {  	_ =	shalt  }
0x56: {  	_ =	shalt  }
0x57: {  	_ =	shalt  }
0x58: {  	_ =	shalt  }
0x59: {  	_ =	shalt  }
0x5a: {  	_ =	shalt  }
0x5b: {  	_ =	shalt  }
0x5c: {  	_ =	shalt  }
0x5d: {  	_ =	shalt  }
0x5e: {  	_ =	shalt  }
0x5f: {  	_ =	shalt  }
0x60: {  	_ =	shalt  }
0x61: {  	_ =	shalt  }
0x62: {  	_ =	shalt  }
0x63: {  	_ =	shalt  }
0x64: {  	_ =	shalt  }
0x65: {  	_ =	shalt  }
0x66: {  	_ =	shalt  }
0x67: {  	_ =	shalt  }
0x68: {  	_ =	shalt  }
0x69: {  	_ =	shalt  }
0x6a: {  	_ =	shalt  }
0x6b: {  	_ =	shalt  }
0x6c: {  	_ =	shalt  }
0x6d: {  	_ =	shalt  }
0x6e: {  	_ =	shalt  }
0x6f: {  	_ =	shalt  }
0x70: {  	_ =	shalt  }
0x71: {  	_ =	shalt  }
0x72: {  	_ =	shalt  }
0x73: {  	_ =	shalt  }
0x74: {  	_ =	shalt  }
0x75: {  	_ =	shalt  }
0x76: {  	_ =	shalt  }
0x77: {  	_ =	shalt  }
0x78: {  	_ =	shalt  }
0x79: {  	_ =	shalt  }
0x7a: {  	_ =	shalt  }
0x7b: {  	_ =	shalt  }
0x7c: {  	_ =	shalt  }
0x7d: {  	_ =	shalt  }
0x7e: {  	_ =	shalt  }
0x7f: {  	_ =	shalt  }
0x80: {  	_ =	shalt  }
0x81: {  	_ =	shalt  }
0x82: {  	_ =	shalt  }
0x83: {  	_ =	shalt  }
0x84: {  	_ =	shalt  }
0x85: {  	_ =	shalt  }
0x86: {  	_ =	shalt  }
0x87: {  	_ =	shalt  }
.Lfunc_end0:
.L_simem_size_0:
called_computation_lowered:
.L_overlay_start_0:
0x88: {  	s2 =	sld [smem:$0x3FD9]  }
0x89: {  	s3 =	sld [smem:$0x3FFE];
	_ =	sdelay $0x1  }
0x8a: {  	s1 =	srdreg.scid  }
0x8b: {  	s0 =	sand.u32 $0x1, s1  }
0x8c: {  	s17 =	sshll.u32 s0, $0xA;
	s2 =	sadd.s32 s3, s2  }
0x8d: {  	s2 =	sadd.s32 s2, s17  }
0x8e: {  	[smem:$0x3FBE] =	sst s2  }
0x8f: {  	_ = 	snop  }
0x90: {  	s2 =	sld [smem:$0x3FC9];
	(tm) =	ssettm $0x1  }
0x91: {  	s18 =	sld [smem:$0x3FFB];
	_ =	sdelay $0x3  }
0x92: {  	_ =	strace s18  }
0x93: {  	s3 =	sld [smem:$0x3FFC];
	_ =	sdelay $0x3  }
0x94: {  	_ =	strace s3  }
0x95: {  	s3 =	sld [smem:$0x3FFD];
	_ =	sdelay $0x3  }
0x96: {  	_ =	strace s3  }
0x97: {  	_ =	strace $0x8FFFFFFF  }
0x98: {  	s19 =	sld [smem:$0x3FDB];
	_ =	sdelay $0x1  }
0x99: {  	s4 =	simm.s32 $_scs_section_size  }
0x9a: {  	s5 =	simm.s32 $_size__tile_overlayer_lowered;
	s6 =	simm.s32 $_tile_overlayer_lowered  }
0x9b: {  	s22 =	simm.s32 $0x1BFF;
	s21 =	sshll.u32 s6, $0x1;
	s3 =	sadd.s32 s4, s19  }
0x9c: {  	s7 =	simm.s32 $0x0;
	s20 =	sshll.u32 s5, $0x1;
	s5 =	sadd.s32 s21, s3  }
0x9d: {  	[timem:s7], [sflag:s22] =	dma.local [hbm:s5], s20  }
0x9e: {  	_ =	swait.ge [sflag:s22], s20  }
0x9f: {  	s4 =	ssub.s32 $0x0, s20;
	[sflag:s22] =	ssyncset.done $0x0  }
0xa0: {  	[sflag:s22] =	ssyncadd.s32 s4;
	_ =	sdelay $0x1  }
0xa1: {  	s23 =	simm.s32 $0x1B8B  }
0xa2: {  	_ =	swait.ge [sflag:s23], $0x1  }
0xa3: {  	[sflag:s23] =	ssyncset.done $0x0  }
0xa4: {  	s25 =	simm.s32 $0x1B8E;
	s24 =	sld [smem:$0x3FFE];
	[sflag:s23] =	ssyncadd.s32 $0xFFFFFFFF  }
0xa5: {  	s26 =	simm.s32 $execute0_lowered;
	[smem:$0x3FD2] =	sst s25  }
0xa6: {  	s5 =	sshll.u32 s26, $0x1;
	_ =	strace $0x80000046;
	[dreg:$0x1] =	wrdreg $0xFFFFFFFF  }
0xa7: {  	s28 =	simm.s32 $_size_execute0_lowered;
	s3 =	sadd.s32 s3, s5;
	[dreg:$0x0] =	wrdreg $0x0  }
0xa8: {  	s5 =	sshll.u32 s28, $0x1;
	[dreg:$0x2] =	wrdreg s3  }
0xa9: {  	[dreg:$0x3] =	wrdreg s5  }
0xaa: {  	[dreg:$0x4] =	wrdreg $0xC0  }
0xab: {  	_ =	task [dreg:s7], $0x5FFFF  }
0xac: {  	[dreg:$0x1] =	wrdreg $0xFFFFFFFF  }
0xad: {  	[dreg:$0x0] =	wrdreg $0x60  }
0xae: {  	[dreg:$0x2] =	wrdreg s2  }
0xaf: {  	[dreg:$0x3] =	wrdreg s24  }
0xb0: {  	[dreg:$0x4] =	wrdreg $0xA8000  }
0xb1: {  	[dreg:$0x5] =	wrdreg $0x9  }
0xb2: {  	_ =	task.clear_ibuf [dreg:s7], $0x6FFFF;
	_ =	strace $0x90000046  }
0xb3: {  	s29 =	simm.s32 $0x9;
	_ =	strace $0x80000048  }
0xb4: {  	_ =	swait.ge [sflag:s29], $0x1  }
0xb5: {  	[sflag:s29] =	ssyncadd.s32 $0xFFFFFFFF  }
0xb6: {  	_ =	strace $0x90000048  }
0xb7: {  	_ =	sfence  }
0xb8: {  	s30 =	sld [smem:$0x0];
	_ =	sdelay $0x2  }
0xb9: {  	s31 =	sshll.u32 s1, $0xD;
	s1 =	sshrl.u32 s1, $0x2  }
0xba: {  	s3 =	sand.u32 $0x4000, s31;
	s1 =	sadd.s32 s1, s30  }
0xbb: {  	s0 =	sor.u32 s3, s0;
	s1 =	sshll.u32 s1, $0x11  }
0xbc: {  	s0 =	sor.u32 s1, s0  }
0xbd: {  	s0 =	sadd.s32 $0x8F2B, s0  }
0xbe: {  	[sflag:s0] =	ssyncadd.remote.s32 $0x1  }
0xbf: {  	_ =	sfence.sel $0xFFFF  }
0xc0: {  	[dreg:$0x0] =	wrdreg $0xFFFFFFFF;
	(pc) =	sbr.abs _section_cstart, $3  }
0xc1: {  	[dreg:$0x1] =	wrdreg $0xFFFFFFFF  }
0xc2: {  	_ =	task.clear_ibuf [dreg:s7], $0x2FFFF;
	_ =	strace $0x9FFFFFFF  }
0xc3: {  	(tm) =	ssettm $0x7FFFFFFF  }
tec
execute0_lowered:
.L_overlay_start_1:
0x0: {  	(tag) =	ssettag $0x1  }
0x1: {  	s1 =	rddreg [dreg:$0x0]  }
0x2: {  	s0 =	rddreg [dreg:$0x1]  }
0x3: {  	s2 =	rddreg [dreg:$0x2];
	s3 =	simm.s32 $0x0  }
0x4: {  	s4 =	srdreg.scid;
	s12 =	stileid.u32;
	s16 =	simm.s32 $0x2800  }
0x5: {  	s17 =	simm.s32 $0x5;
	s18 =	simm.s32 $0x1400;
	s19 =	simm.s32 $0x40  }
0x6: {  	s28 =	simm.s32 $0x3;
	s29 =	simm.s32 $0x4;
	s30 =	simm.s32 $0x1380  }
0x7: {  	s31 =	simm.s32 $0x13C0;
	[smem:$0x7FF] =	sst s3;
	s5 =	sadd.s32 $0xD400, s0  }
0x8: {  	s7 =	sadd.s32 $0x3400, s0;
	s4 =	sand.u32 $0x1, s4;
	s20 =	smul.u32 $0x4F000, s12  }
0x9: {  	s9 =	sadd.s32 $0x17400, s0;
	s26 =	smul.u32 $0x2780, s12;
	_ =	strace $0x80000047  }
0xa: {  	s6 =	smul.u32 $0x27800, s4;
	s8 =	sshll.u32 s4, $0x4;
	s4 =	ssub.s32 $0x2, s4  }
0xb: {  	[dreg:$0x4] =	wrdreg s9;
	s8 =	sor.u32 s12, s8;
	s21 =	sshrl.u32 s4, $0x1  }
0xc: {  	s9 =	sshrl.u32 s20, $0x2;
	s20 =	simm.s32 $0x4800;
	s10 =	smul.u32 $0x2800, s8  }
0xd: {  	s0 =	sadd.s32 s6, s0;
	s8 =	smul.u32 $0x500, s8;
	s6 =	sadd.s32 s9, s2  }
0xe: {  	s4 =	ssub.s32 s4, s21;
	s21 =	simm.s32 $0x6800;
	s23 =	sadd.s32 $0x10000, s6  }
0xf: {  	s0 =	sadd.s32 $0x17C00, s0;
	s12 =	smax.u32 s4, $0x1;
	s13 =	sadd.s32 $0x4000, s6  }
0x10: {  	s14 =	sadd.s32 $0x8000, s6;
	s15 =	sadd.s32 $0xC000, s6;
	s4 =	simm.s32 $0x2780  }
0x11: {  	s22 =	sshrl.u32 s10, $0x3;
	[dreg:$0x5] =	wrdreg s23;
	s24 =	sadd.s32 s5, s8  }
0x12: {  	s8 =	sadd.s32 s7, s8;
	s23 =	simm.s32 $0x1;
	[dreg:$0x6] =	wrdreg s24  }
0x13: {  	s11 =	sadd.s32 $0x280, s22;
	[dreg:$0x7] =	wrdreg s8;
	s22 =	simm.s32 $0x8800  }
0x14: {  	s24 =	sadd.s32 s26, s0;
	s26 =	simm.s32 $0x80;
	s5 =	sadd.s32 s5, s11  }
0x15: {  	s0 =	simm.s32 $0x2700;
	s25 =	sadd.s32 s7, s11;
	[dreg:$0x8] =	wrdreg s5  }
0x16: {  	[dreg:$0x9] =	wrdreg s25;
	s25 =	simm.s32 $0x2;
	s5 =	simm.s32 $0x0  }
.LBB2_1:
0x17: {  	s7 =	rddreg [dreg:$0x4]  }
0x18: {  	[tilespmem:s16], [sflag:$0x5] =	stream.linear.gather [hbm4b:s7+s3], $0x4000, $0x38;
	[tilespmem:$0x1E400] =	vst v63  }
0x19: {  	_ =	swait.ge [sflag:s17], $0x4000  }
0x1a: {  	[sflag:s17] =	ssyncset.done $0x0  }
0x1b: {  	[sflag:s17] =	ssyncadd.s32 $0xFFFFC000  }
0x1c: {  	[spmem:s6] =	stream.linear.scatter [tilespmem:s16], [sflag:$0x5], $0x4000, $0x38;
	[tilespmem:$0x1E400] =	vst v63  }
0x1d: {  	_ =	swait.ge [sflag:s17], $0x4000  }
0x1e: {  	[sflag:s17] =	ssyncset.done $0x0  }
0x1f: {  	[sflag:s17] =	ssyncadd.s32 $0xFFFFC000  }
0x20: {  	[spmem:s13] =	stream.linear.scatter [tilespmem:s16], [sflag:$0x5], $0x4000, $0x38;
	[tilespmem:$0x1E400] =	vst v63  }
0x21: {  	_ =	swait.ge [sflag:s17], $0x4000  }
0x22: {  	[sflag:s17] =	ssyncset.done $0x0  }
0x23: {  	[sflag:s17] =	ssyncadd.s32 $0xFFFFC000  }
0x24: {  	[spmem:s14] =	stream.linear.scatter [tilespmem:s16], [sflag:$0x5], $0x4000, $0x38;
	[tilespmem:$0x1E400] =	vst v63  }
0x25: {  	_ =	swait.ge [sflag:s17], $0x4000  }
0x26: {  	[sflag:s17] =	ssyncset.done $0x0  }
0x27: {  	[sflag:s17] =	ssyncadd.s32 $0xFFFFC000  }
0x28: {  	[spmem:s15] =	stream.linear.scatter [tilespmem:s16], [sflag:$0x5], $0x4000, $0x38;
	[tilespmem:$0x1E400] =	vst v63  }
0x29: {  	_ =	swait.ge [sflag:s17], $0x4000  }
0x2a: {  	[sflag:s17] =	ssyncset.done $0x0  }
0x2b: {  	s11 =	rddreg [dreg:$0x5];
	[sflag:s17] =	ssyncadd.s32 $0xFFFFC000  }
0x2c: {  	[spmem:s11] =	stream.linear.scatter [tilespmem:s16], [sflag:$0x5], $0x3C00, $0x38;
	[tilespmem:$0x1E400] =	vst v63  }
0x2d: {  	_ =	swait.ge [sflag:s17], $0x3C00  }
0x2e: {  	[sflag:s17] =	ssyncset.done $0x0  }
0x2f: {  	[sflag:s17] =	ssyncadd.s32 $0xFFFFC400  }
0x30: {  	[bflag:$0x0] =	sbarrier.arrive $0xFFFF  }
0x31: {  	s8 =	rddreg [dreg:$0x6]  }
0x32: {  	[tilespmem:s3], [sflag:$0x5] =	stream.linear.gather [hbm4b:s8+s3], $0x1400, $0x38;
	[tilespmem:$0x1E400] =	vst v63  }
0x33: {  	_ =	swait.ge [sflag:s17], $0x1400  }
0x34: {  	[sflag:s17] =	ssyncset.done $0x0  }
0x35: {  	s9 =	rddreg [dreg:$0x7];
	[sflag:s17] =	ssyncadd.s32 $0xFFFFEC00  }
0x36: {  	[tilespmem:s18], [sflag:$0x5] =	stream.linear.gather [hbm4b:s9+s3], $0x1400, $0x38;
	[tilespmem:$0x1E400] =	vst v63  }
0x37: {  	_ =	swait.ge [sflag:s17], $0x1400  }
0x38: {  	[sflag:s17] =	ssyncset.done $0x0  }
0x39: {  	[sflag:s17] =	ssyncadd.s32 $0xFFFFEC00  }
0x3a: {  	[tilespmem:s16], [sflag:$0x1] =	stream.indirect.gather [hbm4b:s1+s19], $0x80, s3, s19, $0xb8;
	[tilespmem:$0x1E400] =	vst v63  }
0x3b: {  	_ = 	snop  }
0x3c: {  	[tilespmem:s20], [sflag:$0x2] =	stream.indirect.gather [hbm4b:s1+s19], $0x80, s19, s19, $0xb8;
	[tilespmem:$0x1E400] =	vst v63  }
0x3d: {  	s10 =	simm.s32 $0x80  }
0x3e: {  	[tilespmem:s21], [sflag:$0x3] =	stream.indirect.gather [hbm4b:s1+s19], $0x80, s10, s19, $0xb8;
	[tilespmem:$0x1E400] =	vst v63  }
0x3f: {  	s11 =	simm.s32 $0xC0  }
0x40: {  	[tilespmem:s22], [sflag:$0x4] =	stream.indirect.gather [hbm4b:s1+s19], $0x80, s11, s19, $0xb8;
	[tilespmem:$0x1E400] =	vst v63  }
0x41: {  	_ =	swait.ge [sflag:s23], $0x2000  }
0x42: {  	[sflag:s23] =	ssyncset.done $0x0  }
0x43: {  	[sflag:s23] =	ssyncadd.s32 $0xFFFFE000  }
0x44: {  	_ =	swait.ge [sflag:s25], $0x2000  }
0x45: {  	[sflag:s25] =	ssyncset.done $0x0  }
0x46: {  	s8 =	simm.s32 $0x1400;
	[sflag:s25] =	ssyncadd.s32 $0xFFFFE000  }
0x47: {  	[spmem:s2] =	stream.indirect.scatter.add.f32 [tilespmem:s16], [sflag:$0x5], $0x80, s8, s26, $0xb8;
	[tilespmem:$0x1E400] =	vst v63  }
0x48: {  	_ =	swait.ge [sflag:s17], $0x4000  }
0x49: {  	[sflag:s17] =	ssyncset.done $0x0  }
0x4a: {  	s9 =	simm.s32 $0x100;
	[sflag:s17] =	ssyncadd.s32 $0xFFFFC000  }
0x4b: {  	[tilespmem:s16], [sflag:$0x1] =	stream.indirect.gather [hbm4b:s1+s19], $0x80, s9, s19, $0xb8;
	[tilespmem:$0x1E400] =	vst v63  }
0x4c: {  	s10 =	simm.s32 $0x140  }
0x4d: {  	[tilespmem:s20], [sflag:$0x2] =	stream.indirect.gather [hbm4b:s1+s19], $0x80, s10, s19, $0xb8;
	[tilespmem:$0x1E400] =	vst v63  }
0x4e: {  	_ =	swait.ge [sflag:s28], $0x2000  }
0x4f: {  	[sflag:s28] =	ssyncset.done $0x0  }
0x50: {  	[sflag:s28] =	ssyncadd.s32 $0xFFFFE000  }
0x51: {  	_ =	swait.ge [sflag:s29], $0x2000  }
0x52: {  	[sflag:s29] =	ssyncset.done $0x0  }
0x53: {  	s11 =	simm.s32 $0x1480;
	[sflag:s29] =	ssyncadd.s32 $0xFFFFE000  }
0x54: {  	[spmem:s2] =	stream.indirect.scatter.add.f32 [tilespmem:s21], [sflag:$0x5], $0x80, s11, s26, $0xb8;
	[tilespmem:$0x1E400] =	vst v63  }
0x55: {  	_ =	swait.ge [sflag:s17], $0x4000  }
0x56: {  	s7 =	simm.s32 $0x100;
	s8 =	simm.s32 $0x800;
	[sflag:s17] =	ssyncset.done $0x0  }
.LBB2_2:
0x57: {  	s9 =	sadd.s32 $0x80, s7  }
0x58: {  	[sflag:s17] =	ssyncadd.s32 $0xFFFFC000;
	s10 =	smov.u32 s8;
	s11 =	sadd.s32 $0x400, s8  }
0x59: {  	[tilespmem:s21], [sflag:$0x3] =	stream.indirect.gather [hbm4b:s1+s19], $0x80, s9, s19, $0xb8;
	[tilespmem:$0x1E400] =	vst v63  }
0x5a: {  	p0 =	sne.s32 s8, $0x4800;
	s8 =	sadd.s32 $0xC0, s7  }
0x5b: {  	[tilespmem:s22], [sflag:$0x4] =	stream.indirect.gather [hbm4b:s1+s19], $0x80, s8, s19, $0xb8;
	[tilespmem:$0x1E400] =	vst v63  }
0x5c: {  	_ =	swait.ge [sflag:s23], $0x2000  }
0x5d: {  	[sflag:s23] =	ssyncset.done $0x0  }
0x5e: {  	[sflag:s23] =	ssyncadd.s32 $0xFFFFE000  }
0x5f: {  	_ =	swait.ge [sflag:s25], $0x2000  }
0x60: {  	[sflag:s25] =	ssyncset.done $0x0  }
0x61: {  	s8 =	sadd.s32 $0x1400, s7;
	[sflag:s25] =	ssyncadd.s32 $0xFFFFE000  }
0x62: {  	[spmem:s2] =	stream.indirect.scatter.add.f32 [tilespmem:s16], [sflag:$0x5], $0x80, s8, s26, $0xb8;
	[tilespmem:$0x1E400] =	vst v63  }
0x63: {  	_ =	swait.ge [sflag:s17], $0x4000  }
0x64: {  	[sflag:s17] =	ssyncset.done $0x0  }
0x65: {  	s8 =	sadd.s32 $0x100, s7;
	[sflag:s17] =	ssyncadd.s32 $0xFFFFC000  }
0x66: {  	[tilespmem:s16], [sflag:$0x1] =	stream.indirect.gather [hbm4b:s1+s19], $0x80, s8, s19, $0xb8;
	[tilespmem:$0x1E400] =	vst v63  }
0x67: {  	s8 =	sadd.s32 $0x140, s7  }
0x68: {  	[tilespmem:s20], [sflag:$0x2] =	stream.indirect.gather [hbm4b:s1+s19], $0x80, s8, s19, $0xb8;
	[tilespmem:$0x1E400] =	vst v63  }
0x69: {  	_ =	swait.ge [sflag:s28], $0x2000  }
0x6a: {  	[sflag:s28] =	ssyncset.done $0x0  }
0x6b: {  	[sflag:s28] =	ssyncadd.s32 $0xFFFFE000  }
0x6c: {  	_ =	swait.ge [sflag:s29], $0x2000  }
.Ltmp0:
0x6d: {  	[sflag:s29] =	ssyncset.done $0x0;
	(pc) =	sbr.rel @p0 .LBB2_2-.Ltmp0, $4  }
0x6e: {  	s7 =	sadd.s32 $0x1480, s7;
	[sflag:s29] =	ssyncadd.s32 $0xFFFFE000  }
0x6f: {  	[spmem:s2] =	stream.indirect.scatter.add.f32 [tilespmem:s21], [sflag:$0x5], $0x80, s7, s26, $0xb8;
	[tilespmem:$0x1E400] =	vst v63  }
0x70: {  	_ =	swait.ge [sflag:s17], $0x4000  }
0x71: {  	s8 =	smov.u32 s11;
	s7 =	sshra.s32 s10, $0x2;
	[sflag:s17] =	ssyncset.done $0x0  }
0x72: {  	s8 =	sadd.s32 $0x80, s7;
	[sflag:s17] =	ssyncadd.s32 $0xFFFFC000  }
0x73: {  	[tilespmem:s21], [sflag:$0x3] =	stream.indirect.gather [hbm4b:s1+s19], $0x80, s8, s19, $0xb8;
	[tilespmem:$0x1E400] =	vst v63  }
0x74: {  	s11 =	sadd.s32 $0xC0, s7  }
0x75: {  	[tilespmem:s22], [sflag:$0x4] =	stream.indirect.gather [hbm4b:s1+s19], $0x80, s11, s19, $0xb8;
	[tilespmem:$0x1E400] =	vst v63  }
0x76: {  	_ =	swait.ge [sflag:s23], $0x2000  }
0x77: {  	[sflag:s23] =	ssyncset.done $0x0  }
0x78: {  	[sflag:s23] =	ssyncadd.s32 $0xFFFFE000  }
0x79: {  	_ =	swait.ge [sflag:s25], $0x2000  }
0x7a: {  	[sflag:s25] =	ssyncset.done $0x0  }
0x7b: {  	s9 =	sadd.s32 $0x1400, s7;
	[sflag:s25] =	ssyncadd.s32 $0xFFFFE000  }
0x7c: {  	[spmem:s2] =	stream.indirect.scatter.add.f32 [tilespmem:s16], [sflag:$0x5], $0x80, s9, s26, $0xb8;
	[tilespmem:$0x1E400] =	vst v63  }
0x7d: {  	_ =	swait.ge [sflag:s17], $0x4000  }
0x7e: {  	[sflag:s17] =	ssyncset.done $0x0  }
0x7f: {  	s10 =	sadd.s32 $0x100, s7;
	[sflag:s17] =	ssyncadd.s32 $0xFFFFC000  }
0x80: {  	[tilespmem:s16], [sflag:$0x1] =	stream.indirect.gather [hbm4b:s1+s19], $0x80, s10, s19, $0xb8;
	[tilespmem:$0x1E400] =	vst v63  }
0x81: {  	s11 =	sadd.s32 $0x140, s7  }
0x82: {  	[tilespmem:s20], [sflag:$0x2] =	stream.indirect.gather [hbm4b:s1+s19], $0x80, s11, s19, $0xb8;
	[tilespmem:$0x1E400] =	vst v63  }
0x83: {  	_ =	swait.ge [sflag:s28], $0x2000  }
0x84: {  	[sflag:s28] =	ssyncset.done $0x0  }
0x85: {  	[sflag:s28] =	ssyncadd.s32 $0xFFFFE000  }
0x86: {  	_ =	swait.ge [sflag:s29], $0x2000  }
0x87: {  	[sflag:s29] =	ssyncset.done $0x0  }
0x88: {  	s9 =	sadd.s32 $0x1480, s7;
	[sflag:s29] =	ssyncadd.s32 $0xFFFFE000  }
0x89: {  	[spmem:s2] =	stream.indirect.scatter.add.f32 [tilespmem:s21], [sflag:$0x5], $0x80, s9, s26, $0xb8;
	[tilespmem:$0x1E400] =	vst v63  }
0x8a: {  	_ =	swait.ge [sflag:s17], $0x4000  }
0x8b: {  	[sflag:s17] =	ssyncset.done $0x0  }
0x8c: {  	[sflag:s17] =	ssyncadd.s32 $0xFFFFC000  }
0x8d: {  	[tilespmem:s21], [sflag:$0x3] =	stream.indirect.gather [hbm4b:s1+s19], $0x80, s30, s19, $0xb8;
	[tilespmem:$0x1E400] =	vst v63  }
0x8e: {  	_ = 	snop  }
0x8f: {  	[tilespmem:s22], [sflag:$0x4] =	stream.indirect.gather [hbm4b:s1+s19], $0x80, s31, s19, $0xb8;
	[tilespmem:$0x1E400] =	vst v63  }
0x90: {  	_ =	swait.ge [sflag:s23], $0x2000  }
0x91: {  	[sflag:s23] =	ssyncset.done $0x0  }
0x92: {  	[sflag:s23] =	ssyncadd.s32 $0xFFFFE000  }
0x93: {  	_ =	swait.ge [sflag:s25], $0x2000  }
0x94: {  	[sflag:s25] =	ssyncset.done $0x0  }
0x95: {  	[sflag:s25] =	ssyncadd.s32 $0xFFFFE000  }
0x96: {  	[spmem:s2] =	stream.indirect.scatter.add.f32 [tilespmem:s16], [sflag:$0x5], $0x80, s0, s26, $0xb8;
	[tilespmem:$0x1E400] =	vst v63  }
0x97: {  	_ =	swait.ge [sflag:s17], $0x4000  }
0x98: {  	[sflag:s17] =	ssyncset.done $0x0  }
0x99: {  	[sflag:s17] =	ssyncadd.s32 $0xFFFFC000  }
0x9a: {  	_ =	swait.ge [sflag:s28], $0x2000  }
0x9b: {  	[sflag:s28] =	ssyncset.done $0x0  }
0x9c: {  	[sflag:s28] =	ssyncadd.s32 $0xFFFFE000  }
0x9d: {  	_ =	swait.ge [sflag:s29], $0x2000  }
0x9e: {  	[sflag:s29] =	ssyncset.done $0x0  }
0x9f: {  	[sflag:s29] =	ssyncadd.s32 $0xFFFFE000  }
0xa0: {  	[spmem:s2] =	stream.indirect.scatter.add.f32 [tilespmem:s21], [sflag:$0x5], $0x80, s4, s26, $0xb8;
	[tilespmem:$0x1E400] =	vst v63  }
0xa1: {  	_ =	swait.ge [sflag:s17], $0x4000  }
0xa2: {  	[sflag:s17] =	ssyncset.done $0x0  }
0xa3: {  	s10 =	simm.s32 $0x0;
	s11 =	rddreg [dreg:$0x8];
	[sflag:s17] =	ssyncadd.s32 $0xFFFFC000  }
0xa4: {  	[tilespmem:s10], [sflag:$0x5] =	stream.linear.gather [hbm4b:s11+s10], $0x1400, $0x38;
	[tilespmem:$0x1E400] =	vst v63  }
0xa5: {  	_ =	swait.ge [sflag:s17], $0x1400  }
0xa6: {  	[sflag:s17] =	ssyncset.done $0x0  }
0xa7: {  	s9 =	rddreg [dreg:$0x9];
	[sflag:s17] =	ssyncadd.s32 $0xFFFFEC00  }
0xa8: {  	[tilespmem:s18], [sflag:$0x5] =	stream.linear.gather [hbm4b:s9+s10], $0x1400, $0x38;
	[tilespmem:$0x1E400] =	vst v63  }
0xa9: {  	_ =	swait.ge [sflag:s17], $0x1400  }
0xaa: {  	[sflag:s17] =	ssyncset.done $0x0  }
0xab: {  	[sflag:s17] =	ssyncadd.s32 $0xFFFFEC00  }
0xac: {  	[tilespmem:s16], [sflag:$0x1] =	stream.indirect.gather [hbm4b:s1+s19], $0x80, s10, s19, $0xb8;
	[tilespmem:$0x1E400] =	vst v63  }
0xad: {  	_ = 	snop  }
0xae: {  	[tilespmem:s20], [sflag:$0x2] =	stream.indirect.gather [hbm4b:s1+s19], $0x80, s19, s19, $0xb8;
	[tilespmem:$0x1E400] =	vst v63  }
0xaf: {  	s10 =	simm.s32 $0x80  }
0xb0: {  	[tilespmem:s21], [sflag:$0x3] =	stream.indirect.gather [hbm4b:s1+s19], $0x80, s10, s19, $0xb8;
	[tilespmem:$0x1E400] =	vst v63  }
0xb1: {  	s11 =	simm.s32 $0xC0  }
0xb2: {  	[tilespmem:s22], [sflag:$0x4] =	stream.indirect.gather [hbm4b:s1+s19], $0x80, s11, s19, $0xb8;
	[tilespmem:$0x1E400] =	vst v63  }
0xb3: {  	_ =	swait.ge [sflag:s23], $0x2000  }
0xb4: {  	[sflag:s23] =	ssyncset.done $0x0  }
0xb5: {  	[sflag:s23] =	ssyncadd.s32 $0xFFFFE000  }
0xb6: {  	_ =	swait.ge [sflag:s25], $0x2000  }
0xb7: {  	[sflag:s25] =	ssyncset.done $0x0  }
0xb8: {  	s8 =	simm.s32 $0x1400;
	[sflag:s25] =	ssyncadd.s32 $0xFFFFE000  }
0xb9: {  	[spmem:s2] =	stream.indirect.scatter.add.f32 [tilespmem:s16], [sflag:$0x5], $0x80, s8, s26, $0xb8;
	[tilespmem:$0x1E400] =	vst v63  }
0xba: {  	_ =	swait.ge [sflag:s17], $0x4000  }
0xbb: {  	[sflag:s17] =	ssyncset.done $0x0  }
0xbc: {  	s9 =	simm.s32 $0x100;
	[sflag:s17] =	ssyncadd.s32 $0xFFFFC000  }
0xbd: {  	[tilespmem:s16], [sflag:$0x1] =	stream.indirect.gather [hbm4b:s1+s19], $0x80, s9, s19, $0xb8;
	[tilespmem:$0x1E400] =	vst v63  }
0xbe: {  	s10 =	simm.s32 $0x140  }
0xbf: {  	[tilespmem:s20], [sflag:$0x2] =	stream.indirect.gather [hbm4b:s1+s19], $0x80, s10, s19, $0xb8;
	[tilespmem:$0x1E400] =	vst v63  }
0xc0: {  	_ =	swait.ge [sflag:s28], $0x2000  }
0xc1: {  	[sflag:s28] =	ssyncset.done $0x0  }
0xc2: {  	[sflag:s28] =	ssyncadd.s32 $0xFFFFE000  }
0xc3: {  	_ =	swait.ge [sflag:s29], $0x2000  }
0xc4: {  	[sflag:s29] =	ssyncset.done $0x0  }
0xc5: {  	s11 =	simm.s32 $0x1480;
	[sflag:s29] =	ssyncadd.s32 $0xFFFFE000  }
0xc6: {  	[spmem:s2] =	stream.indirect.scatter.add.f32 [tilespmem:s21], [sflag:$0x5], $0x80, s11, s26, $0xb8;
	[tilespmem:$0x1E400] =	vst v63  }
0xc7: {  	_ =	swait.ge [sflag:s17], $0x4000  }
0xc8: {  	s7 =	simm.s32 $0x100;
	s8 =	simm.s32 $0x800;
	[sflag:s17] =	ssyncset.done $0x0  }
.LBB2_4:
0xc9: {  	s9 =	sadd.s32 $0x80, s7  }
0xca: {  	[sflag:s17] =	ssyncadd.s32 $0xFFFFC000;
	s10 =	smov.u32 s8;
	s11 =	sadd.s32 $0x400, s8  }
0xcb: {  	[tilespmem:s21], [sflag:$0x3] =	stream.indirect.gather [hbm4b:s1+s19], $0x80, s9, s19, $0xb8;
	[tilespmem:$0x1E400] =	vst v63  }
0xcc: {  	p0 =	sne.s32 s8, $0x4800;
	s8 =	sadd.s32 $0xC0, s7  }
0xcd: {  	[tilespmem:s22], [sflag:$0x4] =	stream.indirect.gather [hbm4b:s1+s19], $0x80, s8, s19, $0xb8;
	[tilespmem:$0x1E400] =	vst v63  }
0xce: {  	_ =	swait.ge [sflag:s23], $0x2000  }
0xcf: {  	[sflag:s23] =	ssyncset.done $0x0  }
0xd0: {  	[sflag:s23] =	ssyncadd.s32 $0xFFFFE000  }
0xd1: {  	_ =	swait.ge [sflag:s25], $0x2000  }
0xd2: {  	[sflag:s25] =	ssyncset.done $0x0  }
0xd3: {  	s8 =	sadd.s32 $0x1400, s7;
	[sflag:s25] =	ssyncadd.s32 $0xFFFFE000  }
0xd4: {  	[spmem:s2] =	stream.indirect.scatter.add.f32 [tilespmem:s16], [sflag:$0x5], $0x80, s8, s26, $0xb8;
	[tilespmem:$0x1E400] =	vst v63  }
0xd5: {  	_ =	swait.ge [sflag:s17], $0x4000  }
0xd6: {  	[sflag:s17] =	ssyncset.done $0x0  }
0xd7: {  	s8 =	sadd.s32 $0x100, s7;
	[sflag:s17] =	ssyncadd.s32 $0xFFFFC000  }
0xd8: {  	[tilespmem:s16], [sflag:$0x1] =	stream.indirect.gather [hbm4b:s1+s19], $0x80, s8, s19, $0xb8;
	[tilespmem:$0x1E400] =	vst v63  }
0xd9: {  	s8 =	sadd.s32 $0x140, s7  }
0xda: {  	[tilespmem:s20], [sflag:$0x2] =	stream.indirect.gather [hbm4b:s1+s19], $0x80, s8, s19, $0xb8;
	[tilespmem:$0x1E400] =	vst v63  }
0xdb: {  	_ =	swait.ge [sflag:s28], $0x2000  }
0xdc: {  	[sflag:s28] =	ssyncset.done $0x0  }
0xdd: {  	[sflag:s28] =	ssyncadd.s32 $0xFFFFE000  }
0xde: {  	_ =	swait.ge [sflag:s29], $0x2000  }
.Ltmp1:
0xdf: {  	[sflag:s29] =	ssyncset.done $0x0;
	(pc) =	sbr.rel @p0 .LBB2_4-.Ltmp1, $4  }
0xe0: {  	s7 =	sadd.s32 $0x1480, s7;
	[sflag:s29] =	ssyncadd.s32 $0xFFFFE000  }
0xe1: {  	[spmem:s2] =	stream.indirect.scatter.add.f32 [tilespmem:s21], [sflag:$0x5], $0x80, s7, s26, $0xb8;
	[tilespmem:$0x1E400] =	vst v63  }
0xe2: {  	_ =	swait.ge [sflag:s17], $0x4000  }
0xe3: {  	s8 =	smov.u32 s11;
	s7 =	sshra.s32 s10, $0x2;
	[sflag:s17] =	ssyncset.done $0x0  }
0xe4: {  	s8 =	sadd.s32 $0x80, s7;
	[sflag:s17] =	ssyncadd.s32 $0xFFFFC000  }
0xe5: {  	[tilespmem:s21], [sflag:$0x3] =	stream.indirect.gather [hbm4b:s1+s19], $0x80, s8, s19, $0xb8;
	[tilespmem:$0x1E400] =	vst v63  }
0xe6: {  	s11 =	sadd.s32 $0xC0, s7  }
0xe7: {  	[tilespmem:s22], [sflag:$0x4] =	stream.indirect.gather [hbm4b:s1+s19], $0x80, s11, s19, $0xb8;
	[tilespmem:$0x1E400] =	vst v63  }
0xe8: {  	_ =	swait.ge [sflag:s23], $0x2000  }
0xe9: {  	[sflag:s23] =	ssyncset.done $0x0  }
0xea: {  	[sflag:s23] =	ssyncadd.s32 $0xFFFFE000  }
0xeb: {  	_ =	swait.ge [sflag:s25], $0x2000  }
0xec: {  	[sflag:s25] =	ssyncset.done $0x0  }
0xed: {  	s9 =	sadd.s32 $0x1400, s7;
	[sflag:s25] =	ssyncadd.s32 $0xFFFFE000  }
0xee: {  	[spmem:s2] =	stream.indirect.scatter.add.f32 [tilespmem:s16], [sflag:$0x5], $0x80, s9, s26, $0xb8;
	[tilespmem:$0x1E400] =	vst v63  }
0xef: {  	_ =	swait.ge [sflag:s17], $0x4000  }
0xf0: {  	[sflag:s17] =	ssyncset.done $0x0  }
0xf1: {  	s10 =	sadd.s32 $0x100, s7;
	[sflag:s17] =	ssyncadd.s32 $0xFFFFC000  }
0xf2: {  	[tilespmem:s16], [sflag:$0x1] =	stream.indirect.gather [hbm4b:s1+s19], $0x80, s10, s19, $0xb8;
	[tilespmem:$0x1E400] =	vst v63  }
0xf3: {  	s11 =	sadd.s32 $0x140, s7  }
0xf4: {  	[tilespmem:s20], [sflag:$0x2] =	stream.indirect.gather [hbm4b:s1+s19], $0x80, s11, s19, $0xb8;
	[tilespmem:$0x1E400] =	vst v63  }
0xf5: {  	_ =	swait.ge [sflag:s28], $0x2000  }
0xf6: {  	[sflag:s28] =	ssyncset.done $0x0  }
0xf7: {  	[sflag:s28] =	ssyncadd.s32 $0xFFFFE000  }
0xf8: {  	_ =	swait.ge [sflag:s29], $0x2000  }
0xf9: {  	[sflag:s29] =	ssyncset.done $0x0  }
0xfa: {  	s9 =	sadd.s32 $0x1480, s7;
	[sflag:s29] =	ssyncadd.s32 $0xFFFFE000  }
0xfb: {  	[spmem:s2] =	stream.indirect.scatter.add.f32 [tilespmem:s21], [sflag:$0x5], $0x80, s9, s26, $0xb8;
	[tilespmem:$0x1E400] =	vst v63  }
0xfc: {  	_ =	swait.ge [sflag:s17], $0x4000  }
0xfd: {  	[sflag:s17] =	ssyncset.done $0x0  }
0xfe: {  	[sflag:s17] =	ssyncadd.s32 $0xFFFFC000  }
0xff: {  	[tilespmem:s21], [sflag:$0x3] =	stream.indirect.gather [hbm4b:s1+s19], $0x80, s30, s19, $0xb8;
	[tilespmem:$0x1E400] =	vst v63  }
0x100: {  	_ = 	snop  }
0x101: {  	[tilespmem:s22], [sflag:$0x4] =	stream.indirect.gather [hbm4b:s1+s19], $0x80, s31, s19, $0xb8;
	[tilespmem:$0x1E400] =	vst v63  }
0x102: {  	_ =	swait.ge [sflag:s23], $0x2000  }
0x103: {  	[sflag:s23] =	ssyncset.done $0x0  }
0x104: {  	[sflag:s23] =	ssyncadd.s32 $0xFFFFE000  }
0x105: {  	_ =	swait.ge [sflag:s25], $0x2000  }
0x106: {  	[sflag:s25] =	ssyncset.done $0x0  }
0x107: {  	[sflag:s25] =	ssyncadd.s32 $0xFFFFE000  }
0x108: {  	[spmem:s2] =	stream.indirect.scatter.add.f32 [tilespmem:s16], [sflag:$0x5], $0x80, s0, s26, $0xb8;
	[tilespmem:$0x1E400] =	vst v63  }
0x109: {  	_ =	swait.ge [sflag:s17], $0x4000  }
0x10a: {  	[sflag:s17] =	ssyncset.done $0x0  }
0x10b: {  	[sflag:s17] =	ssyncadd.s32 $0xFFFFC000  }
0x10c: {  	_ =	swait.ge [sflag:s28], $0x2000  }
0x10d: {  	[sflag:s28] =	ssyncset.done $0x0  }
0x10e: {  	[sflag:s28] =	ssyncadd.s32 $0xFFFFE000  }
0x10f: {  	_ =	swait.ge [sflag:s29], $0x2000  }
0x110: {  	[sflag:s29] =	ssyncset.done $0x0  }
0x111: {  	[sflag:s29] =	ssyncadd.s32 $0xFFFFE000  }
0x112: {  	[spmem:s2] =	stream.indirect.scatter.add.f32 [tilespmem:s21], [sflag:$0x5], $0x80, s4, s26, $0xb8;
	[tilespmem:$0x1E400] =	vst v63  }
0x113: {  	s10 =	stileid.u32;
	_ =	swait.ge [sflag:s17], $0x4000  }
0x114: {  	s5 =	sadd.s32 $0x1, s5;
	s7 =	sshll.u32 s10, $0x6;
	[sflag:s17] =	ssyncset.done $0x0  }
0x115: {  	p0 =	sne.s32 s5, s12;
	s7 =	sor.u32 $0x1C05, s7;
	[sflag:s17] =	ssyncadd.s32 $0xFFFFC000  }
.Ltmp2:
0x116: {  	s11 =	sshrl.u32 s6, $0x3;
	[bflag:$0x0] =	sbarrier.arrive $0xFFFF;
	(pc) =	sbr.rel @p0 .LBB2_1-.Ltmp2, $4  }
0x117: {  	[hbm:s24], [sflag:s7] =	dma.local [spmem:s11], $0x2780  }
0x118: {  	_ =	swait.ge [sflag:s17], $0x2780  }
0x119: {  	[sflag:s17] =	ssyncset.done $0x0  }
0x11a: {  	[sflag:s17] =	ssyncadd.s32 $0xFFFFD880  }
0x11b: {  	_ =	sfence.sel $0x180000  }
0x11c: {  	[bflag:$0x0] =	sbarrier.arrive $0xFFFF  }
0x11d: {  	_ =	strace $0x90000047  }
0x11e: {  	s0 =	stileid.u32;
	[bflag:$0x2] =	sbarrier.arrive $0xFFFF  }
0x11f: {  	p0 =	sne.s32 s0, $0x0;
	s0 =	rddreg [dreg:$0x3]  }
0x120: {  	s0 =	sadd.s32 @!p0 $0x100000, s0  }
0x121: {  	[sflag:s0] =	ssyncadd.tile.s32 @!p0 $0x1;
	_ =	shalt  }
.Lfunc_end2:
_tile_overlayer_lowered:
.L_overlay_start_2:
0x122: {  	(tag) =	ssettag $0x2  }
0x123: {  	s0 =	rddreg [dreg:$0x0];
	s2 =	stileid.u32  }
0x124: {  	s1 =	rddreg [dreg:$0x1];
	p0 =	sne.s32 s2, $0x0  }
0x125: {  	s3 =	rddreg [dreg:$0x2];
	[bflag:$0x3] =	sbarrier.arrive $0xFFFF;
	s2 =	simm.s32 @!p0 $0x1C05  }
0x126: {  	[timem:s3], [sflag:s2] =	dma.local @!p0 [hbm:s0], s1  }
0x127: {  	s0 =	simm.s32 @!p0 $0x5  }
0x128: {  	_ =	swait.ge @!p0 [sflag:s0], s1  }
0x129: {  	s1 =	ssub.s32 @!p0 $0x0, s1;
	[sflag:s0] =	ssyncset.done @!p0 $0x0  }
0x12a: {  	[sflag:s0] =	ssyncadd.s32 @!p0 s1  }
0x12b: {  	[bflag:$0x3] =	sbarrier.arrive $0xFFFF  }
0x12c: {  	_ =	shalt  }

</sc_bundles>
